<compile_context>
chip_gen: v7x
topology: tpu7x:2x2x1
jax: 0.10.2.dev20260603
libtpu: 0.0.44.dev20260713+nightly
codegen_flags: <defaults>
</compile_context>

<pallas_src>
import functools
import math

import jax
import jax.numpy as jnp
from jax import lax
from jax.experimental import pallas as pl
from jax.experimental.pallas import tpu as pltpu
from jax.experimental.pallas import tpu_sc as plsc

NC, NS, LANES = 2, 16, 16
NW = NC * NS
CHUNK = 128
CHUNK_D = 128
DEG_W = 16
RB = 2000


def _sc_mesh():
    return plsc.VectorSubcoreMesh(
        core_axis_name="c", subcore_axis_name="s", num_cores=NC, num_subcores=NS
    )


def _make_deg_pass(a_rows, cpt_d):
    zrows = a_rows // NS

    @functools.partial(
        pl.kernel,
        out_type=jax.ShapeDtypeStruct((NC, NS, zrows // 128, 128), jnp.float32),
        mesh=_sc_mesh(),
        scratch_types=[
            pltpu.VMEM_SHARED((a_rows, DEG_W), jnp.float32),
            pltpu.VMEM((cpt_d, CHUNK_D), jnp.int32),
            pltpu.VMEM((CHUNK_D, DEG_W), jnp.float32),
            pltpu.VMEM((zrows, DEG_W), jnp.float32),
            pltpu.VMEM((zrows // 128, 128), jnp.float32),
        ],
    )
    def deg_pass(dst_hbm, out_hbm, acc, didx, ones_v, dbuf, obuf):
        cid = lax.axis_index("c")
        sid = lax.axis_index("s")

        def fill_ones(i, _):
            ones_v[i] = jnp.ones((DEG_W,), jnp.float32)
            return 0

        lax.fori_loop(0, CHUNK_D, fill_ones, 0)

        def fill_zeros(i, _):
            dbuf[i] = jnp.zeros((DEG_W,), jnp.float32)
            return 0

        lax.fori_loop(0, zrows, fill_zeros, 0)
        pltpu.sync_copy(dbuf, acc.at[pl.ds(sid * zrows, zrows)])
        plsc.subcore_barrier()
        pltpu.sync_copy(dst_hbm.at[cid, sid], didx)

        def step(j, _):
            pltpu.sync_copy(ones_v, acc.at[didx.at[j]], add=True)
            return 0

        lax.fori_loop(0, cpt_d, step, 0)
        plsc.subcore_barrier()
        pltpu.sync_copy(acc.at[pl.ds(sid * zrows, zrows)], dbuf)

        lane_ids = lax.iota(jnp.int32, LANES)

        def repack(i, _):
            def fold(j, v):
                return jnp.where(lane_ids == j, dbuf[i * LANES + j], v)

            v = lax.fori_loop(0, LANES, fold, jnp.zeros((LANES,), jnp.float32))
            obuf[(i * LANES) // 128, pl.ds((i * LANES) % 128, LANES)] = v
            return 0

        lax.fori_loop(0, zrows // LANES, repack, 0)
        pltpu.sync_copy(obuf, out_hbm.at[cid, sid])

    return deg_pass


def _make_edge_pass(n, dh, a_rows, cpt, qd):
    zrows = a_rows // NS
    plen = cpt // qd

    @functools.partial(
        pl.kernel,
        out_type=jax.ShapeDtypeStruct((NC, a_rows, dh), jnp.float32),
        mesh=_sc_mesh(),
        scratch_types=[
            pltpu.VMEM_SHARED((a_rows, dh), jnp.float32),
            pltpu.VMEM((plen, CHUNK), jnp.int32),
            pltpu.VMEM((plen, CHUNK), jnp.int32),
            pltpu.VMEM((plen, CHUNK), jnp.int32),
            pltpu.VMEM((plen, CHUNK), jnp.int32),
            pltpu.VMEM((CHUNK, dh), jnp.float32),
            pltpu.VMEM((CHUNK, dh), jnp.float32),
            pltpu.SemaphoreType.DMA,
            pltpu.SemaphoreType.DMA,
            pltpu.SemaphoreType.DMA,
            pltpu.SemaphoreType.DMA,
            pltpu.SemaphoreType.DMA,
            pltpu.SemaphoreType.DMA,
        ],
    )
    def edge_pass(g_hbm, src_hbm, dst_hbm, out_hbm, acc,
                  sidxA, didxA, sidxB, didxB, rows0, rows1,
                  semg0, semg1, sems0, sems1, isemA, isemB):
        cid = lax.axis_index("c")
        sid = lax.axis_index("s")

        def load_idx_async(ph, si, di, isem):
            pltpu.async_copy(src_hbm.at[cid, sid, ph], si, isem)
            pltpu.async_copy(dst_hbm.at[cid, sid, ph], di, isem)

        def wait_idx(si, di, isem):
            pltpu.make_async_copy(src_hbm.at[cid, sid, 0], si, isem).wait()
            pltpu.make_async_copy(dst_hbm.at[cid, sid, 0], di, isem).wait()

        load_idx_async(0, sidxA, didxA, isemA)
        load_idx_async(1, sidxB, didxB, isemB)

        def fz(t, _):
            rows0[t // (dh // LANES), pl.ds((t % (dh // LANES)) * LANES, LANES)] = (
                jnp.zeros((LANES,), jnp.float32)
            )
            return 0

        lax.fori_loop(0, CHUNK * (dh // LANES), fz, 0)

        def zc(k, _):
            pltpu.sync_copy(rows0, acc.at[pl.ds(sid * zrows + k * CHUNK, CHUNK)])
            return 0

        lax.fori_loop(0, zrows // CHUNK, zc, 0)
        plsc.subcore_barrier()

        def run_phase(si, di):
            npairs = plen // 2
            pltpu.async_copy(g_hbm.at[si.at[0]], rows0, semg0)

            def pair(p, _):
                j0 = p * 2
                pltpu.async_copy(g_hbm.at[si.at[j0 + 1]], rows1, semg1)
                pltpu.make_async_copy(g_hbm.at[si.at[j0]], rows0, semg0).wait()
                pltpu.sync_copy(rows0, acc.at[di.at[j0]], add=True)

                @pl.when(p < npairs - 1)
                def _():
                    pltpu.async_copy(g_hbm.at[si.at[j0 + 2]], rows0, semg0)

                pltpu.make_async_copy(g_hbm.at[si.at[j0 + 1]], rows1, semg1).wait()
                pltpu.sync_copy(rows1, acc.at[di.at[j0 + 1]], add=True)
                return 0

            lax.fori_loop(0, npairs, pair, 0)

        wait_idx(sidxA, didxA, isemA)

        def outer(m, _):
            run_phase(sidxA, didxA)

            @pl.when(m < qd // 2 - 1)
            def _():
                load_idx_async(2 * m + 2, sidxA, didxA, isemA)

            wait_idx(sidxB, didxB, isemB)
            run_phase(sidxB, didxB)

            @pl.when(m < qd // 2 - 1)
            def _():
                load_idx_async(2 * m + 3, sidxB, didxB, isemB)

            @pl.when(m < qd // 2 - 1)
            def _():
                wait_idx(sidxA, didxA, isemA)
            return 0

        lax.fori_loop(0, qd // 2, outer, 0)
        plsc.subcore_barrier()
        pltpu.sync_copy(
            acc.at[pl.ds(sid * zrows, zrows)],
            out_hbm.at[cid, pl.ds(sid * zrows, zrows)],
        )

    return edge_pass


def _dotT(a, w):
    return lax.dot_general(a, w, (((1,), (1,)), ((), ())),
                           preferred_element_type=jnp.float32)


def _tc_enc_body(x_ref, we_ref, be_ref, w0_ref, d0_ref, d1_ref, g_ref):
    dis = lax.rsqrt(d0_ref[...] + d1_ref[...])
    h = _dotT(x_ref[...], we_ref[...]) + be_ref[...]
    g_ref[...] = _dotT(h, w0_ref[...]) * dis


def _tc_mid_body(p0_ref, p1_ref, d0_ref, d1_ref, b_ref, w_ref, g_ref):
    dis = lax.rsqrt(d0_ref[...] + d1_ref[...])
    h = (p0_ref[0] + p1_ref[0]) * dis + b_ref[...]
    g_ref[...] = _dotT(h, w_ref[...]) * dis


def _tc_final_body(p0_ref, p1_ref, d0_ref, d1_ref, b_ref, wr1_ref, br1_ref,
                   wr2_ref, br2_ref, o_ref):
    dis = lax.rsqrt(d0_ref[...] + d1_ref[...])
    h = (p0_ref[0] + p1_ref[0]) * dis + b_ref[...]
    r = _dotT(h, wr1_ref[...]) + br1_ref[...]
    r = jnp.where(r >= 0, r, 0.01 * r)
    o_ref[...] = _dotT(r, wr2_ref[...]) + br2_ref[...]


def _row_spec(d):
    return pl.BlockSpec((RB, d), lambda i: (i, 0))


def _part_spec(c, d):
    return pl.BlockSpec((1, RB, d), lambda i, _c=c: (_c, i, 0))


def _full_spec(r, c):
    return pl.BlockSpec((r, c), lambda i: (0, 0))


def kernel(x, edge_index, batch, W_enc, b_enc, W0, b0, W1, b1, W2, b2,
           Wr1, br1, Wr2, br2):
    n, din = x.shape
    dh = W_enc.shape[0]
    dmid = Wr1.shape[0]
    dout = Wr2.shape[0]
    e = edge_index.shape[1]

    a_rows = math.ceil((n + 1) / (NS * 128)) * (NS * 128)
    e_tot = e + n
    qd = 6
    cpt = math.ceil(e_tot / (NW * CHUNK))
    cpt = math.ceil(cpt / (2 * qd)) * (2 * qd)
    e_pad = cpt * NW * CHUNK
    pad = e_pad - e_tot
    cpt_d = (e_pad // (NW * CHUNK_D))

    blke = 8192
    brows = blke // 128
    lastb = math.ceil(e / blke) - 1
    smask = min(1 << (n.bit_length() - 1), 8192) - 1

    def _prep_body(e_ref, s_ref, d_ref):
        i = pl.program_id(0)
        pos = (i * blke
               + lax.broadcasted_iota(jnp.int32, (brows, 128), 0) * 128
               + lax.broadcasted_iota(jnp.int32, (brows, 128), 1))
        eb = e_ref[...]
        s_in = eb[0].reshape(brows, 128)
        d_in = eb[1].reshape(brows, 128)
        tail = pos - e
        padi = pos - (e + n)
        s_ref[...] = jnp.where(pos < e, s_in,
                               jnp.where(tail < n, tail, padi & smask))
        d_ref[...] = jnp.where(pos < e, d_in,
                               jnp.where(tail < n, tail, n + (padi & 127)))

    src_flat, dst_flat = pl.pallas_call(
        _prep_body,
        grid=(e_pad // blke,),
        in_specs=[pl.BlockSpec((2, blke), lambda i: (0, jnp.minimum(i, lastb)))],
        out_specs=[pl.BlockSpec((brows, 128), lambda i: (i, 0)),
                   pl.BlockSpec((brows, 128), lambda i: (i, 0))],
        out_shape=[jax.ShapeDtypeStruct((e_pad // 128, 128), jnp.int32),
                   jax.ShapeDtypeStruct((e_pad // 128, 128), jnp.int32)],
    )(edge_index.astype(jnp.int32))
    src_p = src_flat.reshape(NC, NS, qd, cpt // qd, CHUNK)
    dst_p = dst_flat.reshape(NC, NS, qd, cpt // qd, CHUNK)
    dst_pd = dst_flat.reshape(NC, NS, cpt_d, CHUNK_D)

    deg_pass = _make_deg_pass(a_rows, cpt_d)
    edge_pass = _make_edge_pass(n, dh, a_rows, cpt, qd)

    deg_parts = deg_pass(dst_pd)
    d0 = deg_parts[0].reshape(a_rows, 1)[:n]
    d1 = deg_parts[1].reshape(a_rows, 1)[:n]

    grid = (n // RB,)
    g0 = pl.pallas_call(
        _tc_enc_body,
        grid=grid,
        in_specs=[_row_spec(din), _full_spec(dh, din), _full_spec(1, dh),
                  _full_spec(dh, dh), _row_spec(1), _row_spec(1)],
        out_specs=_row_spec(dh),
        out_shape=jax.ShapeDtypeStruct((n, dh), jnp.float32),
    )(x, W_enc, b_enc.reshape(1, dh), W0, d0, d1)

    p = edge_pass(g0, src_p, dst_p)
    g1 = pl.pallas_call(
        _tc_mid_body,
        grid=grid,
        in_specs=[_part_spec(0, dh), _part_spec(1, dh), _row_spec(1),
                  _row_spec(1), _full_spec(1, dh), _full_spec(dh, dh)],
        out_specs=_row_spec(dh),
        out_shape=jax.ShapeDtypeStruct((n, dh), jnp.float32),
    )(p, p, d0, d1, b0.reshape(1, dh), W1)

    p = edge_pass(g1, src_p, dst_p)
    g2 = pl.pallas_call(
        _tc_mid_body,
        grid=grid,
        in_specs=[_part_spec(0, dh), _part_spec(1, dh), _row_spec(1),
                  _row_spec(1), _full_spec(1, dh), _full_spec(dh, dh)],
        out_specs=_row_spec(dh),
        out_shape=jax.ShapeDtypeStruct((n, dh), jnp.float32),
    )(p, p, d0, d1, b1.reshape(1, dh), W2)

    p = edge_pass(g2, src_p, dst_p)
    out = pl.pallas_call(
        _tc_final_body,
        grid=grid,
        in_specs=[_part_spec(0, dh), _part_spec(1, dh), _row_spec(1),
                  _row_spec(1), _full_spec(1, dh), _full_spec(dmid, dh),
                  _full_spec(1, dmid), _full_spec(dout, dmid),
                  _full_spec(1, dout)],
        out_specs=_row_spec(dout),
        out_shape=jax.ShapeDtypeStruct((n, dout), jnp.float32),
    )(p, p, d0, d1, b2.reshape(1, dh), Wr1, br1.reshape(1, dmid),
      Wr2, br2.reshape(1, dout))
    return out

# --- scband reference (transcript-rebuilt; emitter-appended) ---
"""Pipeline reference for scband-gcn-8916352107095 (READ-ONLY COPY).

The authoritative reference and input builder live on the scoring server;
editing this copy changes nothing except your own understanding.
"""

import jax, jax.numpy as jnp
import numpy as np

N, E, DIN, DH, DOUT = 10000, 320000, 128, 128, 64


def gcn_conv(x, W, b, src, dst, n):
    # PyG GCNConv: add self-loops, symmetric normalization, x @ W.T, scatter-add, + bias
    loop = jnp.arange(n, dtype=src.dtype)
    s = jnp.concatenate([src, loop])
    d = jnp.concatenate([dst, loop])
    deg = jnp.zeros((n,), x.dtype).at[d].add(1.0)
    dis = jnp.where(deg > 0, 1.0 / jnp.sqrt(jnp.where(deg > 0, deg, 1.0)), 0.0)
    norm = dis[s] * dis[d]
    h = x @ W.T
    msg = h[s] * norm[:, None]
    out = jnp.zeros_like(h).at[d].add(msg)
    return out + b


def setup_inputs(seed: int = 0) -> dict:
    key = jax.random.key(seed)
    ks = jax.random.split(key, 20)
    x = jax.random.normal(ks[0], (N, DIN), jnp.float32)
    edge_index = jax.random.randint(ks[1], (2, E), 0, N)
    batch = jnp.zeros((N,), jnp.int32)

    def lin_w(k, o, i):
        return (jax.random.uniform(k, (o, i), jnp.float32) * 2 - 1) / np.sqrt(i)

    def lin_b(k, o, i):
        return (jax.random.uniform(k, (o,), jnp.float32) * 2 - 1) / np.sqrt(i)

    inp = {
        'x': x,
        'edge_index': edge_index,
        'batch': batch,
        'W_enc': lin_w(ks[2], DH, DIN), 'b_enc': lin_b(ks[3], DH, DIN),
        'W0': lin_w(ks[4], DH, DH), 'b0': lin_b(ks[5], DH, DH),
        'W1': lin_w(ks[6], DH, DH), 'b1': lin_b(ks[7], DH, DH),
        'W2': lin_w(ks[8], DH, DH), 'b2': lin_b(ks[9], DH, DH),
        'Wr1': lin_w(ks[10], DH // 2, DH), 'br1': lin_b(ks[11], DH // 2, DH),
        'Wr2': lin_w(ks[12], DOUT, DH // 2), 'br2': lin_b(ks[13], DOUT, DH // 2),
    }
    return inp


def reference(x, edge_index, batch, W_enc, b_enc, W0, b0, W1, b1, W2, b2, Wr1, br1, Wr2, br2):
    n = x.shape[0]
    src = edge_index[0]
    dst = edge_index[1]
    h = x @ W_enc.T + b_enc
    h = gcn_conv(h, W0, b0, src, dst, n)
    h = gcn_conv(h, W1, b1, src, dst, n)
    h = gcn_conv(h, W2, b2, src, dst, n)
    # node_level_task=True: skip graph pooling, go straight to readout
    h = h @ Wr1.T + br1
    h = jnp.where(h >= 0, h, 0.01 * h)  # LeakyReLU(0.01)
    out = h @ Wr2.T + br2
    return out

if __name__ == "__main__":
    import jax
    _d = setup_inputs()
    print(jax.jit(kernel)(*tuple(_d.values())))

</pallas_src>

<mosaic_0001>
#map = affine_map<(d0, d1) -> (0, 0)>
#map1 = affine_map<(d0, d1) -> (0, 0, 0, 0, 0)>
#map2 = affine_map<(d0, d1) -> (0, 0, 0)>
module attributes {stable_mosaic.version = 14 : i64} {
  func.func @edge_pass(%arg0: i32, %arg1: i32, %arg2: memref<10000x128xf32, #tpu.memory_space<hbm>>, %arg3: memref<2x16x6x14x128xi32, #tpu.memory_space<hbm>>, %arg4: memref<2x16x6x14x128xi32, #tpu.memory_space<hbm>>, %arg5: memref<2x10240x128xf32, #tpu.memory_space<hbm>>, %arg6: memref<10240x128xf32, #tpu.memory_space<vmem_shared>>, %arg7: memref<14x128xi32, #tpu.memory_space<vmem>>, %arg8: memref<14x128xi32, #tpu.memory_space<vmem>>, %arg9: memref<14x128xi32, #tpu.memory_space<vmem>>, %arg10: memref<14x128xi32, #tpu.memory_space<vmem>>, %arg11: memref<128x128xf32, #tpu.memory_space<vmem>>, %arg12: memref<128x128xf32, #tpu.memory_space<vmem>>, %arg13: memref<!tpu.dma_semaphore, #tpu.memory_space<semaphore_mem>>, %arg14: memref<!tpu.dma_semaphore, #tpu.memory_space<semaphore_mem>>, %arg15: memref<!tpu.dma_semaphore, #tpu.memory_space<semaphore_mem>>, %arg16: memref<!tpu.dma_semaphore, #tpu.memory_space<semaphore_mem>>, %arg17: memref<!tpu.dma_semaphore, #tpu.memory_space<semaphore_mem>>, %arg18: memref<!tpu.dma_semaphore, #tpu.memory_space<semaphore_mem>>) attributes {dimension_semantics = [#tpu.dimension_semantics<core_parallel>, #tpu.dimension_semantics<subcore_parallel>], iteration_bounds = array<i64: 2, 16>, scalar_prefetch = 0 : i64, scratch_operands = 13 : i64, tpu.core_type = #tpu.core_type<sc_vector_subcore>, window_params = [{transform_indices = #map}, {transform_indices = #map1}, {transform_indices = #map1}, {transform_indices = #map2}]} {
    %dma_start3A = arith.constant 0 : i32
    %dma_start3A_0 = arith.constant 0 : i32
    %dma_start3A_1 = arith.constant 0 : i32
    %dma_start3A_2 = tpu.memref_slice %arg3[%arg0, %arg1, %dma_start3A, %dma_start3A_0, %dma_start3A_1] : memref<2x16x6x14x128xi32, #tpu.memory_space<hbm>> -> memref<1x1x1x14x128xi32, #tpu.memory_space<hbm>>
    %dma_start3A_3 = tpu.memref_squeeze %dma_start3A_2 : memref<1x1x1x14x128xi32, #tpu.memory_space<hbm>> -> memref<14x128xi32, #tpu.memory_space<hbm>>
    %dma_start3A_4 = arith.constant 0 : i32
    %dma_start3A_5 = arith.constant 0 : i32
    %dma_start3A_6 = tpu.memref_slice %arg3[%arg0, %arg1, %dma_start3A, %dma_start3A_4, %dma_start3A_5] : memref<2x16x6x14x128xi32, #tpu.memory_space<hbm>> -> memref<1x1x1x14x128xi32, #tpu.memory_space<hbm>>
    %dma_start3A_7 = tpu.memref_squeeze %dma_start3A_6 : memref<1x1x1x14x128xi32, #tpu.memory_space<hbm>> -> memref<14x128xi32, #tpu.memory_space<hbm>>
    tpu.enqueue_dma source(%dma_start3A_7 : memref<14x128xi32, #tpu.memory_space<hbm>>) target(%arg7 : memref<14x128xi32, #tpu.memory_space<vmem>>) target_semaphore(%arg17 : memref<!tpu.dma_semaphore, #tpu.memory_space<semaphore_mem>>)
    %dma_start3A_8 = arith.constant 0 : i32
    %dma_start3A_9 = arith.constant 0 : i32
    %dma_start3A_10 = arith.constant 0 : i32
    %dma_start3A_11 = tpu.memref_slice %arg4[%arg0, %arg1, %dma_start3A_8, %dma_start3A_9, %dma_start3A_10] : memref<2x16x6x14x128xi32, #tpu.memory_space<hbm>> -> memref<1x1x1x14x128xi32, #tpu.memory_space<hbm>>
    %dma_start3A_12 = tpu.memref_squeeze %dma_start3A_11 : memref<1x1x1x14x128xi32, #tpu.memory_space<hbm>> -> memref<14x128xi32, #tpu.memory_space<hbm>>
    %dma_start3A_13 = arith.constant 0 : i32
    %dma_start3A_14 = arith.constant 0 : i32
    %dma_start3A_15 = tpu.memref_slice %arg4[%arg0, %arg1, %dma_start3A_8, %dma_start3A_13, %dma_start3A_14] : memref<2x16x6x14x128xi32, #tpu.memory_space<hbm>> -> memref<1x1x1x14x128xi32, #tpu.memory_space<hbm>>
    %dma_start3A_16 = tpu.memref_squeeze %dma_start3A_15 : memref<1x1x1x14x128xi32, #tpu.memory_space<hbm>> -> memref<14x128xi32, #tpu.memory_space<hbm>>
    tpu.enqueue_dma source(%dma_start3A_16 : memref<14x128xi32, #tpu.memory_space<hbm>>) target(%arg8 : memref<14x128xi32, #tpu.memory_space<vmem>>) target_semaphore(%arg17 : memref<!tpu.dma_semaphore, #tpu.memory_space<semaphore_mem>>)
    %dma_start3A_17 = arith.constant 1 : i32
    %dma_start3A_18 = arith.constant 0 : i32
    %dma_start3A_19 = arith.constant 0 : i32
    %dma_start3A_20 = tpu.memref_slice %arg3[%arg0, %arg1, %dma_start3A_17, %dma_start3A_18, %dma_start3A_19] : memref<2x16x6x14x128xi32, #tpu.memory_space<hbm>> -> memref<1x1x1x14x128xi32, #tpu.memory_space<hbm>>
    %dma_start3A_21 = tpu.memref_squeeze %dma_start3A_20 : memref<1x1x1x14x128xi32, #tpu.memory_space<hbm>> -> memref<14x128xi32, #tpu.memory_space<hbm>>
    %dma_start3A_22 = arith.constant 0 : i32
    %dma_start3A_23 = arith.constant 0 : i32
    %dma_start3A_24 = tpu.memref_slice %arg3[%arg0, %arg1, %dma_start3A_17, %dma_start3A_22, %dma_start3A_23] : memref<2x16x6x14x128xi32, #tpu.memory_space<hbm>> -> memref<1x1x1x14x128xi32, #tpu.memory_space<hbm>>
    %dma_start3A_25 = tpu.memref_squeeze %dma_start3A_24 : memref<1x1x1x14x128xi32, #tpu.memory_space<hbm>> -> memref<14x128xi32, #tpu.memory_space<hbm>>
    tpu.enqueue_dma source(%dma_start3A_25 : memref<14x128xi32, #tpu.memory_space<hbm>>) target(%arg9 : memref<14x128xi32, #tpu.memory_space<vmem>>) target_semaphore(%arg18 : memref<!tpu.dma_semaphore, #tpu.memory_space<semaphore_mem>>)
    %dma_start3A_26 = arith.constant 1 : i32
    %dma_start3A_27 = arith.constant 0 : i32
    %dma_start3A_28 = arith.constant 0 : i32
    %dma_start3A_29 = tpu.memref_slice %arg4[%arg0, %arg1, %dma_start3A_26, %dma_start3A_27, %dma_start3A_28] : memref<2x16x6x14x128xi32, #tpu.memory_space<hbm>> -> memref<1x1x1x14x128xi32, #tpu.memory_space<hbm>>
    %dma_start3A_30 = tpu.memref_squeeze %dma_start3A_29 : memref<1x1x1x14x128xi32, #tpu.memory_space<hbm>> -> memref<14x128xi32, #tpu.memory_space<hbm>>
    %dma_start3A_31 = arith.constant 0 : i32
    %dma_start3A_32 = arith.constant 0 : i32
    %dma_start3A_33 = tpu.memref_slice %arg4[%arg0, %arg1, %dma_start3A_26, %dma_start3A_31, %dma_start3A_32] : memref<2x16x6x14x128xi32, #tpu.memory_space<hbm>> -> memref<1x1x1x14x128xi32, #tpu.memory_space<hbm>>
    %dma_start3A_34 = tpu.memref_squeeze %dma_start3A_33 : memref<1x1x1x14x128xi32, #tpu.memory_space<hbm>> -> memref<14x128xi32, #tpu.memory_space<hbm>>
    tpu.enqueue_dma source(%dma_start3A_34 : memref<14x128xi32, #tpu.memory_space<hbm>>) target(%arg10 : memref<14x128xi32, #tpu.memory_space<vmem>>) target_semaphore(%arg18 : memref<!tpu.dma_semaphore, #tpu.memory_space<semaphore_mem>>)
    %scan3A = arith.constant 0 : i32
    %scan3A_35 = arith.constant 0 : i32
    %scan3A_36 = arith.constant 1024 : i32
    %scan3A_37 = arith.addi %scan3A_35, %scan3A_36 : i32
    %scan3A_38 = arith.constant 1 : i32
    %scan3A_39 = scf.for %scan3A_76 = %scan3A_35 to %scan3A_37 step %scan3A_38 iter_args(%scan3A_77 = %scan3A) -> (i32)  : i32 {
      %broadcast_in_dim3A = arith.constant 0.000000e+00 : f32
      %broadcast_in_dim3A_78 = vector.broadcast %broadcast_in_dim3A : f32 to vector<16xf32>
      %jit3A = arith.constant 8 : i32
      %div3A = arith.divsi %scan3A_76, %jit3A : i32
      %sign3A = arith.constant 0 : i32
      %sign3A_79 = arith.cmpi sgt, %scan3A_76, %sign3A : i32
      %sign3A_80 = arith.extui %sign3A_79 : i1 to i32
      %sign3A_81 = arith.constant 0 : i32
      %sign3A_82 = arith.cmpi slt, %scan3A_76, %sign3A_81 : i32
      %sign3A_83 = arith.extui %sign3A_82 : i1 to i32
      %sign3A_84 = arith.subi %sign3A_80, %sign3A_83 : i32
      %sign3A_85 = arith.constant 0 : i32
      %sign3A_86 = arith.cmpi sgt, %jit3A, %sign3A_85 : i32
      %sign3A_87 = arith.extui %sign3A_86 : i1 to i32
      %sign3A_88 = arith.constant 0 : i32
      %sign3A_89 = arith.cmpi slt, %jit3A, %sign3A_88 : i32
      %sign3A_90 = arith.extui %sign3A_89 : i1 to i32
      %sign3A_91 = arith.subi %sign3A_87, %sign3A_90 : i32
      %ne3A = arith.cmpi ne, %sign3A_84, %sign3A_91 : i32
      %rem3A = arith.remsi %scan3A_76, %jit3A : i32
      %ne3A_92 = arith.constant 0 : i32
      %ne3A_93 = arith.cmpi ne, %rem3A, %ne3A_92 : i32
      %and3A = arith.andi %ne3A, %ne3A_93 : i1
      %sub3A = arith.constant 1 : i32
      %sub3A_94 = arith.subi %div3A, %sub3A : i32
      %select_n3A = arith.select %and3A, %sub3A_94, %div3A : i32
      %jit3A_95 = arith.constant 8 : i32
      %eq3A = arith.constant 0 : i32
      %eq3A_96 = arith.cmpi eq, %jit3A_95, %eq3A : i32
      %jit3A_97 = arith.constant 1 : i32
      %select_n3A_98 = arith.select %eq3A_96, %jit3A_97, %jit3A_95 : i32
      %rem3A_99 = arith.remsi %scan3A_76, %select_n3A_98 : i32
      %ne3A_100 = arith.constant 0 : i32
      %ne3A_101 = arith.cmpi ne, %rem3A_99, %ne3A_100 : i32
      %lt3A = arith.constant 0 : i32
      %lt3A_102 = arith.cmpi slt, %rem3A_99, %lt3A : i32
      %lt3A_103 = arith.constant 0 : i32
      %lt3A_104 = arith.cmpi slt, %select_n3A_98, %lt3A_103 : i32
      %ne3A_105 = arith.xori %lt3A_102, %lt3A_104 : i1
      %and3A_106 = arith.andi %ne3A_105, %ne3A_101 : i1
      %add3A = arith.addi %rem3A_99, %select_n3A_98 : i32
      %select_n3A_107 = arith.select %and3A_106, %add3A, %rem3A_99 : i32
      %mul3A_108 = arith.constant 16 : i32
      %mul3A_109 = arith.muli %select_n3A_107, %mul3A_108 : i32
      %swap3A = arith.index_cast %select_n3A : i32 to index
      %swap3A_110 = arith.index_cast %mul3A_109 : i32 to index
      %swap3A_111 = tpu.vector_load %arg11[%swap3A, %swap3A_110] {strides = array<i32>} : memref<128x128xf32, #tpu.memory_space<vmem>>, vector<1x16xf32>,
      %swap3A_112 = vector.shape_cast %swap3A_111 : vector<1x16xf32> to vector<16xf32>
      %swap3A_113 = vector.shape_cast %broadcast_in_dim3A_78 : vector<16xf32> to vector<1x16xf32>
      tpu.vector_store %arg11[%swap3A, %swap3A_110], %swap3A_113 {strides = array<i32>} : memref<128x128xf32, #tpu.memory_space<vmem>>, vector<1x16xf32>,
      %scan3A_114 = arith.constant 0 : i32
      scf.yield %scan3A_114 : i32
    }
    %scan3A_40 = arith.constant 1024 : i32
    %scan3A_41 = arith.constant 0 : i32
    %scan3A_42 = arith.constant 0 : i32
    %scan3A_43 = arith.constant 5 : i32
    %scan3A_44 = arith.addi %scan3A_42, %scan3A_43 : i32
    %scan3A_45 = arith.constant 1 : i32
    %scan3A_46 = scf.for %scan3A_76 = %scan3A_42 to %scan3A_44 step %scan3A_45 iter_args(%scan3A_77 = %scan3A_41) -> (i32)  : i32 {
      %mul3A_78 = arith.constant 640 : i32
      %mul3A_79 = arith.muli %arg1, %mul3A_78 : i32
      %mul3A_80 = arith.constant 128 : i32
      %mul3A_81 = arith.muli %scan3A_76, %mul3A_80 : i32
      %add3A = arith.addi %mul3A_79, %mul3A_81 : i32
      "tpu.region"() ({
        %run_scoped3A = tpu.sem_alloc : memref<!tpu.dma_semaphore, #tpu.memory_space<semaphore_mem>>
        %dma_start3A_83 = arith.constant 0 : i32
        %dma_start3A_84 = tpu.memref_slice %arg6[%add3A, %dma_start3A_83] : memref<10240x128xf32, #tpu.memory_space<vmem_shared>> -> memref<128x128xf32, #tpu.memory_space<vmem_shared>>
        %dma_start3A_85 = arith.constant 0 : i32
        %dma_start3A_86 = tpu.memref_slice %arg6[%add3A, %dma_start3A_85] : memref<10240x128xf32, #tpu.memory_space<vmem_shared>> -> memref<128x128xf32, #tpu.memory_space<vmem_shared>>
        tpu.enqueue_dma source(%arg11 : memref<128x128xf32, #tpu.memory_space<vmem>>) target(%dma_start3A_86 : memref<128x128xf32, #tpu.memory_space<vmem_shared>>) target_semaphore(%run_scoped3A : memref<!tpu.dma_semaphore, #tpu.memory_space<semaphore_mem>>)
        %dma_wait3A_87 = arith.constant 0 : i32
        %dma_wait3A_88 = tpu.memref_slice %arg6[%add3A, %dma_wait3A_87] : memref<10240x128xf32, #tpu.memory_space<vmem_shared>> -> memref<128x128xf32, #tpu.memory_space<vmem_shared>>
        %dma_wait3A_89 = arith.constant 0 : i32
        %dma_wait3A_90 = tpu.memref_slice %arg6[%add3A, %dma_wait3A_89] : memref<10240x128xf32, #tpu.memory_space<vmem_shared>> -> memref<128x128xf32, #tpu.memory_space<vmem_shared>>
        tpu.wait_dma2 semaphore(%run_scoped3A : memref<!tpu.dma_semaphore, #tpu.memory_space<semaphore_mem>>) src(%arg11 : memref<128x128xf32, #tpu.memory_space<vmem>>) dst(%dma_wait3A_90 : memref<128x128xf32, #tpu.memory_space<vmem_shared>>)
        tpu.yield
      }) : () -> ()
      %scan3A_82 = arith.constant 0 : i32
      scf.yield %scan3A_82 : i32
    }
    %scan3A_47 = arith.constant 5 : i32
    %barrier3A = arith.constant 0 : index
    tpu.barrier barrier_id(%barrier3A)
    %dma_wait3A = arith.constant 0 : i32
    %dma_wait3A_48 = arith.constant 0 : i32
    %dma_wait3A_49 = arith.constant 0 : i32
    %dma_wait3A_50 = tpu.memref_slice %arg3[%arg0, %arg1, %dma_wait3A, %dma_wait3A_48, %dma_wait3A_49] : memref<2x16x6x14x128xi32, #tpu.memory_space<hbm>> -> memref<1x1x1x14x128xi32, #tpu.memory_space<hbm>>
    %dma_wait3A_51 = tpu.memref_squeeze %dma_wait3A_50 : memref<1x1x1x14x128xi32, #tpu.memory_space<hbm>> -> memref<14x128xi32, #tpu.memory_space<hbm>>
    %dma_wait3A_52 = arith.constant 0 : i32
    %dma_wait3A_53 = arith.constant 0 : i32
    %dma_wait3A_54 = tpu.memref_slice %arg3[%arg0, %arg1, %dma_wait3A, %dma_wait3A_52, %dma_wait3A_53] : memref<2x16x6x14x128xi32, #tpu.memory_space<hbm>> -> memref<1x1x1x14x128xi32, #tpu.memory_space<hbm>>
    %dma_wait3A_55 = tpu.memref_squeeze %dma_wait3A_54 : memref<1x1x1x14x128xi32, #tpu.memory_space<hbm>> -> memref<14x128xi32, #tpu.memory_space<hbm>>
    tpu.wait_dma2 semaphore(%arg17 : memref<!tpu.dma_semaphore, #tpu.memory_space<semaphore_mem>>) src(%dma_wait3A_55 : memref<14x128xi32, #tpu.memory_space<hbm>>) dst(%arg7 : memref<14x128xi32, #tpu.memory_space<vmem>>)
    %dma_wait3A_56 = arith.constant 0 : i32
    %dma_wait3A_57 = arith.constant 0 : i32
    %dma_wait3A_58 = arith.constant 0 : i32
    %dma_wait3A_59 = tpu.memref_slice %arg4[%arg0, %arg1, %dma_wait3A_56, %dma_wait3A_57, %dma_wait3A_58] : memref<2x16x6x14x128xi32, #tpu.memory_space<hbm>> -> memref<1x1x1x14x128xi32, #tpu.memory_space<hbm>>
    %dma_wait3A_60 = tpu.memref_squeeze %dma_wait3A_59 : memref<1x1x1x14x128xi32, #tpu.memory_space<hbm>> -> memref<14x128xi32, #tpu.memory_space<hbm>>
    %dma_wait3A_61 = arith.constant 0 : i32
    %dma_wait3A_62 = arith.constant 0 : i32
    %dma_wait3A_63 = tpu.memref_slice %arg4[%arg0, %arg1, %dma_wait3A_56, %dma_wait3A_61, %dma_wait3A_62] : memref<2x16x6x14x128xi32, #tpu.memory_space<hbm>> -> memref<1x1x1x14x128xi32, #tpu.memory_space<hbm>>
    %dma_wait3A_64 = tpu.memref_squeeze %dma_wait3A_63 : memref<1x1x1x14x128xi32, #tpu.memory_space<hbm>> -> memref<14x128xi32, #tpu.memory_space<hbm>>
    tpu.wait_dma2 semaphore(%arg17 : memref<!tpu.dma_semaphore, #tpu.memory_space<semaphore_mem>>) src(%dma_wait3A_64 : memref<14x128xi32, #tpu.memory_space<hbm>>) dst(%arg8 : memref<14x128xi32, #tpu.memory_space<vmem>>)
    %scan3A_65 = arith.constant 0 : i32
    %scan3A_66 = arith.constant 0 : i32
    %scan3A_67 = arith.constant 3 : i32
    %scan3A_68 = arith.addi %scan3A_66, %scan3A_67 : i32
    %scan3A_69 = arith.constant 1 : i32
    %scan3A_70 = scf.for %scan3A_76 = %scan3A_66 to %scan3A_68 step %scan3A_69 iter_args(%scan3A_77 = %scan3A_65) -> (i32)  : i32 {
      %dma_start3A_78 = arith.constant 0 : i32
      %dma_start3A_79 = arith.constant 0 : i32
      %dma_start3A_80 = tpu.memref_slice %arg7[%dma_start3A_78, %dma_start3A_79] : memref<14x128xi32, #tpu.memory_space<vmem>> -> memref<1x128xi32, #tpu.memory_space<vmem>>
      %dma_start3A_81 = tpu.memref_squeeze %dma_start3A_80 : memref<1x128xi32, #tpu.memory_space<vmem>> -> memref<128xi32, #tpu.memory_space<vmem>>
      %dma_start3A_82 = arith.constant 0 : i32
      %dma_start3A_83 = arith.constant 0 : i32
      %dma_start3A_84 = tpu.memref_slice %arg2[%dma_start3A_82, %dma_start3A_83] : memref<10000x128xf32, #tpu.memory_space<hbm>> -> memref<10000x128xf32, #tpu.memory_space<hbm>>
      tpu.enqueue_indirect_dma source(%dma_start3A_84 : memref<10000x128xf32, #tpu.memory_space<hbm>>) target(%arg11 : memref<128x128xf32, #tpu.memory_space<vmem>>) offsets(%dma_start3A_81 : memref<128xi32, #tpu.memory_space<vmem>>) semaphore(%arg13 : memref<!tpu.dma_semaphore, #tpu.memory_space<semaphore_mem>>)
      %scan3A_85 = arith.constant 0 : i32
      %scan3A_86 = arith.constant 0 : i32
      %scan3A_87 = arith.constant 7 : i32
      %scan3A_88 = arith.addi %scan3A_86, %scan3A_87 : i32
      %scan3A_89 = arith.constant 1 : i32
      %scan3A_90 = scf.for %scan3A_137 = %scan3A_86 to %scan3A_88 step %scan3A_89 iter_args(%scan3A_138 = %scan3A_85) -> (i32)  : i32 {
        %mul3A_139 = arith.constant 2 : i32
        %mul3A_140 = arith.muli %scan3A_137, %mul3A_139 : i32
        %add3A = arith.constant 1 : i32
        %add3A_141 = arith.addi %mul3A_140, %add3A : i32
        %dma_start3A_142 = arith.constant 0 : i32
        %dma_start3A_143 = tpu.memref_slice %arg7[%add3A_141, %dma_start3A_142] : memref<14x128xi32, #tpu.memory_space<vmem>> -> memref<1x128xi32, #tpu.memory_space<vmem>>
        %dma_start3A_144 = tpu.memref_squeeze %dma_start3A_143 : memref<1x128xi32, #tpu.memory_space<vmem>> -> memref<128xi32, #tpu.memory_space<vmem>>
        %dma_start3A_145 = arith.constant 0 : i32
        %dma_start3A_146 = arith.constant 0 : i32
        %dma_start3A_147 = tpu.memref_slice %arg2[%dma_start3A_145, %dma_start3A_146] : memref<10000x128xf32, #tpu.memory_space<hbm>> -> memref<10000x128xf32, #tpu.memory_space<hbm>>
        tpu.enqueue_indirect_dma source(%dma_start3A_147 : memref<10000x128xf32, #tpu.memory_space<hbm>>) target(%arg12 : memref<128x128xf32, #tpu.memory_space<vmem>>) offsets(%dma_start3A_144 : memref<128xi32, #tpu.memory_space<vmem>>) semaphore(%arg14 : memref<!tpu.dma_semaphore, #tpu.memory_space<semaphore_mem>>)
        %dma_wait3A_148 = arith.constant 0 : i32
        %dma_wait3A_149 = tpu.memref_slice %arg7[%mul3A_140, %dma_wait3A_148] : memref<14x128xi32, #tpu.memory_space<vmem>> -> memref<1x128xi32, #tpu.memory_space<vmem>>
        %dma_wait3A_150 = tpu.memref_squeeze %dma_wait3A_149 : memref<1x128xi32, #tpu.memory_space<vmem>> -> memref<128xi32, #tpu.memory_space<vmem>>
        %dma_wait3A_151 = arith.constant 0 : i32
        %dma_wait3A_152 = arith.constant 0 : i32
        %dma_wait3A_153 = tpu.memref_slice %arg2[%dma_wait3A_151, %dma_wait3A_152] : memref<10000x128xf32, #tpu.memory_space<hbm>> -> memref<10000x128xf32, #tpu.memory_space<hbm>>
        tpu.wait_indirect_dma semaphore(%arg13 : memref<!tpu.dma_semaphore, #tpu.memory_space<semaphore_mem>>) src(%dma_wait3A_153 : memref<10000x128xf32, #tpu.memory_space<hbm>>) dst(%arg11 : memref<128x128xf32, #tpu.memory_space<vmem>>)
        "tpu.region"() ({
          %run_scoped3A = tpu.sem_alloc : memref<!tpu.dma_semaphore, #tpu.memory_space<semaphore_mem>>
          %dma_start3A_170 = arith.constant 0 : i32
          %dma_start3A_171 = tpu.memref_slice %arg8[%mul3A_140, %dma_start3A_170] : memref<14x128xi32, #tpu.memory_space<vmem>> -> memref<1x128xi32, #tpu.memory_space<vmem>>
          %dma_start3A_172 = tpu.memref_squeeze %dma_start3A_171 : memref<1x128xi32, #tpu.memory_space<vmem>> -> memref<128xi32, #tpu.memory_space<vmem>>
          %dma_start3A_173 = arith.constant 0 : i32
          %dma_start3A_174 = arith.constant 0 : i32
          %dma_start3A_175 = tpu.memref_slice %arg6[%dma_start3A_173, %dma_start3A_174] : memref<10240x128xf32, #tpu.memory_space<vmem_shared>> -> memref<10240x128xf32, #tpu.memory_space<vmem_shared>>
          tpu.enqueue_indirect_dma source(%arg11 : memref<128x128xf32, #tpu.memory_space<vmem>>) target(%dma_start3A_175 : memref<10240x128xf32, #tpu.memory_space<vmem_shared>>) offsets(%dma_start3A_172 : memref<128xi32, #tpu.memory_space<vmem>>) semaphore(%run_scoped3A : memref<!tpu.dma_semaphore, #tpu.memory_space<semaphore_mem>>) {add = true}
          %dma_wait3A_176 = arith.constant 0 : i32
          %dma_wait3A_177 = tpu.memref_slice %arg8[%mul3A_140, %dma_wait3A_176] : memref<14x128xi32, #tpu.memory_space<vmem>> -> memref<1x128xi32, #tpu.memory_space<vmem>>
          %dma_wait3A_178 = tpu.memref_squeeze %dma_wait3A_177 : memref<1x128xi32, #tpu.memory_space<vmem>> -> memref<128xi32, #tpu.memory_space<vmem>>
          %dma_wait3A_179 = arith.constant 0 : i32
          %dma_wait3A_180 = arith.constant 0 : i32
          %dma_wait3A_181 = tpu.memref_slice %arg6[%dma_wait3A_179, %dma_wait3A_180] : memref<10240x128xf32, #tpu.memory_space<vmem_shared>> -> memref<10240x128xf32, #tpu.memory_space<vmem_shared>>
          tpu.wait_indirect_dma semaphore(%run_scoped3A : memref<!tpu.dma_semaphore, #tpu.memory_space<semaphore_mem>>) src(%arg11 : memref<128x128xf32, #tpu.memory_space<vmem>>) dst(%dma_wait3A_181 : memref<10240x128xf32, #tpu.memory_space<vmem_shared>>)
          tpu.yield
        }) : () -> ()
        %lt3A_154 = arith.constant 6 : i32
        %lt3A_155 = arith.cmpi slt, %scan3A_137, %lt3A_154 : i32
        %convert_element_type3A_156 = arith.extui %lt3A_155 : i1 to i32
        %cond3A_157 = arith.constant 0 : i32
        %cond3A_158 = arith.cmpi ne, %convert_element_type3A_156, %cond3A_157 : i32
        scf.if %cond3A_158 {
          %add3A_170 = arith.constant 2 : i32
          %add3A_171 = arith.addi %mul3A_140, %add3A_170 : i32
          %dma_start3A_172 = arith.constant 0 : i32
          %dma_start3A_173 = tpu.memref_slice %arg7[%add3A_171, %dma_start3A_172] : memref<14x128xi32, #tpu.memory_space<vmem>> -> memref<1x128xi32, #tpu.memory_space<vmem>>
          %dma_start3A_174 = tpu.memref_squeeze %dma_start3A_173 : memref<1x128xi32, #tpu.memory_space<vmem>> -> memref<128xi32, #tpu.memory_space<vmem>>
          %dma_start3A_175 = arith.constant 0 : i32
          %dma_start3A_176 = arith.constant 0 : i32
          %dma_start3A_177 = tpu.memref_slice %arg2[%dma_start3A_175, %dma_start3A_176] : memref<10000x128xf32, #tpu.memory_space<hbm>> -> memref<10000x128xf32, #tpu.memory_space<hbm>>
          tpu.enqueue_indirect_dma source(%dma_start3A_177 : memref<10000x128xf32, #tpu.memory_space<hbm>>) target(%arg11 : memref<128x128xf32, #tpu.memory_space<vmem>>) offsets(%dma_start3A_174 : memref<128xi32, #tpu.memory_space<vmem>>) semaphore(%arg13 : memref<!tpu.dma_semaphore, #tpu.memory_space<semaphore_mem>>)
        } else {
        }
        %add3A_159 = arith.constant 1 : i32
        %add3A_160 = arith.addi %mul3A_140, %add3A_159 : i32
        %dma_wait3A_161 = arith.constant 0 : i32
        %dma_wait3A_162 = tpu.memref_slice %arg7[%add3A_160, %dma_wait3A_161] : memref<14x128xi32, #tpu.memory_space<vmem>> -> memref<1x128xi32, #tpu.memory_space<vmem>>
        %dma_wait3A_163 = tpu.memref_squeeze %dma_wait3A_162 : memref<1x128xi32, #tpu.memory_space<vmem>> -> memref<128xi32, #tpu.memory_space<vmem>>
        %dma_wait3A_164 = arith.constant 0 : i32
        %dma_wait3A_165 = arith.constant 0 : i32
        %dma_wait3A_166 = tpu.memref_slice %arg2[%dma_wait3A_164, %dma_wait3A_165] : memref<10000x128xf32, #tpu.memory_space<hbm>> -> memref<10000x128xf32, #tpu.memory_space<hbm>>
        tpu.wait_indirect_dma semaphore(%arg14 : memref<!tpu.dma_semaphore, #tpu.memory_space<semaphore_mem>>) src(%dma_wait3A_166 : memref<10000x128xf32, #tpu.memory_space<hbm>>) dst(%arg12 : memref<128x128xf32, #tpu.memory_space<vmem>>)
        %add3A_167 = arith.constant 1 : i32
        %add3A_168 = arith.addi %mul3A_140, %add3A_167 : i32
        "tpu.region"() ({
          %run_scoped3A = tpu.sem_alloc : memref<!tpu.dma_semaphore, #tpu.memory_space<semaphore_mem>>
          %dma_start3A_170 = arith.constant 0 : i32
          %dma_start3A_171 = tpu.memref_slice %arg8[%add3A_168, %dma_start3A_170] : memref<14x128xi32, #tpu.memory_space<vmem>> -> memref<1x128xi32, #tpu.memory_space<vmem>>
          %dma_start3A_172 = tpu.memref_squeeze %dma_start3A_171 : memref<1x128xi32, #tpu.memory_space<vmem>> -> memref<128xi32, #tpu.memory_space<vmem>>
          %dma_start3A_173 = arith.constant 0 : i32
          %dma_start3A_174 = arith.constant 0 : i32
          %dma_start3A_175 = tpu.memref_slice %arg6[%dma_start3A_173, %dma_start3A_174] : memref<10240x128xf32, #tpu.memory_space<vmem_shared>> -> memref<10240x128xf32, #tpu.memory_space<vmem_shared>>
          tpu.enqueue_indirect_dma source(%arg12 : memref<128x128xf32, #tpu.memory_space<vmem>>) target(%dma_start3A_175 : memref<10240x128xf32, #tpu.memory_space<vmem_shared>>) offsets(%dma_start3A_172 : memref<128xi32, #tpu.memory_space<vmem>>) semaphore(%run_scoped3A : memref<!tpu.dma_semaphore, #tpu.memory_space<semaphore_mem>>) {add = true}
          %dma_wait3A_176 = arith.constant 0 : i32
          %dma_wait3A_177 = tpu.memref_slice %arg8[%add3A_168, %dma_wait3A_176] : memref<14x128xi32, #tpu.memory_space<vmem>> -> memref<1x128xi32, #tpu.memory_space<vmem>>
          %dma_wait3A_178 = tpu.memref_squeeze %dma_wait3A_177 : memref<1x128xi32, #tpu.memory_space<vmem>> -> memref<128xi32, #tpu.memory_space<vmem>>
          %dma_wait3A_179 = arith.constant 0 : i32
          %dma_wait3A_180 = arith.constant 0 : i32
          %dma_wait3A_181 = tpu.memref_slice %arg6[%dma_wait3A_179, %dma_wait3A_180] : memref<10240x128xf32, #tpu.memory_space<vmem_shared>> -> memref<10240x128xf32, #tpu.memory_space<vmem_shared>>
          tpu.wait_indirect_dma semaphore(%run_scoped3A : memref<!tpu.dma_semaphore, #tpu.memory_space<semaphore_mem>>) src(%arg12 : memref<128x128xf32, #tpu.memory_space<vmem>>) dst(%dma_wait3A_181 : memref<10240x128xf32, #tpu.memory_space<vmem_shared>>)
          tpu.yield
        }) : () -> ()
        %scan3A_169 = arith.constant 0 : i32
        scf.yield %scan3A_169 : i32
      }
      %scan3A_91 = arith.constant 7 : i32
      %lt3A = arith.constant 2 : i32
      %lt3A_92 = arith.cmpi slt, %scan3A_76, %lt3A : i32
      %convert_element_type3A = arith.extui %lt3A_92 : i1 to i32
      %cond3A = arith.constant 0 : i32
      %cond3A_93 = arith.cmpi ne, %convert_element_type3A, %cond3A : i32
      scf.if %cond3A_93 {
        %mul3A_137 = arith.constant 2 : i32
        %mul3A_138 = arith.muli %mul3A_137, %scan3A_76 : i32
        %add3A = arith.constant 2 : i32
        %add3A_139 = arith.addi %mul3A_138, %add3A : i32
        %dma_start3A_140 = arith.constant 0 : i32
        %dma_start3A_141 = arith.constant 0 : i32
        %dma_start3A_142 = tpu.memref_slice %arg3[%arg0, %arg1, %add3A_139, %dma_start3A_140, %dma_start3A_141] : memref<2x16x6x14x128xi32, #tpu.memory_space<hbm>> -> memref<1x1x1x14x128xi32, #tpu.memory_space<hbm>>
        %dma_start3A_143 = tpu.memref_squeeze %dma_start3A_142 : memref<1x1x1x14x128xi32, #tpu.memory_space<hbm>> -> memref<14x128xi32, #tpu.memory_space<hbm>>
        %dma_start3A_144 = arith.constant 0 : i32
        %dma_start3A_145 = arith.constant 0 : i32
        %dma_start3A_146 = tpu.memref_slice %arg3[%arg0, %arg1, %add3A_139, %dma_start3A_144, %dma_start3A_145] : memref<2x16x6x14x128xi32, #tpu.memory_space<hbm>> -> memref<1x1x1x14x128xi32, #tpu.memory_space<hbm>>
        %dma_start3A_147 = tpu.memref_squeeze %dma_start3A_146 : memref<1x1x1x14x128xi32, #tpu.memory_space<hbm>> -> memref<14x128xi32, #tpu.memory_space<hbm>>
        tpu.enqueue_dma source(%dma_start3A_147 : memref<14x128xi32, #tpu.memory_space<hbm>>) target(%arg7 : memref<14x128xi32, #tpu.memory_space<vmem>>) target_semaphore(%arg17 : memref<!tpu.dma_semaphore, #tpu.memory_space<semaphore_mem>>)
        %dma_start3A_148 = arith.constant 0 : i32
        %dma_start3A_149 = arith.constant 0 : i32
        %dma_start3A_150 = tpu.memref_slice %arg4[%arg0, %arg1, %add3A_139, %dma_start3A_148, %dma_start3A_149] : memref<2x16x6x14x128xi32, #tpu.memory_space<hbm>> -> memref<1x1x1x14x128xi32, #tpu.memory_space<hbm>>
        %dma_start3A_151 = tpu.memref_squeeze %dma_start3A_150 : memref<1x1x1x14x128xi32, #tpu.memory_space<hbm>> -> memref<14x128xi32, #tpu.memory_space<hbm>>
        %dma_start3A_152 = arith.constant 0 : i32
        %dma_start3A_153 = arith.constant 0 : i32
        %dma_start3A_154 = tpu.memref_slice %arg4[%arg0, %arg1, %add3A_139, %dma_start3A_152, %dma_start3A_153] : memref<2x16x6x14x128xi32, #tpu.memory_space<hbm>> -> memref<1x1x1x14x128xi32, #tpu.memory_space<hbm>>
        %dma_start3A_155 = tpu.memref_squeeze %dma_start3A_154 : memref<1x1x1x14x128xi32, #tpu.memory_space<hbm>> -> memref<14x128xi32, #tpu.memory_space<hbm>>
        tpu.enqueue_dma source(%dma_start3A_155 : memref<14x128xi32, #tpu.memory_space<hbm>>) target(%arg8 : memref<14x128xi32, #tpu.memory_space<vmem>>) target_semaphore(%arg17 : memref<!tpu.dma_semaphore, #tpu.memory_space<semaphore_mem>>)
      } else {
      }
      %dma_wait3A_94 = arith.constant 0 : i32
      %dma_wait3A_95 = arith.constant 0 : i32
      %dma_wait3A_96 = arith.constant 0 : i32
      %dma_wait3A_97 = tpu.memref_slice %arg3[%arg0, %arg1, %dma_wait3A_94, %dma_wait3A_95, %dma_wait3A_96] : memref<2x16x6x14x128xi32, #tpu.memory_space<hbm>> -> memref<1x1x1x14x128xi32, #tpu.memory_space<hbm>>
      %dma_wait3A_98 = tpu.memref_squeeze %dma_wait3A_97 : memref<1x1x1x14x128xi32, #tpu.memory_space<hbm>> -> memref<14x128xi32, #tpu.memory_space<hbm>>
      %dma_wait3A_99 = arith.constant 0 : i32
      %dma_wait3A_100 = arith.constant 0 : i32
      %dma_wait3A_101 = tpu.memref_slice %arg3[%arg0, %arg1, %dma_wait3A_94, %dma_wait3A_99, %dma_wait3A_100] : memref<2x16x6x14x128xi32, #tpu.memory_space<hbm>> -> memref<1x1x1x14x128xi32, #tpu.memory_space<hbm>>
      %dma_wait3A_102 = tpu.memref_squeeze %dma_wait3A_101 : memref<1x1x1x14x128xi32, #tpu.memory_space<hbm>> -> memref<14x128xi32, #tpu.memory_space<hbm>>
      tpu.wait_dma2 semaphore(%arg18 : memref<!tpu.dma_semaphore, #tpu.memory_space<semaphore_mem>>) src(%dma_wait3A_102 : memref<14x128xi32, #tpu.memory_space<hbm>>) dst(%arg9 : memref<14x128xi32, #tpu.memory_space<vmem>>)
      %dma_wait3A_103 = arith.constant 0 : i32
      %dma_wait3A_104 = arith.constant 0 : i32
      %dma_wait3A_105 = arith.constant 0 : i32
      %dma_wait3A_106 = tpu.memref_slice %arg4[%arg0, %arg1, %dma_wait3A_103, %dma_wait3A_104, %dma_wait3A_105] : memref<2x16x6x14x128xi32, #tpu.memory_space<hbm>> -> memref<1x1x1x14x128xi32, #tpu.memory_space<hbm>>
      %dma_wait3A_107 = tpu.memref_squeeze %dma_wait3A_106 : memref<1x1x1x14x128xi32, #tpu.memory_space<hbm>> -> memref<14x128xi32, #tpu.memory_space<hbm>>
      %dma_wait3A_108 = arith.constant 0 : i32
      %dma_wait3A_109 = arith.constant 0 : i32
      %dma_wait3A_110 = tpu.memref_slice %arg4[%arg0, %arg1, %dma_wait3A_103, %dma_wait3A_108, %dma_wait3A_109] : memref<2x16x6x14x128xi32, #tpu.memory_space<hbm>> -> memref<1x1x1x14x128xi32, #tpu.memory_space<hbm>>
      %dma_wait3A_111 = tpu.memref_squeeze %dma_wait3A_110 : memref<1x1x1x14x128xi32, #tpu.memory_space<hbm>> -> memref<14x128xi32, #tpu.memory_space<hbm>>
      tpu.wait_dma2 semaphore(%arg18 : memref<!tpu.dma_semaphore, #tpu.memory_space<semaphore_mem>>) src(%dma_wait3A_111 : memref<14x128xi32, #tpu.memory_space<hbm>>) dst(%arg10 : memref<14x128xi32, #tpu.memory_space<vmem>>)
      %dma_start3A_112 = arith.constant 0 : i32
      %dma_start3A_113 = arith.constant 0 : i32
      %dma_start3A_114 = tpu.memref_slice %arg9[%dma_start3A_112, %dma_start3A_113] : memref<14x128xi32, #tpu.memory_space<vmem>> -> memref<1x128xi32, #tpu.memory_space<vmem>>
      %dma_start3A_115 = tpu.memref_squeeze %dma_start3A_114 : memref<1x128xi32, #tpu.memory_space<vmem>> -> memref<128xi32, #tpu.memory_space<vmem>>
      %dma_start3A_116 = arith.constant 0 : i32
      %dma_start3A_117 = arith.constant 0 : i32
      %dma_start3A_118 = tpu.memref_slice %arg2[%dma_start3A_116, %dma_start3A_117] : memref<10000x128xf32, #tpu.memory_space<hbm>> -> memref<10000x128xf32, #tpu.memory_space<hbm>>
      tpu.enqueue_indirect_dma source(%dma_start3A_118 : memref<10000x128xf32, #tpu.memory_space<hbm>>) target(%arg11 : memref<128x128xf32, #tpu.memory_space<vmem>>) offsets(%dma_start3A_115 : memref<128xi32, #tpu.memory_space<vmem>>) semaphore(%arg13 : memref<!tpu.dma_semaphore, #tpu.memory_space<semaphore_mem>>)
      %scan3A_119 = arith.constant 0 : i32
      %scan3A_120 = arith.constant 0 : i32
      %scan3A_121 = arith.constant 7 : i32
      %scan3A_122 = arith.addi %scan3A_120, %scan3A_121 : i32
      %scan3A_123 = arith.constant 1 : i32
      %scan3A_124 = scf.for %scan3A_137 = %scan3A_120 to %scan3A_122 step %scan3A_123 iter_args(%scan3A_138 = %scan3A_119) -> (i32)  : i32 {
        %mul3A_139 = arith.constant 2 : i32
        %mul3A_140 = arith.muli %scan3A_137, %mul3A_139 : i32
        %add3A = arith.constant 1 : i32
        %add3A_141 = arith.addi %mul3A_140, %add3A : i32
        %dma_start3A_142 = arith.constant 0 : i32
        %dma_start3A_143 = tpu.memref_slice %arg9[%add3A_141, %dma_start3A_142] : memref<14x128xi32, #tpu.memory_space<vmem>> -> memref<1x128xi32, #tpu.memory_space<vmem>>
        %dma_start3A_144 = tpu.memref_squeeze %dma_start3A_143 : memref<1x128xi32, #tpu.memory_space<vmem>> -> memref<128xi32, #tpu.memory_space<vmem>>
        %dma_start3A_145 = arith.constant 0 : i32
        %dma_start3A_146 = arith.constant 0 : i32
        %dma_start3A_147 = tpu.memref_slice %arg2[%dma_start3A_145, %dma_start3A_146] : memref<10000x128xf32, #tpu.memory_space<hbm>> -> memref<10000x128xf32, #tpu.memory_space<hbm>>
        tpu.enqueue_indirect_dma source(%dma_start3A_147 : memref<10000x128xf32, #tpu.memory_space<hbm>>) target(%arg12 : memref<128x128xf32, #tpu.memory_space<vmem>>) offsets(%dma_start3A_144 : memref<128xi32, #tpu.memory_space<vmem>>) semaphore(%arg14 : memref<!tpu.dma_semaphore, #tpu.memory_space<semaphore_mem>>)
        %dma_wait3A_148 = arith.constant 0 : i32
        %dma_wait3A_149 = tpu.memref_slice %arg9[%mul3A_140, %dma_wait3A_148] : memref<14x128xi32, #tpu.memory_space<vmem>> -> memref<1x128xi32, #tpu.memory_space<vmem>>
        %dma_wait3A_150 = tpu.memref_squeeze %dma_wait3A_149 : memref<1x128xi32, #tpu.memory_space<vmem>> -> memref<128xi32, #tpu.memory_space<vmem>>
        %dma_wait3A_151 = arith.constant 0 : i32
        %dma_wait3A_152 = arith.constant 0 : i32
        %dma_wait3A_153 = tpu.memref_slice %arg2[%dma_wait3A_151, %dma_wait3A_152] : memref<10000x128xf32, #tpu.memory_space<hbm>> -> memref<10000x128xf32, #tpu.memory_space<hbm>>
        tpu.wait_indirect_dma semaphore(%arg13 : memref<!tpu.dma_semaphore, #tpu.memory_space<semaphore_mem>>) src(%dma_wait3A_153 : memref<10000x128xf32, #tpu.memory_space<hbm>>) dst(%arg11 : memref<128x128xf32, #tpu.memory_space<vmem>>)
        "tpu.region"() ({
          %run_scoped3A = tpu.sem_alloc : memref<!tpu.dma_semaphore, #tpu.memory_space<semaphore_mem>>
          %dma_start3A_170 = arith.constant 0 : i32
          %dma_start3A_171 = tpu.memref_slice %arg10[%mul3A_140, %dma_start3A_170] : memref<14x128xi32, #tpu.memory_space<vmem>> -> memref<1x128xi32, #tpu.memory_space<vmem>>
          %dma_start3A_172 = tpu.memref_squeeze %dma_start3A_171 : memref<1x128xi32, #tpu.memory_space<vmem>> -> memref<128xi32, #tpu.memory_space<vmem>>
          %dma_start3A_173 = arith.constant 0 : i32
          %dma_start3A_174 = arith.constant 0 : i32
          %dma_start3A_175 = tpu.memref_slice %arg6[%dma_start3A_173, %dma_start3A_174] : memref<10240x128xf32, #tpu.memory_space<vmem_shared>> -> memref<10240x128xf32, #tpu.memory_space<vmem_shared>>
          tpu.enqueue_indirect_dma source(%arg11 : memref<128x128xf32, #tpu.memory_space<vmem>>) target(%dma_start3A_175 : memref<10240x128xf32, #tpu.memory_space<vmem_shared>>) offsets(%dma_start3A_172 : memref<128xi32, #tpu.memory_space<vmem>>) semaphore(%run_scoped3A : memref<!tpu.dma_semaphore, #tpu.memory_space<semaphore_mem>>) {add = true}
          %dma_wait3A_176 = arith.constant 0 : i32
          %dma_wait3A_177 = tpu.memref_slice %arg10[%mul3A_140, %dma_wait3A_176] : memref<14x128xi32, #tpu.memory_space<vmem>> -> memref<1x128xi32, #tpu.memory_space<vmem>>
          %dma_wait3A_178 = tpu.memref_squeeze %dma_wait3A_177 : memref<1x128xi32, #tpu.memory_space<vmem>> -> memref<128xi32, #tpu.memory_space<vmem>>
          %dma_wait3A_179 = arith.constant 0 : i32
          %dma_wait3A_180 = arith.constant 0 : i32
          %dma_wait3A_181 = tpu.memref_slice %arg6[%dma_wait3A_179, %dma_wait3A_180] : memref<10240x128xf32, #tpu.memory_space<vmem_shared>> -> memref<10240x128xf32, #tpu.memory_space<vmem_shared>>
          tpu.wait_indirect_dma semaphore(%run_scoped3A : memref<!tpu.dma_semaphore, #tpu.memory_space<semaphore_mem>>) src(%arg11 : memref<128x128xf32, #tpu.memory_space<vmem>>) dst(%dma_wait3A_181 : memref<10240x128xf32, #tpu.memory_space<vmem_shared>>)
          tpu.yield
        }) : () -> ()
        %lt3A_154 = arith.constant 6 : i32
        %lt3A_155 = arith.cmpi slt, %scan3A_137, %lt3A_154 : i32
        %convert_element_type3A_156 = arith.extui %lt3A_155 : i1 to i32
        %cond3A_157 = arith.constant 0 : i32
        %cond3A_158 = arith.cmpi ne, %convert_element_type3A_156, %cond3A_157 : i32
        scf.if %cond3A_158 {
          %add3A_170 = arith.constant 2 : i32
          %add3A_171 = arith.addi %mul3A_140, %add3A_170 : i32
          %dma_start3A_172 = arith.constant 0 : i32
          %dma_start3A_173 = tpu.memref_slice %arg9[%add3A_171, %dma_start3A_172] : memref<14x128xi32, #tpu.memory_space<vmem>> -> memref<1x128xi32, #tpu.memory_space<vmem>>
          %dma_start3A_174 = tpu.memref_squeeze %dma_start3A_173 : memref<1x128xi32, #tpu.memory_space<vmem>> -> memref<128xi32, #tpu.memory_space<vmem>>
          %dma_start3A_175 = arith.constant 0 : i32
          %dma_start3A_176 = arith.constant 0 : i32
          %dma_start3A_177 = tpu.memref_slice %arg2[%dma_start3A_175, %dma_start3A_176] : memref<10000x128xf32, #tpu.memory_space<hbm>> -> memref<10000x128xf32, #tpu.memory_space<hbm>>
          tpu.enqueue_indirect_dma source(%dma_start3A_177 : memref<10000x128xf32, #tpu.memory_space<hbm>>) target(%arg11 : memref<128x128xf32, #tpu.memory_space<vmem>>) offsets(%dma_start3A_174 : memref<128xi32, #tpu.memory_space<vmem>>) semaphore(%arg13 : memref<!tpu.dma_semaphore, #tpu.memory_space<semaphore_mem>>)
        } else {
        }
        %add3A_159 = arith.constant 1 : i32
        %add3A_160 = arith.addi %mul3A_140, %add3A_159 : i32
        %dma_wait3A_161 = arith.constant 0 : i32
        %dma_wait3A_162 = tpu.memref_slice %arg9[%add3A_160, %dma_wait3A_161] : memref<14x128xi32, #tpu.memory_space<vmem>> -> memref<1x128xi32, #tpu.memory_space<vmem>>
        %dma_wait3A_163 = tpu.memref_squeeze %dma_wait3A_162 : memref<1x128xi32, #tpu.memory_space<vmem>> -> memref<128xi32, #tpu.memory_space<vmem>>
        %dma_wait3A_164 = arith.constant 0 : i32
        %dma_wait3A_165 = arith.constant 0 : i32
        %dma_wait3A_166 = tpu.memref_slice %arg2[%dma_wait3A_164, %dma_wait3A_165] : memref<10000x128xf32, #tpu.memory_space<hbm>> -> memref<10000x128xf32, #tpu.memory_space<hbm>>
        tpu.wait_indirect_dma semaphore(%arg14 : memref<!tpu.dma_semaphore, #tpu.memory_space<semaphore_mem>>) src(%dma_wait3A_166 : memref<10000x128xf32, #tpu.memory_space<hbm>>) dst(%arg12 : memref<128x128xf32, #tpu.memory_space<vmem>>)
        %add3A_167 = arith.constant 1 : i32
        %add3A_168 = arith.addi %mul3A_140, %add3A_167 : i32
        "tpu.region"() ({
          %run_scoped3A = tpu.sem_alloc : memref<!tpu.dma_semaphore, #tpu.memory_space<semaphore_mem>>
          %dma_start3A_170 = arith.constant 0 : i32
          %dma_start3A_171 = tpu.memref_slice %arg10[%add3A_168, %dma_start3A_170] : memref<14x128xi32, #tpu.memory_space<vmem>> -> memref<1x128xi32, #tpu.memory_space<vmem>>
          %dma_start3A_172 = tpu.memref_squeeze %dma_start3A_171 : memref<1x128xi32, #tpu.memory_space<vmem>> -> memref<128xi32, #tpu.memory_space<vmem>>
          %dma_start3A_173 = arith.constant 0 : i32
          %dma_start3A_174 = arith.constant 0 : i32
          %dma_start3A_175 = tpu.memref_slice %arg6[%dma_start3A_173, %dma_start3A_174] : memref<10240x128xf32, #tpu.memory_space<vmem_shared>> -> memref<10240x128xf32, #tpu.memory_space<vmem_shared>>
          tpu.enqueue_indirect_dma source(%arg12 : memref<128x128xf32, #tpu.memory_space<vmem>>) target(%dma_start3A_175 : memref<10240x128xf32, #tpu.memory_space<vmem_shared>>) offsets(%dma_start3A_172 : memref<128xi32, #tpu.memory_space<vmem>>) semaphore(%run_scoped3A : memref<!tpu.dma_semaphore, #tpu.memory_space<semaphore_mem>>) {add = true}
          %dma_wait3A_176 = arith.constant 0 : i32
          %dma_wait3A_177 = tpu.memref_slice %arg10[%add3A_168, %dma_wait3A_176] : memref<14x128xi32, #tpu.memory_space<vmem>> -> memref<1x128xi32, #tpu.memory_space<vmem>>
          %dma_wait3A_178 = tpu.memref_squeeze %dma_wait3A_177 : memref<1x128xi32, #tpu.memory_space<vmem>> -> memref<128xi32, #tpu.memory_space<vmem>>
          %dma_wait3A_179 = arith.constant 0 : i32
          %dma_wait3A_180 = arith.constant 0 : i32
          %dma_wait3A_181 = tpu.memref_slice %arg6[%dma_wait3A_179, %dma_wait3A_180] : memref<10240x128xf32, #tpu.memory_space<vmem_shared>> -> memref<10240x128xf32, #tpu.memory_space<vmem_shared>>
          tpu.wait_indirect_dma semaphore(%run_scoped3A : memref<!tpu.dma_semaphore, #tpu.memory_space<semaphore_mem>>) src(%arg12 : memref<128x128xf32, #tpu.memory_space<vmem>>) dst(%dma_wait3A_181 : memref<10240x128xf32, #tpu.memory_space<vmem_shared>>)
          tpu.yield
        }) : () -> ()
        %scan3A_169 = arith.constant 0 : i32
        scf.yield %scan3A_169 : i32
      }
      %scan3A_125 = arith.constant 7 : i32
      %lt3A_126 = arith.constant 2 : i32
      %lt3A_127 = arith.cmpi slt, %scan3A_76, %lt3A_126 : i32
      %convert_element_type3A_128 = arith.extui %lt3A_127 : i1 to i32
      %cond3A_129 = arith.constant 0 : i32
      %cond3A_130 = arith.cmpi ne, %convert_element_type3A_128, %cond3A_129 : i32
      scf.if %cond3A_130 {
        %mul3A_137 = arith.constant 2 : i32
        %mul3A_138 = arith.muli %mul3A_137, %scan3A_76 : i32
        %add3A = arith.constant 3 : i32
        %add3A_139 = arith.addi %mul3A_138, %add3A : i32
        %dma_start3A_140 = arith.constant 0 : i32
        %dma_start3A_141 = arith.constant 0 : i32
        %dma_start3A_142 = tpu.memref_slice %arg3[%arg0, %arg1, %add3A_139, %dma_start3A_140, %dma_start3A_141] : memref<2x16x6x14x128xi32, #tpu.memory_space<hbm>> -> memref<1x1x1x14x128xi32, #tpu.memory_space<hbm>>
        %dma_start3A_143 = tpu.memref_squeeze %dma_start3A_142 : memref<1x1x1x14x128xi32, #tpu.memory_space<hbm>> -> memref<14x128xi32, #tpu.memory_space<hbm>>
        %dma_start3A_144 = arith.constant 0 : i32
        %dma_start3A_145 = arith.constant 0 : i32
        %dma_start3A_146 = tpu.memref_slice %arg3[%arg0, %arg1, %add3A_139, %dma_start3A_144, %dma_start3A_145] : memref<2x16x6x14x128xi32, #tpu.memory_space<hbm>> -> memref<1x1x1x14x128xi32, #tpu.memory_space<hbm>>
        %dma_start3A_147 = tpu.memref_squeeze %dma_start3A_146 : memref<1x1x1x14x128xi32, #tpu.memory_space<hbm>> -> memref<14x128xi32, #tpu.memory_space<hbm>>
        tpu.enqueue_dma source(%dma_start3A_147 : memref<14x128xi32, #tpu.memory_space<hbm>>) target(%arg9 : memref<14x128xi32, #tpu.memory_space<vmem>>) target_semaphore(%arg18 : memref<!tpu.dma_semaphore, #tpu.memory_space<semaphore_mem>>)
        %dma_start3A_148 = arith.constant 0 : i32
        %dma_start3A_149 = arith.constant 0 : i32
        %dma_start3A_150 = tpu.memref_slice %arg4[%arg0, %arg1, %add3A_139, %dma_start3A_148, %dma_start3A_149] : memref<2x16x6x14x128xi32, #tpu.memory_space<hbm>> -> memref<1x1x1x14x128xi32, #tpu.memory_space<hbm>>
        %dma_start3A_151 = tpu.memref_squeeze %dma_start3A_150 : memref<1x1x1x14x128xi32, #tpu.memory_space<hbm>> -> memref<14x128xi32, #tpu.memory_space<hbm>>
        %dma_start3A_152 = arith.constant 0 : i32
        %dma_start3A_153 = arith.constant 0 : i32
        %dma_start3A_154 = tpu.memref_slice %arg4[%arg0, %arg1, %add3A_139, %dma_start3A_152, %dma_start3A_153] : memref<2x16x6x14x128xi32, #tpu.memory_space<hbm>> -> memref<1x1x1x14x128xi32, #tpu.memory_space<hbm>>
        %dma_start3A_155 = tpu.memref_squeeze %dma_start3A_154 : memref<1x1x1x14x128xi32, #tpu.memory_space<hbm>> -> memref<14x128xi32, #tpu.memory_space<hbm>>
        tpu.enqueue_dma source(%dma_start3A_155 : memref<14x128xi32, #tpu.memory_space<hbm>>) target(%arg10 : memref<14x128xi32, #tpu.memory_space<vmem>>) target_semaphore(%arg18 : memref<!tpu.dma_semaphore, #tpu.memory_space<semaphore_mem>>)
      } else {
      }
      %lt3A_131 = arith.constant 2 : i32
      %lt3A_132 = arith.cmpi slt, %scan3A_76, %lt3A_131 : i32
      %convert_element_type3A_133 = arith.extui %lt3A_132 : i1 to i32
      %cond3A_134 = arith.constant 0 : i32
      %cond3A_135 = arith.cmpi ne, %convert_element_type3A_133, %cond3A_134 : i32
      scf.if %cond3A_135 {
        %dma_wait3A_137 = arith.constant 0 : i32
        %dma_wait3A_138 = arith.constant 0 : i32
        %dma_wait3A_139 = arith.constant 0 : i32
        %dma_wait3A_140 = tpu.memref_slice %arg3[%arg0, %arg1, %dma_wait3A_137, %dma_wait3A_138, %dma_wait3A_139] : memref<2x16x6x14x128xi32, #tpu.memory_space<hbm>> -> memref<1x1x1x14x128xi32, #tpu.memory_space<hbm>>
        %dma_wait3A_141 = tpu.memref_squeeze %dma_wait3A_140 : memref<1x1x1x14x128xi32, #tpu.memory_space<hbm>> -> memref<14x128xi32, #tpu.memory_space<hbm>>
        %dma_wait3A_142 = arith.constant 0 : i32
        %dma_wait3A_143 = arith.constant 0 : i32
        %dma_wait3A_144 = tpu.memref_slice %arg3[%arg0, %arg1, %dma_wait3A_137, %dma_wait3A_142, %dma_wait3A_143] : memref<2x16x6x14x128xi32, #tpu.memory_space<hbm>> -> memref<1x1x1x14x128xi32, #tpu.memory_space<hbm>>
        %dma_wait3A_145 = tpu.memref_squeeze %dma_wait3A_144 : memref<1x1x1x14x128xi32, #tpu.memory_space<hbm>> -> memref<14x128xi32, #tpu.memory_space<hbm>>
        tpu.wait_dma2 semaphore(%arg17 : memref<!tpu.dma_semaphore, #tpu.memory_space<semaphore_mem>>) src(%dma_wait3A_145 : memref<14x128xi32, #tpu.memory_space<hbm>>) dst(%arg7 : memref<14x128xi32, #tpu.memory_space<vmem>>)
        %dma_wait3A_146 = arith.constant 0 : i32
        %dma_wait3A_147 = arith.constant 0 : i32
        %dma_wait3A_148 = arith.constant 0 : i32
        %dma_wait3A_149 = tpu.memref_slice %arg4[%arg0, %arg1, %dma_wait3A_146, %dma_wait3A_147, %dma_wait3A_148] : memref<2x16x6x14x128xi32, #tpu.memory_space<hbm>> -> memref<1x1x1x14x128xi32, #tpu.memory_space<hbm>>
        %dma_wait3A_150 = tpu.memref_squeeze %dma_wait3A_149 : memref<1x1x1x14x128xi32, #tpu.memory_space<hbm>> -> memref<14x128xi32, #tpu.memory_space<hbm>>
        %dma_wait3A_151 = arith.constant 0 : i32
        %dma_wait3A_152 = arith.constant 0 : i32
        %dma_wait3A_153 = tpu.memref_slice %arg4[%arg0, %arg1, %dma_wait3A_146, %dma_wait3A_151, %dma_wait3A_152] : memref<2x16x6x14x128xi32, #tpu.memory_space<hbm>> -> memref<1x1x1x14x128xi32, #tpu.memory_space<hbm>>
        %dma_wait3A_154 = tpu.memref_squeeze %dma_wait3A_153 : memref<1x1x1x14x128xi32, #tpu.memory_space<hbm>> -> memref<14x128xi32, #tpu.memory_space<hbm>>
        tpu.wait_dma2 semaphore(%arg17 : memref<!tpu.dma_semaphore, #tpu.memory_space<semaphore_mem>>) src(%dma_wait3A_154 : memref<14x128xi32, #tpu.memory_space<hbm>>) dst(%arg8 : memref<14x128xi32, #tpu.memory_space<vmem>>)
      } else {
      }
      %scan3A_136 = arith.constant 0 : i32
      scf.yield %scan3A_136 : i32
    }
    %scan3A_71 = arith.constant 3 : i32
    %barrier3A_72 = arith.constant 0 : index
    tpu.barrier barrier_id(%barrier3A_72)
    %mul3A = arith.constant 640 : i32
    %mul3A_73 = arith.muli %arg1, %mul3A : i32
    %mul3A_74 = arith.constant 640 : i32
    %mul3A_75 = arith.muli %arg1, %mul3A_74 : i32
    "tpu.region"() ({
      %run_scoped3A = tpu.sem_alloc : memref<!tpu.dma_semaphore, #tpu.memory_space<semaphore_mem>>
      %dma_start3A_76 = arith.constant 0 : i32
      %dma_start3A_77 = tpu.memref_slice %arg5[%arg0, %mul3A_75, %dma_start3A_76] : memref<2x10240x128xf32, #tpu.memory_space<hbm>> -> memref<1x640x128xf32, #tpu.memory_space<hbm>>
      %dma_start3A_78 = tpu.memref_squeeze %dma_start3A_77 : memref<1x640x128xf32, #tpu.memory_space<hbm>> -> memref<640x128xf32, #tpu.memory_space<hbm>>
      %dma_start3A_79 = arith.constant 0 : i32
      %dma_start3A_80 = tpu.memref_slice %arg6[%mul3A_73, %dma_start3A_79] : memref<10240x128xf32, #tpu.memory_space<vmem_shared>> -> memref<640x128xf32, #tpu.memory_space<vmem_shared>>
      tpu.enqueue_dma source(%dma_start3A_80 : memref<640x128xf32, #tpu.memory_space<vmem_shared>>) target(%dma_start3A_78 : memref<640x128xf32, #tpu.memory_space<hbm>>) target_semaphore(%run_scoped3A : memref<!tpu.dma_semaphore, #tpu.memory_space<semaphore_mem>>)
      %dma_wait3A_81 = arith.constant 0 : i32
      %dma_wait3A_82 = tpu.memref_slice %arg5[%arg0, %mul3A_75, %dma_wait3A_81] : memref<2x10240x128xf32, #tpu.memory_space<hbm>> -> memref<1x640x128xf32, #tpu.memory_space<hbm>>
      %dma_wait3A_83 = tpu.memref_squeeze %dma_wait3A_82 : memref<1x640x128xf32, #tpu.memory_space<hbm>> -> memref<640x128xf32, #tpu.memory_space<hbm>>
      %dma_wait3A_84 = arith.constant 0 : i32
      %dma_wait3A_85 = tpu.memref_slice %arg6[%mul3A_73, %dma_wait3A_84] : memref<10240x128xf32, #tpu.memory_space<vmem_shared>> -> memref<640x128xf32, #tpu.memory_space<vmem_shared>>
      tpu.wait_dma2 semaphore(%run_scoped3A : memref<!tpu.dma_semaphore, #tpu.memory_space<semaphore_mem>>) src(%dma_wait3A_85 : memref<640x128xf32, #tpu.memory_space<vmem_shared>>) dst(%dma_wait3A_83 : memref<640x128xf32, #tpu.memory_space<hbm>>)
      tpu.yield
    }) : () -> ()
    return
  }
}

#map = affine_map<(d0, d1) -> (0, 0, 0, 0)>
module attributes {stable_mosaic.version = 14 : i64} {
  func.func @deg_pass(%arg0: i32, %arg1: i32, %arg2: memref<2x16x84x128xi32, #tpu.memory_space<hbm>>, %arg3: memref<2x16x5x128xf32, #tpu.memory_space<hbm>>, %arg4: memref<10240x16xf32, #tpu.memory_space<vmem_shared>>, %arg5: memref<84x128xi32, #tpu.memory_space<vmem>>, %arg6: memref<128x16xf32, #tpu.memory_space<vmem>>, %arg7: memref<640x16xf32, #tpu.memory_space<vmem>>, %arg8: memref<5x128xf32, #tpu.memory_space<vmem>>) attributes {dimension_semantics = [#tpu.dimension_semantics<core_parallel>, #tpu.dimension_semantics<subcore_parallel>], iteration_bounds = array<i64: 2, 16>, scalar_prefetch = 0 : i64, scratch_operands = 5 : i64, tpu.core_type = #tpu.core_type<sc_vector_subcore>, window_params = [{transform_indices = #map}, {transform_indices = #map}]} {
    %scan3A = arith.constant 0 : i32
    %scan3A_0 = arith.constant 0 : i32
    %scan3A_1 = arith.constant 128 : i32
    %scan3A_2 = arith.addi %scan3A_0, %scan3A_1 : i32
    %scan3A_3 = arith.constant 1 : i32
    %scan3A_4 = scf.for %scan3A_31 = %scan3A_0 to %scan3A_2 step %scan3A_3 iter_args(%scan3A_32 = %scan3A) -> (i32)  : i32 {
      %broadcast_in_dim3A = arith.constant 1.000000e+00 : f32
      %broadcast_in_dim3A_33 = vector.broadcast %broadcast_in_dim3A : f32 to vector<16xf32>
      %swap3A = arith.index_cast %scan3A_31 : i32 to index
      %swap3A_34 = arith.constant 0 : index
      %swap3A_35 = tpu.vector_load %arg6[%swap3A, %swap3A_34] {strides = array<i32>} : memref<128x16xf32, #tpu.memory_space<vmem>>, vector<1x16xf32>,
      %swap3A_36 = vector.shape_cast %swap3A_35 : vector<1x16xf32> to vector<16xf32>
      %swap3A_37 = vector.shape_cast %broadcast_in_dim3A_33 : vector<16xf32> to vector<1x16xf32>
      tpu.vector_store %arg6[%swap3A, %swap3A_34], %swap3A_37 {strides = array<i32>} : memref<128x16xf32, #tpu.memory_space<vmem>>, vector<1x16xf32>,
      %scan3A_38 = arith.constant 0 : i32
      scf.yield %scan3A_38 : i32
    }
    %scan3A_5 = arith.constant 128 : i32
    %scan3A_6 = arith.constant 0 : i32
    %scan3A_7 = arith.constant 0 : i32
    %scan3A_8 = arith.constant 640 : i32
    %scan3A_9 = arith.addi %scan3A_7, %scan3A_8 : i32
    %scan3A_10 = arith.constant 1 : i32
    %scan3A_11 = scf.for %scan3A_31 = %scan3A_7 to %scan3A_9 step %scan3A_10 iter_args(%scan3A_32 = %scan3A_6) -> (i32)  : i32 {
      %broadcast_in_dim3A = arith.constant 0.000000e+00 : f32
      %broadcast_in_dim3A_33 = vector.broadcast %broadcast_in_dim3A : f32 to vector<16xf32>
      %swap3A = arith.index_cast %scan3A_31 : i32 to index
      %swap3A_34 = arith.constant 0 : index
      %swap3A_35 = tpu.vector_load %arg7[%swap3A, %swap3A_34] {strides = array<i32>} : memref<640x16xf32, #tpu.memory_space<vmem>>, vector<1x16xf32>,
      %swap3A_36 = vector.shape_cast %swap3A_35 : vector<1x16xf32> to vector<16xf32>
      %swap3A_37 = vector.shape_cast %broadcast_in_dim3A_33 : vector<16xf32> to vector<1x16xf32>
      tpu.vector_store %arg7[%swap3A, %swap3A_34], %swap3A_37 {strides = array<i32>} : memref<640x16xf32, #tpu.memory_space<vmem>>, vector<1x16xf32>,
      %scan3A_38 = arith.constant 0 : i32
      scf.yield %scan3A_38 : i32
    }
    %scan3A_12 = arith.constant 640 : i32
    %mul3A = arith.constant 640 : i32
    %mul3A_13 = arith.muli %arg1, %mul3A : i32
    "tpu.region"() ({
      %run_scoped3A = tpu.sem_alloc : memref<!tpu.dma_semaphore, #tpu.memory_space<semaphore_mem>>
      %dma_start3A = arith.constant 0 : i32
      %dma_start3A_31 = tpu.memref_slice %arg4[%mul3A_13, %dma_start3A] : memref<10240x16xf32, #tpu.memory_space<vmem_shared>> -> memref<640x16xf32, #tpu.memory_space<vmem_shared>>
      %dma_start3A_32 = arith.constant 0 : i32
      %dma_start3A_33 = tpu.memref_slice %arg4[%mul3A_13, %dma_start3A_32] : memref<10240x16xf32, #tpu.memory_space<vmem_shared>> -> memref<640x16xf32, #tpu.memory_space<vmem_shared>>
      tpu.enqueue_dma source(%arg7 : memref<640x16xf32, #tpu.memory_space<vmem>>) target(%dma_start3A_33 : memref<640x16xf32, #tpu.memory_space<vmem_shared>>) target_semaphore(%run_scoped3A : memref<!tpu.dma_semaphore, #tpu.memory_space<semaphore_mem>>)
      %dma_wait3A = arith.constant 0 : i32
      %dma_wait3A_34 = tpu.memref_slice %arg4[%mul3A_13, %dma_wait3A] : memref<10240x16xf32, #tpu.memory_space<vmem_shared>> -> memref<640x16xf32, #tpu.memory_space<vmem_shared>>
      %dma_wait3A_35 = arith.constant 0 : i32
      %dma_wait3A_36 = tpu.memref_slice %arg4[%mul3A_13, %dma_wait3A_35] : memref<10240x16xf32, #tpu.memory_space<vmem_shared>> -> memref<640x16xf32, #tpu.memory_space<vmem_shared>>
      tpu.wait_dma2 semaphore(%run_scoped3A : memref<!tpu.dma_semaphore, #tpu.memory_space<semaphore_mem>>) src(%arg7 : memref<640x16xf32, #tpu.memory_space<vmem>>) dst(%dma_wait3A_36 : memref<640x16xf32, #tpu.memory_space<vmem_shared>>)
      tpu.yield
    }) : () -> ()
    %barrier3A = arith.constant 0 : index
    tpu.barrier barrier_id(%barrier3A)
    "tpu.region"() ({
      %run_scoped3A = tpu.sem_alloc : memref<!tpu.dma_semaphore, #tpu.memory_space<semaphore_mem>>
      %dma_start3A = arith.constant 0 : i32
      %dma_start3A_31 = arith.constant 0 : i32
      %dma_start3A_32 = tpu.memref_slice %arg2[%arg0, %arg1, %dma_start3A, %dma_start3A_31] : memref<2x16x84x128xi32, #tpu.memory_space<hbm>> -> memref<1x1x84x128xi32, #tpu.memory_space<hbm>>
      %dma_start3A_33 = tpu.memref_squeeze %dma_start3A_32 : memref<1x1x84x128xi32, #tpu.memory_space<hbm>> -> memref<84x128xi32, #tpu.memory_space<hbm>>
      %dma_start3A_34 = arith.constant 0 : i32
      %dma_start3A_35 = arith.constant 0 : i32
      %dma_start3A_36 = tpu.memref_slice %arg2[%arg0, %arg1, %dma_start3A_34, %dma_start3A_35] : memref<2x16x84x128xi32, #tpu.memory_space<hbm>> -> memref<1x1x84x128xi32, #tpu.memory_space<hbm>>
      %dma_start3A_37 = tpu.memref_squeeze %dma_start3A_36 : memref<1x1x84x128xi32, #tpu.memory_space<hbm>> -> memref<84x128xi32, #tpu.memory_space<hbm>>
      tpu.enqueue_dma source(%dma_start3A_37 : memref<84x128xi32, #tpu.memory_space<hbm>>) target(%arg5 : memref<84x128xi32, #tpu.memory_space<vmem>>) target_semaphore(%run_scoped3A : memref<!tpu.dma_semaphore, #tpu.memory_space<semaphore_mem>>)
      %dma_wait3A = arith.constant 0 : i32
      %dma_wait3A_38 = arith.constant 0 : i32
      %dma_wait3A_39 = tpu.memref_slice %arg2[%arg0, %arg1, %dma_wait3A, %dma_wait3A_38] : memref<2x16x84x128xi32, #tpu.memory_space<hbm>> -> memref<1x1x84x128xi32, #tpu.memory_space<hbm>>
      %dma_wait3A_40 = tpu.memref_squeeze %dma_wait3A_39 : memref<1x1x84x128xi32, #tpu.memory_space<hbm>> -> memref<84x128xi32, #tpu.memory_space<hbm>>
      %dma_wait3A_41 = arith.constant 0 : i32
      %dma_wait3A_42 = arith.constant 0 : i32
      %dma_wait3A_43 = tpu.memref_slice %arg2[%arg0, %arg1, %dma_wait3A_41, %dma_wait3A_42] : memref<2x16x84x128xi32, #tpu.memory_space<hbm>> -> memref<1x1x84x128xi32, #tpu.memory_space<hbm>>
      %dma_wait3A_44 = tpu.memref_squeeze %dma_wait3A_43 : memref<1x1x84x128xi32, #tpu.memory_space<hbm>> -> memref<84x128xi32, #tpu.memory_space<hbm>>
      tpu.wait_dma2 semaphore(%run_scoped3A : memref<!tpu.dma_semaphore, #tpu.memory_space<semaphore_mem>>) src(%dma_wait3A_44 : memref<84x128xi32, #tpu.memory_space<hbm>>) dst(%arg5 : memref<84x128xi32, #tpu.memory_space<vmem>>)
      tpu.yield
    }) : () -> ()
    %scan3A_14 = arith.constant 0 : i32
    %scan3A_15 = arith.constant 0 : i32
    %scan3A_16 = arith.constant 84 : i32
    %scan3A_17 = arith.addi %scan3A_15, %scan3A_16 : i32
    %scan3A_18 = arith.constant 1 : i32
    %scan3A_19 = scf.for %scan3A_31 = %scan3A_15 to %scan3A_17 step %scan3A_18 iter_args(%scan3A_32 = %scan3A_14) -> (i32)  : i32 {
      "tpu.region"() ({
        %run_scoped3A = tpu.sem_alloc : memref<!tpu.dma_semaphore, #tpu.memory_space<semaphore_mem>>
        %dma_start3A = arith.constant 0 : i32
        %dma_start3A_34 = tpu.memref_slice %arg5[%scan3A_31, %dma_start3A] : memref<84x128xi32, #tpu.memory_space<vmem>> -> memref<1x128xi32, #tpu.memory_space<vmem>>
        %dma_start3A_35 = tpu.memref_squeeze %dma_start3A_34 : memref<1x128xi32, #tpu.memory_space<vmem>> -> memref<128xi32, #tpu.memory_space<vmem>>
        %dma_start3A_36 = arith.constant 0 : i32
        %dma_start3A_37 = arith.constant 0 : i32
        %dma_start3A_38 = tpu.memref_slice %arg4[%dma_start3A_36, %dma_start3A_37] : memref<10240x16xf32, #tpu.memory_space<vmem_shared>> -> memref<10240x16xf32, #tpu.memory_space<vmem_shared>>
        tpu.enqueue_indirect_dma source(%arg6 : memref<128x16xf32, #tpu.memory_space<vmem>>) target(%dma_start3A_38 : memref<10240x16xf32, #tpu.memory_space<vmem_shared>>) offsets(%dma_start3A_35 : memref<128xi32, #tpu.memory_space<vmem>>) semaphore(%run_scoped3A : memref<!tpu.dma_semaphore, #tpu.memory_space<semaphore_mem>>) {add = true}
        %dma_wait3A = arith.constant 0 : i32
        %dma_wait3A_39 = tpu.memref_slice %arg5[%scan3A_31, %dma_wait3A] : memref<84x128xi32, #tpu.memory_space<vmem>> -> memref<1x128xi32, #tpu.memory_space<vmem>>
        %dma_wait3A_40 = tpu.memref_squeeze %dma_wait3A_39 : memref<1x128xi32, #tpu.memory_space<vmem>> -> memref<128xi32, #tpu.memory_space<vmem>>
        %dma_wait3A_41 = arith.constant 0 : i32
        %dma_wait3A_42 = arith.constant 0 : i32
        %dma_wait3A_43 = tpu.memref_slice %arg4[%dma_wait3A_41, %dma_wait3A_42] : memref<10240x16xf32, #tpu.memory_space<vmem_shared>> -> memref<10240x16xf32, #tpu.memory_space<vmem_shared>>
        tpu.wait_indirect_dma semaphore(%run_scoped3A : memref<!tpu.dma_semaphore, #tpu.memory_space<semaphore_mem>>) src(%arg6 : memref<128x16xf32, #tpu.memory_space<vmem>>) dst(%dma_wait3A_43 : memref<10240x16xf32, #tpu.memory_space<vmem_shared>>)
        tpu.yield
      }) : () -> ()
      %scan3A_33 = arith.constant 0 : i32
      scf.yield %scan3A_33 : i32
    }
    %scan3A_20 = arith.constant 84 : i32
    %barrier3A_21 = arith.constant 0 : index
    tpu.barrier barrier_id(%barrier3A_21)
    %mul3A_22 = arith.constant 640 : i32
    %mul3A_23 = arith.muli %arg1, %mul3A_22 : i32
    "tpu.region"() ({
      %run_scoped3A = tpu.sem_alloc : memref<!tpu.dma_semaphore, #tpu.memory_space<semaphore_mem>>
      %dma_start3A = arith.constant 0 : i32
      %dma_start3A_31 = tpu.memref_slice %arg4[%mul3A_23, %dma_start3A] : memref<10240x16xf32, #tpu.memory_space<vmem_shared>> -> memref<640x16xf32, #tpu.memory_space<vmem_shared>>
      %dma_start3A_32 = arith.constant 0 : i32
      %dma_start3A_33 = tpu.memref_slice %arg4[%mul3A_23, %dma_start3A_32] : memref<10240x16xf32, #tpu.memory_space<vmem_shared>> -> memref<640x16xf32, #tpu.memory_space<vmem_shared>>
      tpu.enqueue_dma source(%dma_start3A_33 : memref<640x16xf32, #tpu.memory_space<vmem_shared>>) target(%arg7 : memref<640x16xf32, #tpu.memory_space<vmem>>) target_semaphore(%run_scoped3A : memref<!tpu.dma_semaphore, #tpu.memory_space<semaphore_mem>>)
      %dma_wait3A = arith.constant 0 : i32
      %dma_wait3A_34 = tpu.memref_slice %arg4[%mul3A_23, %dma_wait3A] : memref<10240x16xf32, #tpu.memory_space<vmem_shared>> -> memref<640x16xf32, #tpu.memory_space<vmem_shared>>
      %dma_wait3A_35 = arith.constant 0 : i32
      %dma_wait3A_36 = tpu.memref_slice %arg4[%mul3A_23, %dma_wait3A_35] : memref<10240x16xf32, #tpu.memory_space<vmem_shared>> -> memref<640x16xf32, #tpu.memory_space<vmem_shared>>
      tpu.wait_dma2 semaphore(%run_scoped3A : memref<!tpu.dma_semaphore, #tpu.memory_space<semaphore_mem>>) src(%dma_wait3A_36 : memref<640x16xf32, #tpu.memory_space<vmem_shared>>) dst(%arg7 : memref<640x16xf32, #tpu.memory_space<vmem>>)
      tpu.yield
    }) : () -> ()
    %iota3A = tpu.iota {dimensions = array<i32: 0>} : vector<16xi32>
    %scan3A_24 = arith.constant 0 : i32
    %scan3A_25 = arith.constant 0 : i32
    %scan3A_26 = arith.constant 40 : i32
    %scan3A_27 = arith.addi %scan3A_25, %scan3A_26 : i32
    %scan3A_28 = arith.constant 1 : i32
    %scan3A_29 = scf.for %scan3A_31 = %scan3A_25 to %scan3A_27 step %scan3A_28 iter_args(%scan3A_32 = %scan3A_24) -> (i32)  : i32 {
      %broadcast_in_dim3A = arith.constant 0.000000e+00 : f32
      %broadcast_in_dim3A_33 = vector.broadcast %broadcast_in_dim3A : f32 to vector<16xf32>
      %scan3A_34 = arith.constant 0 : i32
      %scan3A_35 = arith.constant 16 : i32
      %scan3A_36 = arith.addi %scan3A_34, %scan3A_35 : i32
      %scan3A_37 = arith.constant 1 : i32
      %scan3A_38 = scf.for %scan3A_78 = %scan3A_34 to %scan3A_36 step %scan3A_37 iter_args(%scan3A_79 = %broadcast_in_dim3A_33) -> (vector<16xf32>)  : i32 {
        %eq3A_80 = vector.broadcast %scan3A_78 : i32 to vector<16xi32>
        %eq3A_81 = arith.cmpi eq, %iota3A, %eq3A_80 : vector<16xi32>
        %mul3A_82 = arith.constant 16 : i32
        %mul3A_83 = arith.muli %scan3A_31, %mul3A_82 : i32
        %add3A_84 = arith.addi %mul3A_83, %scan3A_78 : i32
        %get3A = arith.index_cast %add3A_84 : i32 to index
        %get3A_85 = arith.constant 0 : index
        %get3A_86 = tpu.vector_load %arg7[%get3A, %get3A_85] {strides = array<i32>} : memref<640x16xf32, #tpu.memory_space<vmem>>, vector<1x16xf32>,
        %get3A_87 = vector.shape_cast %get3A_86 : vector<1x16xf32> to vector<16xf32>
        %select_n3A_88 = arith.select %eq3A_81, %get3A_87, %scan3A_79 : vector<16xi1>, vector<16xf32>
        scf.yield %select_n3A_88 : vector<16xf32>
      }
      %scan3A_39 = arith.constant 16 : i32
      %mul3A_40 = arith.constant 16 : i32
      %mul3A_41 = arith.muli %scan3A_31, %mul3A_40 : i32
      %jit3A = arith.constant 128 : i32
      %div3A = arith.divsi %mul3A_41, %jit3A : i32
      %sign3A = arith.constant 0 : i32
      %sign3A_42 = arith.cmpi sgt, %mul3A_41, %sign3A : i32
      %sign3A_43 = arith.extui %sign3A_42 : i1 to i32
      %sign3A_44 = arith.constant 0 : i32
      %sign3A_45 = arith.cmpi slt, %mul3A_41, %sign3A_44 : i32
      %sign3A_46 = arith.extui %sign3A_45 : i1 to i32
      %sign3A_47 = arith.subi %sign3A_43, %sign3A_46 : i32
      %sign3A_48 = arith.constant 0 : i32
      %sign3A_49 = arith.cmpi sgt, %jit3A, %sign3A_48 : i32
      %sign3A_50 = arith.extui %sign3A_49 : i1 to i32
      %sign3A_51 = arith.constant 0 : i32
      %sign3A_52 = arith.cmpi slt, %jit3A, %sign3A_51 : i32
      %sign3A_53 = arith.extui %sign3A_52 : i1 to i32
      %sign3A_54 = arith.subi %sign3A_50, %sign3A_53 : i32
      %ne3A = arith.cmpi ne, %sign3A_47, %sign3A_54 : i32
      %rem3A = arith.remsi %mul3A_41, %jit3A : i32
      %ne3A_55 = arith.constant 0 : i32
      %ne3A_56 = arith.cmpi ne, %rem3A, %ne3A_55 : i32
      %and3A = arith.andi %ne3A, %ne3A_56 : i1
      %sub3A = arith.constant 1 : i32
      %sub3A_57 = arith.subi %div3A, %sub3A : i32
      %select_n3A = arith.select %and3A, %sub3A_57, %div3A : i32
      %mul3A_58 = arith.constant 16 : i32
      %mul3A_59 = arith.muli %scan3A_31, %mul3A_58 : i32
      %jit3A_60 = arith.constant 128 : i32
      %eq3A = arith.constant 0 : i32
      %eq3A_61 = arith.cmpi eq, %jit3A_60, %eq3A : i32
      %jit3A_62 = arith.constant 1 : i32
      %select_n3A_63 = arith.select %eq3A_61, %jit3A_62, %jit3A_60 : i32
      %rem3A_64 = arith.remsi %mul3A_59, %select_n3A_63 : i32
      %ne3A_65 = arith.constant 0 : i32
      %ne3A_66 = arith.cmpi ne, %rem3A_64, %ne3A_65 : i32
      %lt3A = arith.constant 0 : i32
      %lt3A_67 = arith.cmpi slt, %rem3A_64, %lt3A : i32
      %lt3A_68 = arith.constant 0 : i32
      %lt3A_69 = arith.cmpi slt, %select_n3A_63, %lt3A_68 : i32
      %ne3A_70 = arith.xori %lt3A_67, %lt3A_69 : i1
      %and3A_71 = arith.andi %ne3A_70, %ne3A_66 : i1
      %add3A = arith.addi %rem3A_64, %select_n3A_63 : i32
      %select_n3A_72 = arith.select %and3A_71, %add3A, %rem3A_64 : i32
      %swap3A = arith.index_cast %select_n3A : i32 to index
      %swap3A_73 = arith.index_cast %select_n3A_72 : i32 to index
      %swap3A_74 = tpu.vector_load %arg8[%swap3A, %swap3A_73] {strides = array<i32>} : memref<5x128xf32, #tpu.memory_space<vmem>>, vector<1x16xf32>,
      %swap3A_75 = vector.shape_cast %swap3A_74 : vector<1x16xf32> to vector<16xf32>
      %swap3A_76 = vector.shape_cast %scan3A_38 : vector<16xf32> to vector<1x16xf32>
      tpu.vector_store %arg8[%swap3A, %swap3A_73], %swap3A_76 {strides = array<i32>} : memref<5x128xf32, #tpu.memory_space<vmem>>, vector<1x16xf32>,
      %scan3A_77 = arith.constant 0 : i32
      scf.yield %scan3A_77 : i32
    }
    %scan3A_30 = arith.constant 40 : i32
    "tpu.region"() ({
      %run_scoped3A = tpu.sem_alloc : memref<!tpu.dma_semaphore, #tpu.memory_space<semaphore_mem>>
      %dma_start3A = arith.constant 0 : i32
      %dma_start3A_31 = arith.constant 0 : i32
      %dma_start3A_32 = tpu.memref_slice %arg3[%arg0, %arg1, %dma_start3A, %dma_start3A_31] : memref<2x16x5x128xf32, #tpu.memory_space<hbm>> -> memref<1x1x5x128xf32, #tpu.memory_space<hbm>>
      %dma_start3A_33 = tpu.memref_squeeze %dma_start3A_32 : memref<1x1x5x128xf32, #tpu.memory_space<hbm>> -> memref<5x128xf32, #tpu.memory_space<hbm>>
      %dma_start3A_34 = arith.constant 0 : i32
      %dma_start3A_35 = arith.constant 0 : i32
      %dma_start3A_36 = tpu.memref_slice %arg3[%arg0, %arg1, %dma_start3A_34, %dma_start3A_35] : memref<2x16x5x128xf32, #tpu.memory_space<hbm>> -> memref<1x1x5x128xf32, #tpu.memory_space<hbm>>
      %dma_start3A_37 = tpu.memref_squeeze %dma_start3A_36 : memref<1x1x5x128xf32, #tpu.memory_space<hbm>> -> memref<5x128xf32, #tpu.memory_space<hbm>>
      tpu.enqueue_dma source(%arg8 : memref<5x128xf32, #tpu.memory_space<vmem>>) target(%dma_start3A_37 : memref<5x128xf32, #tpu.memory_space<hbm>>) target_semaphore(%run_scoped3A : memref<!tpu.dma_semaphore, #tpu.memory_space<semaphore_mem>>)
      %dma_wait3A = arith.constant 0 : i32
      %dma_wait3A_38 = arith.constant 0 : i32
      %dma_wait3A_39 = tpu.memref_slice %arg3[%arg0, %arg1, %dma_wait3A, %dma_wait3A_38] : memref<2x16x5x128xf32, #tpu.memory_space<hbm>> -> memref<1x1x5x128xf32, #tpu.memory_space<hbm>>
      %dma_wait3A_40 = tpu.memref_squeeze %dma_wait3A_39 : memref<1x1x5x128xf32, #tpu.memory_space<hbm>> -> memref<5x128xf32, #tpu.memory_space<hbm>>
      %dma_wait3A_41 = arith.constant 0 : i32
      %dma_wait3A_42 = arith.constant 0 : i32
      %dma_wait3A_43 = tpu.memref_slice %arg3[%arg0, %arg1, %dma_wait3A_41, %dma_wait3A_42] : memref<2x16x5x128xf32, #tpu.memory_space<hbm>> -> memref<1x1x5x128xf32, #tpu.memory_space<hbm>>
      %dma_wait3A_44 = tpu.memref_squeeze %dma_wait3A_43 : memref<1x1x5x128xf32, #tpu.memory_space<hbm>> -> memref<5x128xf32, #tpu.memory_space<hbm>>
      tpu.wait_dma2 semaphore(%run_scoped3A : memref<!tpu.dma_semaphore, #tpu.memory_space<semaphore_mem>>) src(%arg8 : memref<5x128xf32, #tpu.memory_space<vmem>>) dst(%dma_wait3A_44 : memref<5x128xf32, #tpu.memory_space<hbm>>)
      tpu.yield
    }) : () -> ()
    return
  }
}

#map = affine_map<(d0, d1) -> (0, 0)>
#map1 = affine_map<(d0, d1) -> (0, 0, 0, 0, 0)>
#map2 = affine_map<(d0, d1) -> (0, 0, 0)>
module attributes {stable_mosaic.version = 14 : i64} {
  func.func @edge_pass(%arg0: i32, %arg1: i32, %arg2: memref<10000x128xf32, #tpu.memory_space<hbm>>, %arg3: memref<2x16x6x14x128xi32, #tpu.memory_space<hbm>>, %arg4: memref<2x16x6x14x128xi32, #tpu.memory_space<hbm>>, %arg5: memref<2x10240x128xf32, #tpu.memory_space<hbm>>, %arg6: memref<10240x128xf32, #tpu.memory_space<vmem_shared>>, %arg7: memref<14x128xi32, #tpu.memory_space<vmem>>, %arg8: memref<14x128xi32, #tpu.memory_space<vmem>>, %arg9: memref<14x128xi32, #tpu.memory_space<vmem>>, %arg10: memref<14x128xi32, #tpu.memory_space<vmem>>, %arg11: memref<128x128xf32, #tpu.memory_space<vmem>>, %arg12: memref<128x128xf32, #tpu.memory_space<vmem>>, %arg13: memref<!tpu.dma_semaphore, #tpu.memory_space<semaphore_mem>>, %arg14: memref<!tpu.dma_semaphore, #tpu.memory_space<semaphore_mem>>, %arg15: memref<!tpu.dma_semaphore, #tpu.memory_space<semaphore_mem>>, %arg16: memref<!tpu.dma_semaphore, #tpu.memory_space<semaphore_mem>>, %arg17: memref<!tpu.dma_semaphore, #tpu.memory_space<semaphore_mem>>, %arg18: memref<!tpu.dma_semaphore, #tpu.memory_space<semaphore_mem>>) attributes {dimension_semantics = [#tpu.dimension_semantics<core_parallel>, #tpu.dimension_semantics<subcore_parallel>], iteration_bounds = array<i64: 2, 16>, scalar_prefetch = 0 : i64, scratch_operands = 13 : i64, tpu.core_type = #tpu.core_type<sc_vector_subcore>, window_params = [{transform_indices = #map}, {transform_indices = #map1}, {transform_indices = #map1}, {transform_indices = #map2}]} {
    %dma_start3A = arith.constant 0 : i32
    %dma_start3A_0 = arith.constant 0 : i32
    %dma_start3A_1 = arith.constant 0 : i32
    %dma_start3A_2 = tpu.memref_slice %arg3[%arg0, %arg1, %dma_start3A, %dma_start3A_0, %dma_start3A_1] : memref<2x16x6x14x128xi32, #tpu.memory_space<hbm>> -> memref<1x1x1x14x128xi32, #tpu.memory_space<hbm>>
    %dma_start3A_3 = tpu.memref_squeeze %dma_start3A_2 : memref<1x1x1x14x128xi32, #tpu.memory_space<hbm>> -> memref<14x128xi32, #tpu.memory_space<hbm>>
    %dma_start3A_4 = arith.constant 0 : i32
    %dma_start3A_5 = arith.constant 0 : i32
    %dma_start3A_6 = tpu.memref_slice %arg3[%arg0, %arg1, %dma_start3A, %dma_start3A_4, %dma_start3A_5] : memref<2x16x6x14x128xi32, #tpu.memory_space<hbm>> -> memref<1x1x1x14x128xi32, #tpu.memory_space<hbm>>
    %dma_start3A_7 = tpu.memref_squeeze %dma_start3A_6 : memref<1x1x1x14x128xi32, #tpu.memory_space<hbm>> -> memref<14x128xi32, #tpu.memory_space<hbm>>
    tpu.enqueue_dma source(%dma_start3A_7 : memref<14x128xi32, #tpu.memory_space<hbm>>) target(%arg7 : memref<14x128xi32, #tpu.memory_space<vmem>>) target_semaphore(%arg17 : memref<!tpu.dma_semaphore, #tpu.memory_space<semaphore_mem>>)
    %dma_start3A_8 = arith.constant 0 : i32
    %dma_start3A_9 = arith.constant 0 : i32
    %dma_start3A_10 = arith.constant 0 : i32
    %dma_start3A_11 = tpu.memref_slice %arg4[%arg0, %arg1, %dma_start3A_8, %dma_start3A_9, %dma_start3A_10] : memref<2x16x6x14x128xi32, #tpu.memory_space<hbm>> -> memref<1x1x1x14x128xi32, #tpu.memory_space<hbm>>
    %dma_start3A_12 = tpu.memref_squeeze %dma_start3A_11 : memref<1x1x1x14x128xi32, #tpu.memory_space<hbm>> -> memref<14x128xi32, #tpu.memory_space<hbm>>
    %dma_start3A_13 = arith.constant 0 : i32
    %dma_start3A_14 = arith.constant 0 : i32
    %dma_start3A_15 = tpu.memref_slice %arg4[%arg0, %arg1, %dma_start3A_8, %dma_start3A_13, %dma_start3A_14] : memref<2x16x6x14x128xi32, #tpu.memory_space<hbm>> -> memref<1x1x1x14x128xi32, #tpu.memory_space<hbm>>
    %dma_start3A_16 = tpu.memref_squeeze %dma_start3A_15 : memref<1x1x1x14x128xi32, #tpu.memory_space<hbm>> -> memref<14x128xi32, #tpu.memory_space<hbm>>
    tpu.enqueue_dma source(%dma_start3A_16 : memref<14x128xi32, #tpu.memory_space<hbm>>) target(%arg8 : memref<14x128xi32, #tpu.memory_space<vmem>>) target_semaphore(%arg17 : memref<!tpu.dma_semaphore, #tpu.memory_space<semaphore_mem>>)
    %dma_start3A_17 = arith.constant 1 : i32
    %dma_start3A_18 = arith.constant 0 : i32
    %dma_start3A_19 = arith.constant 0 : i32
    %dma_start3A_20 = tpu.memref_slice %arg3[%arg0, %arg1, %dma_start3A_17, %dma_start3A_18, %dma_start3A_19] : memref<2x16x6x14x128xi32, #tpu.memory_space<hbm>> -> memref<1x1x1x14x128xi32, #tpu.memory_space<hbm>>
    %dma_start3A_21 = tpu.memref_squeeze %dma_start3A_20 : memref<1x1x1x14x128xi32, #tpu.memory_space<hbm>> -> memref<14x128xi32, #tpu.memory_space<hbm>>
    %dma_start3A_22 = arith.constant 0 : i32
    %dma_start3A_23 = arith.constant 0 : i32
    %dma_start3A_24 = tpu.memref_slice %arg3[%arg0, %arg1, %dma_start3A_17, %dma_start3A_22, %dma_start3A_23] : memref<2x16x6x14x128xi32, #tpu.memory_space<hbm>> -> memref<1x1x1x14x128xi32, #tpu.memory_space<hbm>>
    %dma_start3A_25 = tpu.memref_squeeze %dma_start3A_24 : memref<1x1x1x14x128xi32, #tpu.memory_space<hbm>> -> memref<14x128xi32, #tpu.memory_space<hbm>>
    tpu.enqueue_dma source(%dma_start3A_25 : memref<14x128xi32, #tpu.memory_space<hbm>>) target(%arg9 : memref<14x128xi32, #tpu.memory_space<vmem>>) target_semaphore(%arg18 : memref<!tpu.dma_semaphore, #tpu.memory_space<semaphore_mem>>)
    %dma_start3A_26 = arith.constant 1 : i32
    %dma_start3A_27 = arith.constant 0 : i32
    %dma_start3A_28 = arith.constant 0 : i32
    %dma_start3A_29 = tpu.memref_slice %arg4[%arg0, %arg1, %dma_start3A_26, %dma_start3A_27, %dma_start3A_28] : memref<2x16x6x14x128xi32, #tpu.memory_space<hbm>> -> memref<1x1x1x14x128xi32, #tpu.memory_space<hbm>>
    %dma_start3A_30 = tpu.memref_squeeze %dma_start3A_29 : memref<1x1x1x14x128xi32, #tpu.memory_space<hbm>> -> memref<14x128xi32, #tpu.memory_space<hbm>>
    %dma_start3A_31 = arith.constant 0 : i32
    %dma_start3A_32 = arith.constant 0 : i32
    %dma_start3A_33 = tpu.memref_slice %arg4[%arg0, %arg1, %dma_start3A_26, %dma_start3A_31, %dma_start3A_32] : memref<2x16x6x14x128xi32, #tpu.memory_space<hbm>> -> memref<1x1x1x14x128xi32, #tpu.memory_space<hbm>>
    %dma_start3A_34 = tpu.memref_squeeze %dma_start3A_33 : memref<1x1x1x14x128xi32, #tpu.memory_space<hbm>> -> memref<14x128xi32, #tpu.memory_space<hbm>>
    tpu.enqueue_dma source(%dma_start3A_34 : memref<14x128xi32, #tpu.memory_space<hbm>>) target(%arg10 : memref<14x128xi32, #tpu.memory_space<vmem>>) target_semaphore(%arg18 : memref<!tpu.dma_semaphore, #tpu.memory_space<semaphore_mem>>)
    %scan3A = arith.constant 0 : i32
    %scan3A_35 = arith.constant 0 : i32
    %scan3A_36 = arith.constant 1024 : i32
    %scan3A_37 = arith.addi %scan3A_35, %scan3A_36 : i32
    %scan3A_38 = arith.constant 1 : i32
    %scan3A_39 = scf.for %scan3A_76 = %scan3A_35 to %scan3A_37 step %scan3A_38 iter_args(%scan3A_77 = %scan3A) -> (i32)  : i32 {
      %broadcast_in_dim3A = arith.constant 0.000000e+00 : f32
      %broadcast_in_dim3A_78 = vector.broadcast %broadcast_in_dim3A : f32 to vector<16xf32>
      %jit3A = arith.constant 8 : i32
      %div3A = arith.divsi %scan3A_76, %jit3A : i32
      %sign3A = arith.constant 0 : i32
      %sign3A_79 = arith.cmpi sgt, %scan3A_76, %sign3A : i32
      %sign3A_80 = arith.extui %sign3A_79 : i1 to i32
      %sign3A_81 = arith.constant 0 : i32
      %sign3A_82 = arith.cmpi slt, %scan3A_76, %sign3A_81 : i32
      %sign3A_83 = arith.extui %sign3A_82 : i1 to i32
      %sign3A_84 = arith.subi %sign3A_80, %sign3A_83 : i32
      %sign3A_85 = arith.constant 0 : i32
      %sign3A_86 = arith.cmpi sgt, %jit3A, %sign3A_85 : i32
      %sign3A_87 = arith.extui %sign3A_86 : i1 to i32
      %sign3A_88 = arith.constant 0 : i32
      %sign3A_89 = arith.cmpi slt, %jit3A, %sign3A_88 : i32
      %sign3A_90 = arith.extui %sign3A_89 : i1 to i32
      %sign3A_91 = arith.subi %sign3A_87, %sign3A_90 : i32
      %ne3A = arith.cmpi ne, %sign3A_84, %sign3A_91 : i32
      %rem3A = arith.remsi %scan3A_76, %jit3A : i32
      %ne3A_92 = arith.constant 0 : i32
      %ne3A_93 = arith.cmpi ne, %rem3A, %ne3A_92 : i32
      %and3A = arith.andi %ne3A, %ne3A_93 : i1
      %sub3A = arith.constant 1 : i32
      %sub3A_94 = arith.subi %div3A, %sub3A : i32
      %select_n3A = arith.select %and3A, %sub3A_94, %div3A : i32
      %jit3A_95 = arith.constant 8 : i32
      %eq3A = arith.constant 0 : i32
      %eq3A_96 = arith.cmpi eq, %jit3A_95, %eq3A : i32
      %jit3A_97 = arith.constant 1 : i32
      %select_n3A_98 = arith.select %eq3A_96, %jit3A_97, %jit3A_95 : i32
      %rem3A_99 = arith.remsi %scan3A_76, %select_n3A_98 : i32
      %ne3A_100 = arith.constant 0 : i32
      %ne3A_101 = arith.cmpi ne, %rem3A_99, %ne3A_100 : i32
      %lt3A = arith.constant 0 : i32
      %lt3A_102 = arith.cmpi slt, %rem3A_99, %lt3A : i32
      %lt3A_103 = arith.constant 0 : i32
      %lt3A_104 = arith.cmpi slt, %select_n3A_98, %lt3A_103 : i32
      %ne3A_105 = arith.xori %lt3A_102, %lt3A_104 : i1
      %and3A_106 = arith.andi %ne3A_105, %ne3A_101 : i1
      %add3A = arith.addi %rem3A_99, %select_n3A_98 : i32
      %select_n3A_107 = arith.select %and3A_106, %add3A, %rem3A_99 : i32
      %mul3A_108 = arith.constant 16 : i32
      %mul3A_109 = arith.muli %select_n3A_107, %mul3A_108 : i32
      %swap3A = arith.index_cast %select_n3A : i32 to index
      %swap3A_110 = arith.index_cast %mul3A_109 : i32 to index
      %swap3A_111 = tpu.vector_load %arg11[%swap3A, %swap3A_110] {strides = array<i32>} : memref<128x128xf32, #tpu.memory_space<vmem>>, vector<1x16xf32>,
      %swap3A_112 = vector.shape_cast %swap3A_111 : vector<1x16xf32> to vector<16xf32>
      %swap3A_113 = vector.shape_cast %broadcast_in_dim3A_78 : vector<16xf32> to vector<1x16xf32>
      tpu.vector_store %arg11[%swap3A, %swap3A_110], %swap3A_113 {strides = array<i32>} : memref<128x128xf32, #tpu.memory_space<vmem>>, vector<1x16xf32>,
      %scan3A_114 = arith.constant 0 : i32
      scf.yield %scan3A_114 : i32
    }
    %scan3A_40 = arith.constant 1024 : i32
    %scan3A_41 = arith.constant 0 : i32
    %scan3A_42 = arith.constant 0 : i32
    %scan3A_43 = arith.constant 5 : i32
    %scan3A_44 = arith.addi %scan3A_42, %scan3A_43 : i32
    %scan3A_45 = arith.constant 1 : i32
    %scan3A_46 = scf.for %scan3A_76 = %scan3A_42 to %scan3A_44 step %scan3A_45 iter_args(%scan3A_77 = %scan3A_41) -> (i32)  : i32 {
      %mul3A_78 = arith.constant 640 : i32
      %mul3A_79 = arith.muli %arg1, %mul3A_78 : i32
      %mul3A_80 = arith.constant 128 : i32
      %mul3A_81 = arith.muli %scan3A_76, %mul3A_80 : i32
      %add3A = arith.addi %mul3A_79, %mul3A_81 : i32
      "tpu.region"() ({
        %run_scoped3A = tpu.sem_alloc : memref<!tpu.dma_semaphore, #tpu.memory_space<semaphore_mem>>
        %dma_start3A_83 = arith.constant 0 : i32
        %dma_start3A_84 = tpu.memref_slice %arg6[%add3A, %dma_start3A_83] : memref<10240x128xf32, #tpu.memory_space<vmem_shared>> -> memref<128x128xf32, #tpu.memory_space<vmem_shared>>
        %dma_start3A_85 = arith.constant 0 : i32
        %dma_start3A_86 = tpu.memref_slice %arg6[%add3A, %dma_start3A_85] : memref<10240x128xf32, #tpu.memory_space<vmem_shared>> -> memref<128x128xf32, #tpu.memory_space<vmem_shared>>
        tpu.enqueue_dma source(%arg11 : memref<128x128xf32, #tpu.memory_space<vmem>>) target(%dma_start3A_86 : memref<128x128xf32, #tpu.memory_space<vmem_shared>>) target_semaphore(%run_scoped3A : memref<!tpu.dma_semaphore, #tpu.memory_space<semaphore_mem>>)
        %dma_wait3A_87 = arith.constant 0 : i32
        %dma_wait3A_88 = tpu.memref_slice %arg6[%add3A, %dma_wait3A_87] : memref<10240x128xf32, #tpu.memory_space<vmem_shared>> -> memref<128x128xf32, #tpu.memory_space<vmem_shared>>
        %dma_wait3A_89 = arith.constant 0 : i32
        %dma_wait3A_90 = tpu.memref_slice %arg6[%add3A, %dma_wait3A_89] : memref<10240x128xf32, #tpu.memory_space<vmem_shared>> -> memref<128x128xf32, #tpu.memory_space<vmem_shared>>
        tpu.wait_dma2 semaphore(%run_scoped3A : memref<!tpu.dma_semaphore, #tpu.memory_space<semaphore_mem>>) src(%arg11 : memref<128x128xf32, #tpu.memory_space<vmem>>) dst(%dma_wait3A_90 : memref<128x128xf32, #tpu.memory_space<vmem_shared>>)
        tpu.yield
      }) : () -> ()
      %scan3A_82 = arith.constant 0 : i32
      scf.yield %scan3A_82 : i32
    }
    %scan3A_47 = arith.constant 5 : i32
    %barrier3A = arith.constant 0 : index
    tpu.barrier barrier_id(%barrier3A)
    %dma_wait3A = arith.constant 0 : i32
    %dma_wait3A_48 = arith.constant 0 : i32
    %dma_wait3A_49 = arith.constant 0 : i32
    %dma_wait3A_50 = tpu.memref_slice %arg3[%arg0, %arg1, %dma_wait3A, %dma_wait3A_48, %dma_wait3A_49] : memref<2x16x6x14x128xi32, #tpu.memory_space<hbm>> -> memref<1x1x1x14x128xi32, #tpu.memory_space<hbm>>
    %dma_wait3A_51 = tpu.memref_squeeze %dma_wait3A_50 : memref<1x1x1x14x128xi32, #tpu.memory_space<hbm>> -> memref<14x128xi32, #tpu.memory_space<hbm>>
    %dma_wait3A_52 = arith.constant 0 : i32
    %dma_wait3A_53 = arith.constant 0 : i32
    %dma_wait3A_54 = tpu.memref_slice %arg3[%arg0, %arg1, %dma_wait3A, %dma_wait3A_52, %dma_wait3A_53] : memref<2x16x6x14x128xi32, #tpu.memory_space<hbm>> -> memref<1x1x1x14x128xi32, #tpu.memory_space<hbm>>
    %dma_wait3A_55 = tpu.memref_squeeze %dma_wait3A_54 : memref<1x1x1x14x128xi32, #tpu.memory_space<hbm>> -> memref<14x128xi32, #tpu.memory_space<hbm>>
    tpu.wait_dma2 semaphore(%arg17 : memref<!tpu.dma_semaphore, #tpu.memory_space<semaphore_mem>>) src(%dma_wait3A_55 : memref<14x128xi32, #tpu.memory_space<hbm>>) dst(%arg7 : memref<14x128xi32, #tpu.memory_space<vmem>>)
    %dma_wait3A_56 = arith.constant 0 : i32
    %dma_wait3A_57 = arith.constant 0 : i32
    %dma_wait3A_58 = arith.constant 0 : i32
    %dma_wait3A_59 = tpu.memref_slice %arg4[%arg0, %arg1, %dma_wait3A_56, %dma_wait3A_57, %dma_wait3A_58] : memref<2x16x6x14x128xi32, #tpu.memory_space<hbm>> -> memref<1x1x1x14x128xi32, #tpu.memory_space<hbm>>
    %dma_wait3A_60 = tpu.memref_squeeze %dma_wait3A_59 : memref<1x1x1x14x128xi32, #tpu.memory_space<hbm>> -> memref<14x128xi32, #tpu.memory_space<hbm>>
    %dma_wait3A_61 = arith.constant 0 : i32
    %dma_wait3A_62 = arith.constant 0 : i32
    %dma_wait3A_63 = tpu.memref_slice %arg4[%arg0, %arg1, %dma_wait3A_56, %dma_wait3A_61, %dma_wait3A_62] : memref<2x16x6x14x128xi32, #tpu.memory_space<hbm>> -> memref<1x1x1x14x128xi32, #tpu.memory_space<hbm>>
    %dma_wait3A_64 = tpu.memref_squeeze %dma_wait3A_63 : memref<1x1x1x14x128xi32, #tpu.memory_space<hbm>> -> memref<14x128xi32, #tpu.memory_space<hbm>>
    tpu.wait_dma2 semaphore(%arg17 : memref<!tpu.dma_semaphore, #tpu.memory_space<semaphore_mem>>) src(%dma_wait3A_64 : memref<14x128xi32, #tpu.memory_space<hbm>>) dst(%arg8 : memref<14x128xi32, #tpu.memory_space<vmem>>)
    %scan3A_65 = arith.constant 0 : i32
    %scan3A_66 = arith.constant 0 : i32
    %scan3A_67 = arith.constant 3 : i32
    %scan3A_68 = arith.addi %scan3A_66, %scan3A_67 : i32
    %scan3A_69 = arith.constant 1 : i32
    %scan3A_70 = scf.for %scan3A_76 = %scan3A_66 to %scan3A_68 step %scan3A_69 iter_args(%scan3A_77 = %scan3A_65) -> (i32)  : i32 {
      %dma_start3A_78 = arith.constant 0 : i32
      %dma_start3A_79 = arith.constant 0 : i32
      %dma_start3A_80 = tpu.memref_slice %arg7[%dma_start3A_78, %dma_start3A_79] : memref<14x128xi32, #tpu.memory_space<vmem>> -> memref<1x128xi32, #tpu.memory_space<vmem>>
      %dma_start3A_81 = tpu.memref_squeeze %dma_start3A_80 : memref<1x128xi32, #tpu.memory_space<vmem>> -> memref<128xi32, #tpu.memory_space<vmem>>
      %dma_start3A_82 = arith.constant 0 : i32
      %dma_start3A_83 = arith.constant 0 : i32
      %dma_start3A_84 = tpu.memref_slice %arg2[%dma_start3A_82, %dma_start3A_83] : memref<10000x128xf32, #tpu.memory_space<hbm>> -> memref<10000x128xf32, #tpu.memory_space<hbm>>
      tpu.enqueue_indirect_dma source(%dma_start3A_84 : memref<10000x128xf32, #tpu.memory_space<hbm>>) target(%arg11 : memref<128x128xf32, #tpu.memory_space<vmem>>) offsets(%dma_start3A_81 : memref<128xi32, #tpu.memory_space<vmem>>) semaphore(%arg13 : memref<!tpu.dma_semaphore, #tpu.memory_space<semaphore_mem>>)
      %scan3A_85 = arith.constant 0 : i32
      %scan3A_86 = arith.constant 0 : i32
      %scan3A_87 = arith.constant 7 : i32
      %scan3A_88 = arith.addi %scan3A_86, %scan3A_87 : i32
      %scan3A_89 = arith.constant 1 : i32
      %scan3A_90 = scf.for %scan3A_137 = %scan3A_86 to %scan3A_88 step %scan3A_89 iter_args(%scan3A_138 = %scan3A_85) -> (i32)  : i32 {
        %mul3A_139 = arith.constant 2 : i32
        %mul3A_140 = arith.muli %scan3A_137, %mul3A_139 : i32
        %add3A = arith.constant 1 : i32
        %add3A_141 = arith.addi %mul3A_140, %add3A : i32
        %dma_start3A_142 = arith.constant 0 : i32
        %dma_start3A_143 = tpu.memref_slice %arg7[%add3A_141, %dma_start3A_142] : memref<14x128xi32, #tpu.memory_space<vmem>> -> memref<1x128xi32, #tpu.memory_space<vmem>>
        %dma_start3A_144 = tpu.memref_squeeze %dma_start3A_143 : memref<1x128xi32, #tpu.memory_space<vmem>> -> memref<128xi32, #tpu.memory_space<vmem>>
        %dma_start3A_145 = arith.constant 0 : i32
        %dma_start3A_146 = arith.constant 0 : i32
        %dma_start3A_147 = tpu.memref_slice %arg2[%dma_start3A_145, %dma_start3A_146] : memref<10000x128xf32, #tpu.memory_space<hbm>> -> memref<10000x128xf32, #tpu.memory_space<hbm>>
        tpu.enqueue_indirect_dma source(%dma_start3A_147 : memref<10000x128xf32, #tpu.memory_space<hbm>>) target(%arg12 : memref<128x128xf32, #tpu.memory_space<vmem>>) offsets(%dma_start3A_144 : memref<128xi32, #tpu.memory_space<vmem>>) semaphore(%arg14 : memref<!tpu.dma_semaphore, #tpu.memory_space<semaphore_mem>>)
        %dma_wait3A_148 = arith.constant 0 : i32
        %dma_wait3A_149 = tpu.memref_slice %arg7[%mul3A_140, %dma_wait3A_148] : memref<14x128xi32, #tpu.memory_space<vmem>> -> memref<1x128xi32, #tpu.memory_space<vmem>>
        %dma_wait3A_150 = tpu.memref_squeeze %dma_wait3A_149 : memref<1x128xi32, #tpu.memory_space<vmem>> -> memref<128xi32, #tpu.memory_space<vmem>>
        %dma_wait3A_151 = arith.constant 0 : i32
        %dma_wait3A_152 = arith.constant 0 : i32
        %dma_wait3A_153 = tpu.memref_slice %arg2[%dma_wait3A_151, %dma_wait3A_152] : memref<10000x128xf32, #tpu.memory_space<hbm>> -> memref<10000x128xf32, #tpu.memory_space<hbm>>
        tpu.wait_indirect_dma semaphore(%arg13 : memref<!tpu.dma_semaphore, #tpu.memory_space<semaphore_mem>>) src(%dma_wait3A_153 : memref<10000x128xf32, #tpu.memory_space<hbm>>) dst(%arg11 : memref<128x128xf32, #tpu.memory_space<vmem>>)
        "tpu.region"() ({
          %run_scoped3A = tpu.sem_alloc : memref<!tpu.dma_semaphore, #tpu.memory_space<semaphore_mem>>
          %dma_start3A_170 = arith.constant 0 : i32
          %dma_start3A_171 = tpu.memref_slice %arg8[%mul3A_140, %dma_start3A_170] : memref<14x128xi32, #tpu.memory_space<vmem>> -> memref<1x128xi32, #tpu.memory_space<vmem>>
          %dma_start3A_172 = tpu.memref_squeeze %dma_start3A_171 : memref<1x128xi32, #tpu.memory_space<vmem>> -> memref<128xi32, #tpu.memory_space<vmem>>
          %dma_start3A_173 = arith.constant 0 : i32
          %dma_start3A_174 = arith.constant 0 : i32
          %dma_start3A_175 = tpu.memref_slice %arg6[%dma_start3A_173, %dma_start3A_174] : memref<10240x128xf32, #tpu.memory_space<vmem_shared>> -> memref<10240x128xf32, #tpu.memory_space<vmem_shared>>
          tpu.enqueue_indirect_dma source(%arg11 : memref<128x128xf32, #tpu.memory_space<vmem>>) target(%dma_start3A_175 : memref<10240x128xf32, #tpu.memory_space<vmem_shared>>) offsets(%dma_start3A_172 : memref<128xi32, #tpu.memory_space<vmem>>) semaphore(%run_scoped3A : memref<!tpu.dma_semaphore, #tpu.memory_space<semaphore_mem>>) {add = true}
          %dma_wait3A_176 = arith.constant 0 : i32
          %dma_wait3A_177 = tpu.memref_slice %arg8[%mul3A_140, %dma_wait3A_176] : memref<14x128xi32, #tpu.memory_space<vmem>> -> memref<1x128xi32, #tpu.memory_space<vmem>>
          %dma_wait3A_178 = tpu.memref_squeeze %dma_wait3A_177 : memref<1x128xi32, #tpu.memory_space<vmem>> -> memref<128xi32, #tpu.memory_space<vmem>>
          %dma_wait3A_179 = arith.constant 0 : i32
          %dma_wait3A_180 = arith.constant 0 : i32
          %dma_wait3A_181 = tpu.memref_slice %arg6[%dma_wait3A_179, %dma_wait3A_180] : memref<10240x128xf32, #tpu.memory_space<vmem_shared>> -> memref<10240x128xf32, #tpu.memory_space<vmem_shared>>
          tpu.wait_indirect_dma semaphore(%run_scoped3A : memref<!tpu.dma_semaphore, #tpu.memory_space<semaphore_mem>>) src(%arg11 : memref<128x128xf32, #tpu.memory_space<vmem>>) dst(%dma_wait3A_181 : memref<10240x128xf32, #tpu.memory_space<vmem_shared>>)
          tpu.yield
        }) : () -> ()
        %lt3A_154 = arith.constant 6 : i32
        %lt3A_155 = arith.cmpi slt, %scan3A_137, %lt3A_154 : i32
        %convert_element_type3A_156 = arith.extui %lt3A_155 : i1 to i32
        %cond3A_157 = arith.constant 0 : i32
        %cond3A_158 = arith.cmpi ne, %convert_element_type3A_156, %cond3A_157 : i32
        scf.if %cond3A_158 {
          %add3A_170 = arith.constant 2 : i32
          %add3A_171 = arith.addi %mul3A_140, %add3A_170 : i32
          %dma_start3A_172 = arith.constant 0 : i32
          %dma_start3A_173 = tpu.memref_slice %arg7[%add3A_171, %dma_start3A_172] : memref<14x128xi32, #tpu.memory_space<vmem>> -> memref<1x128xi32, #tpu.memory_space<vmem>>
          %dma_start3A_174 = tpu.memref_squeeze %dma_start3A_173 : memref<1x128xi32, #tpu.memory_space<vmem>> -> memref<128xi32, #tpu.memory_space<vmem>>
          %dma_start3A_175 = arith.constant 0 : i32
          %dma_start3A_176 = arith.constant 0 : i32
          %dma_start3A_177 = tpu.memref_slice %arg2[%dma_start3A_175, %dma_start3A_176] : memref<10000x128xf32, #tpu.memory_space<hbm>> -> memref<10000x128xf32, #tpu.memory_space<hbm>>
          tpu.enqueue_indirect_dma source(%dma_start3A_177 : memref<10000x128xf32, #tpu.memory_space<hbm>>) target(%arg11 : memref<128x128xf32, #tpu.memory_space<vmem>>) offsets(%dma_start3A_174 : memref<128xi32, #tpu.memory_space<vmem>>) semaphore(%arg13 : memref<!tpu.dma_semaphore, #tpu.memory_space<semaphore_mem>>)
        } else {
        }
        %add3A_159 = arith.constant 1 : i32
        %add3A_160 = arith.addi %mul3A_140, %add3A_159 : i32
        %dma_wait3A_161 = arith.constant 0 : i32
        %dma_wait3A_162 = tpu.memref_slice %arg7[%add3A_160, %dma_wait3A_161] : memref<14x128xi32, #tpu.memory_space<vmem>> -> memref<1x128xi32, #tpu.memory_space<vmem>>
        %dma_wait3A_163 = tpu.memref_squeeze %dma_wait3A_162 : memref<1x128xi32, #tpu.memory_space<vmem>> -> memref<128xi32, #tpu.memory_space<vmem>>
        %dma_wait3A_164 = arith.constant 0 : i32
        %dma_wait3A_165 = arith.constant 0 : i32
        %dma_wait3A_166 = tpu.memref_slice %arg2[%dma_wait3A_164, %dma_wait3A_165] : memref<10000x128xf32, #tpu.memory_space<hbm>> -> memref<10000x128xf32, #tpu.memory_space<hbm>>
        tpu.wait_indirect_dma semaphore(%arg14 : memref<!tpu.dma_semaphore, #tpu.memory_space<semaphore_mem>>) src(%dma_wait3A_166 : memref<10000x128xf32, #tpu.memory_space<hbm>>) dst(%arg12 : memref<128x128xf32, #tpu.memory_space<vmem>>)
        %add3A_167 = arith.constant 1 : i32
        %add3A_168 = arith.addi %mul3A_140, %add3A_167 : i32
        "tpu.region"() ({
          %run_scoped3A = tpu.sem_alloc : memref<!tpu.dma_semaphore, #tpu.memory_space<semaphore_mem>>
          %dma_start3A_170 = arith.constant 0 : i32
          %dma_start3A_171 = tpu.memref_slice %arg8[%add3A_168, %dma_start3A_170] : memref<14x128xi32, #tpu.memory_space<vmem>> -> memref<1x128xi32, #tpu.memory_space<vmem>>
          %dma_start3A_172 = tpu.memref_squeeze %dma_start3A_171 : memref<1x128xi32, #tpu.memory_space<vmem>> -> memref<128xi32, #tpu.memory_space<vmem>>
          %dma_start3A_173 = arith.constant 0 : i32
          %dma_start3A_174 = arith.constant 0 : i32
          %dma_start3A_175 = tpu.memref_slice %arg6[%dma_start3A_173, %dma_start3A_174] : memref<10240x128xf32, #tpu.memory_space<vmem_shared>> -> memref<10240x128xf32, #tpu.memory_space<vmem_shared>>
          tpu.enqueue_indirect_dma source(%arg12 : memref<128x128xf32, #tpu.memory_space<vmem>>) target(%dma_start3A_175 : memref<10240x128xf32, #tpu.memory_space<vmem_shared>>) offsets(%dma_start3A_172 : memref<128xi32, #tpu.memory_space<vmem>>) semaphore(%run_scoped3A : memref<!tpu.dma_semaphore, #tpu.memory_space<semaphore_mem>>) {add = true}
          %dma_wait3A_176 = arith.constant 0 : i32
          %dma_wait3A_177 = tpu.memref_slice %arg8[%add3A_168, %dma_wait3A_176] : memref<14x128xi32, #tpu.memory_space<vmem>> -> memref<1x128xi32, #tpu.memory_space<vmem>>
          %dma_wait3A_178 = tpu.memref_squeeze %dma_wait3A_177 : memref<1x128xi32, #tpu.memory_space<vmem>> -> memref<128xi32, #tpu.memory_space<vmem>>
          %dma_wait3A_179 = arith.constant 0 : i32
          %dma_wait3A_180 = arith.constant 0 : i32
          %dma_wait3A_181 = tpu.memref_slice %arg6[%dma_wait3A_179, %dma_wait3A_180] : memref<10240x128xf32, #tpu.memory_space<vmem_shared>> -> memref<10240x128xf32, #tpu.memory_space<vmem_shared>>
          tpu.wait_indirect_dma semaphore(%run_scoped3A : memref<!tpu.dma_semaphore, #tpu.memory_space<semaphore_mem>>) src(%arg12 : memref<128x128xf32, #tpu.memory_space<vmem>>) dst(%dma_wait3A_181 : memref<10240x128xf32, #tpu.memory_space<vmem_shared>>)
          tpu.yield
        }) : () -> ()
        %scan3A_169 = arith.constant 0 : i32
        scf.yield %scan3A_169 : i32
      }
      %scan3A_91 = arith.constant 7 : i32
      %lt3A = arith.constant 2 : i32
      %lt3A_92 = arith.cmpi slt, %scan3A_76, %lt3A : i32
      %convert_element_type3A = arith.extui %lt3A_92 : i1 to i32
      %cond3A = arith.constant 0 : i32
      %cond3A_93 = arith.cmpi ne, %convert_element_type3A, %cond3A : i32
      scf.if %cond3A_93 {
        %mul3A_137 = arith.constant 2 : i32
        %mul3A_138 = arith.muli %mul3A_137, %scan3A_76 : i32
        %add3A = arith.constant 2 : i32
        %add3A_139 = arith.addi %mul3A_138, %add3A : i32
        %dma_start3A_140 = arith.constant 0 : i32
        %dma_start3A_141 = arith.constant 0 : i32
        %dma_start3A_142 = tpu.memref_slice %arg3[%arg0, %arg1, %add3A_139, %dma_start3A_140, %dma_start3A_141] : memref<2x16x6x14x128xi32, #tpu.memory_space<hbm>> -> memref<1x1x1x14x128xi32, #tpu.memory_space<hbm>>
        %dma_start3A_143 = tpu.memref_squeeze %dma_start3A_142 : memref<1x1x1x14x128xi32, #tpu.memory_space<hbm>> -> memref<14x128xi32, #tpu.memory_space<hbm>>
        %dma_start3A_144 = arith.constant 0 : i32
        %dma_start3A_145 = arith.constant 0 : i32
        %dma_start3A_146 = tpu.memref_slice %arg3[%arg0, %arg1, %add3A_139, %dma_start3A_144, %dma_start3A_145] : memref<2x16x6x14x128xi32, #tpu.memory_space<hbm>> -> memref<1x1x1x14x128xi32, #tpu.memory_space<hbm>>
        %dma_start3A_147 = tpu.memref_squeeze %dma_start3A_146 : memref<1x1x1x14x128xi32, #tpu.memory_space<hbm>> -> memref<14x128xi32, #tpu.memory_space<hbm>>
        tpu.enqueue_dma source(%dma_start3A_147 : memref<14x128xi32, #tpu.memory_space<hbm>>) target(%arg7 : memref<14x128xi32, #tpu.memory_space<vmem>>) target_semaphore(%arg17 : memref<!tpu.dma_semaphore, #tpu.memory_space<semaphore_mem>>)
        %dma_start3A_148 = arith.constant 0 : i32
        %dma_start3A_149 = arith.constant 0 : i32
        %dma_start3A_150 = tpu.memref_slice %arg4[%arg0, %arg1, %add3A_139, %dma_start3A_148, %dma_start3A_149] : memref<2x16x6x14x128xi32, #tpu.memory_space<hbm>> -> memref<1x1x1x14x128xi32, #tpu.memory_space<hbm>>
        %dma_start3A_151 = tpu.memref_squeeze %dma_start3A_150 : memref<1x1x1x14x128xi32, #tpu.memory_space<hbm>> -> memref<14x128xi32, #tpu.memory_space<hbm>>
        %dma_start3A_152 = arith.constant 0 : i32
        %dma_start3A_153 = arith.constant 0 : i32
        %dma_start3A_154 = tpu.memref_slice %arg4[%arg0, %arg1, %add3A_139, %dma_start3A_152, %dma_start3A_153] : memref<2x16x6x14x128xi32, #tpu.memory_space<hbm>> -> memref<1x1x1x14x128xi32, #tpu.memory_space<hbm>>
        %dma_start3A_155 = tpu.memref_squeeze %dma_start3A_154 : memref<1x1x1x14x128xi32, #tpu.memory_space<hbm>> -> memref<14x128xi32, #tpu.memory_space<hbm>>
        tpu.enqueue_dma source(%dma_start3A_155 : memref<14x128xi32, #tpu.memory_space<hbm>>) target(%arg8 : memref<14x128xi32, #tpu.memory_space<vmem>>) target_semaphore(%arg17 : memref<!tpu.dma_semaphore, #tpu.memory_space<semaphore_mem>>)
      } else {
      }
      %dma_wait3A_94 = arith.constant 0 : i32
      %dma_wait3A_95 = arith.constant 0 : i32
      %dma_wait3A_96 = arith.constant 0 : i32
      %dma_wait3A_97 = tpu.memref_slice %arg3[%arg0, %arg1, %dma_wait3A_94, %dma_wait3A_95, %dma_wait3A_96] : memref<2x16x6x14x128xi32, #tpu.memory_space<hbm>> -> memref<1x1x1x14x128xi32, #tpu.memory_space<hbm>>
      %dma_wait3A_98 = tpu.memref_squeeze %dma_wait3A_97 : memref<1x1x1x14x128xi32, #tpu.memory_space<hbm>> -> memref<14x128xi32, #tpu.memory_space<hbm>>
      %dma_wait3A_99 = arith.constant 0 : i32
      %dma_wait3A_100 = arith.constant 0 : i32
      %dma_wait3A_101 = tpu.memref_slice %arg3[%arg0, %arg1, %dma_wait3A_94, %dma_wait3A_99, %dma_wait3A_100] : memref<2x16x6x14x128xi32, #tpu.memory_space<hbm>> -> memref<1x1x1x14x128xi32, #tpu.memory_space<hbm>>
      %dma_wait3A_102 = tpu.memref_squeeze %dma_wait3A_101 : memref<1x1x1x14x128xi32, #tpu.memory_space<hbm>> -> memref<14x128xi32, #tpu.memory_space<hbm>>
      tpu.wait_dma2 semaphore(%arg18 : memref<!tpu.dma_semaphore, #tpu.memory_space<semaphore_mem>>) src(%dma_wait3A_102 : memref<14x128xi32, #tpu.memory_space<hbm>>) dst(%arg9 : memref<14x128xi32, #tpu.memory_space<vmem>>)
      %dma_wait3A_103 = arith.constant 0 : i32
      %dma_wait3A_104 = arith.constant 0 : i32
      %dma_wait3A_105 = arith.constant 0 : i32
      %dma_wait3A_106 = tpu.memref_slice %arg4[%arg0, %arg1, %dma_wait3A_103, %dma_wait3A_104, %dma_wait3A_105] : memref<2x16x6x14x128xi32, #tpu.memory_space<hbm>> -> memref<1x1x1x14x128xi32, #tpu.memory_space<hbm>>
      %dma_wait3A_107 = tpu.memref_squeeze %dma_wait3A_106 : memref<1x1x1x14x128xi32, #tpu.memory_space<hbm>> -> memref<14x128xi32, #tpu.memory_space<hbm>>
      %dma_wait3A_108 = arith.constant 0 : i32
      %dma_wait3A_109 = arith.constant 0 : i32
      %dma_wait3A_110 = tpu.memref_slice %arg4[%arg0, %arg1, %dma_wait3A_103, %dma_wait3A_108, %dma_wait3A_109] : memref<2x16x6x14x128xi32, #tpu.memory_space<hbm>> -> memref<1x1x1x14x128xi32, #tpu.memory_space<hbm>>
      %dma_wait3A_111 = tpu.memref_squeeze %dma_wait3A_110 : memref<1x1x1x14x128xi32, #tpu.memory_space<hbm>> -> memref<14x128xi32, #tpu.memory_space<hbm>>
      tpu.wait_dma2 semaphore(%arg18 : memref<!tpu.dma_semaphore, #tpu.memory_space<semaphore_mem>>) src(%dma_wait3A_111 : memref<14x128xi32, #tpu.memory_space<hbm>>) dst(%arg10 : memref<14x128xi32, #tpu.memory_space<vmem>>)
      %dma_start3A_112 = arith.constant 0 : i32
      %dma_start3A_113 = arith.constant 0 : i32
      %dma_start3A_114 = tpu.memref_slice %arg9[%dma_start3A_112, %dma_start3A_113] : memref<14x128xi32, #tpu.memory_space<vmem>> -> memref<1x128xi32, #tpu.memory_space<vmem>>
      %dma_start3A_115 = tpu.memref_squeeze %dma_start3A_114 : memref<1x128xi32, #tpu.memory_space<vmem>> -> memref<128xi32, #tpu.memory_space<vmem>>
      %dma_start3A_116 = arith.constant 0 : i32
      %dma_start3A_117 = arith.constant 0 : i32
      %dma_start3A_118 = tpu.memref_slice %arg2[%dma_start3A_116, %dma_start3A_117] : memref<10000x128xf32, #tpu.memory_space<hbm>> -> memref<10000x128xf32, #tpu.memory_space<hbm>>
      tpu.enqueue_indirect_dma source(%dma_start3A_118 : memref<10000x128xf32, #tpu.memory_space<hbm>>) target(%arg11 : memref<128x128xf32, #tpu.memory_space<vmem>>) offsets(%dma_start3A_115 : memref<128xi32, #tpu.memory_space<vmem>>) semaphore(%arg13 : memref<!tpu.dma_semaphore, #tpu.memory_space<semaphore_mem>>)
      %scan3A_119 = arith.constant 0 : i32
      %scan3A_120 = arith.constant 0 : i32
      %scan3A_121 = arith.constant 7 : i32
      %scan3A_122 = arith.addi %scan3A_120, %scan3A_121 : i32
      %scan3A_123 = arith.constant 1 : i32
      %scan3A_124 = scf.for %scan3A_137 = %scan3A_120 to %scan3A_122 step %scan3A_123 iter_args(%scan3A_138 = %scan3A_119) -> (i32)  : i32 {
        %mul3A_139 = arith.constant 2 : i32
        %mul3A_140 = arith.muli %scan3A_137, %mul3A_139 : i32
        %add3A = arith.constant 1 : i32
        %add3A_141 = arith.addi %mul3A_140, %add3A : i32
        %dma_start3A_142 = arith.constant 0 : i32
        %dma_start3A_143 = tpu.memref_slice %arg9[%add3A_141, %dma_start3A_142] : memref<14x128xi32, #tpu.memory_space<vmem>> -> memref<1x128xi32, #tpu.memory_space<vmem>>
        %dma_start3A_144 = tpu.memref_squeeze %dma_start3A_143 : memref<1x128xi32, #tpu.memory_space<vmem>> -> memref<128xi32, #tpu.memory_space<vmem>>
        %dma_start3A_145 = arith.constant 0 : i32
        %dma_start3A_146 = arith.constant 0 : i32
        %dma_start3A_147 = tpu.memref_slice %arg2[%dma_start3A_145, %dma_start3A_146] : memref<10000x128xf32, #tpu.memory_space<hbm>> -> memref<10000x128xf32, #tpu.memory_space<hbm>>
        tpu.enqueue_indirect_dma source(%dma_start3A_147 : memref<10000x128xf32, #tpu.memory_space<hbm>>) target(%arg12 : memref<128x128xf32, #tpu.memory_space<vmem>>) offsets(%dma_start3A_144 : memref<128xi32, #tpu.memory_space<vmem>>) semaphore(%arg14 : memref<!tpu.dma_semaphore, #tpu.memory_space<semaphore_mem>>)
        %dma_wait3A_148 = arith.constant 0 : i32
        %dma_wait3A_149 = tpu.memref_slice %arg9[%mul3A_140, %dma_wait3A_148] : memref<14x128xi32, #tpu.memory_space<vmem>> -> memref<1x128xi32, #tpu.memory_space<vmem>>
        %dma_wait3A_150 = tpu.memref_squeeze %dma_wait3A_149 : memref<1x128xi32, #tpu.memory_space<vmem>> -> memref<128xi32, #tpu.memory_space<vmem>>
        %dma_wait3A_151 = arith.constant 0 : i32
        %dma_wait3A_152 = arith.constant 0 : i32
        %dma_wait3A_153 = tpu.memref_slice %arg2[%dma_wait3A_151, %dma_wait3A_152] : memref<10000x128xf32, #tpu.memory_space<hbm>> -> memref<10000x128xf32, #tpu.memory_space<hbm>>
        tpu.wait_indirect_dma semaphore(%arg13 : memref<!tpu.dma_semaphore, #tpu.memory_space<semaphore_mem>>) src(%dma_wait3A_153 : memref<10000x128xf32, #tpu.memory_space<hbm>>) dst(%arg11 : memref<128x128xf32, #tpu.memory_space<vmem>>)
        "tpu.region"() ({
          %run_scoped3A = tpu.sem_alloc : memref<!tpu.dma_semaphore, #tpu.memory_space<semaphore_mem>>
          %dma_start3A_170 = arith.constant 0 : i32
          %dma_start3A_171 = tpu.memref_slice %arg10[%mul3A_140, %dma_start3A_170] : memref<14x128xi32, #tpu.memory_space<vmem>> -> memref<1x128xi32, #tpu.memory_space<vmem>>
          %dma_start3A_172 = tpu.memref_squeeze %dma_start3A_171 : memref<1x128xi32, #tpu.memory_space<vmem>> -> memref<128xi32, #tpu.memory_space<vmem>>
          %dma_start3A_173 = arith.constant 0 : i32
          %dma_start3A_174 = arith.constant 0 : i32
          %dma_start3A_175 = tpu.memref_slice %arg6[%dma_start3A_173, %dma_start3A_174] : memref<10240x128xf32, #tpu.memory_space<vmem_shared>> -> memref<10240x128xf32, #tpu.memory_space<vmem_shared>>
          tpu.enqueue_indirect_dma source(%arg11 : memref<128x128xf32, #tpu.memory_space<vmem>>) target(%dma_start3A_175 : memref<10240x128xf32, #tpu.memory_space<vmem_shared>>) offsets(%dma_start3A_172 : memref<128xi32, #tpu.memory_space<vmem>>) semaphore(%run_scoped3A : memref<!tpu.dma_semaphore, #tpu.memory_space<semaphore_mem>>) {add = true}
          %dma_wait3A_176 = arith.constant 0 : i32
          %dma_wait3A_177 = tpu.memref_slice %arg10[%mul3A_140, %dma_wait3A_176] : memref<14x128xi32, #tpu.memory_space<vmem>> -> memref<1x128xi32, #tpu.memory_space<vmem>>
          %dma_wait3A_178 = tpu.memref_squeeze %dma_wait3A_177 : memref<1x128xi32, #tpu.memory_space<vmem>> -> memref<128xi32, #tpu.memory_space<vmem>>
          %dma_wait3A_179 = arith.constant 0 : i32
          %dma_wait3A_180 = arith.constant 0 : i32
          %dma_wait3A_181 = tpu.memref_slice %arg6[%dma_wait3A_179, %dma_wait3A_180] : memref<10240x128xf32, #tpu.memory_space<vmem_shared>> -> memref<10240x128xf32, #tpu.memory_space<vmem_shared>>
          tpu.wait_indirect_dma semaphore(%run_scoped3A : memref<!tpu.dma_semaphore, #tpu.memory_space<semaphore_mem>>) src(%arg11 : memref<128x128xf32, #tpu.memory_space<vmem>>) dst(%dma_wait3A_181 : memref<10240x128xf32, #tpu.memory_space<vmem_shared>>)
          tpu.yield
        }) : () -> ()
        %lt3A_154 = arith.constant 6 : i32
        %lt3A_155 = arith.cmpi slt, %scan3A_137, %lt3A_154 : i32
        %convert_element_type3A_156 = arith.extui %lt3A_155 : i1 to i32
        %cond3A_157 = arith.constant 0 : i32
        %cond3A_158 = arith.cmpi ne, %convert_element_type3A_156, %cond3A_157 : i32
        scf.if %cond3A_158 {
          %add3A_170 = arith.constant 2 : i32
          %add3A_171 = arith.addi %mul3A_140, %add3A_170 : i32
          %dma_start3A_172 = arith.constant 0 : i32
          %dma_start3A_173 = tpu.memref_slice %arg9[%add3A_171, %dma_start3A_172] : memref<14x128xi32, #tpu.memory_space<vmem>> -> memref<1x128xi32, #tpu.memory_space<vmem>>
          %dma_start3A_174 = tpu.memref_squeeze %dma_start3A_173 : memref<1x128xi32, #tpu.memory_space<vmem>> -> memref<128xi32, #tpu.memory_space<vmem>>
          %dma_start3A_175 = arith.constant 0 : i32
          %dma_start3A_176 = arith.constant 0 : i32
          %dma_start3A_177 = tpu.memref_slice %arg2[%dma_start3A_175, %dma_start3A_176] : memref<10000x128xf32, #tpu.memory_space<hbm>> -> memref<10000x128xf32, #tpu.memory_space<hbm>>
          tpu.enqueue_indirect_dma source(%dma_start3A_177 : memref<10000x128xf32, #tpu.memory_space<hbm>>) target(%arg11 : memref<128x128xf32, #tpu.memory_space<vmem>>) offsets(%dma_start3A_174 : memref<128xi32, #tpu.memory_space<vmem>>) semaphore(%arg13 : memref<!tpu.dma_semaphore, #tpu.memory_space<semaphore_mem>>)
        } else {
        }
        %add3A_159 = arith.constant 1 : i32
        %add3A_160 = arith.addi %mul3A_140, %add3A_159 : i32
        %dma_wait3A_161 = arith.constant 0 : i32
        %dma_wait3A_162 = tpu.memref_slice %arg9[%add3A_160, %dma_wait3A_161] : memref<14x128xi32, #tpu.memory_space<vmem>> -> memref<1x128xi32, #tpu.memory_space<vmem>>
        %dma_wait3A_163 = tpu.memref_squeeze %dma_wait3A_162 : memref<1x128xi32, #tpu.memory_space<vmem>> -> memref<128xi32, #tpu.memory_space<vmem>>
        %dma_wait3A_164 = arith.constant 0 : i32
        %dma_wait3A_165 = arith.constant 0 : i32
        %dma_wait3A_166 = tpu.memref_slice %arg2[%dma_wait3A_164, %dma_wait3A_165] : memref<10000x128xf32, #tpu.memory_space<hbm>> -> memref<10000x128xf32, #tpu.memory_space<hbm>>
        tpu.wait_indirect_dma semaphore(%arg14 : memref<!tpu.dma_semaphore, #tpu.memory_space<semaphore_mem>>) src(%dma_wait3A_166 : memref<10000x128xf32, #tpu.memory_space<hbm>>) dst(%arg12 : memref<128x128xf32, #tpu.memory_space<vmem>>)
        %add3A_167 = arith.constant 1 : i32
        %add3A_168 = arith.addi %mul3A_140, %add3A_167 : i32
        "tpu.region"() ({
          %run_scoped3A = tpu.sem_alloc : memref<!tpu.dma_semaphore, #tpu.memory_space<semaphore_mem>>
          %dma_start3A_170 = arith.constant 0 : i32
          %dma_start3A_171 = tpu.memref_slice %arg10[%add3A_168, %dma_start3A_170] : memref<14x128xi32, #tpu.memory_space<vmem>> -> memref<1x128xi32, #tpu.memory_space<vmem>>
          %dma_start3A_172 = tpu.memref_squeeze %dma_start3A_171 : memref<1x128xi32, #tpu.memory_space<vmem>> -> memref<128xi32, #tpu.memory_space<vmem>>
          %dma_start3A_173 = arith.constant 0 : i32
          %dma_start3A_174 = arith.constant 0 : i32
          %dma_start3A_175 = tpu.memref_slice %arg6[%dma_start3A_173, %dma_start3A_174] : memref<10240x128xf32, #tpu.memory_space<vmem_shared>> -> memref<10240x128xf32, #tpu.memory_space<vmem_shared>>
          tpu.enqueue_indirect_dma source(%arg12 : memref<128x128xf32, #tpu.memory_space<vmem>>) target(%dma_start3A_175 : memref<10240x128xf32, #tpu.memory_space<vmem_shared>>) offsets(%dma_start3A_172 : memref<128xi32, #tpu.memory_space<vmem>>) semaphore(%run_scoped3A : memref<!tpu.dma_semaphore, #tpu.memory_space<semaphore_mem>>) {add = true}
          %dma_wait3A_176 = arith.constant 0 : i32
          %dma_wait3A_177 = tpu.memref_slice %arg10[%add3A_168, %dma_wait3A_176] : memref<14x128xi32, #tpu.memory_space<vmem>> -> memref<1x128xi32, #tpu.memory_space<vmem>>
          %dma_wait3A_178 = tpu.memref_squeeze %dma_wait3A_177 : memref<1x128xi32, #tpu.memory_space<vmem>> -> memref<128xi32, #tpu.memory_space<vmem>>
          %dma_wait3A_179 = arith.constant 0 : i32
          %dma_wait3A_180 = arith.constant 0 : i32
          %dma_wait3A_181 = tpu.memref_slice %arg6[%dma_wait3A_179, %dma_wait3A_180] : memref<10240x128xf32, #tpu.memory_space<vmem_shared>> -> memref<10240x128xf32, #tpu.memory_space<vmem_shared>>
          tpu.wait_indirect_dma semaphore(%run_scoped3A : memref<!tpu.dma_semaphore, #tpu.memory_space<semaphore_mem>>) src(%arg12 : memref<128x128xf32, #tpu.memory_space<vmem>>) dst(%dma_wait3A_181 : memref<10240x128xf32, #tpu.memory_space<vmem_shared>>)
          tpu.yield
        }) : () -> ()
        %scan3A_169 = arith.constant 0 : i32
        scf.yield %scan3A_169 : i32
      }
      %scan3A_125 = arith.constant 7 : i32
      %lt3A_126 = arith.constant 2 : i32
      %lt3A_127 = arith.cmpi slt, %scan3A_76, %lt3A_126 : i32
      %convert_element_type3A_128 = arith.extui %lt3A_127 : i1 to i32
      %cond3A_129 = arith.constant 0 : i32
      %cond3A_130 = arith.cmpi ne, %convert_element_type3A_128, %cond3A_129 : i32
      scf.if %cond3A_130 {
        %mul3A_137 = arith.constant 2 : i32
        %mul3A_138 = arith.muli %mul3A_137, %scan3A_76 : i32
        %add3A = arith.constant 3 : i32
        %add3A_139 = arith.addi %mul3A_138, %add3A : i32
        %dma_start3A_140 = arith.constant 0 : i32
        %dma_start3A_141 = arith.constant 0 : i32
        %dma_start3A_142 = tpu.memref_slice %arg3[%arg0, %arg1, %add3A_139, %dma_start3A_140, %dma_start3A_141] : memref<2x16x6x14x128xi32, #tpu.memory_space<hbm>> -> memref<1x1x1x14x128xi32, #tpu.memory_space<hbm>>
        %dma_start3A_143 = tpu.memref_squeeze %dma_start3A_142 : memref<1x1x1x14x128xi32, #tpu.memory_space<hbm>> -> memref<14x128xi32, #tpu.memory_space<hbm>>
        %dma_start3A_144 = arith.constant 0 : i32
        %dma_start3A_145 = arith.constant 0 : i32
        %dma_start3A_146 = tpu.memref_slice %arg3[%arg0, %arg1, %add3A_139, %dma_start3A_144, %dma_start3A_145] : memref<2x16x6x14x128xi32, #tpu.memory_space<hbm>> -> memref<1x1x1x14x128xi32, #tpu.memory_space<hbm>>
        %dma_start3A_147 = tpu.memref_squeeze %dma_start3A_146 : memref<1x1x1x14x128xi32, #tpu.memory_space<hbm>> -> memref<14x128xi32, #tpu.memory_space<hbm>>
        tpu.enqueue_dma source(%dma_start3A_147 : memref<14x128xi32, #tpu.memory_space<hbm>>) target(%arg9 : memref<14x128xi32, #tpu.memory_space<vmem>>) target_semaphore(%arg18 : memref<!tpu.dma_semaphore, #tpu.memory_space<semaphore_mem>>)
        %dma_start3A_148 = arith.constant 0 : i32
        %dma_start3A_149 = arith.constant 0 : i32
        %dma_start3A_150 = tpu.memref_slice %arg4[%arg0, %arg1, %add3A_139, %dma_start3A_148, %dma_start3A_149] : memref<2x16x6x14x128xi32, #tpu.memory_space<hbm>> -> memref<1x1x1x14x128xi32, #tpu.memory_space<hbm>>
        %dma_start3A_151 = tpu.memref_squeeze %dma_start3A_150 : memref<1x1x1x14x128xi32, #tpu.memory_space<hbm>> -> memref<14x128xi32, #tpu.memory_space<hbm>>
        %dma_start3A_152 = arith.constant 0 : i32
        %dma_start3A_153 = arith.constant 0 : i32
        %dma_start3A_154 = tpu.memref_slice %arg4[%arg0, %arg1, %add3A_139, %dma_start3A_152, %dma_start3A_153] : memref<2x16x6x14x128xi32, #tpu.memory_space<hbm>> -> memref<1x1x1x14x128xi32, #tpu.memory_space<hbm>>
        %dma_start3A_155 = tpu.memref_squeeze %dma_start3A_154 : memref<1x1x1x14x128xi32, #tpu.memory_space<hbm>> -> memref<14x128xi32, #tpu.memory_space<hbm>>
        tpu.enqueue_dma source(%dma_start3A_155 : memref<14x128xi32, #tpu.memory_space<hbm>>) target(%arg10 : memref<14x128xi32, #tpu.memory_space<vmem>>) target_semaphore(%arg18 : memref<!tpu.dma_semaphore, #tpu.memory_space<semaphore_mem>>)
      } else {
      }
      %lt3A_131 = arith.constant 2 : i32
      %lt3A_132 = arith.cmpi slt, %scan3A_76, %lt3A_131 : i32
      %convert_element_type3A_133 = arith.extui %lt3A_132 : i1 to i32
      %cond3A_134 = arith.constant 0 : i32
      %cond3A_135 = arith.cmpi ne, %convert_element_type3A_133, %cond3A_134 : i32
      scf.if %cond3A_135 {
        %dma_wait3A_137 = arith.constant 0 : i32
        %dma_wait3A_138 = arith.constant 0 : i32
        %dma_wait3A_139 = arith.constant 0 : i32
        %dma_wait3A_140 = tpu.memref_slice %arg3[%arg0, %arg1, %dma_wait3A_137, %dma_wait3A_138, %dma_wait3A_139] : memref<2x16x6x14x128xi32, #tpu.memory_space<hbm>> -> memref<1x1x1x14x128xi32, #tpu.memory_space<hbm>>
        %dma_wait3A_141 = tpu.memref_squeeze %dma_wait3A_140 : memref<1x1x1x14x128xi32, #tpu.memory_space<hbm>> -> memref<14x128xi32, #tpu.memory_space<hbm>>
        %dma_wait3A_142 = arith.constant 0 : i32
        %dma_wait3A_143 = arith.constant 0 : i32
        %dma_wait3A_144 = tpu.memref_slice %arg3[%arg0, %arg1, %dma_wait3A_137, %dma_wait3A_142, %dma_wait3A_143] : memref<2x16x6x14x128xi32, #tpu.memory_space<hbm>> -> memref<1x1x1x14x128xi32, #tpu.memory_space<hbm>>
        %dma_wait3A_145 = tpu.memref_squeeze %dma_wait3A_144 : memref<1x1x1x14x128xi32, #tpu.memory_space<hbm>> -> memref<14x128xi32, #tpu.memory_space<hbm>>
        tpu.wait_dma2 semaphore(%arg17 : memref<!tpu.dma_semaphore, #tpu.memory_space<semaphore_mem>>) src(%dma_wait3A_145 : memref<14x128xi32, #tpu.memory_space<hbm>>) dst(%arg7 : memref<14x128xi32, #tpu.memory_space<vmem>>)
        %dma_wait3A_146 = arith.constant 0 : i32
        %dma_wait3A_147 = arith.constant 0 : i32
        %dma_wait3A_148 = arith.constant 0 : i32
        %dma_wait3A_149 = tpu.memref_slice %arg4[%arg0, %arg1, %dma_wait3A_146, %dma_wait3A_147, %dma_wait3A_148] : memref<2x16x6x14x128xi32, #tpu.memory_space<hbm>> -> memref<1x1x1x14x128xi32, #tpu.memory_space<hbm>>
        %dma_wait3A_150 = tpu.memref_squeeze %dma_wait3A_149 : memref<1x1x1x14x128xi32, #tpu.memory_space<hbm>> -> memref<14x128xi32, #tpu.memory_space<hbm>>
        %dma_wait3A_151 = arith.constant 0 : i32
        %dma_wait3A_152 = arith.constant 0 : i32
        %dma_wait3A_153 = tpu.memref_slice %arg4[%arg0, %arg1, %dma_wait3A_146, %dma_wait3A_151, %dma_wait3A_152] : memref<2x16x6x14x128xi32, #tpu.memory_space<hbm>> -> memref<1x1x1x14x128xi32, #tpu.memory_space<hbm>>
        %dma_wait3A_154 = tpu.memref_squeeze %dma_wait3A_153 : memref<1x1x1x14x128xi32, #tpu.memory_space<hbm>> -> memref<14x128xi32, #tpu.memory_space<hbm>>
        tpu.wait_dma2 semaphore(%arg17 : memref<!tpu.dma_semaphore, #tpu.memory_space<semaphore_mem>>) src(%dma_wait3A_154 : memref<14x128xi32, #tpu.memory_space<hbm>>) dst(%arg8 : memref<14x128xi32, #tpu.memory_space<vmem>>)
      } else {
      }
      %scan3A_136 = arith.constant 0 : i32
      scf.yield %scan3A_136 : i32
    }
    %scan3A_71 = arith.constant 3 : i32
    %barrier3A_72 = arith.constant 0 : index
    tpu.barrier barrier_id(%barrier3A_72)
    %mul3A = arith.constant 640 : i32
    %mul3A_73 = arith.muli %arg1, %mul3A : i32
    %mul3A_74 = arith.constant 640 : i32
    %mul3A_75 = arith.muli %arg1, %mul3A_74 : i32
    "tpu.region"() ({
      %run_scoped3A = tpu.sem_alloc : memref<!tpu.dma_semaphore, #tpu.memory_space<semaphore_mem>>
      %dma_start3A_76 = arith.constant 0 : i32
      %dma_start3A_77 = tpu.memref_slice %arg5[%arg0, %mul3A_75, %dma_start3A_76] : memref<2x10240x128xf32, #tpu.memory_space<hbm>> -> memref<1x640x128xf32, #tpu.memory_space<hbm>>
      %dma_start3A_78 = tpu.memref_squeeze %dma_start3A_77 : memref<1x640x128xf32, #tpu.memory_space<hbm>> -> memref<640x128xf32, #tpu.memory_space<hbm>>
      %dma_start3A_79 = arith.constant 0 : i32
      %dma_start3A_80 = tpu.memref_slice %arg6[%mul3A_73, %dma_start3A_79] : memref<10240x128xf32, #tpu.memory_space<vmem_shared>> -> memref<640x128xf32, #tpu.memory_space<vmem_shared>>
      tpu.enqueue_dma source(%dma_start3A_80 : memref<640x128xf32, #tpu.memory_space<vmem_shared>>) target(%dma_start3A_78 : memref<640x128xf32, #tpu.memory_space<hbm>>) target_semaphore(%run_scoped3A : memref<!tpu.dma_semaphore, #tpu.memory_space<semaphore_mem>>)
      %dma_wait3A_81 = arith.constant 0 : i32
      %dma_wait3A_82 = tpu.memref_slice %arg5[%arg0, %mul3A_75, %dma_wait3A_81] : memref<2x10240x128xf32, #tpu.memory_space<hbm>> -> memref<1x640x128xf32, #tpu.memory_space<hbm>>
      %dma_wait3A_83 = tpu.memref_squeeze %dma_wait3A_82 : memref<1x640x128xf32, #tpu.memory_space<hbm>> -> memref<640x128xf32, #tpu.memory_space<hbm>>
      %dma_wait3A_84 = arith.constant 0 : i32
      %dma_wait3A_85 = tpu.memref_slice %arg6[%mul3A_73, %dma_wait3A_84] : memref<10240x128xf32, #tpu.memory_space<vmem_shared>> -> memref<640x128xf32, #tpu.memory_space<vmem_shared>>
      tpu.wait_dma2 semaphore(%run_scoped3A : memref<!tpu.dma_semaphore, #tpu.memory_space<semaphore_mem>>) src(%dma_wait3A_85 : memref<640x128xf32, #tpu.memory_space<vmem_shared>>) dst(%dma_wait3A_83 : memref<640x128xf32, #tpu.memory_space<hbm>>)
      tpu.yield
    }) : () -> ()
    return
  }
}

#map = affine_map<(d0, d1) -> (0, 0)>
#map1 = affine_map<(d0, d1) -> (0, 0, 0, 0, 0)>
#map2 = affine_map<(d0, d1) -> (0, 0, 0)>
module attributes {stable_mosaic.version = 14 : i64} {
  func.func @edge_pass(%arg0: i32, %arg1: i32, %arg2: memref<10000x128xf32, #tpu.memory_space<hbm>>, %arg3: memref<2x16x6x14x128xi32, #tpu.memory_space<hbm>>, %arg4: memref<2x16x6x14x128xi32, #tpu.memory_space<hbm>>, %arg5: memref<2x10240x128xf32, #tpu.memory_space<hbm>>, %arg6: memref<10240x128xf32, #tpu.memory_space<vmem_shared>>, %arg7: memref<14x128xi32, #tpu.memory_space<vmem>>, %arg8: memref<14x128xi32, #tpu.memory_space<vmem>>, %arg9: memref<14x128xi32, #tpu.memory_space<vmem>>, %arg10: memref<14x128xi32, #tpu.memory_space<vmem>>, %arg11: memref<128x128xf32, #tpu.memory_space<vmem>>, %arg12: memref<128x128xf32, #tpu.memory_space<vmem>>, %arg13: memref<!tpu.dma_semaphore, #tpu.memory_space<semaphore_mem>>, %arg14: memref<!tpu.dma_semaphore, #tpu.memory_space<semaphore_mem>>, %arg15: memref<!tpu.dma_semaphore, #tpu.memory_space<semaphore_mem>>, %arg16: memref<!tpu.dma_semaphore, #tpu.memory_space<semaphore_mem>>, %arg17: memref<!tpu.dma_semaphore, #tpu.memory_space<semaphore_mem>>, %arg18: memref<!tpu.dma_semaphore, #tpu.memory_space<semaphore_mem>>) attributes {dimension_semantics = [#tpu.dimension_semantics<core_parallel>, #tpu.dimension_semantics<subcore_parallel>], iteration_bounds = array<i64: 2, 16>, scalar_prefetch = 0 : i64, scratch_operands = 13 : i64, tpu.core_type = #tpu.core_type<sc_vector_subcore>, window_params = [{transform_indices = #map}, {transform_indices = #map1}, {transform_indices = #map1}, {transform_indices = #map2}]} {
    %dma_start3A = arith.constant 0 : i32
    %dma_start3A_0 = arith.constant 0 : i32
    %dma_start3A_1 = arith.constant 0 : i32
    %dma_start3A_2 = tpu.memref_slice %arg3[%arg0, %arg1, %dma_start3A, %dma_start3A_0, %dma_start3A_1] : memref<2x16x6x14x128xi32, #tpu.memory_space<hbm>> -> memref<1x1x1x14x128xi32, #tpu.memory_space<hbm>>
    %dma_start3A_3 = tpu.memref_squeeze %dma_start3A_2 : memref<1x1x1x14x128xi32, #tpu.memory_space<hbm>> -> memref<14x128xi32, #tpu.memory_space<hbm>>
    %dma_start3A_4 = arith.constant 0 : i32
    %dma_start3A_5 = arith.constant 0 : i32
    %dma_start3A_6 = tpu.memref_slice %arg3[%arg0, %arg1, %dma_start3A, %dma_start3A_4, %dma_start3A_5] : memref<2x16x6x14x128xi32, #tpu.memory_space<hbm>> -> memref<1x1x1x14x128xi32, #tpu.memory_space<hbm>>
    %dma_start3A_7 = tpu.memref_squeeze %dma_start3A_6 : memref<1x1x1x14x128xi32, #tpu.memory_space<hbm>> -> memref<14x128xi32, #tpu.memory_space<hbm>>
    tpu.enqueue_dma source(%dma_start3A_7 : memref<14x128xi32, #tpu.memory_space<hbm>>) target(%arg7 : memref<14x128xi32, #tpu.memory_space<vmem>>) target_semaphore(%arg17 : memref<!tpu.dma_semaphore, #tpu.memory_space<semaphore_mem>>)
    %dma_start3A_8 = arith.constant 0 : i32
    %dma_start3A_9 = arith.constant 0 : i32
    %dma_start3A_10 = arith.constant 0 : i32
    %dma_start3A_11 = tpu.memref_slice %arg4[%arg0, %arg1, %dma_start3A_8, %dma_start3A_9, %dma_start3A_10] : memref<2x16x6x14x128xi32, #tpu.memory_space<hbm>> -> memref<1x1x1x14x128xi32, #tpu.memory_space<hbm>>
    %dma_start3A_12 = tpu.memref_squeeze %dma_start3A_11 : memref<1x1x1x14x128xi32, #tpu.memory_space<hbm>> -> memref<14x128xi32, #tpu.memory_space<hbm>>
    %dma_start3A_13 = arith.constant 0 : i32
    %dma_start3A_14 = arith.constant 0 : i32
    %dma_start3A_15 = tpu.memref_slice %arg4[%arg0, %arg1, %dma_start3A_8, %dma_start3A_13, %dma_start3A_14] : memref<2x16x6x14x128xi32, #tpu.memory_space<hbm>> -> memref<1x1x1x14x128xi32, #tpu.memory_space<hbm>>
    %dma_start3A_16 = tpu.memref_squeeze %dma_start3A_15 : memref<1x1x1x14x128xi32, #tpu.memory_space<hbm>> -> memref<14x128xi32, #tpu.memory_space<hbm>>
    tpu.enqueue_dma source(%dma_start3A_16 : memref<14x128xi32, #tpu.memory_space<hbm>>) target(%arg8 : memref<14x128xi32, #tpu.memory_space<vmem>>) target_semaphore(%arg17 : memref<!tpu.dma_semaphore, #tpu.memory_space<semaphore_mem>>)
    %dma_start3A_17 = arith.constant 1 : i32
    %dma_start3A_18 = arith.constant 0 : i32
    %dma_start3A_19 = arith.constant 0 : i32
    %dma_start3A_20 = tpu.memref_slice %arg3[%arg0, %arg1, %dma_start3A_17, %dma_start3A_18, %dma_start3A_19] : memref<2x16x6x14x128xi32, #tpu.memory_space<hbm>> -> memref<1x1x1x14x128xi32, #tpu.memory_space<hbm>>
    %dma_start3A_21 = tpu.memref_squeeze %dma_start3A_20 : memref<1x1x1x14x128xi32, #tpu.memory_space<hbm>> -> memref<14x128xi32, #tpu.memory_space<hbm>>
    %dma_start3A_22 = arith.constant 0 : i32
    %dma_start3A_23 = arith.constant 0 : i32
    %dma_start3A_24 = tpu.memref_slice %arg3[%arg0, %arg1, %dma_start3A_17, %dma_start3A_22, %dma_start3A_23] : memref<2x16x6x14x128xi32, #tpu.memory_space<hbm>> -> memref<1x1x1x14x128xi32, #tpu.memory_space<hbm>>
    %dma_start3A_25 = tpu.memref_squeeze %dma_start3A_24 : memref<1x1x1x14x128xi32, #tpu.memory_space<hbm>> -> memref<14x128xi32, #tpu.memory_space<hbm>>
    tpu.enqueue_dma source(%dma_start3A_25 : memref<14x128xi32, #tpu.memory_space<hbm>>) target(%arg9 : memref<14x128xi32, #tpu.memory_space<vmem>>) target_semaphore(%arg18 : memref<!tpu.dma_semaphore, #tpu.memory_space<semaphore_mem>>)
    %dma_start3A_26 = arith.constant 1 : i32
    %dma_start3A_27 = arith.constant 0 : i32
    %dma_start3A_28 = arith.constant 0 : i32
    %dma_start3A_29 = tpu.memref_slice %arg4[%arg0, %arg1, %dma_start3A_26, %dma_start3A_27, %dma_start3A_28] : memref<2x16x6x14x128xi32, #tpu.memory_space<hbm>> -> memref<1x1x1x14x128xi32, #tpu.memory_space<hbm>>
    %dma_start3A_30 = tpu.memref_squeeze %dma_start3A_29 : memref<1x1x1x14x128xi32, #tpu.memory_space<hbm>> -> memref<14x128xi32, #tpu.memory_space<hbm>>
    %dma_start3A_31 = arith.constant 0 : i32
    %dma_start3A_32 = arith.constant 0 : i32
    %dma_start3A_33 = tpu.memref_slice %arg4[%arg0, %arg1, %dma_start3A_26, %dma_start3A_31, %dma_start3A_32] : memref<2x16x6x14x128xi32, #tpu.memory_space<hbm>> -> memref<1x1x1x14x128xi32, #tpu.memory_space<hbm>>
    %dma_start3A_34 = tpu.memref_squeeze %dma_start3A_33 : memref<1x1x1x14x128xi32, #tpu.memory_space<hbm>> -> memref<14x128xi32, #tpu.memory_space<hbm>>
    tpu.enqueue_dma source(%dma_start3A_34 : memref<14x128xi32, #tpu.memory_space<hbm>>) target(%arg10 : memref<14x128xi32, #tpu.memory_space<vmem>>) target_semaphore(%arg18 : memref<!tpu.dma_semaphore, #tpu.memory_space<semaphore_mem>>)
    %scan3A = arith.constant 0 : i32
    %scan3A_35 = arith.constant 0 : i32
    %scan3A_36 = arith.constant 1024 : i32
    %scan3A_37 = arith.addi %scan3A_35, %scan3A_36 : i32
    %scan3A_38 = arith.constant 1 : i32
    %scan3A_39 = scf.for %scan3A_76 = %scan3A_35 to %scan3A_37 step %scan3A_38 iter_args(%scan3A_77 = %scan3A) -> (i32)  : i32 {
      %broadcast_in_dim3A = arith.constant 0.000000e+00 : f32
      %broadcast_in_dim3A_78 = vector.broadcast %broadcast_in_dim3A : f32 to vector<16xf32>
      %jit3A = arith.constant 8 : i32
      %div3A = arith.divsi %scan3A_76, %jit3A : i32
      %sign3A = arith.constant 0 : i32
      %sign3A_79 = arith.cmpi sgt, %scan3A_76, %sign3A : i32
      %sign3A_80 = arith.extui %sign3A_79 : i1 to i32
      %sign3A_81 = arith.constant 0 : i32
      %sign3A_82 = arith.cmpi slt, %scan3A_76, %sign3A_81 : i32
      %sign3A_83 = arith.extui %sign3A_82 : i1 to i32
      %sign3A_84 = arith.subi %sign3A_80, %sign3A_83 : i32
      %sign3A_85 = arith.constant 0 : i32
      %sign3A_86 = arith.cmpi sgt, %jit3A, %sign3A_85 : i32
      %sign3A_87 = arith.extui %sign3A_86 : i1 to i32
      %sign3A_88 = arith.constant 0 : i32
      %sign3A_89 = arith.cmpi slt, %jit3A, %sign3A_88 : i32
      %sign3A_90 = arith.extui %sign3A_89 : i1 to i32
      %sign3A_91 = arith.subi %sign3A_87, %sign3A_90 : i32
      %ne3A = arith.cmpi ne, %sign3A_84, %sign3A_91 : i32
      %rem3A = arith.remsi %scan3A_76, %jit3A : i32
      %ne3A_92 = arith.constant 0 : i32
      %ne3A_93 = arith.cmpi ne, %rem3A, %ne3A_92 : i32
      %and3A = arith.andi %ne3A, %ne3A_93 : i1
      %sub3A = arith.constant 1 : i32
      %sub3A_94 = arith.subi %div3A, %sub3A : i32
      %select_n3A = arith.select %and3A, %sub3A_94, %div3A : i32
      %jit3A_95 = arith.constant 8 : i32
      %eq3A = arith.constant 0 : i32
      %eq3A_96 = arith.cmpi eq, %jit3A_95, %eq3A : i32
      %jit3A_97 = arith.constant 1 : i32
      %select_n3A_98 = arith.select %eq3A_96, %jit3A_97, %jit3A_95 : i32
      %rem3A_99 = arith.remsi %scan3A_76, %select_n3A_98 : i32
      %ne3A_100 = arith.constant 0 : i32
      %ne3A_101 = arith.cmpi ne, %rem3A_99, %ne3A_100 : i32
      %lt3A = arith.constant 0 : i32
      %lt3A_102 = arith.cmpi slt, %rem3A_99, %lt3A : i32
      %lt3A_103 = arith.constant 0 : i32
      %lt3A_104 = arith.cmpi slt, %select_n3A_98, %lt3A_103 : i32
      %ne3A_105 = arith.xori %lt3A_102, %lt3A_104 : i1
      %and3A_106 = arith.andi %ne3A_105, %ne3A_101 : i1
      %add3A = arith.addi %rem3A_99, %select_n3A_98 : i32
      %select_n3A_107 = arith.select %and3A_106, %add3A, %rem3A_99 : i32
      %mul3A_108 = arith.constant 16 : i32
      %mul3A_109 = arith.muli %select_n3A_107, %mul3A_108 : i32
      %swap3A = arith.index_cast %select_n3A : i32 to index
      %swap3A_110 = arith.index_cast %mul3A_109 : i32 to index
      %swap3A_111 = tpu.vector_load %arg11[%swap3A, %swap3A_110] {strides = array<i32>} : memref<128x128xf32, #tpu.memory_space<vmem>>, vector<1x16xf32>,
      %swap3A_112 = vector.shape_cast %swap3A_111 : vector<1x16xf32> to vector<16xf32>
      %swap3A_113 = vector.shape_cast %broadcast_in_dim3A_78 : vector<16xf32> to vector<1x16xf32>
      tpu.vector_store %arg11[%swap3A, %swap3A_110], %swap3A_113 {strides = array<i32>} : memref<128x128xf32, #tpu.memory_space<vmem>>, vector<1x16xf32>,
      %scan3A_114 = arith.constant 0 : i32
      scf.yield %scan3A_114 : i32
    }
    %scan3A_40 = arith.constant 1024 : i32
    %scan3A_41 = arith.constant 0 : i32
    %scan3A_42 = arith.constant 0 : i32
    %scan3A_43 = arith.constant 5 : i32
    %scan3A_44 = arith.addi %scan3A_42, %scan3A_43 : i32
    %scan3A_45 = arith.constant 1 : i32
    %scan3A_46 = scf.for %scan3A_76 = %scan3A_42 to %scan3A_44 step %scan3A_45 iter_args(%scan3A_77 = %scan3A_41) -> (i32)  : i32 {
      %mul3A_78 = arith.constant 640 : i32
      %mul3A_79 = arith.muli %arg1, %mul3A_78 : i32
      %mul3A_80 = arith.constant 128 : i32
      %mul3A_81 = arith.muli %scan3A_76, %mul3A_80 : i32
      %add3A = arith.addi %mul3A_79, %mul3A_81 : i32
      "tpu.region"() ({
        %run_scoped3A = tpu.sem_alloc : memref<!tpu.dma_semaphore, #tpu.memory_space<semaphore_mem>>
        %dma_start3A_83 = arith.constant 0 : i32
        %dma_start3A_84 = tpu.memref_slice %arg6[%add3A, %dma_start3A_83] : memref<10240x128xf32, #tpu.memory_space<vmem_shared>> -> memref<128x128xf32, #tpu.memory_space<vmem_shared>>
        %dma_start3A_85 = arith.constant 0 : i32
        %dma_start3A_86 = tpu.memref_slice %arg6[%add3A, %dma_start3A_85] : memref<10240x128xf32, #tpu.memory_space<vmem_shared>> -> memref<128x128xf32, #tpu.memory_space<vmem_shared>>
        tpu.enqueue_dma source(%arg11 : memref<128x128xf32, #tpu.memory_space<vmem>>) target(%dma_start3A_86 : memref<128x128xf32, #tpu.memory_space<vmem_shared>>) target_semaphore(%run_scoped3A : memref<!tpu.dma_semaphore, #tpu.memory_space<semaphore_mem>>)
        %dma_wait3A_87 = arith.constant 0 : i32
        %dma_wait3A_88 = tpu.memref_slice %arg6[%add3A, %dma_wait3A_87] : memref<10240x128xf32, #tpu.memory_space<vmem_shared>> -> memref<128x128xf32, #tpu.memory_space<vmem_shared>>
        %dma_wait3A_89 = arith.constant 0 : i32
        %dma_wait3A_90 = tpu.memref_slice %arg6[%add3A, %dma_wait3A_89] : memref<10240x128xf32, #tpu.memory_space<vmem_shared>> -> memref<128x128xf32, #tpu.memory_space<vmem_shared>>
        tpu.wait_dma2 semaphore(%run_scoped3A : memref<!tpu.dma_semaphore, #tpu.memory_space<semaphore_mem>>) src(%arg11 : memref<128x128xf32, #tpu.memory_space<vmem>>) dst(%dma_wait3A_90 : memref<128x128xf32, #tpu.memory_space<vmem_shared>>)
        tpu.yield
      }) : () -> ()
      %scan3A_82 = arith.constant 0 : i32
      scf.yield %scan3A_82 : i32
    }
    %scan3A_47 = arith.constant 5 : i32
    %barrier3A = arith.constant 0 : index
    tpu.barrier barrier_id(%barrier3A)
    %dma_wait3A = arith.constant 0 : i32
    %dma_wait3A_48 = arith.constant 0 : i32
    %dma_wait3A_49 = arith.constant 0 : i32
    %dma_wait3A_50 = tpu.memref_slice %arg3[%arg0, %arg1, %dma_wait3A, %dma_wait3A_48, %dma_wait3A_49] : memref<2x16x6x14x128xi32, #tpu.memory_space<hbm>> -> memref<1x1x1x14x128xi32, #tpu.memory_space<hbm>>
    %dma_wait3A_51 = tpu.memref_squeeze %dma_wait3A_50 : memref<1x1x1x14x128xi32, #tpu.memory_space<hbm>> -> memref<14x128xi32, #tpu.memory_space<hbm>>
    %dma_wait3A_52 = arith.constant 0 : i32
    %dma_wait3A_53 = arith.constant 0 : i32
    %dma_wait3A_54 = tpu.memref_slice %arg3[%arg0, %arg1, %dma_wait3A, %dma_wait3A_52, %dma_wait3A_53] : memref<2x16x6x14x128xi32, #tpu.memory_space<hbm>> -> memref<1x1x1x14x128xi32, #tpu.memory_space<hbm>>
    %dma_wait3A_55 = tpu.memref_squeeze %dma_wait3A_54 : memref<1x1x1x14x128xi32, #tpu.memory_space<hbm>> -> memref<14x128xi32, #tpu.memory_space<hbm>>
    tpu.wait_dma2 semaphore(%arg17 : memref<!tpu.dma_semaphore, #tpu.memory_space<semaphore_mem>>) src(%dma_wait3A_55 : memref<14x128xi32, #tpu.memory_space<hbm>>) dst(%arg7 : memref<14x128xi32, #tpu.memory_space<vmem>>)
    %dma_wait3A_56 = arith.constant 0 : i32
    %dma_wait3A_57 = arith.constant 0 : i32
    %dma_wait3A_58 = arith.constant 0 : i32
    %dma_wait3A_59 = tpu.memref_slice %arg4[%arg0, %arg1, %dma_wait3A_56, %dma_wait3A_57, %dma_wait3A_58] : memref<2x16x6x14x128xi32, #tpu.memory_space<hbm>> -> memref<1x1x1x14x128xi32, #tpu.memory_space<hbm>>
    %dma_wait3A_60 = tpu.memref_squeeze %dma_wait3A_59 : memref<1x1x1x14x128xi32, #tpu.memory_space<hbm>> -> memref<14x128xi32, #tpu.memory_space<hbm>>
    %dma_wait3A_61 = arith.constant 0 : i32
    %dma_wait3A_62 = arith.constant 0 : i32
    %dma_wait3A_63 = tpu.memref_slice %arg4[%arg0, %arg1, %dma_wait3A_56, %dma_wait3A_61, %dma_wait3A_62] : memref<2x16x6x14x128xi32, #tpu.memory_space<hbm>> -> memref<1x1x1x14x128xi32, #tpu.memory_space<hbm>>
    %dma_wait3A_64 = tpu.memref_squeeze %dma_wait3A_63 : memref<1x1x1x14x128xi32, #tpu.memory_space<hbm>> -> memref<14x128xi32, #tpu.memory_space<hbm>>
    tpu.wait_dma2 semaphore(%arg17 : memref<!tpu.dma_semaphore, #tpu.memory_space<semaphore_mem>>) src(%dma_wait3A_64 : memref<14x128xi32, #tpu.memory_space<hbm>>) dst(%arg8 : memref<14x128xi32, #tpu.memory_space<vmem>>)
    %scan3A_65 = arith.constant 0 : i32
    %scan3A_66 = arith.constant 0 : i32
    %scan3A_67 = arith.constant 3 : i32
    %scan3A_68 = arith.addi %scan3A_66, %scan3A_67 : i32
    %scan3A_69 = arith.constant 1 : i32
    %scan3A_70 = scf.for %scan3A_76 = %scan3A_66 to %scan3A_68 step %scan3A_69 iter_args(%scan3A_77 = %scan3A_65) -> (i32)  : i32 {
      %dma_start3A_78 = arith.constant 0 : i32
      %dma_start3A_79 = arith.constant 0 : i32
      %dma_start3A_80 = tpu.memref_slice %arg7[%dma_start3A_78, %dma_start3A_79] : memref<14x128xi32, #tpu.memory_space<vmem>> -> memref<1x128xi32, #tpu.memory_space<vmem>>
      %dma_start3A_81 = tpu.memref_squeeze %dma_start3A_80 : memref<1x128xi32, #tpu.memory_space<vmem>> -> memref<128xi32, #tpu.memory_space<vmem>>
      %dma_start3A_82 = arith.constant 0 : i32
      %dma_start3A_83 = arith.constant 0 : i32
      %dma_start3A_84 = tpu.memref_slice %arg2[%dma_start3A_82, %dma_start3A_83] : memref<10000x128xf32, #tpu.memory_space<hbm>> -> memref<10000x128xf32, #tpu.memory_space<hbm>>
      tpu.enqueue_indirect_dma source(%dma_start3A_84 : memref<10000x128xf32, #tpu.memory_space<hbm>>) target(%arg11 : memref<128x128xf32, #tpu.memory_space<vmem>>) offsets(%dma_start3A_81 : memref<128xi32, #tpu.memory_space<vmem>>) semaphore(%arg13 : memref<!tpu.dma_semaphore, #tpu.memory_space<semaphore_mem>>)
      %scan3A_85 = arith.constant 0 : i32
      %scan3A_86 = arith.constant 0 : i32
      %scan3A_87 = arith.constant 7 : i32
      %scan3A_88 = arith.addi %scan3A_86, %scan3A_87 : i32
      %scan3A_89 = arith.constant 1 : i32
      %scan3A_90 = scf.for %scan3A_137 = %scan3A_86 to %scan3A_88 step %scan3A_89 iter_args(%scan3A_138 = %scan3A_85) -> (i32)  : i32 {
        %mul3A_139 = arith.constant 2 : i32
        %mul3A_140 = arith.muli %scan3A_137, %mul3A_139 : i32
        %add3A = arith.constant 1 : i32
        %add3A_141 = arith.addi %mul3A_140, %add3A : i32
        %dma_start3A_142 = arith.constant 0 : i32
        %dma_start3A_143 = tpu.memref_slice %arg7[%add3A_141, %dma_start3A_142] : memref<14x128xi32, #tpu.memory_space<vmem>> -> memref<1x128xi32, #tpu.memory_space<vmem>>
        %dma_start3A_144 = tpu.memref_squeeze %dma_start3A_143 : memref<1x128xi32, #tpu.memory_space<vmem>> -> memref<128xi32, #tpu.memory_space<vmem>>
        %dma_start3A_145 = arith.constant 0 : i32
        %dma_start3A_146 = arith.constant 0 : i32
        %dma_start3A_147 = tpu.memref_slice %arg2[%dma_start3A_145, %dma_start3A_146] : memref<10000x128xf32, #tpu.memory_space<hbm>> -> memref<10000x128xf32, #tpu.memory_space<hbm>>
        tpu.enqueue_indirect_dma source(%dma_start3A_147 : memref<10000x128xf32, #tpu.memory_space<hbm>>) target(%arg12 : memref<128x128xf32, #tpu.memory_space<vmem>>) offsets(%dma_start3A_144 : memref<128xi32, #tpu.memory_space<vmem>>) semaphore(%arg14 : memref<!tpu.dma_semaphore, #tpu.memory_space<semaphore_mem>>)
        %dma_wait3A_148 = arith.constant 0 : i32
        %dma_wait3A_149 = tpu.memref_slice %arg7[%mul3A_140, %dma_wait3A_148] : memref<14x128xi32, #tpu.memory_space<vmem>> -> memref<1x128xi32, #tpu.memory_space<vmem>>
        %dma_wait3A_150 = tpu.memref_squeeze %dma_wait3A_149 : memref<1x128xi32, #tpu.memory_space<vmem>> -> memref<128xi32, #tpu.memory_space<vmem>>
        %dma_wait3A_151 = arith.constant 0 : i32
        %dma_wait3A_152 = arith.constant 0 : i32
        %dma_wait3A_153 = tpu.memref_slice %arg2[%dma_wait3A_151, %dma_wait3A_152] : memref<10000x128xf32, #tpu.memory_space<hbm>> -> memref<10000x128xf32, #tpu.memory_space<hbm>>
        tpu.wait_indirect_dma semaphore(%arg13 : memref<!tpu.dma_semaphore, #tpu.memory_space<semaphore_mem>>) src(%dma_wait3A_153 : memref<10000x128xf32, #tpu.memory_space<hbm>>) dst(%arg11 : memref<128x128xf32, #tpu.memory_space<vmem>>)
        "tpu.region"() ({
          %run_scoped3A = tpu.sem_alloc : memref<!tpu.dma_semaphore, #tpu.memory_space<semaphore_mem>>
          %dma_start3A_170 = arith.constant 0 : i32
          %dma_start3A_171 = tpu.memref_slice %arg8[%mul3A_140, %dma_start3A_170] : memref<14x128xi32, #tpu.memory_space<vmem>> -> memref<1x128xi32, #tpu.memory_space<vmem>>
          %dma_start3A_172 = tpu.memref_squeeze %dma_start3A_171 : memref<1x128xi32, #tpu.memory_space<vmem>> -> memref<128xi32, #tpu.memory_space<vmem>>
          %dma_start3A_173 = arith.constant 0 : i32
          %dma_start3A_174 = arith.constant 0 : i32
          %dma_start3A_175 = tpu.memref_slice %arg6[%dma_start3A_173, %dma_start3A_174] : memref<10240x128xf32, #tpu.memory_space<vmem_shared>> -> memref<10240x128xf32, #tpu.memory_space<vmem_shared>>
          tpu.enqueue_indirect_dma source(%arg11 : memref<128x128xf32, #tpu.memory_space<vmem>>) target(%dma_start3A_175 : memref<10240x128xf32, #tpu.memory_space<vmem_shared>>) offsets(%dma_start3A_172 : memref<128xi32, #tpu.memory_space<vmem>>) semaphore(%run_scoped3A : memref<!tpu.dma_semaphore, #tpu.memory_space<semaphore_mem>>) {add = true}
          %dma_wait3A_176 = arith.constant 0 : i32
          %dma_wait3A_177 = tpu.memref_slice %arg8[%mul3A_140, %dma_wait3A_176] : memref<14x128xi32, #tpu.memory_space<vmem>> -> memref<1x128xi32, #tpu.memory_space<vmem>>
          %dma_wait3A_178 = tpu.memref_squeeze %dma_wait3A_177 : memref<1x128xi32, #tpu.memory_space<vmem>> -> memref<128xi32, #tpu.memory_space<vmem>>
          %dma_wait3A_179 = arith.constant 0 : i32
          %dma_wait3A_180 = arith.constant 0 : i32
          %dma_wait3A_181 = tpu.memref_slice %arg6[%dma_wait3A_179, %dma_wait3A_180] : memref<10240x128xf32, #tpu.memory_space<vmem_shared>> -> memref<10240x128xf32, #tpu.memory_space<vmem_shared>>
          tpu.wait_indirect_dma semaphore(%run_scoped3A : memref<!tpu.dma_semaphore, #tpu.memory_space<semaphore_mem>>) src(%arg11 : memref<128x128xf32, #tpu.memory_space<vmem>>) dst(%dma_wait3A_181 : memref<10240x128xf32, #tpu.memory_space<vmem_shared>>)
          tpu.yield
        }) : () -> ()
        %lt3A_154 = arith.constant 6 : i32
        %lt3A_155 = arith.cmpi slt, %scan3A_137, %lt3A_154 : i32
        %convert_element_type3A_156 = arith.extui %lt3A_155 : i1 to i32
        %cond3A_157 = arith.constant 0 : i32
        %cond3A_158 = arith.cmpi ne, %convert_element_type3A_156, %cond3A_157 : i32
        scf.if %cond3A_158 {
          %add3A_170 = arith.constant 2 : i32
          %add3A_171 = arith.addi %mul3A_140, %add3A_170 : i32
          %dma_start3A_172 = arith.constant 0 : i32
          %dma_start3A_173 = tpu.memref_slice %arg7[%add3A_171, %dma_start3A_172] : memref<14x128xi32, #tpu.memory_space<vmem>> -> memref<1x128xi32, #tpu.memory_space<vmem>>
          %dma_start3A_174 = tpu.memref_squeeze %dma_start3A_173 : memref<1x128xi32, #tpu.memory_space<vmem>> -> memref<128xi32, #tpu.memory_space<vmem>>
          %dma_start3A_175 = arith.constant 0 : i32
          %dma_start3A_176 = arith.constant 0 : i32
          %dma_start3A_177 = tpu.memref_slice %arg2[%dma_start3A_175, %dma_start3A_176] : memref<10000x128xf32, #tpu.memory_space<hbm>> -> memref<10000x128xf32, #tpu.memory_space<hbm>>
          tpu.enqueue_indirect_dma source(%dma_start3A_177 : memref<10000x128xf32, #tpu.memory_space<hbm>>) target(%arg11 : memref<128x128xf32, #tpu.memory_space<vmem>>) offsets(%dma_start3A_174 : memref<128xi32, #tpu.memory_space<vmem>>) semaphore(%arg13 : memref<!tpu.dma_semaphore, #tpu.memory_space<semaphore_mem>>)
        } else {
        }
        %add3A_159 = arith.constant 1 : i32
        %add3A_160 = arith.addi %mul3A_140, %add3A_159 : i32
        %dma_wait3A_161 = arith.constant 0 : i32
        %dma_wait3A_162 = tpu.memref_slice %arg7[%add3A_160, %dma_wait3A_161] : memref<14x128xi32, #tpu.memory_space<vmem>> -> memref<1x128xi32, #tpu.memory_space<vmem>>
        %dma_wait3A_163 = tpu.memref_squeeze %dma_wait3A_162 : memref<1x128xi32, #tpu.memory_space<vmem>> -> memref<128xi32, #tpu.memory_space<vmem>>
        %dma_wait3A_164 = arith.constant 0 : i32
        %dma_wait3A_165 = arith.constant 0 : i32
        %dma_wait3A_166 = tpu.memref_slice %arg2[%dma_wait3A_164, %dma_wait3A_165] : memref<10000x128xf32, #tpu.memory_space<hbm>> -> memref<10000x128xf32, #tpu.memory_space<hbm>>
        tpu.wait_indirect_dma semaphore(%arg14 : memref<!tpu.dma_semaphore, #tpu.memory_space<semaphore_mem>>) src(%dma_wait3A_166 : memref<10000x128xf32, #tpu.memory_space<hbm>>) dst(%arg12 : memref<128x128xf32, #tpu.memory_space<vmem>>)
        %add3A_167 = arith.constant 1 : i32
        %add3A_168 = arith.addi %mul3A_140, %add3A_167 : i32
        "tpu.region"() ({
          %run_scoped3A = tpu.sem_alloc : memref<!tpu.dma_semaphore, #tpu.memory_space<semaphore_mem>>
          %dma_start3A_170 = arith.constant 0 : i32
          %dma_start3A_171 = tpu.memref_slice %arg8[%add3A_168, %dma_start3A_170] : memref<14x128xi32, #tpu.memory_space<vmem>> -> memref<1x128xi32, #tpu.memory_space<vmem>>
          %dma_start3A_172 = tpu.memref_squeeze %dma_start3A_171 : memref<1x128xi32, #tpu.memory_space<vmem>> -> memref<128xi32, #tpu.memory_space<vmem>>
          %dma_start3A_173 = arith.constant 0 : i32
          %dma_start3A_174 = arith.constant 0 : i32
          %dma_start3A_175 = tpu.memref_slice %arg6[%dma_start3A_173, %dma_start3A_174] : memref<10240x128xf32, #tpu.memory_space<vmem_shared>> -> memref<10240x128xf32, #tpu.memory_space<vmem_shared>>
          tpu.enqueue_indirect_dma source(%arg12 : memref<128x128xf32, #tpu.memory_space<vmem>>) target(%dma_start3A_175 : memref<10240x128xf32, #tpu.memory_space<vmem_shared>>) offsets(%dma_start3A_172 : memref<128xi32, #tpu.memory_space<vmem>>) semaphore(%run_scoped3A : memref<!tpu.dma_semaphore, #tpu.memory_space<semaphore_mem>>) {add = true}
          %dma_wait3A_176 = arith.constant 0 : i32
          %dma_wait3A_177 = tpu.memref_slice %arg8[%add3A_168, %dma_wait3A_176] : memref<14x128xi32, #tpu.memory_space<vmem>> -> memref<1x128xi32, #tpu.memory_space<vmem>>
          %dma_wait3A_178 = tpu.memref_squeeze %dma_wait3A_177 : memref<1x128xi32, #tpu.memory_space<vmem>> -> memref<128xi32, #tpu.memory_space<vmem>>
          %dma_wait3A_179 = arith.constant 0 : i32
          %dma_wait3A_180 = arith.constant 0 : i32
          %dma_wait3A_181 = tpu.memref_slice %arg6[%dma_wait3A_179, %dma_wait3A_180] : memref<10240x128xf32, #tpu.memory_space<vmem_shared>> -> memref<10240x128xf32, #tpu.memory_space<vmem_shared>>
          tpu.wait_indirect_dma semaphore(%run_scoped3A : memref<!tpu.dma_semaphore, #tpu.memory_space<semaphore_mem>>) src(%arg12 : memref<128x128xf32, #tpu.memory_space<vmem>>) dst(%dma_wait3A_181 : memref<10240x128xf32, #tpu.memory_space<vmem_shared>>)
          tpu.yield
        }) : () -> ()
        %scan3A_169 = arith.constant 0 : i32
        scf.yield %scan3A_169 : i32
      }
      %scan3A_91 = arith.constant 7 : i32
      %lt3A = arith.constant 2 : i32
      %lt3A_92 = arith.cmpi slt, %scan3A_76, %lt3A : i32
      %convert_element_type3A = arith.extui %lt3A_92 : i1 to i32
      %cond3A = arith.constant 0 : i32
      %cond3A_93 = arith.cmpi ne, %convert_element_type3A, %cond3A : i32
      scf.if %cond3A_93 {
        %mul3A_137 = arith.constant 2 : i32
        %mul3A_138 = arith.muli %mul3A_137, %scan3A_76 : i32
        %add3A = arith.constant 2 : i32
        %add3A_139 = arith.addi %mul3A_138, %add3A : i32
        %dma_start3A_140 = arith.constant 0 : i32
        %dma_start3A_141 = arith.constant 0 : i32
        %dma_start3A_142 = tpu.memref_slice %arg3[%arg0, %arg1, %add3A_139, %dma_start3A_140, %dma_start3A_141] : memref<2x16x6x14x128xi32, #tpu.memory_space<hbm>> -> memref<1x1x1x14x128xi32, #tpu.memory_space<hbm>>
        %dma_start3A_143 = tpu.memref_squeeze %dma_start3A_142 : memref<1x1x1x14x128xi32, #tpu.memory_space<hbm>> -> memref<14x128xi32, #tpu.memory_space<hbm>>
        %dma_start3A_144 = arith.constant 0 : i32
        %dma_start3A_145 = arith.constant 0 : i32
        %dma_start3A_146 = tpu.memref_slice %arg3[%arg0, %arg1, %add3A_139, %dma_start3A_144, %dma_start3A_145] : memref<2x16x6x14x128xi32, #tpu.memory_space<hbm>> -> memref<1x1x1x14x128xi32, #tpu.memory_space<hbm>>
        %dma_start3A_147 = tpu.memref_squeeze %dma_start3A_146 : memref<1x1x1x14x128xi32, #tpu.memory_space<hbm>> -> memref<14x128xi32, #tpu.memory_space<hbm>>
        tpu.enqueue_dma source(%dma_start3A_147 : memref<14x128xi32, #tpu.memory_space<hbm>>) target(%arg7 : memref<14x128xi32, #tpu.memory_space<vmem>>) target_semaphore(%arg17 : memref<!tpu.dma_semaphore, #tpu.memory_space<semaphore_mem>>)
        %dma_start3A_148 = arith.constant 0 : i32
        %dma_start3A_149 = arith.constant 0 : i32
        %dma_start3A_150 = tpu.memref_slice %arg4[%arg0, %arg1, %add3A_139, %dma_start3A_148, %dma_start3A_149] : memref<2x16x6x14x128xi32, #tpu.memory_space<hbm>> -> memref<1x1x1x14x128xi32, #tpu.memory_space<hbm>>
        %dma_start3A_151 = tpu.memref_squeeze %dma_start3A_150 : memref<1x1x1x14x128xi32, #tpu.memory_space<hbm>> -> memref<14x128xi32, #tpu.memory_space<hbm>>
        %dma_start3A_152 = arith.constant 0 : i32
        %dma_start3A_153 = arith.constant 0 : i32
        %dma_start3A_154 = tpu.memref_slice %arg4[%arg0, %arg1, %add3A_139, %dma_start3A_152, %dma_start3A_153] : memref<2x16x6x14x128xi32, #tpu.memory_space<hbm>> -> memref<1x1x1x14x128xi32, #tpu.memory_space<hbm>>
        %dma_start3A_155 = tpu.memref_squeeze %dma_start3A_154 : memref<1x1x1x14x128xi32, #tpu.memory_space<hbm>> -> memref<14x128xi32, #tpu.memory_space<hbm>>
        tpu.enqueue_dma source(%dma_start3A_155 : memref<14x128xi32, #tpu.memory_space<hbm>>) target(%arg8 : memref<14x128xi32, #tpu.memory_space<vmem>>) target_semaphore(%arg17 : memref<!tpu.dma_semaphore, #tpu.memory_space<semaphore_mem>>)
      } else {
      }
      %dma_wait3A_94 = arith.constant 0 : i32
      %dma_wait3A_95 = arith.constant 0 : i32
      %dma_wait3A_96 = arith.constant 0 : i32
      %dma_wait3A_97 = tpu.memref_slice %arg3[%arg0, %arg1, %dma_wait3A_94, %dma_wait3A_95, %dma_wait3A_96] : memref<2x16x6x14x128xi32, #tpu.memory_space<hbm>> -> memref<1x1x1x14x128xi32, #tpu.memory_space<hbm>>
      %dma_wait3A_98 = tpu.memref_squeeze %dma_wait3A_97 : memref<1x1x1x14x128xi32, #tpu.memory_space<hbm>> -> memref<14x128xi32, #tpu.memory_space<hbm>>
      %dma_wait3A_99 = arith.constant 0 : i32
      %dma_wait3A_100 = arith.constant 0 : i32
      %dma_wait3A_101 = tpu.memref_slice %arg3[%arg0, %arg1, %dma_wait3A_94, %dma_wait3A_99, %dma_wait3A_100] : memref<2x16x6x14x128xi32, #tpu.memory_space<hbm>> -> memref<1x1x1x14x128xi32, #tpu.memory_space<hbm>>
      %dma_wait3A_102 = tpu.memref_squeeze %dma_wait3A_101 : memref<1x1x1x14x128xi32, #tpu.memory_space<hbm>> -> memref<14x128xi32, #tpu.memory_space<hbm>>
      tpu.wait_dma2 semaphore(%arg18 : memref<!tpu.dma_semaphore, #tpu.memory_space<semaphore_mem>>) src(%dma_wait3A_102 : memref<14x128xi32, #tpu.memory_space<hbm>>) dst(%arg9 : memref<14x128xi32, #tpu.memory_space<vmem>>)
      %dma_wait3A_103 = arith.constant 0 : i32
      %dma_wait3A_104 = arith.constant 0 : i32
      %dma_wait3A_105 = arith.constant 0 : i32
      %dma_wait3A_106 = tpu.memref_slice %arg4[%arg0, %arg1, %dma_wait3A_103, %dma_wait3A_104, %dma_wait3A_105] : memref<2x16x6x14x128xi32, #tpu.memory_space<hbm>> -> memref<1x1x1x14x128xi32, #tpu.memory_space<hbm>>
      %dma_wait3A_107 = tpu.memref_squeeze %dma_wait3A_106 : memref<1x1x1x14x128xi32, #tpu.memory_space<hbm>> -> memref<14x128xi32, #tpu.memory_space<hbm>>
      %dma_wait3A_108 = arith.constant 0 : i32
      %dma_wait3A_109 = arith.constant 0 : i32
      %dma_wait3A_110 = tpu.memref_slice %arg4[%arg0, %arg1, %dma_wait3A_103, %dma_wait3A_108, %dma_wait3A_109] : memref<2x16x6x14x128xi32, #tpu.memory_space<hbm>> -> memref<1x1x1x14x128xi32, #tpu.memory_space<hbm>>
      %dma_wait3A_111 = tpu.memref_squeeze %dma_wait3A_110 : memref<1x1x1x14x128xi32, #tpu.memory_space<hbm>> -> memref<14x128xi32, #tpu.memory_space<hbm>>
      tpu.wait_dma2 semaphore(%arg18 : memref<!tpu.dma_semaphore, #tpu.memory_space<semaphore_mem>>) src(%dma_wait3A_111 : memref<14x128xi32, #tpu.memory_space<hbm>>) dst(%arg10 : memref<14x128xi32, #tpu.memory_space<vmem>>)
      %dma_start3A_112 = arith.constant 0 : i32
      %dma_start3A_113 = arith.constant 0 : i32
      %dma_start3A_114 = tpu.memref_slice %arg9[%dma_start3A_112, %dma_start3A_113] : memref<14x128xi32, #tpu.memory_space<vmem>> -> memref<1x128xi32, #tpu.memory_space<vmem>>
      %dma_start3A_115 = tpu.memref_squeeze %dma_start3A_114 : memref<1x128xi32, #tpu.memory_space<vmem>> -> memref<128xi32, #tpu.memory_space<vmem>>
      %dma_start3A_116 = arith.constant 0 : i32
      %dma_start3A_117 = arith.constant 0 : i32
      %dma_start3A_118 = tpu.memref_slice %arg2[%dma_start3A_116, %dma_start3A_117] : memref<10000x128xf32, #tpu.memory_space<hbm>> -> memref<10000x128xf32, #tpu.memory_space<hbm>>
      tpu.enqueue_indirect_dma source(%dma_start3A_118 : memref<10000x128xf32, #tpu.memory_space<hbm>>) target(%arg11 : memref<128x128xf32, #tpu.memory_space<vmem>>) offsets(%dma_start3A_115 : memref<128xi32, #tpu.memory_space<vmem>>) semaphore(%arg13 : memref<!tpu.dma_semaphore, #tpu.memory_space<semaphore_mem>>)
      %scan3A_119 = arith.constant 0 : i32
      %scan3A_120 = arith.constant 0 : i32
      %scan3A_121 = arith.constant 7 : i32
      %scan3A_122 = arith.addi %scan3A_120, %scan3A_121 : i32
      %scan3A_123 = arith.constant 1 : i32
      %scan3A_124 = scf.for %scan3A_137 = %scan3A_120 to %scan3A_122 step %scan3A_123 iter_args(%scan3A_138 = %scan3A_119) -> (i32)  : i32 {
        %mul3A_139 = arith.constant 2 : i32
        %mul3A_140 = arith.muli %scan3A_137, %mul3A_139 : i32
        %add3A = arith.constant 1 : i32
        %add3A_141 = arith.addi %mul3A_140, %add3A : i32
        %dma_start3A_142 = arith.constant 0 : i32
        %dma_start3A_143 = tpu.memref_slice %arg9[%add3A_141, %dma_start3A_142] : memref<14x128xi32, #tpu.memory_space<vmem>> -> memref<1x128xi32, #tpu.memory_space<vmem>>
        %dma_start3A_144 = tpu.memref_squeeze %dma_start3A_143 : memref<1x128xi32, #tpu.memory_space<vmem>> -> memref<128xi32, #tpu.memory_space<vmem>>
        %dma_start3A_145 = arith.constant 0 : i32
        %dma_start3A_146 = arith.constant 0 : i32
        %dma_start3A_147 = tpu.memref_slice %arg2[%dma_start3A_145, %dma_start3A_146] : memref<10000x128xf32, #tpu.memory_space<hbm>> -> memref<10000x128xf32, #tpu.memory_space<hbm>>
        tpu.enqueue_indirect_dma source(%dma_start3A_147 : memref<10000x128xf32, #tpu.memory_space<hbm>>) target(%arg12 : memref<128x128xf32, #tpu.memory_space<vmem>>) offsets(%dma_start3A_144 : memref<128xi32, #tpu.memory_space<vmem>>) semaphore(%arg14 : memref<!tpu.dma_semaphore, #tpu.memory_space<semaphore_mem>>)
        %dma_wait3A_148 = arith.constant 0 : i32
        %dma_wait3A_149 = tpu.memref_slice %arg9[%mul3A_140, %dma_wait3A_148] : memref<14x128xi32, #tpu.memory_space<vmem>> -> memref<1x128xi32, #tpu.memory_space<vmem>>
        %dma_wait3A_150 = tpu.memref_squeeze %dma_wait3A_149 : memref<1x128xi32, #tpu.memory_space<vmem>> -> memref<128xi32, #tpu.memory_space<vmem>>
        %dma_wait3A_151 = arith.constant 0 : i32
        %dma_wait3A_152 = arith.constant 0 : i32
        %dma_wait3A_153 = tpu.memref_slice %arg2[%dma_wait3A_151, %dma_wait3A_152] : memref<10000x128xf32, #tpu.memory_space<hbm>> -> memref<10000x128xf32, #tpu.memory_space<hbm>>
        tpu.wait_indirect_dma semaphore(%arg13 : memref<!tpu.dma_semaphore, #tpu.memory_space<semaphore_mem>>) src(%dma_wait3A_153 : memref<10000x128xf32, #tpu.memory_space<hbm>>) dst(%arg11 : memref<128x128xf32, #tpu.memory_space<vmem>>)
        "tpu.region"() ({
          %run_scoped3A = tpu.sem_alloc : memref<!tpu.dma_semaphore, #tpu.memory_space<semaphore_mem>>
          %dma_start3A_170 = arith.constant 0 : i32
          %dma_start3A_171 = tpu.memref_slice %arg10[%mul3A_140, %dma_start3A_170] : memref<14x128xi32, #tpu.memory_space<vmem>> -> memref<1x128xi32, #tpu.memory_space<vmem>>
          %dma_start3A_172 = tpu.memref_squeeze %dma_start3A_171 : memref<1x128xi32, #tpu.memory_space<vmem>> -> memref<128xi32, #tpu.memory_space<vmem>>
          %dma_start3A_173 = arith.constant 0 : i32
          %dma_start3A_174 = arith.constant 0 : i32
          %dma_start3A_175 = tpu.memref_slice %arg6[%dma_start3A_173, %dma_start3A_174] : memref<10240x128xf32, #tpu.memory_space<vmem_shared>> -> memref<10240x128xf32, #tpu.memory_space<vmem_shared>>
          tpu.enqueue_indirect_dma source(%arg11 : memref<128x128xf32, #tpu.memory_space<vmem>>) target(%dma_start3A_175 : memref<10240x128xf32, #tpu.memory_space<vmem_shared>>) offsets(%dma_start3A_172 : memref<128xi32, #tpu.memory_space<vmem>>) semaphore(%run_scoped3A : memref<!tpu.dma_semaphore, #tpu.memory_space<semaphore_mem>>) {add = true}
          %dma_wait3A_176 = arith.constant 0 : i32
          %dma_wait3A_177 = tpu.memref_slice %arg10[%mul3A_140, %dma_wait3A_176] : memref<14x128xi32, #tpu.memory_space<vmem>> -> memref<1x128xi32, #tpu.memory_space<vmem>>
          %dma_wait3A_178 = tpu.memref_squeeze %dma_wait3A_177 : memref<1x128xi32, #tpu.memory_space<vmem>> -> memref<128xi32, #tpu.memory_space<vmem>>
          %dma_wait3A_179 = arith.constant 0 : i32
          %dma_wait3A_180 = arith.constant 0 : i32
          %dma_wait3A_181 = tpu.memref_slice %arg6[%dma_wait3A_179, %dma_wait3A_180] : memref<10240x128xf32, #tpu.memory_space<vmem_shared>> -> memref<10240x128xf32, #tpu.memory_space<vmem_shared>>
          tpu.wait_indirect_dma semaphore(%run_scoped3A : memref<!tpu.dma_semaphore, #tpu.memory_space<semaphore_mem>>) src(%arg11 : memref<128x128xf32, #tpu.memory_space<vmem>>) dst(%dma_wait3A_181 : memref<10240x128xf32, #tpu.memory_space<vmem_shared>>)
          tpu.yield
        }) : () -> ()
        %lt3A_154 = arith.constant 6 : i32
        %lt3A_155 = arith.cmpi slt, %scan3A_137, %lt3A_154 : i32
        %convert_element_type3A_156 = arith.extui %lt3A_155 : i1 to i32
        %cond3A_157 = arith.constant 0 : i32
        %cond3A_158 = arith.cmpi ne, %convert_element_type3A_156, %cond3A_157 : i32
        scf.if %cond3A_158 {
          %add3A_170 = arith.constant 2 : i32
          %add3A_171 = arith.addi %mul3A_140, %add3A_170 : i32
          %dma_start3A_172 = arith.constant 0 : i32
          %dma_start3A_173 = tpu.memref_slice %arg9[%add3A_171, %dma_start3A_172] : memref<14x128xi32, #tpu.memory_space<vmem>> -> memref<1x128xi32, #tpu.memory_space<vmem>>
          %dma_start3A_174 = tpu.memref_squeeze %dma_start3A_173 : memref<1x128xi32, #tpu.memory_space<vmem>> -> memref<128xi32, #tpu.memory_space<vmem>>
          %dma_start3A_175 = arith.constant 0 : i32
          %dma_start3A_176 = arith.constant 0 : i32
          %dma_start3A_177 = tpu.memref_slice %arg2[%dma_start3A_175, %dma_start3A_176] : memref<10000x128xf32, #tpu.memory_space<hbm>> -> memref<10000x128xf32, #tpu.memory_space<hbm>>
          tpu.enqueue_indirect_dma source(%dma_start3A_177 : memref<10000x128xf32, #tpu.memory_space<hbm>>) target(%arg11 : memref<128x128xf32, #tpu.memory_space<vmem>>) offsets(%dma_start3A_174 : memref<128xi32, #tpu.memory_space<vmem>>) semaphore(%arg13 : memref<!tpu.dma_semaphore, #tpu.memory_space<semaphore_mem>>)
        } else {
        }
        %add3A_159 = arith.constant 1 : i32
        %add3A_160 = arith.addi %mul3A_140, %add3A_159 : i32
        %dma_wait3A_161 = arith.constant 0 : i32
        %dma_wait3A_162 = tpu.memref_slice %arg9[%add3A_160, %dma_wait3A_161] : memref<14x128xi32, #tpu.memory_space<vmem>> -> memref<1x128xi32, #tpu.memory_space<vmem>>
        %dma_wait3A_163 = tpu.memref_squeeze %dma_wait3A_162 : memref<1x128xi32, #tpu.memory_space<vmem>> -> memref<128xi32, #tpu.memory_space<vmem>>
        %dma_wait3A_164 = arith.constant 0 : i32
        %dma_wait3A_165 = arith.constant 0 : i32
        %dma_wait3A_166 = tpu.memref_slice %arg2[%dma_wait3A_164, %dma_wait3A_165] : memref<10000x128xf32, #tpu.memory_space<hbm>> -> memref<10000x128xf32, #tpu.memory_space<hbm>>
        tpu.wait_indirect_dma semaphore(%arg14 : memref<!tpu.dma_semaphore, #tpu.memory_space<semaphore_mem>>) src(%dma_wait3A_166 : memref<10000x128xf32, #tpu.memory_space<hbm>>) dst(%arg12 : memref<128x128xf32, #tpu.memory_space<vmem>>)
        %add3A_167 = arith.constant 1 : i32
        %add3A_168 = arith.addi %mul3A_140, %add3A_167 : i32
        "tpu.region"() ({
          %run_scoped3A = tpu.sem_alloc : memref<!tpu.dma_semaphore, #tpu.memory_space<semaphore_mem>>
          %dma_start3A_170 = arith.constant 0 : i32
          %dma_start3A_171 = tpu.memref_slice %arg10[%add3A_168, %dma_start3A_170] : memref<14x128xi32, #tpu.memory_space<vmem>> -> memref<1x128xi32, #tpu.memory_space<vmem>>
          %dma_start3A_172 = tpu.memref_squeeze %dma_start3A_171 : memref<1x128xi32, #tpu.memory_space<vmem>> -> memref<128xi32, #tpu.memory_space<vmem>>
          %dma_start3A_173 = arith.constant 0 : i32
          %dma_start3A_174 = arith.constant 0 : i32
          %dma_start3A_175 = tpu.memref_slice %arg6[%dma_start3A_173, %dma_start3A_174] : memref<10240x128xf32, #tpu.memory_space<vmem_shared>> -> memref<10240x128xf32, #tpu.memory_space<vmem_shared>>
          tpu.enqueue_indirect_dma source(%arg12 : memref<128x128xf32, #tpu.memory_space<vmem>>) target(%dma_start3A_175 : memref<10240x128xf32, #tpu.memory_space<vmem_shared>>) offsets(%dma_start3A_172 : memref<128xi32, #tpu.memory_space<vmem>>) semaphore(%run_scoped3A : memref<!tpu.dma_semaphore, #tpu.memory_space<semaphore_mem>>) {add = true}
          %dma_wait3A_176 = arith.constant 0 : i32
          %dma_wait3A_177 = tpu.memref_slice %arg10[%add3A_168, %dma_wait3A_176] : memref<14x128xi32, #tpu.memory_space<vmem>> -> memref<1x128xi32, #tpu.memory_space<vmem>>
          %dma_wait3A_178 = tpu.memref_squeeze %dma_wait3A_177 : memref<1x128xi32, #tpu.memory_space<vmem>> -> memref<128xi32, #tpu.memory_space<vmem>>
          %dma_wait3A_179 = arith.constant 0 : i32
          %dma_wait3A_180 = arith.constant 0 : i32
          %dma_wait3A_181 = tpu.memref_slice %arg6[%dma_wait3A_179, %dma_wait3A_180] : memref<10240x128xf32, #tpu.memory_space<vmem_shared>> -> memref<10240x128xf32, #tpu.memory_space<vmem_shared>>
          tpu.wait_indirect_dma semaphore(%run_scoped3A : memref<!tpu.dma_semaphore, #tpu.memory_space<semaphore_mem>>) src(%arg12 : memref<128x128xf32, #tpu.memory_space<vmem>>) dst(%dma_wait3A_181 : memref<10240x128xf32, #tpu.memory_space<vmem_shared>>)
          tpu.yield
        }) : () -> ()
        %scan3A_169 = arith.constant 0 : i32
        scf.yield %scan3A_169 : i32
      }
      %scan3A_125 = arith.constant 7 : i32
      %lt3A_126 = arith.constant 2 : i32
      %lt3A_127 = arith.cmpi slt, %scan3A_76, %lt3A_126 : i32
      %convert_element_type3A_128 = arith.extui %lt3A_127 : i1 to i32
      %cond3A_129 = arith.constant 0 : i32
      %cond3A_130 = arith.cmpi ne, %convert_element_type3A_128, %cond3A_129 : i32
      scf.if %cond3A_130 {
        %mul3A_137 = arith.constant 2 : i32
        %mul3A_138 = arith.muli %mul3A_137, %scan3A_76 : i32
        %add3A = arith.constant 3 : i32
        %add3A_139 = arith.addi %mul3A_138, %add3A : i32
        %dma_start3A_140 = arith.constant 0 : i32
        %dma_start3A_141 = arith.constant 0 : i32
        %dma_start3A_142 = tpu.memref_slice %arg3[%arg0, %arg1, %add3A_139, %dma_start3A_140, %dma_start3A_141] : memref<2x16x6x14x128xi32, #tpu.memory_space<hbm>> -> memref<1x1x1x14x128xi32, #tpu.memory_space<hbm>>
        %dma_start3A_143 = tpu.memref_squeeze %dma_start3A_142 : memref<1x1x1x14x128xi32, #tpu.memory_space<hbm>> -> memref<14x128xi32, #tpu.memory_space<hbm>>
        %dma_start3A_144 = arith.constant 0 : i32
        %dma_start3A_145 = arith.constant 0 : i32
        %dma_start3A_146 = tpu.memref_slice %arg3[%arg0, %arg1, %add3A_139, %dma_start3A_144, %dma_start3A_145] : memref<2x16x6x14x128xi32, #tpu.memory_space<hbm>> -> memref<1x1x1x14x128xi32, #tpu.memory_space<hbm>>
        %dma_start3A_147 = tpu.memref_squeeze %dma_start3A_146 : memref<1x1x1x14x128xi32, #tpu.memory_space<hbm>> -> memref<14x128xi32, #tpu.memory_space<hbm>>
        tpu.enqueue_dma source(%dma_start3A_147 : memref<14x128xi32, #tpu.memory_space<hbm>>) target(%arg9 : memref<14x128xi32, #tpu.memory_space<vmem>>) target_semaphore(%arg18 : memref<!tpu.dma_semaphore, #tpu.memory_space<semaphore_mem>>)
        %dma_start3A_148 = arith.constant 0 : i32
        %dma_start3A_149 = arith.constant 0 : i32
        %dma_start3A_150 = tpu.memref_slice %arg4[%arg0, %arg1, %add3A_139, %dma_start3A_148, %dma_start3A_149] : memref<2x16x6x14x128xi32, #tpu.memory_space<hbm>> -> memref<1x1x1x14x128xi32, #tpu.memory_space<hbm>>
        %dma_start3A_151 = tpu.memref_squeeze %dma_start3A_150 : memref<1x1x1x14x128xi32, #tpu.memory_space<hbm>> -> memref<14x128xi32, #tpu.memory_space<hbm>>
        %dma_start3A_152 = arith.constant 0 : i32
        %dma_start3A_153 = arith.constant 0 : i32
        %dma_start3A_154 = tpu.memref_slice %arg4[%arg0, %arg1, %add3A_139, %dma_start3A_152, %dma_start3A_153] : memref<2x16x6x14x128xi32, #tpu.memory_space<hbm>> -> memref<1x1x1x14x128xi32, #tpu.memory_space<hbm>>
        %dma_start3A_155 = tpu.memref_squeeze %dma_start3A_154 : memref<1x1x1x14x128xi32, #tpu.memory_space<hbm>> -> memref<14x128xi32, #tpu.memory_space<hbm>>
        tpu.enqueue_dma source(%dma_start3A_155 : memref<14x128xi32, #tpu.memory_space<hbm>>) target(%arg10 : memref<14x128xi32, #tpu.memory_space<vmem>>) target_semaphore(%arg18 : memref<!tpu.dma_semaphore, #tpu.memory_space<semaphore_mem>>)
      } else {
      }
      %lt3A_131 = arith.constant 2 : i32
      %lt3A_132 = arith.cmpi slt, %scan3A_76, %lt3A_131 : i32
      %convert_element_type3A_133 = arith.extui %lt3A_132 : i1 to i32
      %cond3A_134 = arith.constant 0 : i32
      %cond3A_135 = arith.cmpi ne, %convert_element_type3A_133, %cond3A_134 : i32
      scf.if %cond3A_135 {
        %dma_wait3A_137 = arith.constant 0 : i32
        %dma_wait3A_138 = arith.constant 0 : i32
        %dma_wait3A_139 = arith.constant 0 : i32
        %dma_wait3A_140 = tpu.memref_slice %arg3[%arg0, %arg1, %dma_wait3A_137, %dma_wait3A_138, %dma_wait3A_139] : memref<2x16x6x14x128xi32, #tpu.memory_space<hbm>> -> memref<1x1x1x14x128xi32, #tpu.memory_space<hbm>>
        %dma_wait3A_141 = tpu.memref_squeeze %dma_wait3A_140 : memref<1x1x1x14x128xi32, #tpu.memory_space<hbm>> -> memref<14x128xi32, #tpu.memory_space<hbm>>
        %dma_wait3A_142 = arith.constant 0 : i32
        %dma_wait3A_143 = arith.constant 0 : i32
        %dma_wait3A_144 = tpu.memref_slice %arg3[%arg0, %arg1, %dma_wait3A_137, %dma_wait3A_142, %dma_wait3A_143] : memref<2x16x6x14x128xi32, #tpu.memory_space<hbm>> -> memref<1x1x1x14x128xi32, #tpu.memory_space<hbm>>
        %dma_wait3A_145 = tpu.memref_squeeze %dma_wait3A_144 : memref<1x1x1x14x128xi32, #tpu.memory_space<hbm>> -> memref<14x128xi32, #tpu.memory_space<hbm>>
        tpu.wait_dma2 semaphore(%arg17 : memref<!tpu.dma_semaphore, #tpu.memory_space<semaphore_mem>>) src(%dma_wait3A_145 : memref<14x128xi32, #tpu.memory_space<hbm>>) dst(%arg7 : memref<14x128xi32, #tpu.memory_space<vmem>>)
        %dma_wait3A_146 = arith.constant 0 : i32
        %dma_wait3A_147 = arith.constant 0 : i32
        %dma_wait3A_148 = arith.constant 0 : i32
        %dma_wait3A_149 = tpu.memref_slice %arg4[%arg0, %arg1, %dma_wait3A_146, %dma_wait3A_147, %dma_wait3A_148] : memref<2x16x6x14x128xi32, #tpu.memory_space<hbm>> -> memref<1x1x1x14x128xi32, #tpu.memory_space<hbm>>
        %dma_wait3A_150 = tpu.memref_squeeze %dma_wait3A_149 : memref<1x1x1x14x128xi32, #tpu.memory_space<hbm>> -> memref<14x128xi32, #tpu.memory_space<hbm>>
        %dma_wait3A_151 = arith.constant 0 : i32
        %dma_wait3A_152 = arith.constant 0 : i32
        %dma_wait3A_153 = tpu.memref_slice %arg4[%arg0, %arg1, %dma_wait3A_146, %dma_wait3A_151, %dma_wait3A_152] : memref<2x16x6x14x128xi32, #tpu.memory_space<hbm>> -> memref<1x1x1x14x128xi32, #tpu.memory_space<hbm>>
        %dma_wait3A_154 = tpu.memref_squeeze %dma_wait3A_153 : memref<1x1x1x14x128xi32, #tpu.memory_space<hbm>> -> memref<14x128xi32, #tpu.memory_space<hbm>>
        tpu.wait_dma2 semaphore(%arg17 : memref<!tpu.dma_semaphore, #tpu.memory_space<semaphore_mem>>) src(%dma_wait3A_154 : memref<14x128xi32, #tpu.memory_space<hbm>>) dst(%arg8 : memref<14x128xi32, #tpu.memory_space<vmem>>)
      } else {
      }
      %scan3A_136 = arith.constant 0 : i32
      scf.yield %scan3A_136 : i32
    }
    %scan3A_71 = arith.constant 3 : i32
    %barrier3A_72 = arith.constant 0 : index
    tpu.barrier barrier_id(%barrier3A_72)
    %mul3A = arith.constant 640 : i32
    %mul3A_73 = arith.muli %arg1, %mul3A : i32
    %mul3A_74 = arith.constant 640 : i32
    %mul3A_75 = arith.muli %arg1, %mul3A_74 : i32
    "tpu.region"() ({
      %run_scoped3A = tpu.sem_alloc : memref<!tpu.dma_semaphore, #tpu.memory_space<semaphore_mem>>
      %dma_start3A_76 = arith.constant 0 : i32
      %dma_start3A_77 = tpu.memref_slice %arg5[%arg0, %mul3A_75, %dma_start3A_76] : memref<2x10240x128xf32, #tpu.memory_space<hbm>> -> memref<1x640x128xf32, #tpu.memory_space<hbm>>
      %dma_start3A_78 = tpu.memref_squeeze %dma_start3A_77 : memref<1x640x128xf32, #tpu.memory_space<hbm>> -> memref<640x128xf32, #tpu.memory_space<hbm>>
      %dma_start3A_79 = arith.constant 0 : i32
      %dma_start3A_80 = tpu.memref_slice %arg6[%mul3A_73, %dma_start3A_79] : memref<10240x128xf32, #tpu.memory_space<vmem_shared>> -> memref<640x128xf32, #tpu.memory_space<vmem_shared>>
      tpu.enqueue_dma source(%dma_start3A_80 : memref<640x128xf32, #tpu.memory_space<vmem_shared>>) target(%dma_start3A_78 : memref<640x128xf32, #tpu.memory_space<hbm>>) target_semaphore(%run_scoped3A : memref<!tpu.dma_semaphore, #tpu.memory_space<semaphore_mem>>)
      %dma_wait3A_81 = arith.constant 0 : i32
      %dma_wait3A_82 = tpu.memref_slice %arg5[%arg0, %mul3A_75, %dma_wait3A_81] : memref<2x10240x128xf32, #tpu.memory_space<hbm>> -> memref<1x640x128xf32, #tpu.memory_space<hbm>>
      %dma_wait3A_83 = tpu.memref_squeeze %dma_wait3A_82 : memref<1x640x128xf32, #tpu.memory_space<hbm>> -> memref<640x128xf32, #tpu.memory_space<hbm>>
      %dma_wait3A_84 = arith.constant 0 : i32
      %dma_wait3A_85 = tpu.memref_slice %arg6[%mul3A_73, %dma_wait3A_84] : memref<10240x128xf32, #tpu.memory_space<vmem_shared>> -> memref<640x128xf32, #tpu.memory_space<vmem_shared>>
      tpu.wait_dma2 semaphore(%run_scoped3A : memref<!tpu.dma_semaphore, #tpu.memory_space<semaphore_mem>>) src(%dma_wait3A_85 : memref<640x128xf32, #tpu.memory_space<vmem_shared>>) dst(%dma_wait3A_83 : memref<640x128xf32, #tpu.memory_space<hbm>>)
      tpu.yield
    }) : () -> ()
    return
  }
}

module attributes {stable_mosaic.version = 14 : i64} {
  func.func @_prep_body(%arg0: i32, %arg1: memref<2x8192xi32, #tpu.memory_space<vmem>>, %arg2: memref<64x128xi32, #tpu.memory_space<vmem>>, %arg3: memref<64x128xi32, #tpu.memory_space<vmem>>) attributes {dimension_semantics = [#tpu.dimension_semantics<arbitrary>], iteration_bounds = array<i64: 42>, scalar_prefetch = 0 : i64, scratch_operands = 0 : i64, tpu.core_type = #tpu.core_type<tc>, window_params = [{transform_indices = @transform_0, window_bounds = array<i64: 2, 8192>}, {transform_indices = @transform_1, window_bounds = array<i64: 64, 128>}, {transform_indices = @transform_2, window_bounds = array<i64: 64, 128>}]} {
    %mul3A = arith.constant 8192 : i32
    %mul3A_0 = arith.muli %arg0, %mul3A : i32
    %iota3A = tpu.iota {dimensions = array<i32: 0>} : vector<64x128xi32>
    %mul3A_1 = arith.constant 128 : i32
    %mul3A_2 = vector.broadcast %mul3A_1 : i32 to vector<64x128xi32>
    %mul3A_3 = arith.muli %iota3A, %mul3A_2 : vector<64x128xi32>
    %add3A = vector.broadcast %mul3A_0 : i32 to vector<64x128xi32>
    %add3A_4 = arith.addi %add3A, %mul3A_3 : vector<64x128xi32>
    %iota3A_5 = tpu.iota {dimensions = array<i32: 1>} : vector<64x128xi32>
    %add3A_6 = arith.addi %add3A_4, %iota3A_5 : vector<64x128xi32>
    %get3A = arith.constant 0 : index
    %get3A_7 = arith.constant 0 : index
    %get3A_8 = vector.load %arg1[%get3A, %get3A_7] : memref<2x8192xi32, #tpu.memory_space<vmem>>, vector<2x8192xi32>
    %slice3A = vector.extract_strided_slice %get3A_8 {offsets = [0, 0], sizes = [1, 8192], strides = [1, 1]} : vector<2x8192xi32> to vector<1x8192xi32>
    %squeeze3A = vector.shape_cast %slice3A : vector<1x8192xi32> to vector<8192xi32>
    %reshape3A = vector.shape_cast %squeeze3A : vector<8192xi32> to vector<64x128xi32>
    %slice3A_9 = vector.extract_strided_slice %get3A_8 {offsets = [1, 0], sizes = [1, 8192], strides = [1, 1]} : vector<2x8192xi32> to vector<1x8192xi32>
    %squeeze3A_10 = vector.shape_cast %slice3A_9 : vector<1x8192xi32> to vector<8192xi32>
    %reshape3A_11 = vector.shape_cast %squeeze3A_10 : vector<8192xi32> to vector<64x128xi32>
    %sub3A = arith.constant 320000 : i32
    %sub3A_12 = vector.broadcast %sub3A : i32 to vector<64x128xi32>
    %sub3A_13 = arith.subi %add3A_6, %sub3A_12 : vector<64x128xi32>
    %sub3A_14 = arith.constant 330000 : i32
    %sub3A_15 = vector.broadcast %sub3A_14 : i32 to vector<64x128xi32>
    %sub3A_16 = arith.subi %add3A_6, %sub3A_15 : vector<64x128xi32>
    %lt3A = arith.constant 320000 : i32
    %lt3A_17 = vector.broadcast %lt3A : i32 to vector<64x128xi32>
    %lt3A_18 = arith.cmpi slt, %add3A_6, %lt3A_17 : vector<64x128xi32>
    %lt3A_19 = arith.constant 10000 : i32
    %lt3A_20 = vector.broadcast %lt3A_19 : i32 to vector<64x128xi32>
    %lt3A_21 = arith.cmpi slt, %sub3A_13, %lt3A_20 : vector<64x128xi32>
    %and3A = arith.constant 8191 : i32
    %and3A_22 = vector.broadcast %and3A : i32 to vector<64x128xi32>
    %and3A_23 = arith.andi %sub3A_16, %and3A_22 : vector<64x128xi32>
    %select_n3A = arith.select %lt3A_21, %sub3A_13, %and3A_23 : vector<64x128xi1>, vector<64x128xi32>
    %select_n3A_24 = arith.select %lt3A_18, %reshape3A, %select_n3A : vector<64x128xi1>, vector<64x128xi32>
    %swap3A = arith.constant 0 : index
    %swap3A_25 = arith.constant 0 : index
    %swap3A_26 = vector.load %arg2[%swap3A, %swap3A_25] : memref<64x128xi32, #tpu.memory_space<vmem>>, vector<64x128xi32>
    tpu.vector_store %arg2[%swap3A, %swap3A_25], %select_n3A_24 {strides = array<i32>} : memref<64x128xi32, #tpu.memory_space<vmem>>, vector<64x128xi32>,
    %lt3A_27 = arith.constant 320000 : i32
    %lt3A_28 = vector.broadcast %lt3A_27 : i32 to vector<64x128xi32>
    %lt3A_29 = arith.cmpi slt, %add3A_6, %lt3A_28 : vector<64x128xi32>
    %lt3A_30 = arith.constant 10000 : i32
    %lt3A_31 = vector.broadcast %lt3A_30 : i32 to vector<64x128xi32>
    %lt3A_32 = arith.cmpi slt, %sub3A_13, %lt3A_31 : vector<64x128xi32>
    %and3A_33 = arith.constant 127 : i32
    %and3A_34 = vector.broadcast %and3A_33 : i32 to vector<64x128xi32>
    %and3A_35 = arith.andi %sub3A_16, %and3A_34 : vector<64x128xi32>
    %add3A_36 = arith.constant 10000 : i32
    %add3A_37 = vector.broadcast %add3A_36 : i32 to vector<64x128xi32>
    %add3A_38 = arith.addi %add3A_37, %and3A_35 : vector<64x128xi32>
    %select_n3A_39 = arith.select %lt3A_32, %sub3A_13, %add3A_38 : vector<64x128xi1>, vector<64x128xi32>
    %select_n3A_40 = arith.select %lt3A_29, %reshape3A_11, %select_n3A_39 : vector<64x128xi1>, vector<64x128xi32>
    %swap3A_41 = arith.constant 0 : index
    %swap3A_42 = arith.constant 0 : index
    %swap3A_43 = vector.load %arg3[%swap3A_41, %swap3A_42] : memref<64x128xi32, #tpu.memory_space<vmem>>, vector<64x128xi32>
    tpu.vector_store %arg3[%swap3A_41, %swap3A_42], %select_n3A_40 {strides = array<i32>} : memref<64x128xi32, #tpu.memory_space<vmem>>, vector<64x128xi32>,
    return
  }
  func.func @transform_0(%arg0: i32) -> (i32, i32) {
    %min3A = arith.constant 39 : i32
    %min3A_0 = arith.minsi %arg0, %min3A : i32
    %c0_i32 = arith.constant 0 : i32
    %c0_i32_1 = arith.constant 0 : i32
    return %c0_i32, %min3A_0 : i32, i32
  }
  func.func @transform_1(%arg0: i32) -> (i32, i32) {
    %c0_i32 = arith.constant 0 : i32
    %c0_i32_0 = arith.constant 0 : i32
    return %arg0, %c0_i32 : i32, i32
  }
  func.func @transform_2(%arg0: i32) -> (i32, i32) {
    %c0_i32 = arith.constant 0 : i32
    %c0_i32_0 = arith.constant 0 : i32
    return %arg0, %c0_i32 : i32, i32
  }
}

module attributes {stable_mosaic.version = 14 : i64} {
  func.func @_tc_enc_body(%arg0: i32, %arg1: memref<2000x128xf32, #tpu.memory_space<vmem>>, %arg2: memref<128x128xf32, #tpu.memory_space<vmem>>, %arg3: memref<1x128xf32, #tpu.memory_space<vmem>>, %arg4: memref<128x128xf32, #tpu.memory_space<vmem>>, %arg5: memref<2000x1xf32, #tpu.memory_space<vmem>>, %arg6: memref<2000x1xf32, #tpu.memory_space<vmem>>, %arg7: memref<2000x128xf32, #tpu.memory_space<vmem>>) attributes {dimension_semantics = [#tpu.dimension_semantics<arbitrary>], iteration_bounds = array<i64: 5>, scalar_prefetch = 0 : i64, scratch_operands = 0 : i64, tpu.core_type = #tpu.core_type<tc>, window_params = [{transform_indices = @transform_0, window_bounds = array<i64: 2000, 128>}, {pipeline_mode = #tpu.pipeline_mode<synchronous>, transform_indices = @transform_1, window_bounds = array<i64: 128, 128>}, {pipeline_mode = #tpu.pipeline_mode<synchronous>, transform_indices = @transform_2, window_bounds = array<i64: 1, 128>}, {pipeline_mode = #tpu.pipeline_mode<synchronous>, transform_indices = @transform_3, window_bounds = array<i64: 128, 128>}, {transform_indices = @transform_4, window_bounds = array<i64: 2000, 1>}, {transform_indices = @transform_5, window_bounds = array<i64: 2000, 1>}, {transform_indices = @transform_6, window_bounds = array<i64: 2000, 128>}]} {
    %get3A = arith.constant 0 : index
    %get3A_0 = arith.constant 0 : index
    %get3A_1 = vector.load %arg5[%get3A, %get3A_0] : memref<2000x1xf32, #tpu.memory_space<vmem>>, vector<2000x1xf32>
    %get3A_2 = arith.constant 0 : index
    %get3A_3 = arith.constant 0 : index
    %get3A_4 = vector.load %arg6[%get3A_2, %get3A_3] : memref<2000x1xf32, #tpu.memory_space<vmem>>, vector<2000x1xf32>
    %add3A = arith.addf %get3A_1, %get3A_4 : vector<2000x1xf32>
    %rsqrt3A = math.rsqrt %add3A : vector<2000x1xf32>
    %get3A_5 = arith.constant 0 : index
    %get3A_6 = arith.constant 0 : index
    %get3A_7 = vector.load %arg1[%get3A_5, %get3A_6] : memref<2000x128xf32, #tpu.memory_space<vmem>>, vector<2000x128xf32>
    %get3A_8 = arith.constant 0 : index
    %get3A_9 = arith.constant 0 : index
    %get3A_10 = vector.load %arg2[%get3A_8, %get3A_9] : memref<128x128xf32, #tpu.memory_space<vmem>>, vector<128x128xf32>
    %dot_general3A = arith.constant dense<0.000000e+00> : vector<2000x128xf32>
    %dot_general3A_11 = tpu.matmul %get3A_7, %get3A_10, %dot_general3A {dimension_numbers = #tpu.dot_dimension_numbers<[1], [1], [0], [0], [0, 0, 1, 0], [], []>, transpose_lhs_hint = false} : vector<2000x128xf32>, vector<128x128xf32>, vector<2000x128xf32> -> vector<2000x128xf32>
    %get3A_12 = arith.constant 0 : index
    %get3A_13 = arith.constant 0 : index
    %get3A_14 = vector.load %arg3[%get3A_12, %get3A_13] : memref<1x128xf32, #tpu.memory_space<vmem>>, vector<1x128xf32>
    %add3A_15 = vector.broadcast %get3A_14 : vector<1x128xf32> to vector<2000x128xf32>
    %add3A_16 = arith.addf %dot_general3A_11, %add3A_15 : vector<2000x128xf32>
    %get3A_17 = arith.constant 0 : index
    %get3A_18 = arith.constant 0 : index
    %get3A_19 = vector.load %arg4[%get3A_17, %get3A_18] : memref<128x128xf32, #tpu.memory_space<vmem>>, vector<128x128xf32>
    %dot_general3A_20 = arith.constant dense<0.000000e+00> : vector<2000x128xf32>
    %dot_general3A_21 = tpu.matmul %add3A_16, %get3A_19, %dot_general3A_20 {dimension_numbers = #tpu.dot_dimension_numbers<[1], [1], [0], [0], [0, 0, 1, 0], [], []>, transpose_lhs_hint = false} : vector<2000x128xf32>, vector<128x128xf32>, vector<2000x128xf32> -> vector<2000x128xf32>
    %mul3A = vector.broadcast %rsqrt3A : vector<2000x1xf32> to vector<2000x128xf32>
    %mul3A_22 = arith.mulf %dot_general3A_21, %mul3A : vector<2000x128xf32>
    %swap3A = arith.constant 0 : index
    %swap3A_23 = arith.constant 0 : index
    %swap3A_24 = vector.load %arg7[%swap3A, %swap3A_23] : memref<2000x128xf32, #tpu.memory_space<vmem>>, vector<2000x128xf32>
    tpu.vector_store %arg7[%swap3A, %swap3A_23], %mul3A_22 {strides = array<i32>} : memref<2000x128xf32, #tpu.memory_space<vmem>>, vector<2000x128xf32>,
    return
  }
  func.func @transform_0(%arg0: i32) -> (i32, i32) {
    %c0_i32 = arith.constant 0 : i32
    %c0_i32_0 = arith.constant 0 : i32
    return %arg0, %c0_i32 : i32, i32
  }
  func.func @transform_1(%arg0: i32) -> (i32, i32) {
    %c0_i32 = arith.constant 0 : i32
    %c0_i32_0 = arith.constant 0 : i32
    %c0_i32_1 = arith.constant 0 : i32
    return %c0_i32, %c0_i32_0 : i32, i32
  }
  func.func @transform_2(%arg0: i32) -> (i32, i32) {
    %c0_i32 = arith.constant 0 : i32
    %c0_i32_0 = arith.constant 0 : i32
    %c0_i32_1 = arith.constant 0 : i32
    return %c0_i32, %c0_i32_0 : i32, i32
  }
  func.func @transform_3(%arg0: i32) -> (i32, i32) {
    %c0_i32 = arith.constant 0 : i32
    %c0_i32_0 = arith.constant 0 : i32
    %c0_i32_1 = arith.constant 0 : i32
    return %c0_i32, %c0_i32_0 : i32, i32
  }
  func.func @transform_4(%arg0: i32) -> (i32, i32) {
    %c0_i32 = arith.constant 0 : i32
    %c0_i32_0 = arith.constant 0 : i32
    return %arg0, %c0_i32 : i32, i32
  }
  func.func @transform_5(%arg0: i32) -> (i32, i32) {
    %c0_i32 = arith.constant 0 : i32
    %c0_i32_0 = arith.constant 0 : i32
    return %arg0, %c0_i32 : i32, i32
  }
  func.func @transform_6(%arg0: i32) -> (i32, i32) {
    %c0_i32 = arith.constant 0 : i32
    %c0_i32_0 = arith.constant 0 : i32
    return %arg0, %c0_i32 : i32, i32
  }
}

module attributes {stable_mosaic.version = 14 : i64} {
  func.func @_tc_mid_body(%arg0: i32, %arg1: memref<1x2000x128xf32, #tpu.memory_space<vmem>>, %arg2: memref<1x2000x128xf32, #tpu.memory_space<vmem>>, %arg3: memref<2000x1xf32, #tpu.memory_space<vmem>>, %arg4: memref<2000x1xf32, #tpu.memory_space<vmem>>, %arg5: memref<1x128xf32, #tpu.memory_space<vmem>>, %arg6: memref<128x128xf32, #tpu.memory_space<vmem>>, %arg7: memref<2000x128xf32, #tpu.memory_space<vmem>>) attributes {dimension_semantics = [#tpu.dimension_semantics<arbitrary>], iteration_bounds = array<i64: 5>, scalar_prefetch = 0 : i64, scratch_operands = 0 : i64, tpu.core_type = #tpu.core_type<tc>, window_params = [{transform_indices = @transform_0, window_bounds = array<i64: 1, 2000, 128>}, {transform_indices = @transform_1, window_bounds = array<i64: 1, 2000, 128>}, {transform_indices = @transform_2, window_bounds = array<i64: 2000, 1>}, {transform_indices = @transform_3, window_bounds = array<i64: 2000, 1>}, {pipeline_mode = #tpu.pipeline_mode<synchronous>, transform_indices = @transform_4, window_bounds = array<i64: 1, 128>}, {pipeline_mode = #tpu.pipeline_mode<synchronous>, transform_indices = @transform_5, window_bounds = array<i64: 128, 128>}, {transform_indices = @transform_6, window_bounds = array<i64: 2000, 128>}]} {
    %get3A = arith.constant 0 : index
    %get3A_0 = arith.constant 0 : index
    %get3A_1 = vector.load %arg3[%get3A, %get3A_0] : memref<2000x1xf32, #tpu.memory_space<vmem>>, vector<2000x1xf32>
    %get3A_2 = arith.constant 0 : index
    %get3A_3 = arith.constant 0 : index
    %get3A_4 = vector.load %arg4[%get3A_2, %get3A_3] : memref<2000x1xf32, #tpu.memory_space<vmem>>, vector<2000x1xf32>
    %add3A = arith.addf %get3A_1, %get3A_4 : vector<2000x1xf32>
    %rsqrt3A = math.rsqrt %add3A : vector<2000x1xf32>
    %get3A_5 = arith.constant 0 : index
    %get3A_6 = arith.constant 0 : index
    %get3A_7 = arith.constant 0 : index
    %get3A_8 = vector.load %arg1[%get3A_5, %get3A_6, %get3A_7] : memref<1x2000x128xf32, #tpu.memory_space<vmem>>, vector<1x2000x128xf32>
    %get3A_9 = vector.shape_cast %get3A_8 : vector<1x2000x128xf32> to vector<2000x128xf32>
    %get3A_10 = arith.constant 0 : index
    %get3A_11 = arith.constant 0 : index
    %get3A_12 = arith.constant 0 : index
    %get3A_13 = vector.load %arg2[%get3A_10, %get3A_11, %get3A_12] : memref<1x2000x128xf32, #tpu.memory_space<vmem>>, vector<1x2000x128xf32>
    %get3A_14 = vector.shape_cast %get3A_13 : vector<1x2000x128xf32> to vector<2000x128xf32>
    %add3A_15 = arith.addf %get3A_9, %get3A_14 : vector<2000x128xf32>
    %mul3A = vector.broadcast %rsqrt3A : vector<2000x1xf32> to vector<2000x128xf32>
    %mul3A_16 = arith.mulf %add3A_15, %mul3A : vector<2000x128xf32>
    %get3A_17 = arith.constant 0 : index
    %get3A_18 = arith.constant 0 : index
    %get3A_19 = vector.load %arg5[%get3A_17, %get3A_18] : memref<1x128xf32, #tpu.memory_space<vmem>>, vector<1x128xf32>
    %add3A_20 = vector.broadcast %get3A_19 : vector<1x128xf32> to vector<2000x128xf32>
    %add3A_21 = arith.addf %mul3A_16, %add3A_20 : vector<2000x128xf32>
    %get3A_22 = arith.constant 0 : index
    %get3A_23 = arith.constant 0 : index
    %get3A_24 = vector.load %arg6[%get3A_22, %get3A_23] : memref<128x128xf32, #tpu.memory_space<vmem>>, vector<128x128xf32>
    %dot_general3A = arith.constant dense<0.000000e+00> : vector<2000x128xf32>
    %dot_general3A_25 = tpu.matmul %add3A_21, %get3A_24, %dot_general3A {dimension_numbers = #tpu.dot_dimension_numbers<[1], [1], [0], [0], [0, 0, 1, 0], [], []>, transpose_lhs_hint = false} : vector<2000x128xf32>, vector<128x128xf32>, vector<2000x128xf32> -> vector<2000x128xf32>
    %mul3A_26 = vector.broadcast %rsqrt3A : vector<2000x1xf32> to vector<2000x128xf32>
    %mul3A_27 = arith.mulf %dot_general3A_25, %mul3A_26 : vector<2000x128xf32>
    %swap3A = arith.constant 0 : index
    %swap3A_28 = arith.constant 0 : index
    %swap3A_29 = vector.load %arg7[%swap3A, %swap3A_28] : memref<2000x128xf32, #tpu.memory_space<vmem>>, vector<2000x128xf32>
    tpu.vector_store %arg7[%swap3A, %swap3A_28], %mul3A_27 {strides = array<i32>} : memref<2000x128xf32, #tpu.memory_space<vmem>>, vector<2000x128xf32>,
    return
  }
  func.func @transform_0(%arg0: i32) -> (i32, i32, i32) {
    %c0_i32 = arith.constant 0 : i32
    %c0_i32_0 = arith.constant 0 : i32
    %c0_i32_1 = arith.constant 0 : i32
    return %c0_i32, %arg0, %c0_i32_0 : i32, i32, i32
  }
  func.func @transform_1(%arg0: i32) -> (i32, i32, i32) {
    %c1_i32 = arith.constant 1 : i32
    %c0_i32 = arith.constant 0 : i32
    %c0_i32_0 = arith.constant 0 : i32
    return %c1_i32, %arg0, %c0_i32 : i32, i32, i32
  }
  func.func @transform_2(%arg0: i32) -> (i32, i32) {
    %c0_i32 = arith.constant 0 : i32
    %c0_i32_0 = arith.constant 0 : i32
    return %arg0, %c0_i32 : i32, i32
  }
  func.func @transform_3(%arg0: i32) -> (i32, i32) {
    %c0_i32 = arith.constant 0 : i32
    %c0_i32_0 = arith.constant 0 : i32
    return %arg0, %c0_i32 : i32, i32
  }
  func.func @transform_4(%arg0: i32) -> (i32, i32) {
    %c0_i32 = arith.constant 0 : i32
    %c0_i32_0 = arith.constant 0 : i32
    %c0_i32_1 = arith.constant 0 : i32
    return %c0_i32, %c0_i32_0 : i32, i32
  }
  func.func @transform_5(%arg0: i32) -> (i32, i32) {
    %c0_i32 = arith.constant 0 : i32
    %c0_i32_0 = arith.constant 0 : i32
    %c0_i32_1 = arith.constant 0 : i32
    return %c0_i32, %c0_i32_0 : i32, i32
  }
  func.func @transform_6(%arg0: i32) -> (i32, i32) {
    %c0_i32 = arith.constant 0 : i32
    %c0_i32_0 = arith.constant 0 : i32
    return %arg0, %c0_i32 : i32, i32
  }
}

module attributes {stable_mosaic.version = 14 : i64} {
  func.func @_tc_final_body(%arg0: i32, %arg1: memref<1x2000x128xf32, #tpu.memory_space<vmem>>, %arg2: memref<1x2000x128xf32, #tpu.memory_space<vmem>>, %arg3: memref<2000x1xf32, #tpu.memory_space<vmem>>, %arg4: memref<2000x1xf32, #tpu.memory_space<vmem>>, %arg5: memref<1x128xf32, #tpu.memory_space<vmem>>, %arg6: memref<64x128xf32, #tpu.memory_space<vmem>>, %arg7: memref<1x64xf32, #tpu.memory_space<vmem>>, %arg8: memref<64x64xf32, #tpu.memory_space<vmem>>, %arg9: memref<1x64xf32, #tpu.memory_space<vmem>>, %arg10: memref<2000x64xf32, #tpu.memory_space<vmem>>) attributes {dimension_semantics = [#tpu.dimension_semantics<arbitrary>], iteration_bounds = array<i64: 5>, scalar_prefetch = 0 : i64, scratch_operands = 0 : i64, tpu.core_type = #tpu.core_type<tc>, window_params = [{transform_indices = @transform_0, window_bounds = array<i64: 1, 2000, 128>}, {transform_indices = @transform_1, window_bounds = array<i64: 1, 2000, 128>}, {transform_indices = @transform_2, window_bounds = array<i64: 2000, 1>}, {transform_indices = @transform_3, window_bounds = array<i64: 2000, 1>}, {pipeline_mode = #tpu.pipeline_mode<synchronous>, transform_indices = @transform_4, window_bounds = array<i64: 1, 128>}, {pipeline_mode = #tpu.pipeline_mode<synchronous>, transform_indices = @transform_5, window_bounds = array<i64: 64, 128>}, {pipeline_mode = #tpu.pipeline_mode<synchronous>, transform_indices = @transform_6, window_bounds = array<i64: 1, 64>}, {pipeline_mode = #tpu.pipeline_mode<synchronous>, transform_indices = @transform_7, window_bounds = array<i64: 64, 64>}, {pipeline_mode = #tpu.pipeline_mode<synchronous>, transform_indices = @transform_8, window_bounds = array<i64: 1, 64>}, {transform_indices = @transform_9, window_bounds = array<i64: 2000, 64>}]} {
    %get3A = arith.constant 0 : index
    %get3A_0 = arith.constant 0 : index
    %get3A_1 = vector.load %arg3[%get3A, %get3A_0] : memref<2000x1xf32, #tpu.memory_space<vmem>>, vector<2000x1xf32>
    %get3A_2 = arith.constant 0 : index
    %get3A_3 = arith.constant 0 : index
    %get3A_4 = vector.load %arg4[%get3A_2, %get3A_3] : memref<2000x1xf32, #tpu.memory_space<vmem>>, vector<2000x1xf32>
    %add3A = arith.addf %get3A_1, %get3A_4 : vector<2000x1xf32>
    %rsqrt3A = math.rsqrt %add3A : vector<2000x1xf32>
    %get3A_5 = arith.constant 0 : index
    %get3A_6 = arith.constant 0 : index
    %get3A_7 = arith.constant 0 : index
    %get3A_8 = vector.load %arg1[%get3A_5, %get3A_6, %get3A_7] : memref<1x2000x128xf32, #tpu.memory_space<vmem>>, vector<1x2000x128xf32>
    %get3A_9 = vector.shape_cast %get3A_8 : vector<1x2000x128xf32> to vector<2000x128xf32>
    %get3A_10 = arith.constant 0 : index
    %get3A_11 = arith.constant 0 : index
    %get3A_12 = arith.constant 0 : index
    %get3A_13 = vector.load %arg2[%get3A_10, %get3A_11, %get3A_12] : memref<1x2000x128xf32, #tpu.memory_space<vmem>>, vector<1x2000x128xf32>
    %get3A_14 = vector.shape_cast %get3A_13 : vector<1x2000x128xf32> to vector<2000x128xf32>
    %add3A_15 = arith.addf %get3A_9, %get3A_14 : vector<2000x128xf32>
    %mul3A = vector.broadcast %rsqrt3A : vector<2000x1xf32> to vector<2000x128xf32>
    %mul3A_16 = arith.mulf %add3A_15, %mul3A : vector<2000x128xf32>
    %get3A_17 = arith.constant 0 : index
    %get3A_18 = arith.constant 0 : index
    %get3A_19 = vector.load %arg5[%get3A_17, %get3A_18] : memref<1x128xf32, #tpu.memory_space<vmem>>, vector<1x128xf32>
    %add3A_20 = vector.broadcast %get3A_19 : vector<1x128xf32> to vector<2000x128xf32>
    %add3A_21 = arith.addf %mul3A_16, %add3A_20 : vector<2000x128xf32>
    %get3A_22 = arith.constant 0 : index
    %get3A_23 = arith.constant 0 : index
    %get3A_24 = vector.load %arg6[%get3A_22, %get3A_23] : memref<64x128xf32, #tpu.memory_space<vmem>>, vector<64x128xf32>
    %dot_general3A = arith.constant dense<0.000000e+00> : vector<2000x64xf32>
    %dot_general3A_25 = tpu.matmul %add3A_21, %get3A_24, %dot_general3A {dimension_numbers = #tpu.dot_dimension_numbers<[1], [1], [0], [0], [0, 0, 1, 0], [], []>, transpose_lhs_hint = false} : vector<2000x128xf32>, vector<64x128xf32>, vector<2000x64xf32> -> vector<2000x64xf32>
    %get3A_26 = arith.constant 0 : index
    %get3A_27 = arith.constant 0 : index
    %get3A_28 = vector.load %arg7[%get3A_26, %get3A_27] : memref<1x64xf32, #tpu.memory_space<vmem>>, vector<1x64xf32>
    %add3A_29 = vector.broadcast %get3A_28 : vector<1x64xf32> to vector<2000x64xf32>
    %add3A_30 = arith.addf %dot_general3A_25, %add3A_29 : vector<2000x64xf32>
    %ge3A = arith.constant 0.000000e+00 : f32
    %ge3A_31 = vector.broadcast %ge3A : f32 to vector<2000x64xf32>
    %ge3A_32 = arith.cmpf oge, %add3A_30, %ge3A_31 : vector<2000x64xf32>
    %mul3A_33 = arith.constant 0.00999999977 : f32
    %mul3A_34 = vector.broadcast %mul3A_33 : f32 to vector<2000x64xf32>
    %mul3A_35 = arith.mulf %mul3A_34, %add3A_30 : vector<2000x64xf32>
    %select_n3A = arith.select %ge3A_32, %add3A_30, %mul3A_35 : vector<2000x64xi1>, vector<2000x64xf32>
    %get3A_36 = arith.constant 0 : index
    %get3A_37 = arith.constant 0 : index
    %get3A_38 = vector.load %arg8[%get3A_36, %get3A_37] : memref<64x64xf32, #tpu.memory_space<vmem>>, vector<64x64xf32>
    %dot_general3A_39 = arith.constant dense<0.000000e+00> : vector<2000x64xf32>
    %dot_general3A_40 = tpu.matmul %select_n3A, %get3A_38, %dot_general3A_39 {dimension_numbers = #tpu.dot_dimension_numbers<[1], [1], [0], [0], [0, 0, 1, 0], [], []>, transpose_lhs_hint = false} : vector<2000x64xf32>, vector<64x64xf32>, vector<2000x64xf32> -> vector<2000x64xf32>
    %get3A_41 = arith.constant 0 : index
    %get3A_42 = arith.constant 0 : index
    %get3A_43 = vector.load %arg9[%get3A_41, %get3A_42] : memref<1x64xf32, #tpu.memory_space<vmem>>, vector<1x64xf32>
    %add3A_44 = vector.broadcast %get3A_43 : vector<1x64xf32> to vector<2000x64xf32>
    %add3A_45 = arith.addf %dot_general3A_40, %add3A_44 : vector<2000x64xf32>
    %swap3A = arith.constant 0 : index
    %swap3A_46 = arith.constant 0 : index
    %swap3A_47 = vector.load %arg10[%swap3A, %swap3A_46] : memref<2000x64xf32, #tpu.memory_space<vmem>>, vector<2000x64xf32>
    tpu.vector_store %arg10[%swap3A, %swap3A_46], %add3A_45 {strides = array<i32>} : memref<2000x64xf32, #tpu.memory_space<vmem>>, vector<2000x64xf32>,
    return
  }
  func.func @transform_0(%arg0: i32) -> (i32, i32, i32) {
    %c0_i32 = arith.constant 0 : i32
    %c0_i32_0 = arith.constant 0 : i32
    %c0_i32_1 = arith.constant 0 : i32
    return %c0_i32, %arg0, %c0_i32_0 : i32, i32, i32
  }
  func.func @transform_1(%arg0: i32) -> (i32, i32, i32) {
    %c1_i32 = arith.constant 1 : i32
    %c0_i32 = arith.constant 0 : i32
    %c0_i32_0 = arith.constant 0 : i32
    return %c1_i32, %arg0, %c0_i32 : i32, i32, i32
  }
  func.func @transform_2(%arg0: i32) -> (i32, i32) {
    %c0_i32 = arith.constant 0 : i32
    %c0_i32_0 = arith.constant 0 : i32
    return %arg0, %c0_i32 : i32, i32
  }
  func.func @transform_3(%arg0: i32) -> (i32, i32) {
    %c0_i32 = arith.constant 0 : i32
    %c0_i32_0 = arith.constant 0 : i32
    return %arg0, %c0_i32 : i32, i32
  }
  func.func @transform_4(%arg0: i32) -> (i32, i32) {
    %c0_i32 = arith.constant 0 : i32
    %c0_i32_0 = arith.constant 0 : i32
    %c0_i32_1 = arith.constant 0 : i32
    return %c0_i32, %c0_i32_0 : i32, i32
  }
  func.func @transform_5(%arg0: i32) -> (i32, i32) {
    %c0_i32 = arith.constant 0 : i32
    %c0_i32_0 = arith.constant 0 : i32
    %c0_i32_1 = arith.constant 0 : i32
    return %c0_i32, %c0_i32_0 : i32, i32
  }
  func.func @transform_6(%arg0: i32) -> (i32, i32) {
    %c0_i32 = arith.constant 0 : i32
    %c0_i32_0 = arith.constant 0 : i32
    %c0_i32_1 = arith.constant 0 : i32
    return %c0_i32, %c0_i32_0 : i32, i32
  }
  func.func @transform_7(%arg0: i32) -> (i32, i32) {
    %c0_i32 = arith.constant 0 : i32
    %c0_i32_0 = arith.constant 0 : i32
    %c0_i32_1 = arith.constant 0 : i32
    return %c0_i32, %c0_i32_0 : i32, i32
  }
  func.func @transform_8(%arg0: i32) -> (i32, i32) {
    %c0_i32 = arith.constant 0 : i32
    %c0_i32_0 = arith.constant 0 : i32
    %c0_i32_1 = arith.constant 0 : i32
    return %c0_i32, %c0_i32_0 : i32, i32
  }
  func.func @transform_9(%arg0: i32) -> (i32, i32) {
    %c0_i32 = arith.constant 0 : i32
    %c0_i32_0 = arith.constant 0 : i32
    return %arg0, %c0_i32 : i32, i32
  }
}

</mosaic_0001>

<sc_bundles>
// kernel: kernel.11.cloned.1.call-start
scs
__scs_entry_jumppad:
0x0: {  	(pc) =	sbr.rel $0x88, $3  }
0x1: {  	(tag) =	ssettag $0x0;
	lr =	simm.s32 $0x1  }
0x2: {  	[smem:$0x3F93] =	sst lr;
	_ =	strace $0xD0000000  }
0x3: {  	_ = 	snop  }
0x4: {  	_ = 	snop  }
0x5: {  	_ = 	snop  }
0x6: {  	_ = 	snop  }
0x7: {  	_ = 	snop  }
__scs_overlays_trampoline_lowered:
0x8: {  	[smem:$0x3FA2] =	sst s0  }
0x9: {  	[smem:$0x3FA3] =	sst s1  }
0xa: {  	[smem:$0x3FA4] =	sst s2  }
0xb: {  	[smem:$0x3FA5] =	sst s3  }
0xc: {  	[smem:$0x3FA6] =	sst s4  }
0xd: {  	[smem:$0x3FA7] =	sst s5  }
0xe: {  	[smem:$0x3FA8] =	sst s6  }
0xf: {  	[smem:$0x3FA9] =	sst s7  }
0x10: {  	[smem:$0x3FAA] =	sst s8  }
0x11: {  	[smem:$0x3FAB] =	sst s9;
	s0 =	simm.s32 @!p0 $0x0  }
0x12: {  	s1 =	sld [smem:$0x3F91];
	s0 =	simm.s32 @p0 $0x1  }
0x13: {  	[smem:$0x3FAC] =	sst s0;
	s0 =	simm.s32 @!p1 $0x0  }
0x14: {  	s2 =	sld [smem:$0x3F90];
	s0 =	simm.s32 @p1 $0x1  }
0x15: {  	[smem:$0x3FAD] =	sst s0;
	s0 =	simm.s32 @!p2 $0x0  }
0x16: {  	s3 =	sld [smem:$0x3FDB];
	s0 =	simm.s32 @p2 $0x1  }
0x17: {  	s4 =	simm.s32 $0x1BF5;
	[smem:$0x3FAF] =	sst s0  }
0x18: {  	s0 =	sld [smem:$0x3F92];
	_ =	swait.ge [sflag:s4], $0x0  }
0x19: {  	s7 =	sld [smem:$0x3F93]  }
0x1a: {  	s8 =	sadd.s32 $0xFFFFE003, lr  }
0x1b: {  	s9 =	sadd.s32 $0xFFFFFEF7, lr;
	s5 =	simm.s32 $0xFFFFFFFF;
	p2 =	slt.u32 s8, $0xFFFFF086  }
0x1c: {  	p1 =	slt.u32 s9, $0xF7A;
	s5 =	simm.s32 @!p2 $0x0  }
0x1d: {  	s5 =	simm.s32 @p1 $0x1;
	p0 =	seq.s32 s7, s2  }
0x1e: {  	s7 =	smul.u32 @!p0 $0xF7A, s2;
	p2 =	seq.s32 @!p0 s5, $0x0  }
0x1f: {  	s9 =	smul.u32 $0xF7A, s1;
	s8 =	simm.s32 @!p0 $0x1BF5;
	p2 =	por !p2, p0  }
0x20: {  	[sflag:s8] =	ssyncset.s32 @!p0 $0xFFFFF086;
	s6 =	sadd.s32 @!p0 s3, s7;
	s7 =	simm.s32 @!p0 $0x108  }
0x21: {  	s3 =	sadd.s32 s3, s9;
	s6 =	sadd.s32 @!p0 $0x88, s6;
	s7 =	simm.s32 @p2 $0x1082  }
0x22: {  	[simem:s7], [sflag:s8] =	dma.local @!p0 [hbm:s6], $0xF7A  }
0x23: {  	s9 =	sor.u32 $0xD0000000, s2;
	s6 =	simm.s32 $0x108;
	_ =	swait.ge @!p0 [sflag:s8], $0x0  }
0x24: {  	s3 =	sadd.s32 $0x88, s3;
	s6 =	simm.s32 @!p1 $0x1082;
	[sflag:s4] =	ssyncset.s32 $0xFFFFF086  }
0x25: {  	[simem:s6], [sflag:s4] =	dma.local [hbm:s3], $0xF7A  }
0x26: {  	[smem:$0x3F93] =	sst s1;
	(tag) =	ssettag s2;
	_ =	strace s9  }
0x27: {  	s1 =	sld [smem:$0x3FA3]  }
0x28: {  	s2 =	sld [smem:$0x3FA4]  }
0x29: {  	s4 =	sld [smem:$0x3FA6]  }
0x2a: {  	p0 =	seq.s32 s5, $0x0;
	s5 =	sld [smem:$0x3FA7]  }
0x2b: {  	s6 =	sld [smem:$0x3FA8]  }
0x2c: {  	s7 =	sld [smem:$0x3FA9]  }
0x2d: {  	s3 =	simm.s32 $0x108;
	s8 =	sld [smem:$0x3FAA]  }
0x2e: {  	s3 =	simm.s32 @!p0 $0x1082;
	s9 =	sld [smem:$0x3FAB]  }
0x2f: {  	lr =	sadd.s32 s0, s3;
	s0 =	sld [smem:$0x3FA2]  }
0x30: {  	s3 =	sld [smem:$0x3FA5]  }
0x31: {  	[smem:$0x3FAE] =	sst s10  }
0x32: {  	s10 =	sld [smem:$0x3FAC];
	_ =	sdelay $0x3  }
0x33: {  	p0 =	seq.s32 s10, $0x1;
	s10 =	sld [smem:$0x3FAE];
	_ =	sdelay $0x3  }
0x34: {  	[smem:$0x3FAE] =	sst s10  }
0x35: {  	s10 =	sld [smem:$0x3FAD];
	_ =	sdelay $0x3  }
0x36: {  	p1 =	seq.s32 s10, $0x1;
	s10 =	sld [smem:$0x3FAE];
	_ =	sdelay $0x3  }
0x37: {  	[smem:$0x3FAE] =	sst s10  }
0x38: {  	s10 =	sld [smem:$0x3FAF]  }
0x39: {  	_ = 	snop;
	(pc) =	sbr.ind lr, $3  }
0x3a: {  	_ = 	snop  }
0x3b: {  	_ = 	snop  }
0x3c: {  	p2 =	seq.s32 s10, $0x1;
	s10 =	sld [smem:$0x3FAE]  }
0x3d: {  	_ =	shalt  }
0x3e: {  	_ =	shalt  }
0x3f: {  	_ =	shalt  }
0x40: {  	_ =	shalt  }
0x41: {  	_ =	shalt  }
0x42: {  	_ =	shalt  }
0x43: {  	_ =	shalt  }
0x44: {  	_ =	shalt  }
0x45: {  	_ =	shalt  }
0x46: {  	_ =	shalt  }
0x47: {  	_ =	shalt  }
0x48: {  	_ =	shalt  }
0x49: {  	_ =	shalt  }
0x4a: {  	_ =	shalt  }
0x4b: {  	_ =	shalt  }
0x4c: {  	_ =	shalt  }
0x4d: {  	_ =	shalt  }
0x4e: {  	_ =	shalt  }
0x4f: {  	_ =	shalt  }
0x50: {  	_ =	shalt  }
0x51: {  	_ =	shalt  }
0x52: {  	_ =	shalt  }
0x53: {  	_ =	shalt  }
0x54: {  	_ =	shalt  }
0x55: {  	_ =	shalt  }
0x56: {  	_ =	shalt  }
0x57: {  	_ =	shalt  }
0x58: {  	_ =	shalt  }
0x59: {  	_ =	shalt  }
0x5a: {  	_ =	shalt  }
0x5b: {  	_ =	shalt  }
0x5c: {  	_ =	shalt  }
0x5d: {  	_ =	shalt  }
0x5e: {  	_ =	shalt  }
0x5f: {  	_ =	shalt  }
0x60: {  	_ =	shalt  }
0x61: {  	_ =	shalt  }
0x62: {  	_ =	shalt  }
0x63: {  	_ =	shalt  }
0x64: {  	_ =	shalt  }
0x65: {  	_ =	shalt  }
0x66: {  	_ =	shalt  }
0x67: {  	_ =	shalt  }
0x68: {  	_ =	shalt  }
0x69: {  	_ =	shalt  }
0x6a: {  	_ =	shalt  }
0x6b: {  	_ =	shalt  }
0x6c: {  	_ =	shalt  }
0x6d: {  	_ =	shalt  }
0x6e: {  	_ =	shalt  }
0x6f: {  	_ =	shalt  }
0x70: {  	_ =	shalt  }
0x71: {  	_ =	shalt  }
0x72: {  	_ =	shalt  }
0x73: {  	_ =	shalt  }
0x74: {  	_ =	shalt  }
0x75: {  	_ =	shalt  }
0x76: {  	_ =	shalt  }
0x77: {  	_ =	shalt  }
0x78: {  	_ =	shalt  }
0x79: {  	_ =	shalt  }
0x7a: {  	_ =	shalt  }
0x7b: {  	_ =	shalt  }
0x7c: {  	_ =	shalt  }
0x7d: {  	_ =	shalt  }
0x7e: {  	_ =	shalt  }
0x7f: {  	_ =	shalt  }
0x80: {  	_ =	shalt  }
0x81: {  	_ =	shalt  }
0x82: {  	_ =	shalt  }
0x83: {  	_ =	shalt  }
0x84: {  	_ =	shalt  }
0x85: {  	_ =	shalt  }
0x86: {  	_ =	shalt  }
0x87: {  	_ =	shalt  }
.Lfunc_end0:
.L_simem_size_0:
called_computation_lowered:
.L_overlay_start_0:
0x88: {  	s2 =	sld [smem:$0x3FD9]  }
0x89: {  	s3 =	sld [smem:$0x3FFE];
	_ =	sdelay $0x1  }
0x8a: {  	s1 =	srdreg.scid  }
0x8b: {  	s0 =	sand.u32 $0x1, s1  }
0x8c: {  	s16 =	sshll.u32 s0, $0xA;
	s2 =	sadd.s32 s3, s2  }
0x8d: {  	s2 =	sadd.s32 s2, s16  }
0x8e: {  	[smem:$0x3FBA] =	sst s2  }
0x8f: {  	_ = 	snop  }
0x90: {  	(tm) =	ssettm $0x1  }
0x91: {  	s17 =	sld [smem:$0x3FFB];
	_ =	sdelay $0x3  }
0x92: {  	_ =	strace s17  }
0x93: {  	s2 =	sld [smem:$0x3FFC];
	_ =	sdelay $0x3  }
0x94: {  	_ =	strace s2  }
0x95: {  	s2 =	sld [smem:$0x3FFD];
	_ =	sdelay $0x3  }
0x96: {  	_ =	strace s2  }
0x97: {  	_ =	strace $0x8FFFFFFF  }
0x98: {  	s18 =	sld [smem:$0x3FDB];
	_ =	sdelay $0x1  }
0x99: {  	s19 =	simm.s32 $_scs_section_size  }
0x9a: {  	s4 =	simm.s32 $_size__tile_overlayer_lowered;
	s5 =	simm.s32 $_tile_overlayer_lowered  }
0x9b: {  	s22 =	simm.s32 $0x1BFF;
	s21 =	sshll.u32 s5, $0x1;
	s2 =	sadd.s32 s19, s18  }
0x9c: {  	s6 =	simm.s32 $0x0;
	s20 =	sshll.u32 s4, $0x1;
	s4 =	sadd.s32 s21, s2  }
0x9d: {  	[timem:s6], [sflag:s22] =	dma.local [hbm:s4], s20  }
0x9e: {  	_ =	swait.ge [sflag:s22], s20  }
0x9f: {  	s3 =	ssub.s32 $0x0, s20;
	[sflag:s22] =	ssyncset.done $0x0  }
0xa0: {  	[sflag:s22] =	ssyncadd.s32 s3;
	_ =	sdelay $0x1  }
0xa1: {  	s23 =	simm.s32 $0x1B8B  }
0xa2: {  	_ =	swait.ge [sflag:s23], $0x1  }
0xa3: {  	[sflag:s23] =	ssyncset.done $0x0  }
0xa4: {  	s25 =	simm.s32 $0x1B8E;
	s24 =	sld [smem:$0x3FFE];
	[sflag:s23] =	ssyncadd.s32 $0xFFFFFFFF  }
0xa5: {  	s26 =	simm.s32 $execute0_lowered;
	[smem:$0x3FD2] =	sst s25  }
0xa6: {  	s4 =	sshll.u32 s26, $0x1;
	_ =	strace $0x80000046;
	[dreg:$0x1] =	wrdreg $0xFFFFFFFF  }
0xa7: {  	s28 =	simm.s32 $_size_execute0_lowered;
	s2 =	sadd.s32 s2, s4;
	[dreg:$0x0] =	wrdreg $0x0  }
0xa8: {  	s4 =	sshll.u32 s28, $0x1;
	[dreg:$0x2] =	wrdreg s2  }
0xa9: {  	[dreg:$0x3] =	wrdreg s4  }
0xaa: {  	[dreg:$0x4] =	wrdreg $0xC0  }
0xab: {  	_ =	task [dreg:s6], $0x5FFFF  }
0xac: {  	[dreg:$0x1] =	wrdreg $0xFFFFFFFF  }
0xad: {  	[dreg:$0x0] =	wrdreg $0x60  }
0xae: {  	[dreg:$0x2] =	wrdreg s24  }
0xaf: {  	[dreg:$0x3] =	wrdreg $0x0  }
0xb0: {  	[dreg:$0x4] =	wrdreg $0x9  }
0xb1: {  	_ =	task.clear_ibuf [dreg:s6], $0x5FFFF;
	_ =	strace $0x90000046  }
0xb2: {  	s29 =	simm.s32 $0x9;
	_ =	strace $0x80000048  }
0xb3: {  	_ =	swait.ge [sflag:s29], $0x1  }
0xb4: {  	[sflag:s29] =	ssyncadd.s32 $0xFFFFFFFF  }
0xb5: {  	_ =	strace $0x90000048  }
0xb6: {  	_ =	sfence  }
0xb7: {  	s30 =	sld [smem:$0x0];
	_ =	sdelay $0x2  }
0xb8: {  	s31 =	sshll.u32 s1, $0xD;
	s1 =	sshrl.u32 s1, $0x2  }
0xb9: {  	s3 =	sand.u32 $0x4000, s31;
	s1 =	sadd.s32 s1, s30  }
0xba: {  	s0 =	sor.u32 s3, s0;
	s1 =	sshll.u32 s1, $0x11  }
0xbb: {  	s0 =	sor.u32 s1, s0  }
0xbc: {  	s0 =	sadd.s32 $0x8F2B, s0  }
0xbd: {  	[sflag:s0] =	ssyncadd.remote.s32 $0x1  }
0xbe: {  	_ =	sfence.sel $0xFFFF  }
0xbf: {  	[dreg:$0x0] =	wrdreg $0xFFFFFFFF;
	(pc) =	sbr.abs _section_cstart, $3  }
0xc0: {  	[dreg:$0x1] =	wrdreg $0xFFFFFFFF  }
0xc1: {  	_ =	task.clear_ibuf [dreg:s6], $0x2FFFF;
	_ =	strace $0x9FFFFFFF  }
0xc2: {  	(tm) =	ssettm $0x7FFFFFFF  }
0xc3: {  	_ =	shalt  }
tec
execute0_lowered:
.L_overlay_start_1:
0x0: {  	(tag) =	ssettag $0x1  }
0x1: {  	s4 =	rddreg [dreg:$0x0]  }
0x2: {  	s2 =	rddreg [dreg:$0x1]  }
0x3: {  	s0 =	srdreg.scid;
	s1 =	rddreg [dreg:$0x2]  }
0x4: {  	s3 =	simm.s32 $0x0;
	s10 =	simm.s32 $0x2800;
	s11 =	simm.s32 $0x80  }
0x5: {  	s12 =	simm.s32 $0x5400;
	s5 =	sand.u32 $0x1, s0;
	s0 =	stileid.u32  }
0x6: {  	s13 =	simm.s32 $0x1D400;
	[smem:$0x7FF] =	sst s3;
	s6 =	smul.u32 $0x2C000, s5  }
0x7: {  	s14 =	simm.s32 $0x0;
	s7 =	smul.u32 $0x2C00, s0;
	_ =	strace $0x80000047  }
0x8: {  	s26 =	sshll.u32 s0, $0x7;
	s8 =	ssub.s32 $0x2, s5;
	s9 =	smul.u32 $0x50000, s0  }
0x9: {  	s30 =	sshll.u32 s5, $0xB;
	s28 =	sshrl.u32 s8, $0x1;
	s6 =	sadd.s32 s7, s6  }
0xa: {  	s7 =	sadd.s32 s26, s4;
	s8 =	ssub.s32 s8, s28;
	s29 =	sshrl.u32 s9, $0x2  }
0xb: {  	s9 =	simm.s32 $0x1;
	s6 =	sshrl.u32 s6, $0x3;
	s31 =	sadd.s32 s30, s7  }
0xc: {  	s7 =	smax.u32 s8, $0x1;
	s8 =	simm.s32 $0x9400;
	s6 =	sadd.s32 s6, s4  }
0xd: {  	v0 =	vimm.f32 $1.000000000e+00;
	v1 =	vimm.f32 $0.0e+00;
	v2 =	vlaneseq.u32;
	s4 =	sadd.s32 s29, s2;
	s5 =	sadd.s32 $0x3C00, s6;
	s6 =	sadd.s32 $0xEC00, s31  }
.LBB2_1:
0xe: {  	s15 =	simm.s32 $0x0  }
.LBB2_2:
0xf: {  	p0 =	sne.s32 s15, $0xFE00  }
.Ltmp0:
0x10: {  	_ = 	snop;
	(pc) =	sbr.rel @p0 .LBB2_2-.Ltmp0, $3  }
0x11: {  	_ =	sdelay $0x1  }
0x12: {  	s16 =	sshra.s32 s15, $0x2  }
0x13: {  	s15 =	sadd.s32 $0x200, s15;
	[tilespmem:s16+$0x5400] =	vst v0  }
0x14: {  	s15 =	simm.s32 $0x200;
	s16 =	simm.s32 $0x0  }
.LBB2_4:
0x15: {  	p0 =	sne.s32 s15, $0x4FE00;
	[tilespmem:s16+$0x9400] =	vst v1;
	s16 =	smov.u32 s15;
	s15 =	sadd.s32 $0x200, s15  }
.Ltmp1:
0x16: {  	(pc) =	sbr.rel @p0 .LBB2_4-.Ltmp1, $2  }
0x17: {  	_ =	sdelay $0x2  }
0x18: {  	s16 =	sshra.s32 s16, $0x2  }
0x19: {  	[tilespmem:s16+$0x9400] =	vst v1  }
0x1a: {  	[spmem:s4] =	stream.linear.scatter [tilespmem:s8], [sflag:$0x1], $0x14000, $0x38;
	[tilespmem:$0x1D800] =	vst v63  }
0x1b: {  	_ =	swait.ge [sflag:s9], $0x14000  }
0x1c: {  	[sflag:s9] =	ssyncset.done $0x0  }
0x1d: {  	[sflag:s9] =	ssyncadd.s32 $0xFFFEC000  }
0x1e: {  	s15 =	simm.s32 $0x0;
	[bflag:$0x0] =	sbarrier.arrive $0xFFFF  }
0x1f: {  	[tilespmem:s10], [sflag:$0x1] =	stream.linear.gather [hbm4b:s5+s15], $0x2A00, $0x38;
	[tilespmem:$0x1D800] =	vst v63  }
0x20: {  	_ =	swait.ge [sflag:s9], $0x2A00  }
0x21: {  	[sflag:s9] =	ssyncset.done $0x0  }
0x22: {  	s31 =	simm.s32 $0x2800;
	[sflag:s9] =	ssyncadd.s32 $0xFFFFD600  }
0x23: {  	[spmem:s2] =	stream.indirect.scatter.add.f32 [tilespmem:s12], [sflag:$0x1], $0x10, s31, s11, $0xb8;
	[tilespmem:$0x1D800] =	vst v63  }
0x24: {  	s15 =	simm.s32 $0x200;
	_ =	swait.ge [sflag:s9], $0x800  }
.LBB2_6:
0x25: {  	s16 =	sshra.s32 s15, $0x2;
	[sflag:s9] =	ssyncset.done $0x0;
	p0 =	sne.s32 s15, $0xA600  }
.Ltmp2:
0x26: {  	s16 =	sadd.s32 $0x2800, s16;
	[sflag:s9] =	ssyncadd.s32 $0xFFFFF800;
	(pc) =	sbr.rel @p0 .LBB2_6-.Ltmp2, $3  }
0x27: {  	[spmem:s2] =	stream.indirect.scatter.add.f32 [tilespmem:s12], [sflag:$0x1], $0x10, s16, s11, $0xb8;
	[tilespmem:$0x1D800] =	vst v63  }
0x28: {  	s15 =	sadd.s32 $0x200, s15;
	_ =	sdelay $0x1  }
0x29: {  	_ =	swait.ge [sflag:s9], $0x800  }
0x2a: {  	[sflag:s9] =	ssyncset.done $0x0  }
0x2b: {  	[sflag:s9] =	ssyncadd.s32 $0xFFFFF800  }
0x2c: {  	s15 =	simm.s32 $0x9400;
	[bflag:$0x0] =	sbarrier.arrive $0xFFFF  }
0x2d: {  	[tilespmem:s15], [sflag:$0x1] =	stream.linear.gather [spmem:s4], $0x14000, $0x38;
	[tilespmem:$0x1D800] =	vst v63  }
0x2e: {  	_ =	swait.ge [sflag:s9], $0x14000  }
0x2f: {  	[sflag:s9] =	ssyncset.done $0x0  }
0x30: {  	s16 =	simm.s32 $0x0;
	s17 =	simm.s32 $0x0;
	[sflag:s9] =	ssyncadd.s32 $0xFFFEC000  }
.LBB2_8:
0x31: {  	v4 =	vld [tilespmem:s15+$0x0];
	_ =	sdelay $0x1  }
0x32: {  	v5 =	vmov s16  }
0x33: {  	v3 =	vimm.f32 $0.0e+00;
	s18 =	simm.s32 $0x1;
	s19 =	smov.u32 s15;
	vm0 =	veq.s32 v5, v2  }
.LBB2_9:
0x34: {  	p0 =	sne.s32 s18, $0xF  }
0x35: {  	v3 =	vsel vm0, v4, v3;
	s19 =	sadd.s32 $0x80, s19;
	s20 =	smov.u32 s18;
	s18 =	sadd.s32 $0x1, s18  }
.Ltmp3:
0x36: {  	v4 =	vld [tilespmem:s19+$0x0];
	(pc) =	sbr.rel @p0 .LBB2_9-.Ltmp3, $3  }
0x37: {  	_ =	sdelay $0x1  }
0x38: {  	v5 =	vmov s20  }
0x39: {  	vm0 =	veq.s32 v5, v2  }
0x3a: {  	s18 =	sshll.u32 s17, $0x4;
	s17 =	sadd.s32 $0x1, s17  }
0x3b: {  	p0 =	sne.s32 s17, $0x28  }
.Ltmp4:
0x3c: {  	_ = 	snop;
	(pc) =	sbr.rel @p0 .LBB2_8-.Ltmp4, $3  }
0x3d: {  	_ =	sdelay $0x1  }
0x3e: {  	v3 =	vsel vm0, v4, v3;
	s18 =	sand.u32 $0x3F0, s18  }
0x3f: {  	s15 =	sadd.s32 $0x800, s15;
	[tilespmem:s18+$0x1D400] =	vst v3  }
0x40: {  	s14 =	sadd.s32 $0x1, s14  }
0x41: {  	p0 =	sne.s32 s14, s7  }
.Ltmp5:
0x42: {  	_ = 	snop;
	(pc) =	sbr.rel @p0 .LBB2_1-.Ltmp5, $4  }
0x43: {  	[hbm4b:s6+s3] =	stream.linear.scatter [tilespmem:s13], [sflag:$0x1], $0x280, $0x38;
	[tilespmem:$0x1D800] =	vst v63  }
0x44: {  	_ =	swait.ge [sflag:s9], $0x280  }
0x45: {  	[sflag:s9] =	ssyncset.done $0x0  }
0x46: {  	[sflag:s9] =	ssyncadd.s32 $0xFFFFFD80  }
0x47: {  	_ =	sfence.sel $0x180000  }
0x48: {  	[bflag:$0x0] =	sbarrier.arrive $0xFFFF  }
0x49: {  	p0 =	sne.s32 s0, $0x0;
	_ =	strace $0x90000047  }
0x4a: {  	s0 =	sadd.s32 @!p0 $0x100000, s1;
	[bflag:$0x2] =	sbarrier.arrive $0xFFFF  }
0x4b: {  	[sflag:s0] =	ssyncadd.tile.s32 @!p0 $0x1;
	_ =	shalt  }
.Lfunc_end2:
_tile_overlayer_lowered:
.L_overlay_start_2:
0x4c: {  	(tag) =	ssettag $0x2  }
0x4d: {  	s0 =	rddreg [dreg:$0x0];
	s2 =	stileid.u32  }
0x4e: {  	s1 =	rddreg [dreg:$0x1];
	p0 =	sne.s32 s2, $0x0  }
0x4f: {  	s3 =	rddreg [dreg:$0x2];
	[bflag:$0x3] =	sbarrier.arrive $0xFFFF;
	s2 =	simm.s32 @!p0 $0x1C01  }
0x50: {  	[timem:s3], [sflag:s2] =	dma.local @!p0 [hbm:s0], s1  }
0x51: {  	s0 =	simm.s32 @!p0 $0x1  }
0x52: {  	_ =	swait.ge @!p0 [sflag:s0], s1  }
0x53: {  	s1 =	ssub.s32 @!p0 $0x0, s1;
	[sflag:s0] =	ssyncset.done @!p0 $0x0  }
0x54: {  	[sflag:s0] =	ssyncadd.s32 @!p0 s1  }
0x55: {  	[bflag:$0x3] =	sbarrier.arrive $0xFFFF  }
0x56: {  	_ =	shalt  }

// kernel: kernel.14.cloned.1.call-start
scs
__scs_entry_jumppad:
0x0: {  	(pc) =	sbr.rel $0x88, $3  }
0x1: {  	(tag) =	ssettag $0x0;
	lr =	simm.s32 $0x1  }
0x2: {  	[smem:$0x3F93] =	sst lr;
	_ =	strace $0xD0000000  }
0x3: {  	_ = 	snop  }
0x4: {  	_ = 	snop  }
0x5: {  	_ = 	snop  }
0x6: {  	_ = 	snop  }
0x7: {  	_ = 	snop  }
__scs_overlays_trampoline_lowered:
0x8: {  	[smem:$0x3FA2] =	sst s0  }
0x9: {  	[smem:$0x3FA3] =	sst s1  }
0xa: {  	[smem:$0x3FA4] =	sst s2  }
0xb: {  	[smem:$0x3FA5] =	sst s3  }
0xc: {  	[smem:$0x3FA6] =	sst s4  }
0xd: {  	[smem:$0x3FA7] =	sst s5  }
0xe: {  	[smem:$0x3FA8] =	sst s6  }
0xf: {  	[smem:$0x3FA9] =	sst s7  }
0x10: {  	[smem:$0x3FAA] =	sst s8  }
0x11: {  	[smem:$0x3FAB] =	sst s9;
	s0 =	simm.s32 @!p0 $0x0  }
0x12: {  	s1 =	sld [smem:$0x3F91];
	s0 =	simm.s32 @p0 $0x1  }
0x13: {  	[smem:$0x3FAC] =	sst s0;
	s0 =	simm.s32 @!p1 $0x0  }
0x14: {  	s2 =	sld [smem:$0x3F90];
	s0 =	simm.s32 @p1 $0x1  }
0x15: {  	[smem:$0x3FAD] =	sst s0;
	s0 =	simm.s32 @!p2 $0x0  }
0x16: {  	s3 =	sld [smem:$0x3FDB];
	s0 =	simm.s32 @p2 $0x1  }
0x17: {  	s4 =	simm.s32 $0x1BF5;
	[smem:$0x3FAF] =	sst s0  }
0x18: {  	s0 =	sld [smem:$0x3F92];
	_ =	swait.ge [sflag:s4], $0x0  }
0x19: {  	s7 =	sld [smem:$0x3F93]  }
0x1a: {  	s8 =	sadd.s32 $0xFFFFE003, lr  }
0x1b: {  	s9 =	sadd.s32 $0xFFFFFEF7, lr;
	s5 =	simm.s32 $0xFFFFFFFF;
	p2 =	slt.u32 s8, $0xFFFFF086  }
0x1c: {  	p1 =	slt.u32 s9, $0xF7A;
	s5 =	simm.s32 @!p2 $0x0  }
0x1d: {  	s5 =	simm.s32 @p1 $0x1;
	p0 =	seq.s32 s7, s2  }
0x1e: {  	s7 =	smul.u32 @!p0 $0xF7A, s2;
	p2 =	seq.s32 @!p0 s5, $0x0  }
0x1f: {  	s9 =	smul.u32 $0xF7A, s1;
	s8 =	simm.s32 @!p0 $0x1BF5;
	p2 =	por !p2, p0  }
0x20: {  	[sflag:s8] =	ssyncset.s32 @!p0 $0xFFFFF086;
	s6 =	sadd.s32 @!p0 s3, s7;
	s7 =	simm.s32 @!p0 $0x108  }
0x21: {  	s3 =	sadd.s32 s3, s9;
	s6 =	sadd.s32 @!p0 $0x88, s6;
	s7 =	simm.s32 @p2 $0x1082  }
0x22: {  	[simem:s7], [sflag:s8] =	dma.local @!p0 [hbm:s6], $0xF7A  }
0x23: {  	s9 =	sor.u32 $0xD0000000, s2;
	s6 =	simm.s32 $0x108;
	_ =	swait.ge @!p0 [sflag:s8], $0x0  }
0x24: {  	s3 =	sadd.s32 $0x88, s3;
	s6 =	simm.s32 @!p1 $0x1082;
	[sflag:s4] =	ssyncset.s32 $0xFFFFF086  }
0x25: {  	[simem:s6], [sflag:s4] =	dma.local [hbm:s3], $0xF7A  }
0x26: {  	[smem:$0x3F93] =	sst s1;
	(tag) =	ssettag s2;
	_ =	strace s9  }
0x27: {  	s1 =	sld [smem:$0x3FA3]  }
0x28: {  	s2 =	sld [smem:$0x3FA4]  }
0x29: {  	s4 =	sld [smem:$0x3FA6]  }
0x2a: {  	p0 =	seq.s32 s5, $0x0;
	s5 =	sld [smem:$0x3FA7]  }
0x2b: {  	s6 =	sld [smem:$0x3FA8]  }
0x2c: {  	s7 =	sld [smem:$0x3FA9]  }
0x2d: {  	s3 =	simm.s32 $0x108;
	s8 =	sld [smem:$0x3FAA]  }
0x2e: {  	s3 =	simm.s32 @!p0 $0x1082;
	s9 =	sld [smem:$0x3FAB]  }
0x2f: {  	lr =	sadd.s32 s0, s3;
	s0 =	sld [smem:$0x3FA2]  }
0x30: {  	s3 =	sld [smem:$0x3FA5]  }
0x31: {  	[smem:$0x3FAE] =	sst s10  }
0x32: {  	s10 =	sld [smem:$0x3FAC];
	_ =	sdelay $0x3  }
0x33: {  	p0 =	seq.s32 s10, $0x1;
	s10 =	sld [smem:$0x3FAE];
	_ =	sdelay $0x3  }
0x34: {  	[smem:$0x3FAE] =	sst s10  }
0x35: {  	s10 =	sld [smem:$0x3FAD];
	_ =	sdelay $0x3  }
0x36: {  	p1 =	seq.s32 s10, $0x1;
	s10 =	sld [smem:$0x3FAE];
	_ =	sdelay $0x3  }
0x37: {  	[smem:$0x3FAE] =	sst s10  }
0x38: {  	s10 =	sld [smem:$0x3FAF]  }
0x39: {  	_ = 	snop;
	(pc) =	sbr.ind lr, $3  }
0x3a: {  	_ = 	snop  }
0x3b: {  	_ = 	snop  }
0x3c: {  	p2 =	seq.s32 s10, $0x1;
	s10 =	sld [smem:$0x3FAE]  }
0x3d: {  	_ =	shalt  }
0x3e: {  	_ =	shalt  }
0x3f: {  	_ =	shalt  }
0x40: {  	_ =	shalt  }
0x41: {  	_ =	shalt  }
0x42: {  	_ =	shalt  }
0x43: {  	_ =	shalt  }
0x44: {  	_ =	shalt  }
0x45: {  	_ =	shalt  }
0x46: {  	_ =	shalt  }
0x47: {  	_ =	shalt  }
0x48: {  	_ =	shalt  }
0x49: {  	_ =	shalt  }
0x4a: {  	_ =	shalt  }
0x4b: {  	_ =	shalt  }
0x4c: {  	_ =	shalt  }
0x4d: {  	_ =	shalt  }
0x4e: {  	_ =	shalt  }
0x4f: {  	_ =	shalt  }
0x50: {  	_ =	shalt  }
0x51: {  	_ =	shalt  }
0x52: {  	_ =	shalt  }
0x53: {  	_ =	shalt  }
0x54: {  	_ =	shalt  }
0x55: {  	_ =	shalt  }
0x56: {  	_ =	shalt  }
0x57: {  	_ =	shalt  }
0x58: {  	_ =	shalt  }
0x59: {  	_ =	shalt  }
0x5a: {  	_ =	shalt  }
0x5b: {  	_ =	shalt  }
0x5c: {  	_ =	shalt  }
0x5d: {  	_ =	shalt  }
0x5e: {  	_ =	shalt  }
0x5f: {  	_ =	shalt  }
0x60: {  	_ =	shalt  }
0x61: {  	_ =	shalt  }
0x62: {  	_ =	shalt  }
0x63: {  	_ =	shalt  }
0x64: {  	_ =	shalt  }
0x65: {  	_ =	shalt  }
0x66: {  	_ =	shalt  }
0x67: {  	_ =	shalt  }
0x68: {  	_ =	shalt  }
0x69: {  	_ =	shalt  }
0x6a: {  	_ =	shalt  }
0x6b: {  	_ =	shalt  }
0x6c: {  	_ =	shalt  }
0x6d: {  	_ =	shalt  }
0x6e: {  	_ =	shalt  }
0x6f: {  	_ =	shalt  }
0x70: {  	_ =	shalt  }
0x71: {  	_ =	shalt  }
0x72: {  	_ =	shalt  }
0x73: {  	_ =	shalt  }
0x74: {  	_ =	shalt  }
0x75: {  	_ =	shalt  }
0x76: {  	_ =	shalt  }
0x77: {  	_ =	shalt  }
0x78: {  	_ =	shalt  }
0x79: {  	_ =	shalt  }
0x7a: {  	_ =	shalt  }
0x7b: {  	_ =	shalt  }
0x7c: {  	_ =	shalt  }
0x7d: {  	_ =	shalt  }
0x7e: {  	_ =	shalt  }
0x7f: {  	_ =	shalt  }
0x80: {  	_ =	shalt  }
0x81: {  	_ =	shalt  }
0x82: {  	_ =	shalt  }
0x83: {  	_ =	shalt  }
0x84: {  	_ =	shalt  }
0x85: {  	_ =	shalt  }
0x86: {  	_ =	shalt  }
0x87: {  	_ =	shalt  }
.Lfunc_end0:
.L_simem_size_0:
called_computation.1_lowered:
.L_overlay_start_0:
0x88: {  	s2 =	sld [smem:$0x3FD9]  }
0x89: {  	s3 =	sld [smem:$0x3FFE];
	_ =	sdelay $0x1  }
0x8a: {  	s1 =	srdreg.scid  }
0x8b: {  	s0 =	sand.u32 $0x1, s1  }
0x8c: {  	s17 =	sshll.u32 s0, $0xA;
	s2 =	sadd.s32 s3, s2  }
0x8d: {  	s2 =	sadd.s32 s2, s17  }
0x8e: {  	[smem:$0x3FBA] =	sst s2  }
0x8f: {  	_ = 	snop  }
0x90: {  	s2 =	sld [smem:$0x3FD0];
	(tm) =	ssettm $0x1  }
0x91: {  	s18 =	sld [smem:$0x3FFB];
	_ =	sdelay $0x3  }
0x92: {  	_ =	strace s18  }
0x93: {  	s3 =	sld [smem:$0x3FFC];
	_ =	sdelay $0x3  }
0x94: {  	_ =	strace s3  }
0x95: {  	s3 =	sld [smem:$0x3FFD];
	_ =	sdelay $0x3  }
0x96: {  	_ =	strace s3  }
0x97: {  	_ =	strace $0x8FFFFFFF  }
0x98: {  	s19 =	sld [smem:$0x3FDB];
	_ =	sdelay $0x1  }
0x99: {  	s4 =	simm.s32 $_scs_section_size  }
0x9a: {  	s5 =	simm.s32 $_size__tile_overlayer_lowered;
	s6 =	simm.s32 $_tile_overlayer_lowered  }
0x9b: {  	s22 =	simm.s32 $0x1BFF;
	s21 =	sshll.u32 s6, $0x1;
	s3 =	sadd.s32 s4, s19  }
0x9c: {  	s7 =	simm.s32 $0x0;
	s20 =	sshll.u32 s5, $0x1;
	s5 =	sadd.s32 s21, s3  }
0x9d: {  	[timem:s7], [sflag:s22] =	dma.local [hbm:s5], s20  }
0x9e: {  	_ =	swait.ge [sflag:s22], s20  }
0x9f: {  	s4 =	ssub.s32 $0x0, s20;
	[sflag:s22] =	ssyncset.done $0x0  }
0xa0: {  	[sflag:s22] =	ssyncadd.s32 s4;
	_ =	sdelay $0x1  }
0xa1: {  	s23 =	simm.s32 $0x1B8B  }
0xa2: {  	_ =	swait.ge [sflag:s23], $0x1  }
0xa3: {  	[sflag:s23] =	ssyncset.done $0x0  }
0xa4: {  	s25 =	simm.s32 $0x1B8E;
	s24 =	sld [smem:$0x3FFE];
	[sflag:s23] =	ssyncadd.s32 $0xFFFFFFFF  }
0xa5: {  	s26 =	simm.s32 $execute0_lowered;
	[smem:$0x3FD2] =	sst s25  }
0xa6: {  	s5 =	sshll.u32 s26, $0x1;
	_ =	strace $0x80000049;
	[dreg:$0x1] =	wrdreg $0xFFFFFFFF  }
0xa7: {  	s28 =	simm.s32 $_size_execute0_lowered;
	s3 =	sadd.s32 s3, s5;
	[dreg:$0x0] =	wrdreg $0x0  }
0xa8: {  	s5 =	sshll.u32 s28, $0x1;
	[dreg:$0x2] =	wrdreg s3  }
0xa9: {  	[dreg:$0x3] =	wrdreg s5  }
0xaa: {  	[dreg:$0x4] =	wrdreg $0xC0  }
0xab: {  	_ =	task [dreg:s7], $0x5FFFF  }
0xac: {  	[dreg:$0x1] =	wrdreg $0xFFFFFFFF  }
0xad: {  	[dreg:$0x0] =	wrdreg $0x60  }
0xae: {  	[dreg:$0x2] =	wrdreg s24  }
0xaf: {  	[dreg:$0x3] =	wrdreg s2  }
0xb0: {  	[dreg:$0x4] =	wrdreg $0x0  }
0xb1: {  	[dreg:$0x5] =	wrdreg $0x9  }
0xb2: {  	_ =	task.clear_ibuf [dreg:s7], $0x6FFFF;
	_ =	strace $0x90000049  }
0xb3: {  	s29 =	simm.s32 $0x9;
	_ =	strace $0x8000004B  }
0xb4: {  	_ =	swait.ge [sflag:s29], $0x1  }
0xb5: {  	[sflag:s29] =	ssyncadd.s32 $0xFFFFFFFF  }
0xb6: {  	_ =	strace $0x9000004B  }
0xb7: {  	_ =	sfence  }
0xb8: {  	s30 =	sld [smem:$0x0];
	_ =	sdelay $0x2  }
0xb9: {  	s31 =	sshll.u32 s1, $0xD;
	s1 =	sshrl.u32 s1, $0x2  }
0xba: {  	s3 =	sand.u32 $0x4000, s31;
	s1 =	sadd.s32 s1, s30  }
0xbb: {  	s0 =	sor.u32 s3, s0;
	s1 =	sshll.u32 s1, $0x11  }
0xbc: {  	s0 =	sor.u32 s1, s0  }
0xbd: {  	s0 =	sadd.s32 $0x8F2B, s0  }
0xbe: {  	[sflag:s0] =	ssyncadd.remote.s32 $0x1  }
0xbf: {  	_ =	sfence.sel $0xFFFF  }
0xc0: {  	[dreg:$0x0] =	wrdreg $0xFFFFFFFF;
	(pc) =	sbr.abs _section_cstart, $3  }
0xc1: {  	[dreg:$0x1] =	wrdreg $0xFFFFFFFF  }
0xc2: {  	_ =	task.clear_ibuf [dreg:s7], $0x2FFFF;
	_ =	strace $0x9FFFFFFF  }
0xc3: {  	(tm) =	ssettm $0x7FFFFFFF  }
tec
execute0_lowered:
.L_overlay_start_1:
0x0: {  	(tag) =	ssettag $0x1  }
0x1: {  	s0 =	rddreg [dreg:$0x0]  }
0x2: {  	s10 =	rddreg [dreg:$0x1];
	s1 =	srdreg.scid  }
0x3: {  	s3 =	rddreg [dreg:$0x2];
	s9 =	stileid.u32;
	s4 =	simm.s32 $0x0  }
0x4: {  	s28 =	simm.s32 $0x3;
	s29 =	simm.s32 $0x80;
	s5 =	smul.u32 $0x14000, s9  }
0x5: {  	s31 =	simm.s32 $0x1A000;
	s30 =	simm.s32 $0x15C80;
	s8 =	smul.u32 $0x3000, s9  }
0x6: {  	s12 =	simm.s32 $0x15E80;
	s1 =	sand.u32 $0x1, s1;
	s9 =	smul.u32 $0x50000, s9  }
0x7: {  	[smem:$0x7FF] =	sst s4;
	s6 =	sadd.s32 $0xFC00, s0;
	s2 =	smul.u32 $0x140000, s1  }
0x8: {  	s7 =	smul.u32 $0x30000, s1;
	_ =	strace $0x8000004A;
	s1 =	ssub.s32 $0x2, s1  }
0x9: {  	s14 =	sshrl.u32 s1, $0x1;
	s18 =	sshrl.u32 s9, $0x2;
	s9 =	simm.s32 $0x15680  }
0xa: {  	s2 =	sadd.s32 s5, s2;
	s5 =	sadd.s32 $0x1BC00, s0;
	s13 =	sadd.s32 s8, s7  }
0xb: {  	s1 =	ssub.s32 s1, s14;
	s20 =	sadd.s32 s18, s3;
	s2 =	sshrl.u32 s2, $0x3  }
0xc: {  	s8 =	sshrl.u32 s13, $0x3;
	s19 =	smax.u32 s1, $0x1;
	[dreg:$0x8] =	wrdreg s20  }
0xd: {  	s21 =	sadd.s32 $0x4000, s20;
	s22 =	sadd.s32 $0x1800, s13;
	[dreg:$0xa] =	wrdreg s19  }
0xe: {  	s23 =	sadd.s32 $0x8000, s20;
	s24 =	sadd.s32 $0xC000, s20;
	[dreg:$0xb] =	wrdreg s21  }
0xf: {  	s25 =	sadd.s32 $0x10000, s20;
	s26 =	sadd.s32 $0x1000, s13;
	[dreg:$0xc] =	wrdreg s23  }
0x10: {  	s1 =	simm.s32 $0x15580;
	s13 =	simm.s32 $0x0;
	[dreg:$0xd] =	wrdreg s24  }
0x11: {  	s0 =	sadd.s32 s2, s0;
	s15 =	sadd.s32 s10, s8;
	[dreg:$0xe] =	wrdreg s25  }
0x12: {  	s16 =	sor.u32 $0x100, s8;
	s8 =	sadd.s32 s6, s8;
	[dreg:$0xf] =	wrdreg s26  }
0x13: {  	s23 =	simm.s32 $0x15000;
	s24 =	simm.s32 $0x15800;
	s25 =	simm.s32 $0x16000  }
0x14: {  	s26 =	simm.s32 $0x5;
	s2 =	simm.s32 $0x15500;
	[dreg:$0x4] =	wrdreg s15  }
0x15: {  	s21 =	simm.s32 $0x15D00;
	[dreg:$0x5] =	wrdreg s8;
	s17 =	sadd.s32 s10, s16  }
.Ltmp0:
0x16: {  	s7 =	sadd.s32 s6, s16;
	[dreg:$0x6] =	wrdreg s17;
	(pc) =	sbr.rel .LBB2_1-.Ltmp0, $4  }
0x17: {  	s0 =	sadd.s32 $0x42E00, s0;
	s8 =	simm.s32 $0x15600;
	[dreg:$0x7] =	wrdreg s7  }
0x18: {  	[dreg:$0x9] =	wrdreg s0;
	s0 =	sshrl.u32 s22, $0x3;
	s7 =	simm.s32 $0x2  }
0x19: {  	s17 =	simm.s32 $0x4;
	s22 =	simm.s32 $0x15D80;
	s18 =	sadd.s32 s0, s6  }
0x1a: {  	v0 =	vimm.f32 $0.0e+00;
	s19 =	sadd.s32 s0, s10;
	s0 =	simm.s32 $0x1;
	s10 =	simm.s32 $0x15E00  }
.LBB2_6:
0x1b: {  	s11 =	stileid.u32;
	[bflag:$0x0] =	sbarrier.arrive $0xFFFF  }
0x1c: {  	s11 =	sshll.u32 s11, $0x6;
	s20 =	rddreg [dreg:$0x8]  }
0x1d: {  	s14 =	rddreg [dreg:$0x9];
	s11 =	sor.u32 $0x1C05, s11;
	s13 =	sshrl.u32 s20, $0x3  }
0x1e: {  	[hbm:s14], [sflag:s11] =	dma.local [spmem:s13], $0x2800  }
0x1f: {  	_ =	swait.ge [sflag:s26], $0x2800  }
0x20: {  	s15 =	rddreg [dreg:$0x10]  }
0x21: {  	s16 =	rddreg [dreg:$0xa];
	s13 =	sadd.s32 $0x1, s15  }
0x22: {  	p0 =	sne.s32 s13, s16  }
.Ltmp1:
0x23: {  	_ = 	snop;
	(pc) =	sbr.rel @!p0 .LBB2_7-.Ltmp1, $3  }
0x24: {  	_ =	sdelay $0x1  }
0x25: {  	[sflag:s26] =	ssyncset.done $0x0  }
0x26: {  	[sflag:s26] =	ssyncadd.s32 $0xFFFFD800  }
.LBB2_1:
0x27: {  	s11 =	rddreg [dreg:$0x4];
	s14 =	simm.s32 $0x14000  }
0x28: {  	[tilespmem:s14], [sflag:$0x3] =	stream.linear.gather [hbm4b:s11+s4], $0x700, $0x38;
	[tilespmem:$0x1E000] =	vst v63  }
0x29: {  	s15 =	rddreg [dreg:$0x5];
	s16 =	simm.s32 $0x14800  }
0x2a: {  	[tilespmem:s16], [sflag:$0x3] =	stream.linear.gather [hbm4b:s15+s4], $0x700, $0x38;
	[tilespmem:$0x1E000] =	vst v63  }
0x2b: {  	s14 =	rddreg [dreg:$0x6]  }
0x2c: {  	[tilespmem:s23], [sflag:$0x4] =	stream.linear.gather [hbm4b:s14+s4], $0x700, $0x38;
	[tilespmem:$0x1E000] =	vst v63  }
0x2d: {  	s15 =	rddreg [dreg:$0x7];
	s16 =	sand.u32 $0xFE00, s4  }
0x2e: {  	[tilespmem:s24], [sflag:$0x4] =	stream.linear.gather [hbm4b:s15+s4], $0x700, $0x38;
	[tilespmem:$0x1E000] =	vst v63  }
0x2f: {  	[dreg:$0x10] =	wrdreg s13;
	s14 =	sand.u32 $0x70, s4;
	s15 =	sshrl.u32 s16, $0x2  }
0x30: {  	s13 =	simm.s32 $0x40;
	s15 =	sor.u32 s14, s15;
	s14 =	simm.s32 $0x0  }
.LBB2_2:
0x31: {  	p0 =	sne.s32 s13, $0xFFC0  }
0x32: {  	[tilespmem:s15+$0x16000] =	vst v0;
	s14 =	sadd.s32 $0x10, s14;
	s15 =	smov.u32 s13;
	s13 =	sadd.s32 $0x40, s13  }
.Ltmp2:
0x33: {  	(pc) =	sbr.rel @p0 .LBB2_2-.Ltmp2, $4  }
0x34: {  	_ = 	snop  }
0x35: {  	s15 =	sand.u32 $0xFE00, s15  }
0x36: {  	s16 =	sand.u32 $0x70, s14;
	s15 =	sshrl.u32 s15, $0x2  }
0x37: {  	s15 =	sor.u32 s16, s15  }
0x38: {  	[tilespmem:s15+$0x16000] =	vst v0  }
0x39: {  	[spmem:s20] =	stream.linear.scatter [tilespmem:s25], [sflag:$0x5], $0x4000, $0x38;
	[tilespmem:$0x1E000] =	vst v63  }
0x3a: {  	_ =	swait.ge [sflag:s26], $0x4000  }
0x3b: {  	[sflag:s26] =	ssyncset.done $0x0  }
0x3c: {  	s11 =	rddreg [dreg:$0xb];
	[sflag:s26] =	ssyncadd.s32 $0xFFFFC000  }
0x3d: {  	[spmem:s11] =	stream.linear.scatter [tilespmem:s25], [sflag:$0x5], $0x4000, $0x38;
	[tilespmem:$0x1E000] =	vst v63  }
0x3e: {  	_ =	swait.ge [sflag:s26], $0x4000  }
0x3f: {  	[sflag:s26] =	ssyncset.done $0x0  }
0x40: {  	s15 =	rddreg [dreg:$0xc];
	[sflag:s26] =	ssyncadd.s32 $0xFFFFC000  }
0x41: {  	[spmem:s15] =	stream.linear.scatter [tilespmem:s25], [sflag:$0x5], $0x4000, $0x38;
	[tilespmem:$0x1E000] =	vst v63  }
0x42: {  	_ =	swait.ge [sflag:s26], $0x4000  }
0x43: {  	[sflag:s26] =	ssyncset.done $0x0  }
0x44: {  	s16 =	rddreg [dreg:$0xd];
	[sflag:s26] =	ssyncadd.s32 $0xFFFFC000  }
0x45: {  	[spmem:s16] =	stream.linear.scatter [tilespmem:s25], [sflag:$0x5], $0x4000, $0x38;
	[tilespmem:$0x1E000] =	vst v63  }
0x46: {  	_ =	swait.ge [sflag:s26], $0x4000  }
0x47: {  	[sflag:s26] =	ssyncset.done $0x0  }
0x48: {  	s20 =	rddreg [dreg:$0xe];
	[sflag:s26] =	ssyncadd.s32 $0xFFFFC000  }
0x49: {  	[spmem:s20] =	stream.linear.scatter [tilespmem:s25], [sflag:$0x5], $0x4000, $0x38;
	[tilespmem:$0x1E000] =	vst v63  }
0x4a: {  	_ =	swait.ge [sflag:s26], $0x4000  }
0x4b: {  	[sflag:s26] =	ssyncset.done $0x0  }
0x4c: {  	[sflag:s26] =	ssyncadd.s32 $0xFFFFC000  }
0x4d: {  	[bflag:$0x0] =	sbarrier.arrive $0xFFFF  }
0x4e: {  	_ =	swait.ge [sflag:s28], $0x700  }
0x4f: {  	[sflag:s28] =	ssyncset.done $0x0  }
0x50: {  	[sflag:s28] =	ssyncadd.s32 $0xFFFFF900  }
0x51: {  	_ =	swait.ge [sflag:s28], $0x700  }
0x52: {  	[sflag:s28] =	ssyncset.done $0x0  }
0x53: {  	s13 =	simm.s32 $0x0;
	s14 =	rddreg [dreg:$0xf];
	[sflag:s28] =	ssyncadd.s32 $0xFFFFF900  }
.LBB2_4:
0x54: {  	s11 =	simm.s32 $0x14000  }
0x55: {  	[tilespmem:s25], [sflag:$0x1] =	stream.indirect.gather [hbm4b:s5+s29], $0x80, s11, s29, $0xb8;
	[tilespmem:$0x1E000] =	vst v63  }
0x56: {  	s16 =	simm.s32 $0x14080  }
0x57: {  	[tilespmem:s31], [sflag:$0x2] =	stream.indirect.gather [hbm4b:s5+s29], $0x80, s16, s29, $0xb8;
	[tilespmem:$0x1E000] =	vst v63  }
0x58: {  	_ =	swait.ge [sflag:s0], $0x4000  }
0x59: {  	[sflag:s0] =	ssyncset.done $0x0  }
0x5a: {  	s20 =	simm.s32 $0x14800;
	[sflag:s0] =	ssyncadd.s32 $0xFFFFC000  }
0x5b: {  	[spmem:s3] =	stream.indirect.scatter.add.f32 [tilespmem:s25], [sflag:$0x5], $0x80, s20, s29, $0xb8;
	[tilespmem:$0x1E000] =	vst v63  }
0x5c: {  	_ =	swait.ge [sflag:s26], $0x4000  }
0x5d: {  	[sflag:s26] =	ssyncset.done $0x0  }
0x5e: {  	s15 =	simm.s32 $0x14100;
	[sflag:s26] =	ssyncadd.s32 $0xFFFFC000  }
0x5f: {  	[tilespmem:s25], [sflag:$0x1] =	stream.indirect.gather [hbm4b:s5+s29], $0x80, s15, s29, $0xb8;
	[tilespmem:$0x1E000] =	vst v63  }
0x60: {  	_ =	swait.ge [sflag:s7], $0x4000  }
0x61: {  	[sflag:s7] =	ssyncset.done $0x0  }
0x62: {  	s16 =	simm.s32 $0x14880;
	[sflag:s7] =	ssyncadd.s32 $0xFFFFC000  }
0x63: {  	[spmem:s3] =	stream.indirect.scatter.add.f32 [tilespmem:s31], [sflag:$0x5], $0x80, s16, s29, $0xb8;
	[tilespmem:$0x1E000] =	vst v63  }
0x64: {  	_ =	swait.ge [sflag:s26], $0x4000  }
0x65: {  	[sflag:s26] =	ssyncset.done $0x0  }
0x66: {  	s20 =	simm.s32 $0x14180;
	[sflag:s26] =	ssyncadd.s32 $0xFFFFC000  }
0x67: {  	[tilespmem:s31], [sflag:$0x2] =	stream.indirect.gather [hbm4b:s5+s29], $0x80, s20, s29, $0xb8;
	[tilespmem:$0x1E000] =	vst v63  }
0x68: {  	_ =	swait.ge [sflag:s0], $0x4000  }
0x69: {  	[sflag:s0] =	ssyncset.done $0x0  }
0x6a: {  	s15 =	simm.s32 $0x14900;
	[sflag:s0] =	ssyncadd.s32 $0xFFFFC000  }
0x6b: {  	[spmem:s3] =	stream.indirect.scatter.add.f32 [tilespmem:s25], [sflag:$0x5], $0x80, s15, s29, $0xb8;
	[tilespmem:$0x1E000] =	vst v63  }
0x6c: {  	_ =	swait.ge [sflag:s26], $0x4000  }
0x6d: {  	[sflag:s26] =	ssyncset.done $0x0  }
0x6e: {  	s16 =	simm.s32 $0x14200;
	[sflag:s26] =	ssyncadd.s32 $0xFFFFC000  }
0x6f: {  	[tilespmem:s25], [sflag:$0x1] =	stream.indirect.gather [hbm4b:s5+s29], $0x80, s16, s29, $0xb8;
	[tilespmem:$0x1E000] =	vst v63  }
0x70: {  	_ =	swait.ge [sflag:s7], $0x4000  }
0x71: {  	[sflag:s7] =	ssyncset.done $0x0  }
0x72: {  	s20 =	simm.s32 $0x14980;
	[sflag:s7] =	ssyncadd.s32 $0xFFFFC000  }
0x73: {  	[spmem:s3] =	stream.indirect.scatter.add.f32 [tilespmem:s31], [sflag:$0x5], $0x80, s20, s29, $0xb8;
	[tilespmem:$0x1E000] =	vst v63  }
0x74: {  	_ =	swait.ge [sflag:s26], $0x4000  }
0x75: {  	[sflag:s26] =	ssyncset.done $0x0  }
0x76: {  	s15 =	simm.s32 $0x14280;
	[sflag:s26] =	ssyncadd.s32 $0xFFFFC000  }
0x77: {  	[tilespmem:s31], [sflag:$0x2] =	stream.indirect.gather [hbm4b:s5+s29], $0x80, s15, s29, $0xb8;
	[tilespmem:$0x1E000] =	vst v63  }
0x78: {  	_ =	swait.ge [sflag:s0], $0x4000  }
0x79: {  	[sflag:s0] =	ssyncset.done $0x0  }
0x7a: {  	s16 =	simm.s32 $0x14A00;
	[sflag:s0] =	ssyncadd.s32 $0xFFFFC000  }
0x7b: {  	[spmem:s3] =	stream.indirect.scatter.add.f32 [tilespmem:s25], [sflag:$0x5], $0x80, s16, s29, $0xb8;
	[tilespmem:$0x1E000] =	vst v63  }
0x7c: {  	_ =	swait.ge [sflag:s26], $0x4000  }
0x7d: {  	[sflag:s26] =	ssyncset.done $0x0  }
0x7e: {  	s20 =	simm.s32 $0x14300;
	[sflag:s26] =	ssyncadd.s32 $0xFFFFC000  }
0x7f: {  	[tilespmem:s25], [sflag:$0x1] =	stream.indirect.gather [hbm4b:s5+s29], $0x80, s20, s29, $0xb8;
	[tilespmem:$0x1E000] =	vst v63  }
0x80: {  	_ =	swait.ge [sflag:s7], $0x4000  }
0x81: {  	[sflag:s7] =	ssyncset.done $0x0  }
0x82: {  	s15 =	simm.s32 $0x14A80;
	[sflag:s7] =	ssyncadd.s32 $0xFFFFC000  }
0x83: {  	[spmem:s3] =	stream.indirect.scatter.add.f32 [tilespmem:s31], [sflag:$0x5], $0x80, s15, s29, $0xb8;
	[tilespmem:$0x1E000] =	vst v63  }
0x84: {  	_ =	swait.ge [sflag:s26], $0x4000  }
0x85: {  	[sflag:s26] =	ssyncset.done $0x0  }
0x86: {  	s16 =	simm.s32 $0x14380;
	[sflag:s26] =	ssyncadd.s32 $0xFFFFC000  }
0x87: {  	[tilespmem:s31], [sflag:$0x2] =	stream.indirect.gather [hbm4b:s5+s29], $0x80, s16, s29, $0xb8;
	[tilespmem:$0x1E000] =	vst v63  }
0x88: {  	_ =	swait.ge [sflag:s0], $0x4000  }
0x89: {  	[sflag:s0] =	ssyncset.done $0x0  }
0x8a: {  	s20 =	simm.s32 $0x14B00;
	[sflag:s0] =	ssyncadd.s32 $0xFFFFC000  }
0x8b: {  	[spmem:s3] =	stream.indirect.scatter.add.f32 [tilespmem:s25], [sflag:$0x5], $0x80, s20, s29, $0xb8;
	[tilespmem:$0x1E000] =	vst v63  }
0x8c: {  	_ =	swait.ge [sflag:s26], $0x4000  }
0x8d: {  	[sflag:s26] =	ssyncset.done $0x0  }
0x8e: {  	s15 =	simm.s32 $0x14400;
	[sflag:s26] =	ssyncadd.s32 $0xFFFFC000  }
0x8f: {  	[tilespmem:s25], [sflag:$0x1] =	stream.indirect.gather [hbm4b:s5+s29], $0x80, s15, s29, $0xb8;
	[tilespmem:$0x1E000] =	vst v63  }
0x90: {  	_ =	swait.ge [sflag:s7], $0x4000  }
0x91: {  	[sflag:s7] =	ssyncset.done $0x0  }
0x92: {  	s16 =	simm.s32 $0x14B80;
	[sflag:s7] =	ssyncadd.s32 $0xFFFFC000  }
0x93: {  	[spmem:s3] =	stream.indirect.scatter.add.f32 [tilespmem:s31], [sflag:$0x5], $0x80, s16, s29, $0xb8;
	[tilespmem:$0x1E000] =	vst v63  }
0x94: {  	_ =	swait.ge [sflag:s26], $0x4000  }
0x95: {  	[sflag:s26] =	ssyncset.done $0x0  }
0x96: {  	s20 =	simm.s32 $0x14480;
	[sflag:s26] =	ssyncadd.s32 $0xFFFFC000  }
0x97: {  	[tilespmem:s31], [sflag:$0x2] =	stream.indirect.gather [hbm4b:s5+s29], $0x80, s20, s29, $0xb8;
	[tilespmem:$0x1E000] =	vst v63  }
0x98: {  	_ =	swait.ge [sflag:s0], $0x4000  }
0x99: {  	[sflag:s0] =	ssyncset.done $0x0  }
0x9a: {  	s15 =	simm.s32 $0x14C00;
	[sflag:s0] =	ssyncadd.s32 $0xFFFFC000  }
0x9b: {  	[spmem:s3] =	stream.indirect.scatter.add.f32 [tilespmem:s25], [sflag:$0x5], $0x80, s15, s29, $0xb8;
	[tilespmem:$0x1E000] =	vst v63  }
0x9c: {  	_ =	swait.ge [sflag:s26], $0x4000  }
0x9d: {  	[sflag:s26] =	ssyncset.done $0x0  }
0x9e: {  	s16 =	simm.s32 $0x14500;
	[sflag:s26] =	ssyncadd.s32 $0xFFFFC000  }
0x9f: {  	[tilespmem:s25], [sflag:$0x1] =	stream.indirect.gather [hbm4b:s5+s29], $0x80, s16, s29, $0xb8;
	[tilespmem:$0x1E000] =	vst v63  }
0xa0: {  	_ =	swait.ge [sflag:s7], $0x4000  }
0xa1: {  	[sflag:s7] =	ssyncset.done $0x0  }
0xa2: {  	s20 =	simm.s32 $0x14C80;
	[sflag:s7] =	ssyncadd.s32 $0xFFFFC000  }
0xa3: {  	[spmem:s3] =	stream.indirect.scatter.add.f32 [tilespmem:s31], [sflag:$0x5], $0x80, s20, s29, $0xb8;
	[tilespmem:$0x1E000] =	vst v63  }
0xa4: {  	_ =	swait.ge [sflag:s26], $0x4000  }
0xa5: {  	[sflag:s26] =	ssyncset.done $0x0  }
0xa6: {  	s15 =	simm.s32 $0x14580;
	[sflag:s26] =	ssyncadd.s32 $0xFFFFC000  }
0xa7: {  	[tilespmem:s31], [sflag:$0x2] =	stream.indirect.gather [hbm4b:s5+s29], $0x80, s15, s29, $0xb8;
	[tilespmem:$0x1E000] =	vst v63  }
0xa8: {  	_ =	swait.ge [sflag:s0], $0x4000  }
0xa9: {  	[sflag:s0] =	ssyncset.done $0x0  }
0xaa: {  	s16 =	simm.s32 $0x14D00;
	[sflag:s0] =	ssyncadd.s32 $0xFFFFC000  }
0xab: {  	[spmem:s3] =	stream.indirect.scatter.add.f32 [tilespmem:s25], [sflag:$0x5], $0x80, s16, s29, $0xb8;
	[tilespmem:$0x1E000] =	vst v63  }
0xac: {  	_ =	swait.ge [sflag:s26], $0x4000  }
0xad: {  	[sflag:s26] =	ssyncset.done $0x0  }
0xae: {  	s20 =	simm.s32 $0x14600;
	[sflag:s26] =	ssyncadd.s32 $0xFFFFC000  }
0xaf: {  	[tilespmem:s25], [sflag:$0x1] =	stream.indirect.gather [hbm4b:s5+s29], $0x80, s20, s29, $0xb8;
	[tilespmem:$0x1E000] =	vst v63  }
0xb0: {  	_ =	swait.ge [sflag:s7], $0x4000  }
0xb1: {  	[sflag:s7] =	ssyncset.done $0x0  }
0xb2: {  	s15 =	simm.s32 $0x14D80;
	[sflag:s7] =	ssyncadd.s32 $0xFFFFC000  }
0xb3: {  	[spmem:s3] =	stream.indirect.scatter.add.f32 [tilespmem:s31], [sflag:$0x5], $0x80, s15, s29, $0xb8;
	[tilespmem:$0x1E000] =	vst v63  }
0xb4: {  	_ =	swait.ge [sflag:s26], $0x4000  }
0xb5: {  	[sflag:s26] =	ssyncset.done $0x0  }
0xb6: {  	s16 =	simm.s32 $0x14680;
	[sflag:s26] =	ssyncadd.s32 $0xFFFFC000  }
0xb7: {  	[tilespmem:s31], [sflag:$0x2] =	stream.indirect.gather [hbm4b:s5+s29], $0x80, s16, s29, $0xb8;
	[tilespmem:$0x1E000] =	vst v63  }
0xb8: {  	_ =	swait.ge [sflag:s0], $0x4000  }
0xb9: {  	[sflag:s0] =	ssyncset.done $0x0  }
0xba: {  	s20 =	simm.s32 $0x14E00;
	[sflag:s0] =	ssyncadd.s32 $0xFFFFC000  }
0xbb: {  	[spmem:s3] =	stream.indirect.scatter.add.f32 [tilespmem:s25], [sflag:$0x5], $0x80, s20, s29, $0xb8;
	[tilespmem:$0x1E000] =	vst v63  }
0xbc: {  	_ =	swait.ge [sflag:s26], $0x4000  }
0xbd: {  	[sflag:s26] =	ssyncset.done $0x0  }
0xbe: {  	[sflag:s26] =	ssyncadd.s32 $0xFFFFC000  }
0xbf: {  	_ =	swait.ge [sflag:s7], $0x4000  }
0xc0: {  	[sflag:s7] =	ssyncset.done $0x0  }
0xc1: {  	s15 =	simm.s32 $0x14E80;
	[sflag:s7] =	ssyncadd.s32 $0xFFFFC000  }
0xc2: {  	[spmem:s3] =	stream.indirect.scatter.add.f32 [tilespmem:s31], [sflag:$0x5], $0x80, s15, s29, $0xb8;
	[tilespmem:$0x1E000] =	vst v63  }
0xc3: {  	_ =	swait.ge [sflag:s26], $0x4000  }
0xc4: {  	[sflag:s26] =	ssyncset.done $0x0  }
0xc5: {  	p0 =	seq.s32 s13, $0x400;
	[sflag:s26] =	ssyncadd.s32 $0xFFFFC000  }
0xc6: {  	s15 =	sshrl.u32 @!p0 s14, $0x3;
	s11 =	rddreg [dreg:$0x1]  }
0xc7: {  	s20 =	simm.s32 @!p0 $0x0;
	s16 =	sadd.s32 @!p0 s11, s15;
	s11 =	simm.s32 @!p0 $0x14000  }
0xc8: {  	[tilespmem:s11], [sflag:$0x3] =	stream.linear.gather @!p0 [hbm4b:s16+s20], $0x700, $0x38;
	[tilespmem:$0x1E000] =	vst v63  }
0xc9: {  	s11 =	sadd.s32 @!p0 s6, s15;
	s15 =	simm.s32 @!p0 $0x14800  }
0xca: {  	[tilespmem:s15], [sflag:$0x3] =	stream.linear.gather @!p0 [hbm4b:s11+s20], $0x700, $0x38;
	[tilespmem:$0x1E000] =	vst v63  }
0xcb: {  	_ =	swait.ge [sflag:s17], $0x700  }
0xcc: {  	[sflag:s17] =	ssyncset.done $0x0  }
0xcd: {  	[sflag:s17] =	ssyncadd.s32 $0xFFFFF900  }
0xce: {  	_ =	swait.ge [sflag:s17], $0x700  }
0xcf: {  	[sflag:s17] =	ssyncset.done $0x0  }
0xd0: {  	[sflag:s17] =	ssyncadd.s32 $0xFFFFF900  }
0xd1: {  	[tilespmem:s25], [sflag:$0x1] =	stream.indirect.gather [hbm4b:s5+s29], $0x80, s23, s29, $0xb8;
	[tilespmem:$0x1E000] =	vst v63  }
0xd2: {  	s16 =	simm.s32 $0x15080  }
0xd3: {  	[tilespmem:s31], [sflag:$0x2] =	stream.indirect.gather [hbm4b:s5+s29], $0x80, s16, s29, $0xb8;
	[tilespmem:$0x1E000] =	vst v63  }
0xd4: {  	_ =	swait.ge [sflag:s0], $0x4000  }
0xd5: {  	[sflag:s0] =	ssyncset.done $0x0  }
0xd6: {  	[sflag:s0] =	ssyncadd.s32 $0xFFFFC000  }
0xd7: {  	[spmem:s3] =	stream.indirect.scatter.add.f32 [tilespmem:s25], [sflag:$0x5], $0x80, s24, s29, $0xb8;
	[tilespmem:$0x1E000] =	vst v63  }
0xd8: {  	_ =	swait.ge [sflag:s26], $0x4000  }
0xd9: {  	[sflag:s26] =	ssyncset.done $0x0  }
0xda: {  	s20 =	simm.s32 $0x15100;
	[sflag:s26] =	ssyncadd.s32 $0xFFFFC000  }
0xdb: {  	[tilespmem:s25], [sflag:$0x1] =	stream.indirect.gather [hbm4b:s5+s29], $0x80, s20, s29, $0xb8;
	[tilespmem:$0x1E000] =	vst v63  }
0xdc: {  	_ =	swait.ge [sflag:s7], $0x4000  }
0xdd: {  	[sflag:s7] =	ssyncset.done $0x0  }
0xde: {  	s15 =	simm.s32 $0x15880;
	[sflag:s7] =	ssyncadd.s32 $0xFFFFC000  }
0xdf: {  	[spmem:s3] =	stream.indirect.scatter.add.f32 [tilespmem:s31], [sflag:$0x5], $0x80, s15, s29, $0xb8;
	[tilespmem:$0x1E000] =	vst v63  }
0xe0: {  	_ =	swait.ge [sflag:s26], $0x4000  }
0xe1: {  	[sflag:s26] =	ssyncset.done $0x0  }
0xe2: {  	s16 =	simm.s32 $0x15180;
	[sflag:s26] =	ssyncadd.s32 $0xFFFFC000  }
0xe3: {  	[tilespmem:s31], [sflag:$0x2] =	stream.indirect.gather [hbm4b:s5+s29], $0x80, s16, s29, $0xb8;
	[tilespmem:$0x1E000] =	vst v63  }
0xe4: {  	_ =	swait.ge [sflag:s0], $0x4000  }
0xe5: {  	[sflag:s0] =	ssyncset.done $0x0  }
0xe6: {  	s20 =	simm.s32 $0x15900;
	[sflag:s0] =	ssyncadd.s32 $0xFFFFC000  }
0xe7: {  	[spmem:s3] =	stream.indirect.scatter.add.f32 [tilespmem:s25], [sflag:$0x5], $0x80, s20, s29, $0xb8;
	[tilespmem:$0x1E000] =	vst v63  }
0xe8: {  	_ =	swait.ge [sflag:s26], $0x4000  }
0xe9: {  	[sflag:s26] =	ssyncset.done $0x0  }
0xea: {  	s15 =	simm.s32 $0x15200;
	[sflag:s26] =	ssyncadd.s32 $0xFFFFC000  }
0xeb: {  	[tilespmem:s25], [sflag:$0x1] =	stream.indirect.gather [hbm4b:s5+s29], $0x80, s15, s29, $0xb8;
	[tilespmem:$0x1E000] =	vst v63  }
0xec: {  	_ =	swait.ge [sflag:s7], $0x4000  }
0xed: {  	[sflag:s7] =	ssyncset.done $0x0  }
0xee: {  	s16 =	simm.s32 $0x15980;
	[sflag:s7] =	ssyncadd.s32 $0xFFFFC000  }
0xef: {  	[spmem:s3] =	stream.indirect.scatter.add.f32 [tilespmem:s31], [sflag:$0x5], $0x80, s16, s29, $0xb8;
	[tilespmem:$0x1E000] =	vst v63  }
0xf0: {  	_ =	swait.ge [sflag:s26], $0x4000  }
0xf1: {  	[sflag:s26] =	ssyncset.done $0x0  }
0xf2: {  	s20 =	simm.s32 $0x15280;
	[sflag:s26] =	ssyncadd.s32 $0xFFFFC000  }
0xf3: {  	[tilespmem:s31], [sflag:$0x2] =	stream.indirect.gather [hbm4b:s5+s29], $0x80, s20, s29, $0xb8;
	[tilespmem:$0x1E000] =	vst v63  }
0xf4: {  	_ =	swait.ge [sflag:s0], $0x4000  }
0xf5: {  	[sflag:s0] =	ssyncset.done $0x0  }
0xf6: {  	s15 =	simm.s32 $0x15A00;
	[sflag:s0] =	ssyncadd.s32 $0xFFFFC000  }
0xf7: {  	[spmem:s3] =	stream.indirect.scatter.add.f32 [tilespmem:s25], [sflag:$0x5], $0x80, s15, s29, $0xb8;
	[tilespmem:$0x1E000] =	vst v63  }
0xf8: {  	_ =	swait.ge [sflag:s26], $0x4000  }
0xf9: {  	[sflag:s26] =	ssyncset.done $0x0  }
0xfa: {  	s16 =	simm.s32 $0x15300;
	[sflag:s26] =	ssyncadd.s32 $0xFFFFC000  }
0xfb: {  	[tilespmem:s25], [sflag:$0x1] =	stream.indirect.gather [hbm4b:s5+s29], $0x80, s16, s29, $0xb8;
	[tilespmem:$0x1E000] =	vst v63  }
0xfc: {  	_ =	swait.ge [sflag:s7], $0x4000  }
0xfd: {  	[sflag:s7] =	ssyncset.done $0x0  }
0xfe: {  	s20 =	simm.s32 $0x15A80;
	[sflag:s7] =	ssyncadd.s32 $0xFFFFC000  }
0xff: {  	[spmem:s3] =	stream.indirect.scatter.add.f32 [tilespmem:s31], [sflag:$0x5], $0x80, s20, s29, $0xb8;
	[tilespmem:$0x1E000] =	vst v63  }
0x100: {  	_ =	swait.ge [sflag:s26], $0x4000  }
0x101: {  	[sflag:s26] =	ssyncset.done $0x0  }
0x102: {  	s15 =	simm.s32 $0x15380;
	[sflag:s26] =	ssyncadd.s32 $0xFFFFC000  }
0x103: {  	[tilespmem:s31], [sflag:$0x2] =	stream.indirect.gather [hbm4b:s5+s29], $0x80, s15, s29, $0xb8;
	[tilespmem:$0x1E000] =	vst v63  }
0x104: {  	_ =	swait.ge [sflag:s0], $0x4000  }
0x105: {  	[sflag:s0] =	ssyncset.done $0x0  }
0x106: {  	s16 =	simm.s32 $0x15B00;
	[sflag:s0] =	ssyncadd.s32 $0xFFFFC000  }
0x107: {  	[spmem:s3] =	stream.indirect.scatter.add.f32 [tilespmem:s25], [sflag:$0x5], $0x80, s16, s29, $0xb8;
	[tilespmem:$0x1E000] =	vst v63  }
0x108: {  	_ =	swait.ge [sflag:s26], $0x4000  }
0x109: {  	[sflag:s26] =	ssyncset.done $0x0  }
0x10a: {  	s20 =	simm.s32 $0x15400;
	[sflag:s26] =	ssyncadd.s32 $0xFFFFC000  }
0x10b: {  	[tilespmem:s25], [sflag:$0x1] =	stream.indirect.gather [hbm4b:s5+s29], $0x80, s20, s29, $0xb8;
	[tilespmem:$0x1E000] =	vst v63  }
0x10c: {  	_ =	swait.ge [sflag:s7], $0x4000  }
0x10d: {  	[sflag:s7] =	ssyncset.done $0x0  }
0x10e: {  	s15 =	simm.s32 $0x15B80;
	[sflag:s7] =	ssyncadd.s32 $0xFFFFC000  }
0x10f: {  	[spmem:s3] =	stream.indirect.scatter.add.f32 [tilespmem:s31], [sflag:$0x5], $0x80, s15, s29, $0xb8;
	[tilespmem:$0x1E000] =	vst v63  }
0x110: {  	_ =	swait.ge [sflag:s26], $0x4000  }
0x111: {  	[sflag:s26] =	ssyncset.done $0x0  }
0x112: {  	s16 =	simm.s32 $0x15480;
	[sflag:s26] =	ssyncadd.s32 $0xFFFFC000  }
0x113: {  	[tilespmem:s31], [sflag:$0x2] =	stream.indirect.gather [hbm4b:s5+s29], $0x80, s16, s29, $0xb8;
	[tilespmem:$0x1E000] =	vst v63  }
0x114: {  	_ =	swait.ge [sflag:s0], $0x4000  }
0x115: {  	[sflag:s0] =	ssyncset.done $0x0  }
0x116: {  	s20 =	simm.s32 $0x15C00;
	[sflag:s0] =	ssyncadd.s32 $0xFFFFC000  }
0x117: {  	[spmem:s3] =	stream.indirect.scatter.add.f32 [tilespmem:s25], [sflag:$0x5], $0x80, s20, s29, $0xb8;
	[tilespmem:$0x1E000] =	vst v63  }
0x118: {  	_ =	swait.ge [sflag:s26], $0x4000  }
0x119: {  	[sflag:s26] =	ssyncset.done $0x0  }
0x11a: {  	[sflag:s26] =	ssyncadd.s32 $0xFFFFC000  }
0x11b: {  	[tilespmem:s25], [sflag:$0x1] =	stream.indirect.gather [hbm4b:s5+s29], $0x80, s2, s29, $0xb8;
	[tilespmem:$0x1E000] =	vst v63  }
0x11c: {  	_ =	swait.ge [sflag:s7], $0x4000  }
0x11d: {  	[sflag:s7] =	ssyncset.done $0x0  }
0x11e: {  	[sflag:s7] =	ssyncadd.s32 $0xFFFFC000  }
0x11f: {  	[spmem:s3] =	stream.indirect.scatter.add.f32 [tilespmem:s31], [sflag:$0x5], $0x80, s30, s29, $0xb8;
	[tilespmem:$0x1E000] =	vst v63  }
0x120: {  	_ =	swait.ge [sflag:s26], $0x4000  }
0x121: {  	[sflag:s26] =	ssyncset.done $0x0  }
0x122: {  	[sflag:s26] =	ssyncadd.s32 $0xFFFFC000  }
0x123: {  	[tilespmem:s31], [sflag:$0x2] =	stream.indirect.gather [hbm4b:s5+s29], $0x80, s1, s29, $0xb8;
	[tilespmem:$0x1E000] =	vst v63  }
0x124: {  	_ =	swait.ge [sflag:s0], $0x4000  }
0x125: {  	[sflag:s0] =	ssyncset.done $0x0  }
0x126: {  	[sflag:s0] =	ssyncadd.s32 $0xFFFFC000  }
0x127: {  	[spmem:s3] =	stream.indirect.scatter.add.f32 [tilespmem:s25], [sflag:$0x5], $0x80, s21, s29, $0xb8;
	[tilespmem:$0x1E000] =	vst v63  }
0x128: {  	_ =	swait.ge [sflag:s26], $0x4000  }
0x129: {  	[sflag:s26] =	ssyncset.done $0x0  }
0x12a: {  	[sflag:s26] =	ssyncadd.s32 $0xFFFFC000  }
0x12b: {  	[tilespmem:s25], [sflag:$0x1] =	stream.indirect.gather [hbm4b:s5+s29], $0x80, s8, s29, $0xb8;
	[tilespmem:$0x1E000] =	vst v63  }
0x12c: {  	_ =	swait.ge [sflag:s7], $0x4000  }
0x12d: {  	[sflag:s7] =	ssyncset.done $0x0  }
0x12e: {  	[sflag:s7] =	ssyncadd.s32 $0xFFFFC000  }
0x12f: {  	[spmem:s3] =	stream.indirect.scatter.add.f32 [tilespmem:s31], [sflag:$0x5], $0x80, s22, s29, $0xb8;
	[tilespmem:$0x1E000] =	vst v63  }
0x130: {  	_ =	swait.ge [sflag:s26], $0x4000  }
0x131: {  	[sflag:s26] =	ssyncset.done $0x0  }
0x132: {  	[sflag:s26] =	ssyncadd.s32 $0xFFFFC000  }
0x133: {  	[tilespmem:s31], [sflag:$0x2] =	stream.indirect.gather [hbm4b:s5+s29], $0x80, s9, s29, $0xb8;
	[tilespmem:$0x1E000] =	vst v63  }
0x134: {  	_ =	swait.ge [sflag:s0], $0x4000  }
0x135: {  	[sflag:s0] =	ssyncset.done $0x0  }
0x136: {  	[sflag:s0] =	ssyncadd.s32 $0xFFFFC000  }
0x137: {  	[spmem:s3] =	stream.indirect.scatter.add.f32 [tilespmem:s25], [sflag:$0x5], $0x80, s10, s29, $0xb8;
	[tilespmem:$0x1E000] =	vst v63  }
0x138: {  	_ =	swait.ge [sflag:s26], $0x4000  }
0x139: {  	[sflag:s26] =	ssyncset.done $0x0  }
0x13a: {  	[sflag:s26] =	ssyncadd.s32 $0xFFFFC000  }
0x13b: {  	_ =	swait.ge [sflag:s7], $0x4000  }
0x13c: {  	[sflag:s7] =	ssyncset.done $0x0  }
.Ltmp3:
0x13d: {  	[sflag:s7] =	ssyncadd.s32 $0xFFFFC000;
	(pc) =	sbr.rel @p0 .LBB2_6-.Ltmp3, $4  }
0x13e: {  	[spmem:s3] =	stream.indirect.scatter.add.f32 [tilespmem:s31], [sflag:$0x5], $0x80, s12, s29, $0xb8;
	[tilespmem:$0x1E000] =	vst v63  }
0x13f: {  	_ =	swait.ge [sflag:s26], $0x4000  }
0x140: {  	[sflag:s26] =	ssyncset.done $0x0  }
0x141: {  	[sflag:s26] =	ssyncadd.s32 $0xFFFFC000  }
0x142: {  	s11 =	sadd.s32 s13, s19  }
0x143: {  	[tilespmem:s23], [sflag:$0x4] =	stream.linear.gather [hbm4b:s11+s4], $0x700, $0x38;
	[tilespmem:$0x1E000] =	vst v63  }
0x144: {  	s20 =	sadd.s32 s13, s18  }
0x145: {  	[tilespmem:s24], [sflag:$0x4] =	stream.linear.gather [hbm4b:s20+s4], $0x700, $0x38;
	[tilespmem:$0x1E000] =	vst v63  }
0x146: {  	_ =	swait.ge [sflag:s28], $0x700  }
.Ltmp4:
0x147: {  	[sflag:s28] =	ssyncset.done $0x0;
	(pc) =	sbr.rel .LBB2_4-.Ltmp4, $4  }
0x148: {  	[sflag:s28] =	ssyncadd.s32 $0xFFFFF900  }
0x149: {  	_ =	swait.ge [sflag:s28], $0x700  }
0x14a: {  	[sflag:s28] =	ssyncset.done $0x0  }
0x14b: {  	s13 =	sadd.s32 $0x200, s13;
	s14 =	sadd.s32 $0x1000, s14;
	[sflag:s28] =	ssyncadd.s32 $0xFFFFF900  }
.LBB2_7:
0x14c: {  	_ =	sfence.sel $0x180000  }
0x14d: {  	[bflag:$0x0] =	sbarrier.arrive $0xFFFF  }
0x14e: {  	_ =	strace $0x9000004A  }
0x14f: {  	s0 =	stileid.u32;
	[bflag:$0x2] =	sbarrier.arrive $0xFFFF  }
0x150: {  	p0 =	sne.s32 s0, $0x0;
	s0 =	rddreg [dreg:$0x3]  }
0x151: {  	s0 =	sadd.s32 @!p0 $0x100000, s0  }
0x152: {  	[sflag:s0] =	ssyncadd.tile.s32 @!p0 $0x1;
	_ =	shalt  }
.Lfunc_end2:
_tile_overlayer_lowered:
.L_overlay_start_2:
0x153: {  	(tag) =	ssettag $0x2  }
0x154: {  	s0 =	rddreg [dreg:$0x0];
	s2 =	stileid.u32  }
0x155: {  	s1 =	rddreg [dreg:$0x1];
	p0 =	sne.s32 s2, $0x0  }
0x156: {  	s3 =	rddreg [dreg:$0x2];
	[bflag:$0x3] =	sbarrier.arrive $0xFFFF;
	s2 =	simm.s32 @!p0 $0x1C05  }
0x157: {  	[timem:s3], [sflag:s2] =	dma.local @!p0 [hbm:s0], s1  }
0x158: {  	s0 =	simm.s32 @!p0 $0x5  }
0x159: {  	_ =	swait.ge @!p0 [sflag:s0], s1  }
0x15a: {  	s1 =	ssub.s32 @!p0 $0x0, s1;
	[sflag:s0] =	ssyncset.done @!p0 $0x0  }
0x15b: {  	[sflag:s0] =	ssyncadd.s32 @!p0 s1  }
0x15c: {  	[bflag:$0x3] =	sbarrier.arrive $0xFFFF  }
0x15d: {  	_ =	shalt  }

// kernel: kernel.17.cloned.1.call-start
scs
__scs_entry_jumppad:
0x0: {  	(pc) =	sbr.rel $0x88, $3  }
0x1: {  	(tag) =	ssettag $0x0;
	lr =	simm.s32 $0x1  }
0x2: {  	[smem:$0x3F93] =	sst lr;
	_ =	strace $0xD0000000  }
0x3: {  	_ = 	snop  }
0x4: {  	_ = 	snop  }
0x5: {  	_ = 	snop  }
0x6: {  	_ = 	snop  }
0x7: {  	_ = 	snop  }
__scs_overlays_trampoline_lowered:
0x8: {  	[smem:$0x3FA2] =	sst s0  }
0x9: {  	[smem:$0x3FA3] =	sst s1  }
0xa: {  	[smem:$0x3FA4] =	sst s2  }
0xb: {  	[smem:$0x3FA5] =	sst s3  }
0xc: {  	[smem:$0x3FA6] =	sst s4  }
0xd: {  	[smem:$0x3FA7] =	sst s5  }
0xe: {  	[smem:$0x3FA8] =	sst s6  }
0xf: {  	[smem:$0x3FA9] =	sst s7  }
0x10: {  	[smem:$0x3FAA] =	sst s8  }
0x11: {  	[smem:$0x3FAB] =	sst s9;
	s0 =	simm.s32 @!p0 $0x0  }
0x12: {  	s1 =	sld [smem:$0x3F91];
	s0 =	simm.s32 @p0 $0x1  }
0x13: {  	[smem:$0x3FAC] =	sst s0;
	s0 =	simm.s32 @!p1 $0x0  }
0x14: {  	s2 =	sld [smem:$0x3F90];
	s0 =	simm.s32 @p1 $0x1  }
0x15: {  	[smem:$0x3FAD] =	sst s0;
	s0 =	simm.s32 @!p2 $0x0  }
0x16: {  	s3 =	sld [smem:$0x3FDB];
	s0 =	simm.s32 @p2 $0x1  }
0x17: {  	s4 =	simm.s32 $0x1BF5;
	[smem:$0x3FAF] =	sst s0  }
0x18: {  	s0 =	sld [smem:$0x3F92];
	_ =	swait.ge [sflag:s4], $0x0  }
0x19: {  	s7 =	sld [smem:$0x3F93]  }
0x1a: {  	s8 =	sadd.s32 $0xFFFFE003, lr  }
0x1b: {  	s9 =	sadd.s32 $0xFFFFFEF7, lr;
	s5 =	simm.s32 $0xFFFFFFFF;
	p2 =	slt.u32 s8, $0xFFFFF086  }
0x1c: {  	p1 =	slt.u32 s9, $0xF7A;
	s5 =	simm.s32 @!p2 $0x0  }
0x1d: {  	s5 =	simm.s32 @p1 $0x1;
	p0 =	seq.s32 s7, s2  }
0x1e: {  	s7 =	smul.u32 @!p0 $0xF7A, s2;
	p2 =	seq.s32 @!p0 s5, $0x0  }
0x1f: {  	s9 =	smul.u32 $0xF7A, s1;
	s8 =	simm.s32 @!p0 $0x1BF5;
	p2 =	por !p2, p0  }
0x20: {  	[sflag:s8] =	ssyncset.s32 @!p0 $0xFFFFF086;
	s6 =	sadd.s32 @!p0 s3, s7;
	s7 =	simm.s32 @!p0 $0x108  }
0x21: {  	s3 =	sadd.s32 s3, s9;
	s6 =	sadd.s32 @!p0 $0x88, s6;
	s7 =	simm.s32 @p2 $0x1082  }
0x22: {  	[simem:s7], [sflag:s8] =	dma.local @!p0 [hbm:s6], $0xF7A  }
0x23: {  	s9 =	sor.u32 $0xD0000000, s2;
	s6 =	simm.s32 $0x108;
	_ =	swait.ge @!p0 [sflag:s8], $0x0  }
0x24: {  	s3 =	sadd.s32 $0x88, s3;
	s6 =	simm.s32 @!p1 $0x1082;
	[sflag:s4] =	ssyncset.s32 $0xFFFFF086  }
0x25: {  	[simem:s6], [sflag:s4] =	dma.local [hbm:s3], $0xF7A  }
0x26: {  	[smem:$0x3F93] =	sst s1;
	(tag) =	ssettag s2;
	_ =	strace s9  }
0x27: {  	s1 =	sld [smem:$0x3FA3]  }
0x28: {  	s2 =	sld [smem:$0x3FA4]  }
0x29: {  	s4 =	sld [smem:$0x3FA6]  }
0x2a: {  	p0 =	seq.s32 s5, $0x0;
	s5 =	sld [smem:$0x3FA7]  }
0x2b: {  	s6 =	sld [smem:$0x3FA8]  }
0x2c: {  	s7 =	sld [smem:$0x3FA9]  }
0x2d: {  	s3 =	simm.s32 $0x108;
	s8 =	sld [smem:$0x3FAA]  }
0x2e: {  	s3 =	simm.s32 @!p0 $0x1082;
	s9 =	sld [smem:$0x3FAB]  }
0x2f: {  	lr =	sadd.s32 s0, s3;
	s0 =	sld [smem:$0x3FA2]  }
0x30: {  	s3 =	sld [smem:$0x3FA5]  }
0x31: {  	[smem:$0x3FAE] =	sst s10  }
0x32: {  	s10 =	sld [smem:$0x3FAC];
	_ =	sdelay $0x3  }
0x33: {  	p0 =	seq.s32 s10, $0x1;
	s10 =	sld [smem:$0x3FAE];
	_ =	sdelay $0x3  }
0x34: {  	[smem:$0x3FAE] =	sst s10  }
0x35: {  	s10 =	sld [smem:$0x3FAD];
	_ =	sdelay $0x3  }
0x36: {  	p1 =	seq.s32 s10, $0x1;
	s10 =	sld [smem:$0x3FAE];
	_ =	sdelay $0x3  }
0x37: {  	[smem:$0x3FAE] =	sst s10  }
0x38: {  	s10 =	sld [smem:$0x3FAF]  }
0x39: {  	_ = 	snop;
	(pc) =	sbr.ind lr, $3  }
0x3a: {  	_ = 	snop  }
0x3b: {  	_ = 	snop  }
0x3c: {  	p2 =	seq.s32 s10, $0x1;
	s10 =	sld [smem:$0x3FAE]  }
0x3d: {  	_ =	shalt  }
0x3e: {  	_ =	shalt  }
0x3f: {  	_ =	shalt  }
0x40: {  	_ =	shalt  }
0x41: {  	_ =	shalt  }
0x42: {  	_ =	shalt  }
0x43: {  	_ =	shalt  }
0x44: {  	_ =	shalt  }
0x45: {  	_ =	shalt  }
0x46: {  	_ =	shalt  }
0x47: {  	_ =	shalt  }
0x48: {  	_ =	shalt  }
0x49: {  	_ =	shalt  }
0x4a: {  	_ =	shalt  }
0x4b: {  	_ =	shalt  }
0x4c: {  	_ =	shalt  }
0x4d: {  	_ =	shalt  }
0x4e: {  	_ =	shalt  }
0x4f: {  	_ =	shalt  }
0x50: {  	_ =	shalt  }
0x51: {  	_ =	shalt  }
0x52: {  	_ =	shalt  }
0x53: {  	_ =	shalt  }
0x54: {  	_ =	shalt  }
0x55: {  	_ =	shalt  }
0x56: {  	_ =	shalt  }
0x57: {  	_ =	shalt  }
0x58: {  	_ =	shalt  }
0x59: {  	_ =	shalt  }
0x5a: {  	_ =	shalt  }
0x5b: {  	_ =	shalt  }
0x5c: {  	_ =	shalt  }
0x5d: {  	_ =	shalt  }
0x5e: {  	_ =	shalt  }
0x5f: {  	_ =	shalt  }
0x60: {  	_ =	shalt  }
0x61: {  	_ =	shalt  }
0x62: {  	_ =	shalt  }
0x63: {  	_ =	shalt  }
0x64: {  	_ =	shalt  }
0x65: {  	_ =	shalt  }
0x66: {  	_ =	shalt  }
0x67: {  	_ =	shalt  }
0x68: {  	_ =	shalt  }
0x69: {  	_ =	shalt  }
0x6a: {  	_ =	shalt  }
0x6b: {  	_ =	shalt  }
0x6c: {  	_ =	shalt  }
0x6d: {  	_ =	shalt  }
0x6e: {  	_ =	shalt  }
0x6f: {  	_ =	shalt  }
0x70: {  	_ =	shalt  }
0x71: {  	_ =	shalt  }
0x72: {  	_ =	shalt  }
0x73: {  	_ =	shalt  }
0x74: {  	_ =	shalt  }
0x75: {  	_ =	shalt  }
0x76: {  	_ =	shalt  }
0x77: {  	_ =	shalt  }
0x78: {  	_ =	shalt  }
0x79: {  	_ =	shalt  }
0x7a: {  	_ =	shalt  }
0x7b: {  	_ =	shalt  }
0x7c: {  	_ =	shalt  }
0x7d: {  	_ =	shalt  }
0x7e: {  	_ =	shalt  }
0x7f: {  	_ =	shalt  }
0x80: {  	_ =	shalt  }
0x81: {  	_ =	shalt  }
0x82: {  	_ =	shalt  }
0x83: {  	_ =	shalt  }
0x84: {  	_ =	shalt  }
0x85: {  	_ =	shalt  }
0x86: {  	_ =	shalt  }
0x87: {  	_ =	shalt  }
.Lfunc_end0:
.L_simem_size_0:
called_computation.2_lowered:
.L_overlay_start_0:
0x88: {  	s2 =	sld [smem:$0x3FD9]  }
0x89: {  	s3 =	sld [smem:$0x3FFE];
	_ =	sdelay $0x1  }
0x8a: {  	s1 =	srdreg.scid  }
0x8b: {  	s0 =	sand.u32 $0x1, s1  }
0x8c: {  	s17 =	sshll.u32 s0, $0xA;
	s2 =	sadd.s32 s3, s2  }
0x8d: {  	s2 =	sadd.s32 s2, s17  }
0x8e: {  	[smem:$0x3FBA] =	sst s2  }
0x8f: {  	_ = 	snop  }
0x90: {  	s2 =	sld [smem:$0x3FD0];
	(tm) =	ssettm $0x1  }
0x91: {  	s18 =	sld [smem:$0x3FFB];
	_ =	sdelay $0x3  }
0x92: {  	_ =	strace s18  }
0x93: {  	s3 =	sld [smem:$0x3FFC];
	_ =	sdelay $0x3  }
0x94: {  	_ =	strace s3  }
0x95: {  	s3 =	sld [smem:$0x3FFD];
	_ =	sdelay $0x3  }
0x96: {  	_ =	strace s3  }
0x97: {  	_ =	strace $0x8FFFFFFF  }
0x98: {  	s19 =	sld [smem:$0x3FDB];
	_ =	sdelay $0x1  }
0x99: {  	s4 =	simm.s32 $_scs_section_size  }
0x9a: {  	s5 =	simm.s32 $_size__tile_overlayer_lowered;
	s6 =	simm.s32 $_tile_overlayer_lowered  }
0x9b: {  	s22 =	simm.s32 $0x1BFF;
	s21 =	sshll.u32 s6, $0x1;
	s3 =	sadd.s32 s4, s19  }
0x9c: {  	s7 =	simm.s32 $0x0;
	s20 =	sshll.u32 s5, $0x1;
	s5 =	sadd.s32 s21, s3  }
0x9d: {  	[timem:s7], [sflag:s22] =	dma.local [hbm:s5], s20  }
0x9e: {  	_ =	swait.ge [sflag:s22], s20  }
0x9f: {  	s4 =	ssub.s32 $0x0, s20;
	[sflag:s22] =	ssyncset.done $0x0  }
0xa0: {  	[sflag:s22] =	ssyncadd.s32 s4;
	_ =	sdelay $0x1  }
0xa1: {  	s23 =	simm.s32 $0x1B8B  }
0xa2: {  	_ =	swait.ge [sflag:s23], $0x1  }
0xa3: {  	[sflag:s23] =	ssyncset.done $0x0  }
0xa4: {  	s25 =	simm.s32 $0x1B8E;
	s24 =	sld [smem:$0x3FFE];
	[sflag:s23] =	ssyncadd.s32 $0xFFFFFFFF  }
0xa5: {  	s26 =	simm.s32 $execute0_lowered;
	[smem:$0x3FD2] =	sst s25  }
0xa6: {  	s5 =	sshll.u32 s26, $0x1;
	_ =	strace $0x8000004C;
	[dreg:$0x1] =	wrdreg $0xFFFFFFFF  }
0xa7: {  	s28 =	simm.s32 $_size_execute0_lowered;
	s3 =	sadd.s32 s3, s5;
	[dreg:$0x0] =	wrdreg $0x0  }
0xa8: {  	s5 =	sshll.u32 s28, $0x1;
	[dreg:$0x2] =	wrdreg s3  }
0xa9: {  	[dreg:$0x3] =	wrdreg s5  }
0xaa: {  	[dreg:$0x4] =	wrdreg $0xC0  }
0xab: {  	_ =	task [dreg:s7], $0x5FFFF  }
0xac: {  	[dreg:$0x1] =	wrdreg $0xFFFFFFFF  }
0xad: {  	[dreg:$0x0] =	wrdreg $0x60  }
0xae: {  	[dreg:$0x2] =	wrdreg s24  }
0xaf: {  	[dreg:$0x3] =	wrdreg s2  }
0xb0: {  	[dreg:$0x4] =	wrdreg $0x0  }
0xb1: {  	[dreg:$0x5] =	wrdreg $0x9  }
0xb2: {  	_ =	task.clear_ibuf [dreg:s7], $0x6FFFF;
	_ =	strace $0x9000004C  }
0xb3: {  	s29 =	simm.s32 $0x9;
	_ =	strace $0x8000004E  }
0xb4: {  	_ =	swait.ge [sflag:s29], $0x1  }
0xb5: {  	[sflag:s29] =	ssyncadd.s32 $0xFFFFFFFF  }
0xb6: {  	_ =	strace $0x9000004E  }
0xb7: {  	_ =	sfence  }
0xb8: {  	s30 =	sld [smem:$0x0];
	_ =	sdelay $0x2  }
0xb9: {  	s31 =	sshll.u32 s1, $0xD;
	s1 =	sshrl.u32 s1, $0x2  }
0xba: {  	s3 =	sand.u32 $0x4000, s31;
	s1 =	sadd.s32 s1, s30  }
0xbb: {  	s0 =	sor.u32 s3, s0;
	s1 =	sshll.u32 s1, $0x11  }
0xbc: {  	s0 =	sor.u32 s1, s0  }
0xbd: {  	s0 =	sadd.s32 $0x8F2B, s0  }
0xbe: {  	[sflag:s0] =	ssyncadd.remote.s32 $0x1  }
0xbf: {  	_ =	sfence.sel $0xFFFF  }
0xc0: {  	[dreg:$0x0] =	wrdreg $0xFFFFFFFF;
	(pc) =	sbr.abs _section_cstart, $3  }
0xc1: {  	[dreg:$0x1] =	wrdreg $0xFFFFFFFF  }
0xc2: {  	_ =	task.clear_ibuf [dreg:s7], $0x2FFFF;
	_ =	strace $0x9FFFFFFF  }
0xc3: {  	(tm) =	ssettm $0x7FFFFFFF  }
tec
execute0_lowered:
.L_overlay_start_1:
0x0: {  	(tag) =	ssettag $0x1  }
0x1: {  	s0 =	rddreg [dreg:$0x0]  }
0x2: {  	s10 =	rddreg [dreg:$0x1];
	s1 =	srdreg.scid  }
0x3: {  	s3 =	rddreg [dreg:$0x2];
	s9 =	stileid.u32;
	s4 =	simm.s32 $0x0  }
0x4: {  	s28 =	simm.s32 $0x3;
	s29 =	simm.s32 $0x80;
	s5 =	smul.u32 $0x14000, s9  }
0x5: {  	s31 =	simm.s32 $0x1A000;
	s30 =	simm.s32 $0x15C80;
	s8 =	smul.u32 $0x3000, s9  }
0x6: {  	s12 =	simm.s32 $0x15E80;
	s1 =	sand.u32 $0x1, s1;
	s9 =	smul.u32 $0x50000, s9  }
0x7: {  	[smem:$0x7FF] =	sst s4;
	s6 =	sadd.s32 $0xFC00, s0;
	s2 =	smul.u32 $0x140000, s1  }
0x8: {  	s7 =	smul.u32 $0x30000, s1;
	_ =	strace $0x8000004D;
	s1 =	ssub.s32 $0x2, s1  }
0x9: {  	s14 =	sshrl.u32 s1, $0x1;
	s18 =	sshrl.u32 s9, $0x2;
	s9 =	simm.s32 $0x15680  }
0xa: {  	s2 =	sadd.s32 s5, s2;
	s5 =	sadd.s32 $0x1BC00, s0;
	s13 =	sadd.s32 s8, s7  }
0xb: {  	s1 =	ssub.s32 s1, s14;
	s20 =	sadd.s32 s18, s3;
	s2 =	sshrl.u32 s2, $0x3  }
0xc: {  	s8 =	sshrl.u32 s13, $0x3;
	s19 =	smax.u32 s1, $0x1;
	[dreg:$0x8] =	wrdreg s20  }
0xd: {  	s21 =	sadd.s32 $0x4000, s20;
	s22 =	sadd.s32 $0x1800, s13;
	[dreg:$0xa] =	wrdreg s19  }
0xe: {  	s23 =	sadd.s32 $0x8000, s20;
	s24 =	sadd.s32 $0xC000, s20;
	[dreg:$0xb] =	wrdreg s21  }
0xf: {  	s25 =	sadd.s32 $0x10000, s20;
	s26 =	sadd.s32 $0x1000, s13;
	[dreg:$0xc] =	wrdreg s23  }
0x10: {  	s1 =	simm.s32 $0x15580;
	s13 =	simm.s32 $0x0;
	[dreg:$0xd] =	wrdreg s24  }
0x11: {  	s0 =	sadd.s32 s2, s0;
	s15 =	sadd.s32 s10, s8;
	[dreg:$0xe] =	wrdreg s25  }
0x12: {  	s16 =	sor.u32 $0x100, s8;
	s8 =	sadd.s32 s6, s8;
	[dreg:$0xf] =	wrdreg s26  }
0x13: {  	s23 =	simm.s32 $0x15000;
	s24 =	simm.s32 $0x15800;
	s25 =	simm.s32 $0x16000  }
0x14: {  	s26 =	simm.s32 $0x5;
	s2 =	simm.s32 $0x15500;
	[dreg:$0x4] =	wrdreg s15  }
0x15: {  	s21 =	simm.s32 $0x15D00;
	[dreg:$0x5] =	wrdreg s8;
	s17 =	sadd.s32 s10, s16  }
.Ltmp0:
0x16: {  	s7 =	sadd.s32 s6, s16;
	[dreg:$0x6] =	wrdreg s17;
	(pc) =	sbr.rel .LBB2_1-.Ltmp0, $4  }
0x17: {  	s0 =	sadd.s32 $0x42E00, s0;
	s8 =	simm.s32 $0x15600;
	[dreg:$0x7] =	wrdreg s7  }
0x18: {  	[dreg:$0x9] =	wrdreg s0;
	s0 =	sshrl.u32 s22, $0x3;
	s7 =	simm.s32 $0x2  }
0x19: {  	s17 =	simm.s32 $0x4;
	s22 =	simm.s32 $0x15D80;
	s18 =	sadd.s32 s0, s6  }
0x1a: {  	v0 =	vimm.f32 $0.0e+00;
	s19 =	sadd.s32 s0, s10;
	s0 =	simm.s32 $0x1;
	s10 =	simm.s32 $0x15E00  }
.LBB2_6:
0x1b: {  	s11 =	stileid.u32;
	[bflag:$0x0] =	sbarrier.arrive $0xFFFF  }
0x1c: {  	s11 =	sshll.u32 s11, $0x6;
	s20 =	rddreg [dreg:$0x8]  }
0x1d: {  	s14 =	rddreg [dreg:$0x9];
	s11 =	sor.u32 $0x1C05, s11;
	s13 =	sshrl.u32 s20, $0x3  }
0x1e: {  	[hbm:s14], [sflag:s11] =	dma.local [spmem:s13], $0x2800  }
0x1f: {  	_ =	swait.ge [sflag:s26], $0x2800  }
0x20: {  	s15 =	rddreg [dreg:$0x10]  }
0x21: {  	s16 =	rddreg [dreg:$0xa];
	s13 =	sadd.s32 $0x1, s15  }
0x22: {  	p0 =	sne.s32 s13, s16  }
.Ltmp1:
0x23: {  	_ = 	snop;
	(pc) =	sbr.rel @!p0 .LBB2_7-.Ltmp1, $3  }
0x24: {  	_ =	sdelay $0x1  }
0x25: {  	[sflag:s26] =	ssyncset.done $0x0  }
0x26: {  	[sflag:s26] =	ssyncadd.s32 $0xFFFFD800  }
.LBB2_1:
0x27: {  	s11 =	rddreg [dreg:$0x4];
	s14 =	simm.s32 $0x14000  }
0x28: {  	[tilespmem:s14], [sflag:$0x3] =	stream.linear.gather [hbm4b:s11+s4], $0x700, $0x38;
	[tilespmem:$0x1E000] =	vst v63  }
0x29: {  	s15 =	rddreg [dreg:$0x5];
	s16 =	simm.s32 $0x14800  }
0x2a: {  	[tilespmem:s16], [sflag:$0x3] =	stream.linear.gather [hbm4b:s15+s4], $0x700, $0x38;
	[tilespmem:$0x1E000] =	vst v63  }
0x2b: {  	s14 =	rddreg [dreg:$0x6]  }
0x2c: {  	[tilespmem:s23], [sflag:$0x4] =	stream.linear.gather [hbm4b:s14+s4], $0x700, $0x38;
	[tilespmem:$0x1E000] =	vst v63  }
0x2d: {  	s15 =	rddreg [dreg:$0x7];
	s16 =	sand.u32 $0xFE00, s4  }
0x2e: {  	[tilespmem:s24], [sflag:$0x4] =	stream.linear.gather [hbm4b:s15+s4], $0x700, $0x38;
	[tilespmem:$0x1E000] =	vst v63  }
0x2f: {  	[dreg:$0x10] =	wrdreg s13;
	s14 =	sand.u32 $0x70, s4;
	s15 =	sshrl.u32 s16, $0x2  }
0x30: {  	s13 =	simm.s32 $0x40;
	s15 =	sor.u32 s14, s15;
	s14 =	simm.s32 $0x0  }
.LBB2_2:
0x31: {  	p0 =	sne.s32 s13, $0xFFC0  }
0x32: {  	[tilespmem:s15+$0x16000] =	vst v0;
	s14 =	sadd.s32 $0x10, s14;
	s15 =	smov.u32 s13;
	s13 =	sadd.s32 $0x40, s13  }
.Ltmp2:
0x33: {  	(pc) =	sbr.rel @p0 .LBB2_2-.Ltmp2, $4  }
0x34: {  	_ = 	snop  }
0x35: {  	s15 =	sand.u32 $0xFE00, s15  }
0x36: {  	s16 =	sand.u32 $0x70, s14;
	s15 =	sshrl.u32 s15, $0x2  }
0x37: {  	s15 =	sor.u32 s16, s15  }
0x38: {  	[tilespmem:s15+$0x16000] =	vst v0  }
0x39: {  	[spmem:s20] =	stream.linear.scatter [tilespmem:s25], [sflag:$0x5], $0x4000, $0x38;
	[tilespmem:$0x1E000] =	vst v63  }
0x3a: {  	_ =	swait.ge [sflag:s26], $0x4000  }
0x3b: {  	[sflag:s26] =	ssyncset.done $0x0  }
0x3c: {  	s11 =	rddreg [dreg:$0xb];
	[sflag:s26] =	ssyncadd.s32 $0xFFFFC000  }
0x3d: {  	[spmem:s11] =	stream.linear.scatter [tilespmem:s25], [sflag:$0x5], $0x4000, $0x38;
	[tilespmem:$0x1E000] =	vst v63  }
0x3e: {  	_ =	swait.ge [sflag:s26], $0x4000  }
0x3f: {  	[sflag:s26] =	ssyncset.done $0x0  }
0x40: {  	s15 =	rddreg [dreg:$0xc];
	[sflag:s26] =	ssyncadd.s32 $0xFFFFC000  }
0x41: {  	[spmem:s15] =	stream.linear.scatter [tilespmem:s25], [sflag:$0x5], $0x4000, $0x38;
	[tilespmem:$0x1E000] =	vst v63  }
0x42: {  	_ =	swait.ge [sflag:s26], $0x4000  }
0x43: {  	[sflag:s26] =	ssyncset.done $0x0  }
0x44: {  	s16 =	rddreg [dreg:$0xd];
	[sflag:s26] =	ssyncadd.s32 $0xFFFFC000  }
0x45: {  	[spmem:s16] =	stream.linear.scatter [tilespmem:s25], [sflag:$0x5], $0x4000, $0x38;
	[tilespmem:$0x1E000] =	vst v63  }
0x46: {  	_ =	swait.ge [sflag:s26], $0x4000  }
0x47: {  	[sflag:s26] =	ssyncset.done $0x0  }
0x48: {  	s20 =	rddreg [dreg:$0xe];
	[sflag:s26] =	ssyncadd.s32 $0xFFFFC000  }
0x49: {  	[spmem:s20] =	stream.linear.scatter [tilespmem:s25], [sflag:$0x5], $0x4000, $0x38;
	[tilespmem:$0x1E000] =	vst v63  }
0x4a: {  	_ =	swait.ge [sflag:s26], $0x4000  }
0x4b: {  	[sflag:s26] =	ssyncset.done $0x0  }
0x4c: {  	[sflag:s26] =	ssyncadd.s32 $0xFFFFC000  }
0x4d: {  	[bflag:$0x0] =	sbarrier.arrive $0xFFFF  }
0x4e: {  	_ =	swait.ge [sflag:s28], $0x700  }
0x4f: {  	[sflag:s28] =	ssyncset.done $0x0  }
0x50: {  	[sflag:s28] =	ssyncadd.s32 $0xFFFFF900  }
0x51: {  	_ =	swait.ge [sflag:s28], $0x700  }
0x52: {  	[sflag:s28] =	ssyncset.done $0x0  }
0x53: {  	s13 =	simm.s32 $0x0;
	s14 =	rddreg [dreg:$0xf];
	[sflag:s28] =	ssyncadd.s32 $0xFFFFF900  }
.LBB2_4:
0x54: {  	s11 =	simm.s32 $0x14000  }
0x55: {  	[tilespmem:s25], [sflag:$0x1] =	stream.indirect.gather [hbm4b:s5+s29], $0x80, s11, s29, $0xb8;
	[tilespmem:$0x1E000] =	vst v63  }
0x56: {  	s16 =	simm.s32 $0x14080  }
0x57: {  	[tilespmem:s31], [sflag:$0x2] =	stream.indirect.gather [hbm4b:s5+s29], $0x80, s16, s29, $0xb8;
	[tilespmem:$0x1E000] =	vst v63  }
0x58: {  	_ =	swait.ge [sflag:s0], $0x4000  }
0x59: {  	[sflag:s0] =	ssyncset.done $0x0  }
0x5a: {  	s20 =	simm.s32 $0x14800;
	[sflag:s0] =	ssyncadd.s32 $0xFFFFC000  }
0x5b: {  	[spmem:s3] =	stream.indirect.scatter.add.f32 [tilespmem:s25], [sflag:$0x5], $0x80, s20, s29, $0xb8;
	[tilespmem:$0x1E000] =	vst v63  }
0x5c: {  	_ =	swait.ge [sflag:s26], $0x4000  }
0x5d: {  	[sflag:s26] =	ssyncset.done $0x0  }
0x5e: {  	s15 =	simm.s32 $0x14100;
	[sflag:s26] =	ssyncadd.s32 $0xFFFFC000  }
0x5f: {  	[tilespmem:s25], [sflag:$0x1] =	stream.indirect.gather [hbm4b:s5+s29], $0x80, s15, s29, $0xb8;
	[tilespmem:$0x1E000] =	vst v63  }
0x60: {  	_ =	swait.ge [sflag:s7], $0x4000  }
0x61: {  	[sflag:s7] =	ssyncset.done $0x0  }
0x62: {  	s16 =	simm.s32 $0x14880;
	[sflag:s7] =	ssyncadd.s32 $0xFFFFC000  }
0x63: {  	[spmem:s3] =	stream.indirect.scatter.add.f32 [tilespmem:s31], [sflag:$0x5], $0x80, s16, s29, $0xb8;
	[tilespmem:$0x1E000] =	vst v63  }
0x64: {  	_ =	swait.ge [sflag:s26], $0x4000  }
0x65: {  	[sflag:s26] =	ssyncset.done $0x0  }
0x66: {  	s20 =	simm.s32 $0x14180;
	[sflag:s26] =	ssyncadd.s32 $0xFFFFC000  }
0x67: {  	[tilespmem:s31], [sflag:$0x2] =	stream.indirect.gather [hbm4b:s5+s29], $0x80, s20, s29, $0xb8;
	[tilespmem:$0x1E000] =	vst v63  }
0x68: {  	_ =	swait.ge [sflag:s0], $0x4000  }
0x69: {  	[sflag:s0] =	ssyncset.done $0x0  }
0x6a: {  	s15 =	simm.s32 $0x14900;
	[sflag:s0] =	ssyncadd.s32 $0xFFFFC000  }
0x6b: {  	[spmem:s3] =	stream.indirect.scatter.add.f32 [tilespmem:s25], [sflag:$0x5], $0x80, s15, s29, $0xb8;
	[tilespmem:$0x1E000] =	vst v63  }
0x6c: {  	_ =	swait.ge [sflag:s26], $0x4000  }
0x6d: {  	[sflag:s26] =	ssyncset.done $0x0  }
0x6e: {  	s16 =	simm.s32 $0x14200;
	[sflag:s26] =	ssyncadd.s32 $0xFFFFC000  }
0x6f: {  	[tilespmem:s25], [sflag:$0x1] =	stream.indirect.gather [hbm4b:s5+s29], $0x80, s16, s29, $0xb8;
	[tilespmem:$0x1E000] =	vst v63  }
0x70: {  	_ =	swait.ge [sflag:s7], $0x4000  }
0x71: {  	[sflag:s7] =	ssyncset.done $0x0  }
0x72: {  	s20 =	simm.s32 $0x14980;
	[sflag:s7] =	ssyncadd.s32 $0xFFFFC000  }
0x73: {  	[spmem:s3] =	stream.indirect.scatter.add.f32 [tilespmem:s31], [sflag:$0x5], $0x80, s20, s29, $0xb8;
	[tilespmem:$0x1E000] =	vst v63  }
0x74: {  	_ =	swait.ge [sflag:s26], $0x4000  }
0x75: {  	[sflag:s26] =	ssyncset.done $0x0  }
0x76: {  	s15 =	simm.s32 $0x14280;
	[sflag:s26] =	ssyncadd.s32 $0xFFFFC000  }
0x77: {  	[tilespmem:s31], [sflag:$0x2] =	stream.indirect.gather [hbm4b:s5+s29], $0x80, s15, s29, $0xb8;
	[tilespmem:$0x1E000] =	vst v63  }
0x78: {  	_ =	swait.ge [sflag:s0], $0x4000  }
0x79: {  	[sflag:s0] =	ssyncset.done $0x0  }
0x7a: {  	s16 =	simm.s32 $0x14A00;
	[sflag:s0] =	ssyncadd.s32 $0xFFFFC000  }
0x7b: {  	[spmem:s3] =	stream.indirect.scatter.add.f32 [tilespmem:s25], [sflag:$0x5], $0x80, s16, s29, $0xb8;
	[tilespmem:$0x1E000] =	vst v63  }
0x7c: {  	_ =	swait.ge [sflag:s26], $0x4000  }
0x7d: {  	[sflag:s26] =	ssyncset.done $0x0  }
0x7e: {  	s20 =	simm.s32 $0x14300;
	[sflag:s26] =	ssyncadd.s32 $0xFFFFC000  }
0x7f: {  	[tilespmem:s25], [sflag:$0x1] =	stream.indirect.gather [hbm4b:s5+s29], $0x80, s20, s29, $0xb8;
	[tilespmem:$0x1E000] =	vst v63  }
0x80: {  	_ =	swait.ge [sflag:s7], $0x4000  }
0x81: {  	[sflag:s7] =	ssyncset.done $0x0  }
0x82: {  	s15 =	simm.s32 $0x14A80;
	[sflag:s7] =	ssyncadd.s32 $0xFFFFC000  }
0x83: {  	[spmem:s3] =	stream.indirect.scatter.add.f32 [tilespmem:s31], [sflag:$0x5], $0x80, s15, s29, $0xb8;
	[tilespmem:$0x1E000] =	vst v63  }
0x84: {  	_ =	swait.ge [sflag:s26], $0x4000  }
0x85: {  	[sflag:s26] =	ssyncset.done $0x0  }
0x86: {  	s16 =	simm.s32 $0x14380;
	[sflag:s26] =	ssyncadd.s32 $0xFFFFC000  }
0x87: {  	[tilespmem:s31], [sflag:$0x2] =	stream.indirect.gather [hbm4b:s5+s29], $0x80, s16, s29, $0xb8;
	[tilespmem:$0x1E000] =	vst v63  }
0x88: {  	_ =	swait.ge [sflag:s0], $0x4000  }
0x89: {  	[sflag:s0] =	ssyncset.done $0x0  }
0x8a: {  	s20 =	simm.s32 $0x14B00;
	[sflag:s0] =	ssyncadd.s32 $0xFFFFC000  }
0x8b: {  	[spmem:s3] =	stream.indirect.scatter.add.f32 [tilespmem:s25], [sflag:$0x5], $0x80, s20, s29, $0xb8;
	[tilespmem:$0x1E000] =	vst v63  }
0x8c: {  	_ =	swait.ge [sflag:s26], $0x4000  }
0x8d: {  	[sflag:s26] =	ssyncset.done $0x0  }
0x8e: {  	s15 =	simm.s32 $0x14400;
	[sflag:s26] =	ssyncadd.s32 $0xFFFFC000  }
0x8f: {  	[tilespmem:s25], [sflag:$0x1] =	stream.indirect.gather [hbm4b:s5+s29], $0x80, s15, s29, $0xb8;
	[tilespmem:$0x1E000] =	vst v63  }
0x90: {  	_ =	swait.ge [sflag:s7], $0x4000  }
0x91: {  	[sflag:s7] =	ssyncset.done $0x0  }
0x92: {  	s16 =	simm.s32 $0x14B80;
	[sflag:s7] =	ssyncadd.s32 $0xFFFFC000  }
0x93: {  	[spmem:s3] =	stream.indirect.scatter.add.f32 [tilespmem:s31], [sflag:$0x5], $0x80, s16, s29, $0xb8;
	[tilespmem:$0x1E000] =	vst v63  }
0x94: {  	_ =	swait.ge [sflag:s26], $0x4000  }
0x95: {  	[sflag:s26] =	ssyncset.done $0x0  }
0x96: {  	s20 =	simm.s32 $0x14480;
	[sflag:s26] =	ssyncadd.s32 $0xFFFFC000  }
0x97: {  	[tilespmem:s31], [sflag:$0x2] =	stream.indirect.gather [hbm4b:s5+s29], $0x80, s20, s29, $0xb8;
	[tilespmem:$0x1E000] =	vst v63  }
0x98: {  	_ =	swait.ge [sflag:s0], $0x4000  }
0x99: {  	[sflag:s0] =	ssyncset.done $0x0  }
0x9a: {  	s15 =	simm.s32 $0x14C00;
	[sflag:s0] =	ssyncadd.s32 $0xFFFFC000  }
0x9b: {  	[spmem:s3] =	stream.indirect.scatter.add.f32 [tilespmem:s25], [sflag:$0x5], $0x80, s15, s29, $0xb8;
	[tilespmem:$0x1E000] =	vst v63  }
0x9c: {  	_ =	swait.ge [sflag:s26], $0x4000  }
0x9d: {  	[sflag:s26] =	ssyncset.done $0x0  }
0x9e: {  	s16 =	simm.s32 $0x14500;
	[sflag:s26] =	ssyncadd.s32 $0xFFFFC000  }
0x9f: {  	[tilespmem:s25], [sflag:$0x1] =	stream.indirect.gather [hbm4b:s5+s29], $0x80, s16, s29, $0xb8;
	[tilespmem:$0x1E000] =	vst v63  }
0xa0: {  	_ =	swait.ge [sflag:s7], $0x4000  }
0xa1: {  	[sflag:s7] =	ssyncset.done $0x0  }
0xa2: {  	s20 =	simm.s32 $0x14C80;
	[sflag:s7] =	ssyncadd.s32 $0xFFFFC000  }
0xa3: {  	[spmem:s3] =	stream.indirect.scatter.add.f32 [tilespmem:s31], [sflag:$0x5], $0x80, s20, s29, $0xb8;
	[tilespmem:$0x1E000] =	vst v63  }
0xa4: {  	_ =	swait.ge [sflag:s26], $0x4000  }
0xa5: {  	[sflag:s26] =	ssyncset.done $0x0  }
0xa6: {  	s15 =	simm.s32 $0x14580;
	[sflag:s26] =	ssyncadd.s32 $0xFFFFC000  }
0xa7: {  	[tilespmem:s31], [sflag:$0x2] =	stream.indirect.gather [hbm4b:s5+s29], $0x80, s15, s29, $0xb8;
	[tilespmem:$0x1E000] =	vst v63  }
0xa8: {  	_ =	swait.ge [sflag:s0], $0x4000  }
0xa9: {  	[sflag:s0] =	ssyncset.done $0x0  }
0xaa: {  	s16 =	simm.s32 $0x14D00;
	[sflag:s0] =	ssyncadd.s32 $0xFFFFC000  }
0xab: {  	[spmem:s3] =	stream.indirect.scatter.add.f32 [tilespmem:s25], [sflag:$0x5], $0x80, s16, s29, $0xb8;
	[tilespmem:$0x1E000] =	vst v63  }
0xac: {  	_ =	swait.ge [sflag:s26], $0x4000  }
0xad: {  	[sflag:s26] =	ssyncset.done $0x0  }
0xae: {  	s20 =	simm.s32 $0x14600;
	[sflag:s26] =	ssyncadd.s32 $0xFFFFC000  }
0xaf: {  	[tilespmem:s25], [sflag:$0x1] =	stream.indirect.gather [hbm4b:s5+s29], $0x80, s20, s29, $0xb8;
	[tilespmem:$0x1E000] =	vst v63  }
0xb0: {  	_ =	swait.ge [sflag:s7], $0x4000  }
0xb1: {  	[sflag:s7] =	ssyncset.done $0x0  }
0xb2: {  	s15 =	simm.s32 $0x14D80;
	[sflag:s7] =	ssyncadd.s32 $0xFFFFC000  }
0xb3: {  	[spmem:s3] =	stream.indirect.scatter.add.f32 [tilespmem:s31], [sflag:$0x5], $0x80, s15, s29, $0xb8;
	[tilespmem:$0x1E000] =	vst v63  }
0xb4: {  	_ =	swait.ge [sflag:s26], $0x4000  }
0xb5: {  	[sflag:s26] =	ssyncset.done $0x0  }
0xb6: {  	s16 =	simm.s32 $0x14680;
	[sflag:s26] =	ssyncadd.s32 $0xFFFFC000  }
0xb7: {  	[tilespmem:s31], [sflag:$0x2] =	stream.indirect.gather [hbm4b:s5+s29], $0x80, s16, s29, $0xb8;
	[tilespmem:$0x1E000] =	vst v63  }
0xb8: {  	_ =	swait.ge [sflag:s0], $0x4000  }
0xb9: {  	[sflag:s0] =	ssyncset.done $0x0  }
0xba: {  	s20 =	simm.s32 $0x14E00;
	[sflag:s0] =	ssyncadd.s32 $0xFFFFC000  }
0xbb: {  	[spmem:s3] =	stream.indirect.scatter.add.f32 [tilespmem:s25], [sflag:$0x5], $0x80, s20, s29, $0xb8;
	[tilespmem:$0x1E000] =	vst v63  }
0xbc: {  	_ =	swait.ge [sflag:s26], $0x4000  }
0xbd: {  	[sflag:s26] =	ssyncset.done $0x0  }
0xbe: {  	[sflag:s26] =	ssyncadd.s32 $0xFFFFC000  }
0xbf: {  	_ =	swait.ge [sflag:s7], $0x4000  }
0xc0: {  	[sflag:s7] =	ssyncset.done $0x0  }
0xc1: {  	s15 =	simm.s32 $0x14E80;
	[sflag:s7] =	ssyncadd.s32 $0xFFFFC000  }
0xc2: {  	[spmem:s3] =	stream.indirect.scatter.add.f32 [tilespmem:s31], [sflag:$0x5], $0x80, s15, s29, $0xb8;
	[tilespmem:$0x1E000] =	vst v63  }
0xc3: {  	_ =	swait.ge [sflag:s26], $0x4000  }
0xc4: {  	[sflag:s26] =	ssyncset.done $0x0  }
0xc5: {  	p0 =	seq.s32 s13, $0x400;
	[sflag:s26] =	ssyncadd.s32 $0xFFFFC000  }
0xc6: {  	s15 =	sshrl.u32 @!p0 s14, $0x3;
	s11 =	rddreg [dreg:$0x1]  }
0xc7: {  	s20 =	simm.s32 @!p0 $0x0;
	s16 =	sadd.s32 @!p0 s11, s15;
	s11 =	simm.s32 @!p0 $0x14000  }
0xc8: {  	[tilespmem:s11], [sflag:$0x3] =	stream.linear.gather @!p0 [hbm4b:s16+s20], $0x700, $0x38;
	[tilespmem:$0x1E000] =	vst v63  }
0xc9: {  	s11 =	sadd.s32 @!p0 s6, s15;
	s15 =	simm.s32 @!p0 $0x14800  }
0xca: {  	[tilespmem:s15], [sflag:$0x3] =	stream.linear.gather @!p0 [hbm4b:s11+s20], $0x700, $0x38;
	[tilespmem:$0x1E000] =	vst v63  }
0xcb: {  	_ =	swait.ge [sflag:s17], $0x700  }
0xcc: {  	[sflag:s17] =	ssyncset.done $0x0  }
0xcd: {  	[sflag:s17] =	ssyncadd.s32 $0xFFFFF900  }
0xce: {  	_ =	swait.ge [sflag:s17], $0x700  }
0xcf: {  	[sflag:s17] =	ssyncset.done $0x0  }
0xd0: {  	[sflag:s17] =	ssyncadd.s32 $0xFFFFF900  }
0xd1: {  	[tilespmem:s25], [sflag:$0x1] =	stream.indirect.gather [hbm4b:s5+s29], $0x80, s23, s29, $0xb8;
	[tilespmem:$0x1E000] =	vst v63  }
0xd2: {  	s16 =	simm.s32 $0x15080  }
0xd3: {  	[tilespmem:s31], [sflag:$0x2] =	stream.indirect.gather [hbm4b:s5+s29], $0x80, s16, s29, $0xb8;
	[tilespmem:$0x1E000] =	vst v63  }
0xd4: {  	_ =	swait.ge [sflag:s0], $0x4000  }
0xd5: {  	[sflag:s0] =	ssyncset.done $0x0  }
0xd6: {  	[sflag:s0] =	ssyncadd.s32 $0xFFFFC000  }
0xd7: {  	[spmem:s3] =	stream.indirect.scatter.add.f32 [tilespmem:s25], [sflag:$0x5], $0x80, s24, s29, $0xb8;
	[tilespmem:$0x1E000] =	vst v63  }
0xd8: {  	_ =	swait.ge [sflag:s26], $0x4000  }
0xd9: {  	[sflag:s26] =	ssyncset.done $0x0  }
0xda: {  	s20 =	simm.s32 $0x15100;
	[sflag:s26] =	ssyncadd.s32 $0xFFFFC000  }
0xdb: {  	[tilespmem:s25], [sflag:$0x1] =	stream.indirect.gather [hbm4b:s5+s29], $0x80, s20, s29, $0xb8;
	[tilespmem:$0x1E000] =	vst v63  }
0xdc: {  	_ =	swait.ge [sflag:s7], $0x4000  }
0xdd: {  	[sflag:s7] =	ssyncset.done $0x0  }
0xde: {  	s15 =	simm.s32 $0x15880;
	[sflag:s7] =	ssyncadd.s32 $0xFFFFC000  }
0xdf: {  	[spmem:s3] =	stream.indirect.scatter.add.f32 [tilespmem:s31], [sflag:$0x5], $0x80, s15, s29, $0xb8;
	[tilespmem:$0x1E000] =	vst v63  }
0xe0: {  	_ =	swait.ge [sflag:s26], $0x4000  }
0xe1: {  	[sflag:s26] =	ssyncset.done $0x0  }
0xe2: {  	s16 =	simm.s32 $0x15180;
	[sflag:s26] =	ssyncadd.s32 $0xFFFFC000  }
0xe3: {  	[tilespmem:s31], [sflag:$0x2] =	stream.indirect.gather [hbm4b:s5+s29], $0x80, s16, s29, $0xb8;
	[tilespmem:$0x1E000] =	vst v63  }
0xe4: {  	_ =	swait.ge [sflag:s0], $0x4000  }
0xe5: {  	[sflag:s0] =	ssyncset.done $0x0  }
0xe6: {  	s20 =	simm.s32 $0x15900;
	[sflag:s0] =	ssyncadd.s32 $0xFFFFC000  }
0xe7: {  	[spmem:s3] =	stream.indirect.scatter.add.f32 [tilespmem:s25], [sflag:$0x5], $0x80, s20, s29, $0xb8;
	[tilespmem:$0x1E000] =	vst v63  }
0xe8: {  	_ =	swait.ge [sflag:s26], $0x4000  }
0xe9: {  	[sflag:s26] =	ssyncset.done $0x0  }
0xea: {  	s15 =	simm.s32 $0x15200;
	[sflag:s26] =	ssyncadd.s32 $0xFFFFC000  }
0xeb: {  	[tilespmem:s25], [sflag:$0x1] =	stream.indirect.gather [hbm4b:s5+s29], $0x80, s15, s29, $0xb8;
	[tilespmem:$0x1E000] =	vst v63  }
0xec: {  	_ =	swait.ge [sflag:s7], $0x4000  }
0xed: {  	[sflag:s7] =	ssyncset.done $0x0  }
0xee: {  	s16 =	simm.s32 $0x15980;
	[sflag:s7] =	ssyncadd.s32 $0xFFFFC000  }
0xef: {  	[spmem:s3] =	stream.indirect.scatter.add.f32 [tilespmem:s31], [sflag:$0x5], $0x80, s16, s29, $0xb8;
	[tilespmem:$0x1E000] =	vst v63  }
0xf0: {  	_ =	swait.ge [sflag:s26], $0x4000  }
0xf1: {  	[sflag:s26] =	ssyncset.done $0x0  }
0xf2: {  	s20 =	simm.s32 $0x15280;
	[sflag:s26] =	ssyncadd.s32 $0xFFFFC000  }
0xf3: {  	[tilespmem:s31], [sflag:$0x2] =	stream.indirect.gather [hbm4b:s5+s29], $0x80, s20, s29, $0xb8;
	[tilespmem:$0x1E000] =	vst v63  }
0xf4: {  	_ =	swait.ge [sflag:s0], $0x4000  }
0xf5: {  	[sflag:s0] =	ssyncset.done $0x0  }
0xf6: {  	s15 =	simm.s32 $0x15A00;
	[sflag:s0] =	ssyncadd.s32 $0xFFFFC000  }
0xf7: {  	[spmem:s3] =	stream.indirect.scatter.add.f32 [tilespmem:s25], [sflag:$0x5], $0x80, s15, s29, $0xb8;
	[tilespmem:$0x1E000] =	vst v63  }
0xf8: {  	_ =	swait.ge [sflag:s26], $0x4000  }
0xf9: {  	[sflag:s26] =	ssyncset.done $0x0  }
0xfa: {  	s16 =	simm.s32 $0x15300;
	[sflag:s26] =	ssyncadd.s32 $0xFFFFC000  }
0xfb: {  	[tilespmem:s25], [sflag:$0x1] =	stream.indirect.gather [hbm4b:s5+s29], $0x80, s16, s29, $0xb8;
	[tilespmem:$0x1E000] =	vst v63  }
0xfc: {  	_ =	swait.ge [sflag:s7], $0x4000  }
0xfd: {  	[sflag:s7] =	ssyncset.done $0x0  }
0xfe: {  	s20 =	simm.s32 $0x15A80;
	[sflag:s7] =	ssyncadd.s32 $0xFFFFC000  }
0xff: {  	[spmem:s3] =	stream.indirect.scatter.add.f32 [tilespmem:s31], [sflag:$0x5], $0x80, s20, s29, $0xb8;
	[tilespmem:$0x1E000] =	vst v63  }
0x100: {  	_ =	swait.ge [sflag:s26], $0x4000  }
0x101: {  	[sflag:s26] =	ssyncset.done $0x0  }
0x102: {  	s15 =	simm.s32 $0x15380;
	[sflag:s26] =	ssyncadd.s32 $0xFFFFC000  }
0x103: {  	[tilespmem:s31], [sflag:$0x2] =	stream.indirect.gather [hbm4b:s5+s29], $0x80, s15, s29, $0xb8;
	[tilespmem:$0x1E000] =	vst v63  }
0x104: {  	_ =	swait.ge [sflag:s0], $0x4000  }
0x105: {  	[sflag:s0] =	ssyncset.done $0x0  }
0x106: {  	s16 =	simm.s32 $0x15B00;
	[sflag:s0] =	ssyncadd.s32 $0xFFFFC000  }
0x107: {  	[spmem:s3] =	stream.indirect.scatter.add.f32 [tilespmem:s25], [sflag:$0x5], $0x80, s16, s29, $0xb8;
	[tilespmem:$0x1E000] =	vst v63  }
0x108: {  	_ =	swait.ge [sflag:s26], $0x4000  }
0x109: {  	[sflag:s26] =	ssyncset.done $0x0  }
0x10a: {  	s20 =	simm.s32 $0x15400;
	[sflag:s26] =	ssyncadd.s32 $0xFFFFC000  }
0x10b: {  	[tilespmem:s25], [sflag:$0x1] =	stream.indirect.gather [hbm4b:s5+s29], $0x80, s20, s29, $0xb8;
	[tilespmem:$0x1E000] =	vst v63  }
0x10c: {  	_ =	swait.ge [sflag:s7], $0x4000  }
0x10d: {  	[sflag:s7] =	ssyncset.done $0x0  }
0x10e: {  	s15 =	simm.s32 $0x15B80;
	[sflag:s7] =	ssyncadd.s32 $0xFFFFC000  }
0x10f: {  	[spmem:s3] =	stream.indirect.scatter.add.f32 [tilespmem:s31], [sflag:$0x5], $0x80, s15, s29, $0xb8;
	[tilespmem:$0x1E000] =	vst v63  }
0x110: {  	_ =	swait.ge [sflag:s26], $0x4000  }
0x111: {  	[sflag:s26] =	ssyncset.done $0x0  }
0x112: {  	s16 =	simm.s32 $0x15480;
	[sflag:s26] =	ssyncadd.s32 $0xFFFFC000  }
0x113: {  	[tilespmem:s31], [sflag:$0x2] =	stream.indirect.gather [hbm4b:s5+s29], $0x80, s16, s29, $0xb8;
	[tilespmem:$0x1E000] =	vst v63  }
0x114: {  	_ =	swait.ge [sflag:s0], $0x4000  }
0x115: {  	[sflag:s0] =	ssyncset.done $0x0  }
0x116: {  	s20 =	simm.s32 $0x15C00;
	[sflag:s0] =	ssyncadd.s32 $0xFFFFC000  }
0x117: {  	[spmem:s3] =	stream.indirect.scatter.add.f32 [tilespmem:s25], [sflag:$0x5], $0x80, s20, s29, $0xb8;
	[tilespmem:$0x1E000] =	vst v63  }
0x118: {  	_ =	swait.ge [sflag:s26], $0x4000  }
0x119: {  	[sflag:s26] =	ssyncset.done $0x0  }
0x11a: {  	[sflag:s26] =	ssyncadd.s32 $0xFFFFC000  }
0x11b: {  	[tilespmem:s25], [sflag:$0x1] =	stream.indirect.gather [hbm4b:s5+s29], $0x80, s2, s29, $0xb8;
	[tilespmem:$0x1E000] =	vst v63  }
0x11c: {  	_ =	swait.ge [sflag:s7], $0x4000  }
0x11d: {  	[sflag:s7] =	ssyncset.done $0x0  }
0x11e: {  	[sflag:s7] =	ssyncadd.s32 $0xFFFFC000  }
0x11f: {  	[spmem:s3] =	stream.indirect.scatter.add.f32 [tilespmem:s31], [sflag:$0x5], $0x80, s30, s29, $0xb8;
	[tilespmem:$0x1E000] =	vst v63  }
0x120: {  	_ =	swait.ge [sflag:s26], $0x4000  }
0x121: {  	[sflag:s26] =	ssyncset.done $0x0  }
0x122: {  	[sflag:s26] =	ssyncadd.s32 $0xFFFFC000  }
0x123: {  	[tilespmem:s31], [sflag:$0x2] =	stream.indirect.gather [hbm4b:s5+s29], $0x80, s1, s29, $0xb8;
	[tilespmem:$0x1E000] =	vst v63  }
0x124: {  	_ =	swait.ge [sflag:s0], $0x4000  }
0x125: {  	[sflag:s0] =	ssyncset.done $0x0  }
0x126: {  	[sflag:s0] =	ssyncadd.s32 $0xFFFFC000  }
0x127: {  	[spmem:s3] =	stream.indirect.scatter.add.f32 [tilespmem:s25], [sflag:$0x5], $0x80, s21, s29, $0xb8;
	[tilespmem:$0x1E000] =	vst v63  }
0x128: {  	_ =	swait.ge [sflag:s26], $0x4000  }
0x129: {  	[sflag:s26] =	ssyncset.done $0x0  }
0x12a: {  	[sflag:s26] =	ssyncadd.s32 $0xFFFFC000  }
0x12b: {  	[tilespmem:s25], [sflag:$0x1] =	stream.indirect.gather [hbm4b:s5+s29], $0x80, s8, s29, $0xb8;
	[tilespmem:$0x1E000] =	vst v63  }
0x12c: {  	_ =	swait.ge [sflag:s7], $0x4000  }
0x12d: {  	[sflag:s7] =	ssyncset.done $0x0  }
0x12e: {  	[sflag:s7] =	ssyncadd.s32 $0xFFFFC000  }
0x12f: {  	[spmem:s3] =	stream.indirect.scatter.add.f32 [tilespmem:s31], [sflag:$0x5], $0x80, s22, s29, $0xb8;
	[tilespmem:$0x1E000] =	vst v63  }
0x130: {  	_ =	swait.ge [sflag:s26], $0x4000  }
0x131: {  	[sflag:s26] =	ssyncset.done $0x0  }
0x132: {  	[sflag:s26] =	ssyncadd.s32 $0xFFFFC000  }
0x133: {  	[tilespmem:s31], [sflag:$0x2] =	stream.indirect.gather [hbm4b:s5+s29], $0x80, s9, s29, $0xb8;
	[tilespmem:$0x1E000] =	vst v63  }
0x134: {  	_ =	swait.ge [sflag:s0], $0x4000  }
0x135: {  	[sflag:s0] =	ssyncset.done $0x0  }
0x136: {  	[sflag:s0] =	ssyncadd.s32 $0xFFFFC000  }
0x137: {  	[spmem:s3] =	stream.indirect.scatter.add.f32 [tilespmem:s25], [sflag:$0x5], $0x80, s10, s29, $0xb8;
	[tilespmem:$0x1E000] =	vst v63  }
0x138: {  	_ =	swait.ge [sflag:s26], $0x4000  }
0x139: {  	[sflag:s26] =	ssyncset.done $0x0  }
0x13a: {  	[sflag:s26] =	ssyncadd.s32 $0xFFFFC000  }
0x13b: {  	_ =	swait.ge [sflag:s7], $0x4000  }
0x13c: {  	[sflag:s7] =	ssyncset.done $0x0  }
.Ltmp3:
0x13d: {  	[sflag:s7] =	ssyncadd.s32 $0xFFFFC000;
	(pc) =	sbr.rel @p0 .LBB2_6-.Ltmp3, $4  }
0x13e: {  	[spmem:s3] =	stream.indirect.scatter.add.f32 [tilespmem:s31], [sflag:$0x5], $0x80, s12, s29, $0xb8;
	[tilespmem:$0x1E000] =	vst v63  }
0x13f: {  	_ =	swait.ge [sflag:s26], $0x4000  }
0x140: {  	[sflag:s26] =	ssyncset.done $0x0  }
0x141: {  	[sflag:s26] =	ssyncadd.s32 $0xFFFFC000  }
0x142: {  	s11 =	sadd.s32 s13, s19  }
0x143: {  	[tilespmem:s23], [sflag:$0x4] =	stream.linear.gather [hbm4b:s11+s4], $0x700, $0x38;
	[tilespmem:$0x1E000] =	vst v63  }
0x144: {  	s20 =	sadd.s32 s13, s18  }
0x145: {  	[tilespmem:s24], [sflag:$0x4] =	stream.linear.gather [hbm4b:s20+s4], $0x700, $0x38;
	[tilespmem:$0x1E000] =	vst v63  }
0x146: {  	_ =	swait.ge [sflag:s28], $0x700  }
.Ltmp4:
0x147: {  	[sflag:s28] =	ssyncset.done $0x0;
	(pc) =	sbr.rel .LBB2_4-.Ltmp4, $4  }
0x148: {  	[sflag:s28] =	ssyncadd.s32 $0xFFFFF900  }
0x149: {  	_ =	swait.ge [sflag:s28], $0x700  }
0x14a: {  	[sflag:s28] =	ssyncset.done $0x0  }
0x14b: {  	s13 =	sadd.s32 $0x200, s13;
	s14 =	sadd.s32 $0x1000, s14;
	[sflag:s28] =	ssyncadd.s32 $0xFFFFF900  }
.LBB2_7:
0x14c: {  	_ =	sfence.sel $0x180000  }
0x14d: {  	[bflag:$0x0] =	sbarrier.arrive $0xFFFF  }
0x14e: {  	_ =	strace $0x9000004D  }
0x14f: {  	s0 =	stileid.u32;
	[bflag:$0x2] =	sbarrier.arrive $0xFFFF  }
0x150: {  	p0 =	sne.s32 s0, $0x0;
	s0 =	rddreg [dreg:$0x3]  }
0x151: {  	s0 =	sadd.s32 @!p0 $0x100000, s0  }
0x152: {  	[sflag:s0] =	ssyncadd.tile.s32 @!p0 $0x1;
	_ =	shalt  }
.Lfunc_end2:
_tile_overlayer_lowered:
.L_overlay_start_2:
0x153: {  	(tag) =	ssettag $0x2  }
0x154: {  	s0 =	rddreg [dreg:$0x0];
	s2 =	stileid.u32  }
0x155: {  	s1 =	rddreg [dreg:$0x1];
	p0 =	sne.s32 s2, $0x0  }
0x156: {  	s3 =	rddreg [dreg:$0x2];
	[bflag:$0x3] =	sbarrier.arrive $0xFFFF;
	s2 =	simm.s32 @!p0 $0x1C05  }
0x157: {  	[timem:s3], [sflag:s2] =	dma.local @!p0 [hbm:s0], s1  }
0x158: {  	s0 =	simm.s32 @!p0 $0x5  }
0x159: {  	_ =	swait.ge @!p0 [sflag:s0], s1  }
0x15a: {  	s1 =	ssub.s32 @!p0 $0x0, s1;
	[sflag:s0] =	ssyncset.done @!p0 $0x0  }
0x15b: {  	[sflag:s0] =	ssyncadd.s32 @!p0 s1  }
0x15c: {  	[bflag:$0x3] =	sbarrier.arrive $0xFFFF  }
0x15d: {  	_ =	shalt  }

// kernel: kernel.20.cloned.1.call-start
scs
__scs_entry_jumppad:
0x0: {  	(pc) =	sbr.rel $0x88, $3  }
0x1: {  	(tag) =	ssettag $0x0;
	lr =	simm.s32 $0x1  }
0x2: {  	[smem:$0x3F93] =	sst lr;
	_ =	strace $0xD0000000  }
0x3: {  	_ = 	snop  }
0x4: {  	_ = 	snop  }
0x5: {  	_ = 	snop  }
0x6: {  	_ = 	snop  }
0x7: {  	_ = 	snop  }
__scs_overlays_trampoline_lowered:
0x8: {  	[smem:$0x3FA2] =	sst s0  }
0x9: {  	[smem:$0x3FA3] =	sst s1  }
0xa: {  	[smem:$0x3FA4] =	sst s2  }
0xb: {  	[smem:$0x3FA5] =	sst s3  }
0xc: {  	[smem:$0x3FA6] =	sst s4  }
0xd: {  	[smem:$0x3FA7] =	sst s5  }
0xe: {  	[smem:$0x3FA8] =	sst s6  }
0xf: {  	[smem:$0x3FA9] =	sst s7  }
0x10: {  	[smem:$0x3FAA] =	sst s8  }
0x11: {  	[smem:$0x3FAB] =	sst s9;
	s0 =	simm.s32 @!p0 $0x0  }
0x12: {  	s1 =	sld [smem:$0x3F91];
	s0 =	simm.s32 @p0 $0x1  }
0x13: {  	[smem:$0x3FAC] =	sst s0;
	s0 =	simm.s32 @!p1 $0x0  }
0x14: {  	s2 =	sld [smem:$0x3F90];
	s0 =	simm.s32 @p1 $0x1  }
0x15: {  	[smem:$0x3FAD] =	sst s0;
	s0 =	simm.s32 @!p2 $0x0  }
0x16: {  	s3 =	sld [smem:$0x3FDB];
	s0 =	simm.s32 @p2 $0x1  }
0x17: {  	s4 =	simm.s32 $0x1BF5;
	[smem:$0x3FAF] =	sst s0  }
0x18: {  	s0 =	sld [smem:$0x3F92];
	_ =	swait.ge [sflag:s4], $0x0  }
0x19: {  	s7 =	sld [smem:$0x3F93]  }
0x1a: {  	s8 =	sadd.s32 $0xFFFFE003, lr  }
0x1b: {  	s9 =	sadd.s32 $0xFFFFFEF7, lr;
	s5 =	simm.s32 $0xFFFFFFFF;
	p2 =	slt.u32 s8, $0xFFFFF086  }
0x1c: {  	p1 =	slt.u32 s9, $0xF7A;
	s5 =	simm.s32 @!p2 $0x0  }
0x1d: {  	s5 =	simm.s32 @p1 $0x1;
	p0 =	seq.s32 s7, s2  }
0x1e: {  	s7 =	smul.u32 @!p0 $0xF7A, s2;
	p2 =	seq.s32 @!p0 s5, $0x0  }
0x1f: {  	s9 =	smul.u32 $0xF7A, s1;
	s8 =	simm.s32 @!p0 $0x1BF5;
	p2 =	por !p2, p0  }
0x20: {  	[sflag:s8] =	ssyncset.s32 @!p0 $0xFFFFF086;
	s6 =	sadd.s32 @!p0 s3, s7;
	s7 =	simm.s32 @!p0 $0x108  }
0x21: {  	s3 =	sadd.s32 s3, s9;
	s6 =	sadd.s32 @!p0 $0x88, s6;
	s7 =	simm.s32 @p2 $0x1082  }
0x22: {  	[simem:s7], [sflag:s8] =	dma.local @!p0 [hbm:s6], $0xF7A  }
0x23: {  	s9 =	sor.u32 $0xD0000000, s2;
	s6 =	simm.s32 $0x108;
	_ =	swait.ge @!p0 [sflag:s8], $0x0  }
0x24: {  	s3 =	sadd.s32 $0x88, s3;
	s6 =	simm.s32 @!p1 $0x1082;
	[sflag:s4] =	ssyncset.s32 $0xFFFFF086  }
0x25: {  	[simem:s6], [sflag:s4] =	dma.local [hbm:s3], $0xF7A  }
0x26: {  	[smem:$0x3F93] =	sst s1;
	(tag) =	ssettag s2;
	_ =	strace s9  }
0x27: {  	s1 =	sld [smem:$0x3FA3]  }
0x28: {  	s2 =	sld [smem:$0x3FA4]  }
0x29: {  	s4 =	sld [smem:$0x3FA6]  }
0x2a: {  	p0 =	seq.s32 s5, $0x0;
	s5 =	sld [smem:$0x3FA7]  }
0x2b: {  	s6 =	sld [smem:$0x3FA8]  }
0x2c: {  	s7 =	sld [smem:$0x3FA9]  }
0x2d: {  	s3 =	simm.s32 $0x108;
	s8 =	sld [smem:$0x3FAA]  }
0x2e: {  	s3 =	simm.s32 @!p0 $0x1082;
	s9 =	sld [smem:$0x3FAB]  }
0x2f: {  	lr =	sadd.s32 s0, s3;
	s0 =	sld [smem:$0x3FA2]  }
0x30: {  	s3 =	sld [smem:$0x3FA5]  }
0x31: {  	[smem:$0x3FAE] =	sst s10  }
0x32: {  	s10 =	sld [smem:$0x3FAC];
	_ =	sdelay $0x3  }
0x33: {  	p0 =	seq.s32 s10, $0x1;
	s10 =	sld [smem:$0x3FAE];
	_ =	sdelay $0x3  }
0x34: {  	[smem:$0x3FAE] =	sst s10  }
0x35: {  	s10 =	sld [smem:$0x3FAD];
	_ =	sdelay $0x3  }
0x36: {  	p1 =	seq.s32 s10, $0x1;
	s10 =	sld [smem:$0x3FAE];
	_ =	sdelay $0x3  }
0x37: {  	[smem:$0x3FAE] =	sst s10  }
0x38: {  	s10 =	sld [smem:$0x3FAF]  }
0x39: {  	_ = 	snop;
	(pc) =	sbr.ind lr, $3  }
0x3a: {  	_ = 	snop  }
0x3b: {  	_ = 	snop  }
0x3c: {  	p2 =	seq.s32 s10, $0x1;
	s10 =	sld [smem:$0x3FAE]  }
0x3d: {  	_ =	shalt  }
0x3e: {  	_ =	shalt  }
0x3f: {  	_ =	shalt  }
0x40: {  	_ =	shalt  }
0x41: {  	_ =	shalt  }
0x42: {  	_ =	shalt  }
0x43: {  	_ =	shalt  }
0x44: {  	_ =	shalt  }
0x45: {  	_ =	shalt  }
0x46: {  	_ =	shalt  }
0x47: {  	_ =	shalt  }
0x48: {  	_ =	shalt  }
0x49: {  	_ =	shalt  }
0x4a: {  	_ =	shalt  }
0x4b: {  	_ =	shalt  }
0x4c: {  	_ =	shalt  }
0x4d: {  	_ =	shalt  }
0x4e: {  	_ =	shalt  }
0x4f: {  	_ =	shalt  }
0x50: {  	_ =	shalt  }
0x51: {  	_ =	shalt  }
0x52: {  	_ =	shalt  }
0x53: {  	_ =	shalt  }
0x54: {  	_ =	shalt  }
0x55: {  	_ =	shalt  }
0x56: {  	_ =	shalt  }
0x57: {  	_ =	shalt  }
0x58: {  	_ =	shalt  }
0x59: {  	_ =	shalt  }
0x5a: {  	_ =	shalt  }
0x5b: {  	_ =	shalt  }
0x5c: {  	_ =	shalt  }
0x5d: {  	_ =	shalt  }
0x5e: {  	_ =	shalt  }
0x5f: {  	_ =	shalt  }
0x60: {  	_ =	shalt  }
0x61: {  	_ =	shalt  }
0x62: {  	_ =	shalt  }
0x63: {  	_ =	shalt  }
0x64: {  	_ =	shalt  }
0x65: {  	_ =	shalt  }
0x66: {  	_ =	shalt  }
0x67: {  	_ =	shalt  }
0x68: {  	_ =	shalt  }
0x69: {  	_ =	shalt  }
0x6a: {  	_ =	shalt  }
0x6b: {  	_ =	shalt  }
0x6c: {  	_ =	shalt  }
0x6d: {  	_ =	shalt  }
0x6e: {  	_ =	shalt  }
0x6f: {  	_ =	shalt  }
0x70: {  	_ =	shalt  }
0x71: {  	_ =	shalt  }
0x72: {  	_ =	shalt  }
0x73: {  	_ =	shalt  }
0x74: {  	_ =	shalt  }
0x75: {  	_ =	shalt  }
0x76: {  	_ =	shalt  }
0x77: {  	_ =	shalt  }
0x78: {  	_ =	shalt  }
0x79: {  	_ =	shalt  }
0x7a: {  	_ =	shalt  }
0x7b: {  	_ =	shalt  }
0x7c: {  	_ =	shalt  }
0x7d: {  	_ =	shalt  }
0x7e: {  	_ =	shalt  }
0x7f: {  	_ =	shalt  }
0x80: {  	_ =	shalt  }
0x81: {  	_ =	shalt  }
0x82: {  	_ =	shalt  }
0x83: {  	_ =	shalt  }
0x84: {  	_ =	shalt  }
0x85: {  	_ =	shalt  }
0x86: {  	_ =	shalt  }
0x87: {  	_ =	shalt  }
.Lfunc_end0:
.L_simem_size_0:
called_computation.3_lowered:
.L_overlay_start_0:
0x88: {  	s2 =	sld [smem:$0x3FD9]  }
0x89: {  	s3 =	sld [smem:$0x3FFE];
	_ =	sdelay $0x1  }
0x8a: {  	s1 =	srdreg.scid  }
0x8b: {  	s0 =	sand.u32 $0x1, s1  }
0x8c: {  	s17 =	sshll.u32 s0, $0xA;
	s2 =	sadd.s32 s3, s2  }
0x8d: {  	s2 =	sadd.s32 s2, s17  }
0x8e: {  	[smem:$0x3FBA] =	sst s2  }
0x8f: {  	_ = 	snop  }
0x90: {  	s2 =	sld [smem:$0x3FD0];
	(tm) =	ssettm $0x1  }
0x91: {  	s18 =	sld [smem:$0x3FFB];
	_ =	sdelay $0x3  }
0x92: {  	_ =	strace s18  }
0x93: {  	s3 =	sld [smem:$0x3FFC];
	_ =	sdelay $0x3  }
0x94: {  	_ =	strace s3  }
0x95: {  	s3 =	sld [smem:$0x3FFD];
	_ =	sdelay $0x3  }
0x96: {  	_ =	strace s3  }
0x97: {  	_ =	strace $0x8FFFFFFF  }
0x98: {  	s19 =	sld [smem:$0x3FDB];
	_ =	sdelay $0x1  }
0x99: {  	s4 =	simm.s32 $_scs_section_size  }
0x9a: {  	s5 =	simm.s32 $_size__tile_overlayer_lowered;
	s6 =	simm.s32 $_tile_overlayer_lowered  }
0x9b: {  	s22 =	simm.s32 $0x1BFF;
	s21 =	sshll.u32 s6, $0x1;
	s3 =	sadd.s32 s4, s19  }
0x9c: {  	s7 =	simm.s32 $0x0;
	s20 =	sshll.u32 s5, $0x1;
	s5 =	sadd.s32 s21, s3  }
0x9d: {  	[timem:s7], [sflag:s22] =	dma.local [hbm:s5], s20  }
0x9e: {  	_ =	swait.ge [sflag:s22], s20  }
0x9f: {  	s4 =	ssub.s32 $0x0, s20;
	[sflag:s22] =	ssyncset.done $0x0  }
0xa0: {  	[sflag:s22] =	ssyncadd.s32 s4;
	_ =	sdelay $0x1  }
0xa1: {  	s23 =	simm.s32 $0x1B8B  }
0xa2: {  	_ =	swait.ge [sflag:s23], $0x1  }
0xa3: {  	[sflag:s23] =	ssyncset.done $0x0  }
0xa4: {  	s25 =	simm.s32 $0x1B8E;
	s24 =	sld [smem:$0x3FFE];
	[sflag:s23] =	ssyncadd.s32 $0xFFFFFFFF  }
0xa5: {  	s26 =	simm.s32 $execute0_lowered;
	[smem:$0x3FD2] =	sst s25  }
0xa6: {  	s5 =	sshll.u32 s26, $0x1;
	_ =	strace $0x8000004F;
	[dreg:$0x1] =	wrdreg $0xFFFFFFFF  }
0xa7: {  	s28 =	simm.s32 $_size_execute0_lowered;
	s3 =	sadd.s32 s3, s5;
	[dreg:$0x0] =	wrdreg $0x0  }
0xa8: {  	s5 =	sshll.u32 s28, $0x1;
	[dreg:$0x2] =	wrdreg s3  }
0xa9: {  	[dreg:$0x3] =	wrdreg s5  }
0xaa: {  	[dreg:$0x4] =	wrdreg $0xC0  }
0xab: {  	_ =	task [dreg:s7], $0x5FFFF  }
0xac: {  	[dreg:$0x1] =	wrdreg $0xFFFFFFFF  }
0xad: {  	[dreg:$0x0] =	wrdreg $0x60  }
0xae: {  	[dreg:$0x2] =	wrdreg s24  }
0xaf: {  	[dreg:$0x3] =	wrdreg s2  }
0xb0: {  	[dreg:$0x4] =	wrdreg $0x0  }
0xb1: {  	[dreg:$0x5] =	wrdreg $0x9  }
0xb2: {  	_ =	task.clear_ibuf [dreg:s7], $0x6FFFF;
	_ =	strace $0x9000004F  }
0xb3: {  	s29 =	simm.s32 $0x9;
	_ =	strace $0x80000051  }
0xb4: {  	_ =	swait.ge [sflag:s29], $0x1  }
0xb5: {  	[sflag:s29] =	ssyncadd.s32 $0xFFFFFFFF  }
0xb6: {  	_ =	strace $0x90000051  }
0xb7: {  	_ =	sfence  }
0xb8: {  	s30 =	sld [smem:$0x0];
	_ =	sdelay $0x2  }
0xb9: {  	s31 =	sshll.u32 s1, $0xD;
	s1 =	sshrl.u32 s1, $0x2  }
0xba: {  	s3 =	sand.u32 $0x4000, s31;
	s1 =	sadd.s32 s1, s30  }
0xbb: {  	s0 =	sor.u32 s3, s0;
	s1 =	sshll.u32 s1, $0x11  }
0xbc: {  	s0 =	sor.u32 s1, s0  }
0xbd: {  	s0 =	sadd.s32 $0x8F2B, s0  }
0xbe: {  	[sflag:s0] =	ssyncadd.remote.s32 $0x1  }
0xbf: {  	_ =	sfence.sel $0xFFFF  }
0xc0: {  	[dreg:$0x0] =	wrdreg $0xFFFFFFFF;
	(pc) =	sbr.abs _section_cstart, $3  }
0xc1: {  	[dreg:$0x1] =	wrdreg $0xFFFFFFFF  }
0xc2: {  	_ =	task.clear_ibuf [dreg:s7], $0x2FFFF;
	_ =	strace $0x9FFFFFFF  }
0xc3: {  	(tm) =	ssettm $0x7FFFFFFF  }
tec
execute0_lowered:
.L_overlay_start_1:
0x0: {  	(tag) =	ssettag $0x1  }
0x1: {  	s0 =	rddreg [dreg:$0x0]  }
0x2: {  	s10 =	rddreg [dreg:$0x1];
	s1 =	srdreg.scid  }
0x3: {  	s3 =	rddreg [dreg:$0x2];
	s9 =	stileid.u32;
	s4 =	simm.s32 $0x0  }
0x4: {  	s28 =	simm.s32 $0x3;
	s29 =	simm.s32 $0x80;
	s5 =	smul.u32 $0x14000, s9  }
0x5: {  	s31 =	simm.s32 $0x1A000;
	s30 =	simm.s32 $0x15C80;
	s8 =	smul.u32 $0x3000, s9  }
0x6: {  	s12 =	simm.s32 $0x15E80;
	s1 =	sand.u32 $0x1, s1;
	s9 =	smul.u32 $0x50000, s9  }
0x7: {  	[smem:$0x7FF] =	sst s4;
	s6 =	sadd.s32 $0xFC00, s0;
	s2 =	smul.u32 $0x140000, s1  }
0x8: {  	s7 =	smul.u32 $0x30000, s1;
	_ =	strace $0x80000050;
	s1 =	ssub.s32 $0x2, s1  }
0x9: {  	s14 =	sshrl.u32 s1, $0x1;
	s18 =	sshrl.u32 s9, $0x2;
	s9 =	simm.s32 $0x15680  }
0xa: {  	s2 =	sadd.s32 s5, s2;
	s5 =	sadd.s32 $0x1BC00, s0;
	s13 =	sadd.s32 s8, s7  }
0xb: {  	s1 =	ssub.s32 s1, s14;
	s20 =	sadd.s32 s18, s3;
	s2 =	sshrl.u32 s2, $0x3  }
0xc: {  	s8 =	sshrl.u32 s13, $0x3;
	s19 =	smax.u32 s1, $0x1;
	[dreg:$0x8] =	wrdreg s20  }
0xd: {  	s21 =	sadd.s32 $0x4000, s20;
	s22 =	sadd.s32 $0x1800, s13;
	[dreg:$0xa] =	wrdreg s19  }
0xe: {  	s23 =	sadd.s32 $0x8000, s20;
	s24 =	sadd.s32 $0xC000, s20;
	[dreg:$0xb] =	wrdreg s21  }
0xf: {  	s25 =	sadd.s32 $0x10000, s20;
	s26 =	sadd.s32 $0x1000, s13;
	[dreg:$0xc] =	wrdreg s23  }
0x10: {  	s1 =	simm.s32 $0x15580;
	s13 =	simm.s32 $0x0;
	[dreg:$0xd] =	wrdreg s24  }
0x11: {  	s0 =	sadd.s32 s2, s0;
	s15 =	sadd.s32 s10, s8;
	[dreg:$0xe] =	wrdreg s25  }
0x12: {  	s16 =	sor.u32 $0x100, s8;
	s8 =	sadd.s32 s6, s8;
	[dreg:$0xf] =	wrdreg s26  }
0x13: {  	s23 =	simm.s32 $0x15000;
	s24 =	simm.s32 $0x15800;
	s25 =	simm.s32 $0x16000  }
0x14: {  	s26 =	simm.s32 $0x5;
	s2 =	simm.s32 $0x15500;
	[dreg:$0x4] =	wrdreg s15  }
0x15: {  	s21 =	simm.s32 $0x15D00;
	[dreg:$0x5] =	wrdreg s8;
	s17 =	sadd.s32 s10, s16  }
.Ltmp0:
0x16: {  	s7 =	sadd.s32 s6, s16;
	[dreg:$0x6] =	wrdreg s17;
	(pc) =	sbr.rel .LBB2_1-.Ltmp0, $4  }
0x17: {  	s0 =	sadd.s32 $0x42E00, s0;
	s8 =	simm.s32 $0x15600;
	[dreg:$0x7] =	wrdreg s7  }
0x18: {  	[dreg:$0x9] =	wrdreg s0;
	s0 =	sshrl.u32 s22, $0x3;
	s7 =	simm.s32 $0x2  }
0x19: {  	s17 =	simm.s32 $0x4;
	s22 =	simm.s32 $0x15D80;
	s18 =	sadd.s32 s0, s6  }
0x1a: {  	v0 =	vimm.f32 $0.0e+00;
	s19 =	sadd.s32 s0, s10;
	s0 =	simm.s32 $0x1;
	s10 =	simm.s32 $0x15E00  }
.LBB2_6:
0x1b: {  	s11 =	stileid.u32;
	[bflag:$0x0] =	sbarrier.arrive $0xFFFF  }
0x1c: {  	s11 =	sshll.u32 s11, $0x6;
	s20 =	rddreg [dreg:$0x8]  }
0x1d: {  	s14 =	rddreg [dreg:$0x9];
	s11 =	sor.u32 $0x1C05, s11;
	s13 =	sshrl.u32 s20, $0x3  }
0x1e: {  	[hbm:s14], [sflag:s11] =	dma.local [spmem:s13], $0x2800  }
0x1f: {  	_ =	swait.ge [sflag:s26], $0x2800  }
0x20: {  	s15 =	rddreg [dreg:$0x10]  }
0x21: {  	s16 =	rddreg [dreg:$0xa];
	s13 =	sadd.s32 $0x1, s15  }
0x22: {  	p0 =	sne.s32 s13, s16  }
.Ltmp1:
0x23: {  	_ = 	snop;
	(pc) =	sbr.rel @!p0 .LBB2_7-.Ltmp1, $3  }
0x24: {  	_ =	sdelay $0x1  }
0x25: {  	[sflag:s26] =	ssyncset.done $0x0  }
0x26: {  	[sflag:s26] =	ssyncadd.s32 $0xFFFFD800  }
.LBB2_1:
0x27: {  	s11 =	rddreg [dreg:$0x4];
	s14 =	simm.s32 $0x14000  }
0x28: {  	[tilespmem:s14], [sflag:$0x3] =	stream.linear.gather [hbm4b:s11+s4], $0x700, $0x38;
	[tilespmem:$0x1E000] =	vst v63  }
0x29: {  	s15 =	rddreg [dreg:$0x5];
	s16 =	simm.s32 $0x14800  }
0x2a: {  	[tilespmem:s16], [sflag:$0x3] =	stream.linear.gather [hbm4b:s15+s4], $0x700, $0x38;
	[tilespmem:$0x1E000] =	vst v63  }
0x2b: {  	s14 =	rddreg [dreg:$0x6]  }
0x2c: {  	[tilespmem:s23], [sflag:$0x4] =	stream.linear.gather [hbm4b:s14+s4], $0x700, $0x38;
	[tilespmem:$0x1E000] =	vst v63  }
0x2d: {  	s15 =	rddreg [dreg:$0x7];
	s16 =	sand.u32 $0xFE00, s4  }
0x2e: {  	[tilespmem:s24], [sflag:$0x4] =	stream.linear.gather [hbm4b:s15+s4], $0x700, $0x38;
	[tilespmem:$0x1E000] =	vst v63  }
0x2f: {  	[dreg:$0x10] =	wrdreg s13;
	s14 =	sand.u32 $0x70, s4;
	s15 =	sshrl.u32 s16, $0x2  }
0x30: {  	s13 =	simm.s32 $0x40;
	s15 =	sor.u32 s14, s15;
	s14 =	simm.s32 $0x0  }
.LBB2_2:
0x31: {  	p0 =	sne.s32 s13, $0xFFC0  }
0x32: {  	[tilespmem:s15+$0x16000] =	vst v0;
	s14 =	sadd.s32 $0x10, s14;
	s15 =	smov.u32 s13;
	s13 =	sadd.s32 $0x40, s13  }
.Ltmp2:
0x33: {  	(pc) =	sbr.rel @p0 .LBB2_2-.Ltmp2, $4  }
0x34: {  	_ = 	snop  }
0x35: {  	s15 =	sand.u32 $0xFE00, s15  }
0x36: {  	s16 =	sand.u32 $0x70, s14;
	s15 =	sshrl.u32 s15, $0x2  }
0x37: {  	s15 =	sor.u32 s16, s15  }
0x38: {  	[tilespmem:s15+$0x16000] =	vst v0  }
0x39: {  	[spmem:s20] =	stream.linear.scatter [tilespmem:s25], [sflag:$0x5], $0x4000, $0x38;
	[tilespmem:$0x1E000] =	vst v63  }
0x3a: {  	_ =	swait.ge [sflag:s26], $0x4000  }
0x3b: {  	[sflag:s26] =	ssyncset.done $0x0  }
0x3c: {  	s11 =	rddreg [dreg:$0xb];
	[sflag:s26] =	ssyncadd.s32 $0xFFFFC000  }
0x3d: {  	[spmem:s11] =	stream.linear.scatter [tilespmem:s25], [sflag:$0x5], $0x4000, $0x38;
	[tilespmem:$0x1E000] =	vst v63  }
0x3e: {  	_ =	swait.ge [sflag:s26], $0x4000  }
0x3f: {  	[sflag:s26] =	ssyncset.done $0x0  }
0x40: {  	s15 =	rddreg [dreg:$0xc];
	[sflag:s26] =	ssyncadd.s32 $0xFFFFC000  }
0x41: {  	[spmem:s15] =	stream.linear.scatter [tilespmem:s25], [sflag:$0x5], $0x4000, $0x38;
	[tilespmem:$0x1E000] =	vst v63  }
0x42: {  	_ =	swait.ge [sflag:s26], $0x4000  }
0x43: {  	[sflag:s26] =	ssyncset.done $0x0  }
0x44: {  	s16 =	rddreg [dreg:$0xd];
	[sflag:s26] =	ssyncadd.s32 $0xFFFFC000  }
0x45: {  	[spmem:s16] =	stream.linear.scatter [tilespmem:s25], [sflag:$0x5], $0x4000, $0x38;
	[tilespmem:$0x1E000] =	vst v63  }
0x46: {  	_ =	swait.ge [sflag:s26], $0x4000  }
0x47: {  	[sflag:s26] =	ssyncset.done $0x0  }
0x48: {  	s20 =	rddreg [dreg:$0xe];
	[sflag:s26] =	ssyncadd.s32 $0xFFFFC000  }
0x49: {  	[spmem:s20] =	stream.linear.scatter [tilespmem:s25], [sflag:$0x5], $0x4000, $0x38;
	[tilespmem:$0x1E000] =	vst v63  }
0x4a: {  	_ =	swait.ge [sflag:s26], $0x4000  }
0x4b: {  	[sflag:s26] =	ssyncset.done $0x0  }
0x4c: {  	[sflag:s26] =	ssyncadd.s32 $0xFFFFC000  }
0x4d: {  	[bflag:$0x0] =	sbarrier.arrive $0xFFFF  }
0x4e: {  	_ =	swait.ge [sflag:s28], $0x700  }
0x4f: {  	[sflag:s28] =	ssyncset.done $0x0  }
0x50: {  	[sflag:s28] =	ssyncadd.s32 $0xFFFFF900  }
0x51: {  	_ =	swait.ge [sflag:s28], $0x700  }
0x52: {  	[sflag:s28] =	ssyncset.done $0x0  }
0x53: {  	s13 =	simm.s32 $0x0;
	s14 =	rddreg [dreg:$0xf];
	[sflag:s28] =	ssyncadd.s32 $0xFFFFF900  }
.LBB2_4:
0x54: {  	s11 =	simm.s32 $0x14000  }
0x55: {  	[tilespmem:s25], [sflag:$0x1] =	stream.indirect.gather [hbm4b:s5+s29], $0x80, s11, s29, $0xb8;
	[tilespmem:$0x1E000] =	vst v63  }
0x56: {  	s16 =	simm.s32 $0x14080  }
0x57: {  	[tilespmem:s31], [sflag:$0x2] =	stream.indirect.gather [hbm4b:s5+s29], $0x80, s16, s29, $0xb8;
	[tilespmem:$0x1E000] =	vst v63  }
0x58: {  	_ =	swait.ge [sflag:s0], $0x4000  }
0x59: {  	[sflag:s0] =	ssyncset.done $0x0  }
0x5a: {  	s20 =	simm.s32 $0x14800;
	[sflag:s0] =	ssyncadd.s32 $0xFFFFC000  }
0x5b: {  	[spmem:s3] =	stream.indirect.scatter.add.f32 [tilespmem:s25], [sflag:$0x5], $0x80, s20, s29, $0xb8;
	[tilespmem:$0x1E000] =	vst v63  }
0x5c: {  	_ =	swait.ge [sflag:s26], $0x4000  }
0x5d: {  	[sflag:s26] =	ssyncset.done $0x0  }
0x5e: {  	s15 =	simm.s32 $0x14100;
	[sflag:s26] =	ssyncadd.s32 $0xFFFFC000  }
0x5f: {  	[tilespmem:s25], [sflag:$0x1] =	stream.indirect.gather [hbm4b:s5+s29], $0x80, s15, s29, $0xb8;
	[tilespmem:$0x1E000] =	vst v63  }
0x60: {  	_ =	swait.ge [sflag:s7], $0x4000  }
0x61: {  	[sflag:s7] =	ssyncset.done $0x0  }
0x62: {  	s16 =	simm.s32 $0x14880;
	[sflag:s7] =	ssyncadd.s32 $0xFFFFC000  }
0x63: {  	[spmem:s3] =	stream.indirect.scatter.add.f32 [tilespmem:s31], [sflag:$0x5], $0x80, s16, s29, $0xb8;
	[tilespmem:$0x1E000] =	vst v63  }
0x64: {  	_ =	swait.ge [sflag:s26], $0x4000  }
0x65: {  	[sflag:s26] =	ssyncset.done $0x0  }
0x66: {  	s20 =	simm.s32 $0x14180;
	[sflag:s26] =	ssyncadd.s32 $0xFFFFC000  }
0x67: {  	[tilespmem:s31], [sflag:$0x2] =	stream.indirect.gather [hbm4b:s5+s29], $0x80, s20, s29, $0xb8;
	[tilespmem:$0x1E000] =	vst v63  }
0x68: {  	_ =	swait.ge [sflag:s0], $0x4000  }
0x69: {  	[sflag:s0] =	ssyncset.done $0x0  }
0x6a: {  	s15 =	simm.s32 $0x14900;
	[sflag:s0] =	ssyncadd.s32 $0xFFFFC000  }
0x6b: {  	[spmem:s3] =	stream.indirect.scatter.add.f32 [tilespmem:s25], [sflag:$0x5], $0x80, s15, s29, $0xb8;
	[tilespmem:$0x1E000] =	vst v63  }
0x6c: {  	_ =	swait.ge [sflag:s26], $0x4000  }
0x6d: {  	[sflag:s26] =	ssyncset.done $0x0  }
0x6e: {  	s16 =	simm.s32 $0x14200;
	[sflag:s26] =	ssyncadd.s32 $0xFFFFC000  }
0x6f: {  	[tilespmem:s25], [sflag:$0x1] =	stream.indirect.gather [hbm4b:s5+s29], $0x80, s16, s29, $0xb8;
	[tilespmem:$0x1E000] =	vst v63  }
0x70: {  	_ =	swait.ge [sflag:s7], $0x4000  }
0x71: {  	[sflag:s7] =	ssyncset.done $0x0  }
0x72: {  	s20 =	simm.s32 $0x14980;
	[sflag:s7] =	ssyncadd.s32 $0xFFFFC000  }
0x73: {  	[spmem:s3] =	stream.indirect.scatter.add.f32 [tilespmem:s31], [sflag:$0x5], $0x80, s20, s29, $0xb8;
	[tilespmem:$0x1E000] =	vst v63  }
0x74: {  	_ =	swait.ge [sflag:s26], $0x4000  }
0x75: {  	[sflag:s26] =	ssyncset.done $0x0  }
0x76: {  	s15 =	simm.s32 $0x14280;
	[sflag:s26] =	ssyncadd.s32 $0xFFFFC000  }
0x77: {  	[tilespmem:s31], [sflag:$0x2] =	stream.indirect.gather [hbm4b:s5+s29], $0x80, s15, s29, $0xb8;
	[tilespmem:$0x1E000] =	vst v63  }
0x78: {  	_ =	swait.ge [sflag:s0], $0x4000  }
0x79: {  	[sflag:s0] =	ssyncset.done $0x0  }
0x7a: {  	s16 =	simm.s32 $0x14A00;
	[sflag:s0] =	ssyncadd.s32 $0xFFFFC000  }
0x7b: {  	[spmem:s3] =	stream.indirect.scatter.add.f32 [tilespmem:s25], [sflag:$0x5], $0x80, s16, s29, $0xb8;
	[tilespmem:$0x1E000] =	vst v63  }
0x7c: {  	_ =	swait.ge [sflag:s26], $0x4000  }
0x7d: {  	[sflag:s26] =	ssyncset.done $0x0  }
0x7e: {  	s20 =	simm.s32 $0x14300;
	[sflag:s26] =	ssyncadd.s32 $0xFFFFC000  }
0x7f: {  	[tilespmem:s25], [sflag:$0x1] =	stream.indirect.gather [hbm4b:s5+s29], $0x80, s20, s29, $0xb8;
	[tilespmem:$0x1E000] =	vst v63  }
0x80: {  	_ =	swait.ge [sflag:s7], $0x4000  }
0x81: {  	[sflag:s7] =	ssyncset.done $0x0  }
0x82: {  	s15 =	simm.s32 $0x14A80;
	[sflag:s7] =	ssyncadd.s32 $0xFFFFC000  }
0x83: {  	[spmem:s3] =	stream.indirect.scatter.add.f32 [tilespmem:s31], [sflag:$0x5], $0x80, s15, s29, $0xb8;
	[tilespmem:$0x1E000] =	vst v63  }
0x84: {  	_ =	swait.ge [sflag:s26], $0x4000  }
0x85: {  	[sflag:s26] =	ssyncset.done $0x0  }
0x86: {  	s16 =	simm.s32 $0x14380;
	[sflag:s26] =	ssyncadd.s32 $0xFFFFC000  }
0x87: {  	[tilespmem:s31], [sflag:$0x2] =	stream.indirect.gather [hbm4b:s5+s29], $0x80, s16, s29, $0xb8;
	[tilespmem:$0x1E000] =	vst v63  }
0x88: {  	_ =	swait.ge [sflag:s0], $0x4000  }
0x89: {  	[sflag:s0] =	ssyncset.done $0x0  }
0x8a: {  	s20 =	simm.s32 $0x14B00;
	[sflag:s0] =	ssyncadd.s32 $0xFFFFC000  }
0x8b: {  	[spmem:s3] =	stream.indirect.scatter.add.f32 [tilespmem:s25], [sflag:$0x5], $0x80, s20, s29, $0xb8;
	[tilespmem:$0x1E000] =	vst v63  }
0x8c: {  	_ =	swait.ge [sflag:s26], $0x4000  }
0x8d: {  	[sflag:s26] =	ssyncset.done $0x0  }
0x8e: {  	s15 =	simm.s32 $0x14400;
	[sflag:s26] =	ssyncadd.s32 $0xFFFFC000  }
0x8f: {  	[tilespmem:s25], [sflag:$0x1] =	stream.indirect.gather [hbm4b:s5+s29], $0x80, s15, s29, $0xb8;
	[tilespmem:$0x1E000] =	vst v63  }
0x90: {  	_ =	swait.ge [sflag:s7], $0x4000  }
0x91: {  	[sflag:s7] =	ssyncset.done $0x0  }
0x92: {  	s16 =	simm.s32 $0x14B80;
	[sflag:s7] =	ssyncadd.s32 $0xFFFFC000  }
0x93: {  	[spmem:s3] =	stream.indirect.scatter.add.f32 [tilespmem:s31], [sflag:$0x5], $0x80, s16, s29, $0xb8;
	[tilespmem:$0x1E000] =	vst v63  }
0x94: {  	_ =	swait.ge [sflag:s26], $0x4000  }
0x95: {  	[sflag:s26] =	ssyncset.done $0x0  }
0x96: {  	s20 =	simm.s32 $0x14480;
	[sflag:s26] =	ssyncadd.s32 $0xFFFFC000  }
0x97: {  	[tilespmem:s31], [sflag:$0x2] =	stream.indirect.gather [hbm4b:s5+s29], $0x80, s20, s29, $0xb8;
	[tilespmem:$0x1E000] =	vst v63  }
0x98: {  	_ =	swait.ge [sflag:s0], $0x4000  }
0x99: {  	[sflag:s0] =	ssyncset.done $0x0  }
0x9a: {  	s15 =	simm.s32 $0x14C00;
	[sflag:s0] =	ssyncadd.s32 $0xFFFFC000  }
0x9b: {  	[spmem:s3] =	stream.indirect.scatter.add.f32 [tilespmem:s25], [sflag:$0x5], $0x80, s15, s29, $0xb8;
	[tilespmem:$0x1E000] =	vst v63  }
0x9c: {  	_ =	swait.ge [sflag:s26], $0x4000  }
0x9d: {  	[sflag:s26] =	ssyncset.done $0x0  }
0x9e: {  	s16 =	simm.s32 $0x14500;
	[sflag:s26] =	ssyncadd.s32 $0xFFFFC000  }
0x9f: {  	[tilespmem:s25], [sflag:$0x1] =	stream.indirect.gather [hbm4b:s5+s29], $0x80, s16, s29, $0xb8;
	[tilespmem:$0x1E000] =	vst v63  }
0xa0: {  	_ =	swait.ge [sflag:s7], $0x4000  }
0xa1: {  	[sflag:s7] =	ssyncset.done $0x0  }
0xa2: {  	s20 =	simm.s32 $0x14C80;
	[sflag:s7] =	ssyncadd.s32 $0xFFFFC000  }
0xa3: {  	[spmem:s3] =	stream.indirect.scatter.add.f32 [tilespmem:s31], [sflag:$0x5], $0x80, s20, s29, $0xb8;
	[tilespmem:$0x1E000] =	vst v63  }
0xa4: {  	_ =	swait.ge [sflag:s26], $0x4000  }
0xa5: {  	[sflag:s26] =	ssyncset.done $0x0  }
0xa6: {  	s15 =	simm.s32 $0x14580;
	[sflag:s26] =	ssyncadd.s32 $0xFFFFC000  }
0xa7: {  	[tilespmem:s31], [sflag:$0x2] =	stream.indirect.gather [hbm4b:s5+s29], $0x80, s15, s29, $0xb8;
	[tilespmem:$0x1E000] =	vst v63  }
0xa8: {  	_ =	swait.ge [sflag:s0], $0x4000  }
0xa9: {  	[sflag:s0] =	ssyncset.done $0x0  }
0xaa: {  	s16 =	simm.s32 $0x14D00;
	[sflag:s0] =	ssyncadd.s32 $0xFFFFC000  }
0xab: {  	[spmem:s3] =	stream.indirect.scatter.add.f32 [tilespmem:s25], [sflag:$0x5], $0x80, s16, s29, $0xb8;
	[tilespmem:$0x1E000] =	vst v63  }
0xac: {  	_ =	swait.ge [sflag:s26], $0x4000  }
0xad: {  	[sflag:s26] =	ssyncset.done $0x0  }
0xae: {  	s20 =	simm.s32 $0x14600;
	[sflag:s26] =	ssyncadd.s32 $0xFFFFC000  }
0xaf: {  	[tilespmem:s25], [sflag:$0x1] =	stream.indirect.gather [hbm4b:s5+s29], $0x80, s20, s29, $0xb8;
	[tilespmem:$0x1E000] =	vst v63  }
0xb0: {  	_ =	swait.ge [sflag:s7], $0x4000  }
0xb1: {  	[sflag:s7] =	ssyncset.done $0x0  }
0xb2: {  	s15 =	simm.s32 $0x14D80;
	[sflag:s7] =	ssyncadd.s32 $0xFFFFC000  }
0xb3: {  	[spmem:s3] =	stream.indirect.scatter.add.f32 [tilespmem:s31], [sflag:$0x5], $0x80, s15, s29, $0xb8;
	[tilespmem:$0x1E000] =	vst v63  }
0xb4: {  	_ =	swait.ge [sflag:s26], $0x4000  }
0xb5: {  	[sflag:s26] =	ssyncset.done $0x0  }
0xb6: {  	s16 =	simm.s32 $0x14680;
	[sflag:s26] =	ssyncadd.s32 $0xFFFFC000  }
0xb7: {  	[tilespmem:s31], [sflag:$0x2] =	stream.indirect.gather [hbm4b:s5+s29], $0x80, s16, s29, $0xb8;
	[tilespmem:$0x1E000] =	vst v63  }
0xb8: {  	_ =	swait.ge [sflag:s0], $0x4000  }
0xb9: {  	[sflag:s0] =	ssyncset.done $0x0  }
0xba: {  	s20 =	simm.s32 $0x14E00;
	[sflag:s0] =	ssyncadd.s32 $0xFFFFC000  }
0xbb: {  	[spmem:s3] =	stream.indirect.scatter.add.f32 [tilespmem:s25], [sflag:$0x5], $0x80, s20, s29, $0xb8;
	[tilespmem:$0x1E000] =	vst v63  }
0xbc: {  	_ =	swait.ge [sflag:s26], $0x4000  }
0xbd: {  	[sflag:s26] =	ssyncset.done $0x0  }
0xbe: {  	[sflag:s26] =	ssyncadd.s32 $0xFFFFC000  }
0xbf: {  	_ =	swait.ge [sflag:s7], $0x4000  }
0xc0: {  	[sflag:s7] =	ssyncset.done $0x0  }
0xc1: {  	s15 =	simm.s32 $0x14E80;
	[sflag:s7] =	ssyncadd.s32 $0xFFFFC000  }
0xc2: {  	[spmem:s3] =	stream.indirect.scatter.add.f32 [tilespmem:s31], [sflag:$0x5], $0x80, s15, s29, $0xb8;
	[tilespmem:$0x1E000] =	vst v63  }
0xc3: {  	_ =	swait.ge [sflag:s26], $0x4000  }
0xc4: {  	[sflag:s26] =	ssyncset.done $0x0  }
0xc5: {  	p0 =	seq.s32 s13, $0x400;
	[sflag:s26] =	ssyncadd.s32 $0xFFFFC000  }
0xc6: {  	s15 =	sshrl.u32 @!p0 s14, $0x3;
	s11 =	rddreg [dreg:$0x1]  }
0xc7: {  	s20 =	simm.s32 @!p0 $0x0;
	s16 =	sadd.s32 @!p0 s11, s15;
	s11 =	simm.s32 @!p0 $0x14000  }
0xc8: {  	[tilespmem:s11], [sflag:$0x3] =	stream.linear.gather @!p0 [hbm4b:s16+s20], $0x700, $0x38;
	[tilespmem:$0x1E000] =	vst v63  }
0xc9: {  	s11 =	sadd.s32 @!p0 s6, s15;
	s15 =	simm.s32 @!p0 $0x14800  }
0xca: {  	[tilespmem:s15], [sflag:$0x3] =	stream.linear.gather @!p0 [hbm4b:s11+s20], $0x700, $0x38;
	[tilespmem:$0x1E000] =	vst v63  }
0xcb: {  	_ =	swait.ge [sflag:s17], $0x700  }
0xcc: {  	[sflag:s17] =	ssyncset.done $0x0  }
0xcd: {  	[sflag:s17] =	ssyncadd.s32 $0xFFFFF900  }
0xce: {  	_ =	swait.ge [sflag:s17], $0x700  }
0xcf: {  	[sflag:s17] =	ssyncset.done $0x0  }
0xd0: {  	[sflag:s17] =	ssyncadd.s32 $0xFFFFF900  }
0xd1: {  	[tilespmem:s25], [sflag:$0x1] =	stream.indirect.gather [hbm4b:s5+s29], $0x80, s23, s29, $0xb8;
	[tilespmem:$0x1E000] =	vst v63  }
0xd2: {  	s16 =	simm.s32 $0x15080  }
0xd3: {  	[tilespmem:s31], [sflag:$0x2] =	stream.indirect.gather [hbm4b:s5+s29], $0x80, s16, s29, $0xb8;
	[tilespmem:$0x1E000] =	vst v63  }
0xd4: {  	_ =	swait.ge [sflag:s0], $0x4000  }
0xd5: {  	[sflag:s0] =	ssyncset.done $0x0  }
0xd6: {  	[sflag:s0] =	ssyncadd.s32 $0xFFFFC000  }
0xd7: {  	[spmem:s3] =	stream.indirect.scatter.add.f32 [tilespmem:s25], [sflag:$0x5], $0x80, s24, s29, $0xb8;
	[tilespmem:$0x1E000] =	vst v63  }
0xd8: {  	_ =	swait.ge [sflag:s26], $0x4000  }
0xd9: {  	[sflag:s26] =	ssyncset.done $0x0  }
0xda: {  	s20 =	simm.s32 $0x15100;
	[sflag:s26] =	ssyncadd.s32 $0xFFFFC000  }
0xdb: {  	[tilespmem:s25], [sflag:$0x1] =	stream.indirect.gather [hbm4b:s5+s29], $0x80, s20, s29, $0xb8;
	[tilespmem:$0x1E000] =	vst v63  }
0xdc: {  	_ =	swait.ge [sflag:s7], $0x4000  }
0xdd: {  	[sflag:s7] =	ssyncset.done $0x0  }
0xde: {  	s15 =	simm.s32 $0x15880;
	[sflag:s7] =	ssyncadd.s32 $0xFFFFC000  }
0xdf: {  	[spmem:s3] =	stream.indirect.scatter.add.f32 [tilespmem:s31], [sflag:$0x5], $0x80, s15, s29, $0xb8;
	[tilespmem:$0x1E000] =	vst v63  }
0xe0: {  	_ =	swait.ge [sflag:s26], $0x4000  }
0xe1: {  	[sflag:s26] =	ssyncset.done $0x0  }
0xe2: {  	s16 =	simm.s32 $0x15180;
	[sflag:s26] =	ssyncadd.s32 $0xFFFFC000  }
0xe3: {  	[tilespmem:s31], [sflag:$0x2] =	stream.indirect.gather [hbm4b:s5+s29], $0x80, s16, s29, $0xb8;
	[tilespmem:$0x1E000] =	vst v63  }
0xe4: {  	_ =	swait.ge [sflag:s0], $0x4000  }
0xe5: {  	[sflag:s0] =	ssyncset.done $0x0  }
0xe6: {  	s20 =	simm.s32 $0x15900;
	[sflag:s0] =	ssyncadd.s32 $0xFFFFC000  }
0xe7: {  	[spmem:s3] =	stream.indirect.scatter.add.f32 [tilespmem:s25], [sflag:$0x5], $0x80, s20, s29, $0xb8;
	[tilespmem:$0x1E000] =	vst v63  }
0xe8: {  	_ =	swait.ge [sflag:s26], $0x4000  }
0xe9: {  	[sflag:s26] =	ssyncset.done $0x0  }
0xea: {  	s15 =	simm.s32 $0x15200;
	[sflag:s26] =	ssyncadd.s32 $0xFFFFC000  }
0xeb: {  	[tilespmem:s25], [sflag:$0x1] =	stream.indirect.gather [hbm4b:s5+s29], $0x80, s15, s29, $0xb8;
	[tilespmem:$0x1E000] =	vst v63  }
0xec: {  	_ =	swait.ge [sflag:s7], $0x4000  }
0xed: {  	[sflag:s7] =	ssyncset.done $0x0  }
0xee: {  	s16 =	simm.s32 $0x15980;
	[sflag:s7] =	ssyncadd.s32 $0xFFFFC000  }
0xef: {  	[spmem:s3] =	stream.indirect.scatter.add.f32 [tilespmem:s31], [sflag:$0x5], $0x80, s16, s29, $0xb8;
	[tilespmem:$0x1E000] =	vst v63  }
0xf0: {  	_ =	swait.ge [sflag:s26], $0x4000  }
0xf1: {  	[sflag:s26] =	ssyncset.done $0x0  }
0xf2: {  	s20 =	simm.s32 $0x15280;
	[sflag:s26] =	ssyncadd.s32 $0xFFFFC000  }
0xf3: {  	[tilespmem:s31], [sflag:$0x2] =	stream.indirect.gather [hbm4b:s5+s29], $0x80, s20, s29, $0xb8;
	[tilespmem:$0x1E000] =	vst v63  }
0xf4: {  	_ =	swait.ge [sflag:s0], $0x4000  }
0xf5: {  	[sflag:s0] =	ssyncset.done $0x0  }
0xf6: {  	s15 =	simm.s32 $0x15A00;
	[sflag:s0] =	ssyncadd.s32 $0xFFFFC000  }
0xf7: {  	[spmem:s3] =	stream.indirect.scatter.add.f32 [tilespmem:s25], [sflag:$0x5], $0x80, s15, s29, $0xb8;
	[tilespmem:$0x1E000] =	vst v63  }
0xf8: {  	_ =	swait.ge [sflag:s26], $0x4000  }
0xf9: {  	[sflag:s26] =	ssyncset.done $0x0  }
0xfa: {  	s16 =	simm.s32 $0x15300;
	[sflag:s26] =	ssyncadd.s32 $0xFFFFC000  }
0xfb: {  	[tilespmem:s25], [sflag:$0x1] =	stream.indirect.gather [hbm4b:s5+s29], $0x80, s16, s29, $0xb8;
	[tilespmem:$0x1E000] =	vst v63  }
0xfc: {  	_ =	swait.ge [sflag:s7], $0x4000  }
0xfd: {  	[sflag:s7] =	ssyncset.done $0x0  }
0xfe: {  	s20 =	simm.s32 $0x15A80;
	[sflag:s7] =	ssyncadd.s32 $0xFFFFC000  }
0xff: {  	[spmem:s3] =	stream.indirect.scatter.add.f32 [tilespmem:s31], [sflag:$0x5], $0x80, s20, s29, $0xb8;
	[tilespmem:$0x1E000] =	vst v63  }
0x100: {  	_ =	swait.ge [sflag:s26], $0x4000  }
0x101: {  	[sflag:s26] =	ssyncset.done $0x0  }
0x102: {  	s15 =	simm.s32 $0x15380;
	[sflag:s26] =	ssyncadd.s32 $0xFFFFC000  }
0x103: {  	[tilespmem:s31], [sflag:$0x2] =	stream.indirect.gather [hbm4b:s5+s29], $0x80, s15, s29, $0xb8;
	[tilespmem:$0x1E000] =	vst v63  }
0x104: {  	_ =	swait.ge [sflag:s0], $0x4000  }
0x105: {  	[sflag:s0] =	ssyncset.done $0x0  }
0x106: {  	s16 =	simm.s32 $0x15B00;
	[sflag:s0] =	ssyncadd.s32 $0xFFFFC000  }
0x107: {  	[spmem:s3] =	stream.indirect.scatter.add.f32 [tilespmem:s25], [sflag:$0x5], $0x80, s16, s29, $0xb8;
	[tilespmem:$0x1E000] =	vst v63  }
0x108: {  	_ =	swait.ge [sflag:s26], $0x4000  }
0x109: {  	[sflag:s26] =	ssyncset.done $0x0  }
0x10a: {  	s20 =	simm.s32 $0x15400;
	[sflag:s26] =	ssyncadd.s32 $0xFFFFC000  }
0x10b: {  	[tilespmem:s25], [sflag:$0x1] =	stream.indirect.gather [hbm4b:s5+s29], $0x80, s20, s29, $0xb8;
	[tilespmem:$0x1E000] =	vst v63  }
0x10c: {  	_ =	swait.ge [sflag:s7], $0x4000  }
0x10d: {  	[sflag:s7] =	ssyncset.done $0x0  }
0x10e: {  	s15 =	simm.s32 $0x15B80;
	[sflag:s7] =	ssyncadd.s32 $0xFFFFC000  }
0x10f: {  	[spmem:s3] =	stream.indirect.scatter.add.f32 [tilespmem:s31], [sflag:$0x5], $0x80, s15, s29, $0xb8;
	[tilespmem:$0x1E000] =	vst v63  }
0x110: {  	_ =	swait.ge [sflag:s26], $0x4000  }
0x111: {  	[sflag:s26] =	ssyncset.done $0x0  }
0x112: {  	s16 =	simm.s32 $0x15480;
	[sflag:s26] =	ssyncadd.s32 $0xFFFFC000  }
0x113: {  	[tilespmem:s31], [sflag:$0x2] =	stream.indirect.gather [hbm4b:s5+s29], $0x80, s16, s29, $0xb8;
	[tilespmem:$0x1E000] =	vst v63  }
0x114: {  	_ =	swait.ge [sflag:s0], $0x4000  }
0x115: {  	[sflag:s0] =	ssyncset.done $0x0  }
0x116: {  	s20 =	simm.s32 $0x15C00;
	[sflag:s0] =	ssyncadd.s32 $0xFFFFC000  }
0x117: {  	[spmem:s3] =	stream.indirect.scatter.add.f32 [tilespmem:s25], [sflag:$0x5], $0x80, s20, s29, $0xb8;
	[tilespmem:$0x1E000] =	vst v63  }
0x118: {  	_ =	swait.ge [sflag:s26], $0x4000  }
0x119: {  	[sflag:s26] =	ssyncset.done $0x0  }
0x11a: {  	[sflag:s26] =	ssyncadd.s32 $0xFFFFC000  }
0x11b: {  	[tilespmem:s25], [sflag:$0x1] =	stream.indirect.gather [hbm4b:s5+s29], $0x80, s2, s29, $0xb8;
	[tilespmem:$0x1E000] =	vst v63  }
0x11c: {  	_ =	swait.ge [sflag:s7], $0x4000  }
0x11d: {  	[sflag:s7] =	ssyncset.done $0x0  }
0x11e: {  	[sflag:s7] =	ssyncadd.s32 $0xFFFFC000  }
0x11f: {  	[spmem:s3] =	stream.indirect.scatter.add.f32 [tilespmem:s31], [sflag:$0x5], $0x80, s30, s29, $0xb8;
	[tilespmem:$0x1E000] =	vst v63  }
0x120: {  	_ =	swait.ge [sflag:s26], $0x4000  }
0x121: {  	[sflag:s26] =	ssyncset.done $0x0  }
0x122: {  	[sflag:s26] =	ssyncadd.s32 $0xFFFFC000  }
0x123: {  	[tilespmem:s31], [sflag:$0x2] =	stream.indirect.gather [hbm4b:s5+s29], $0x80, s1, s29, $0xb8;
	[tilespmem:$0x1E000] =	vst v63  }
0x124: {  	_ =	swait.ge [sflag:s0], $0x4000  }
0x125: {  	[sflag:s0] =	ssyncset.done $0x0  }
0x126: {  	[sflag:s0] =	ssyncadd.s32 $0xFFFFC000  }
0x127: {  	[spmem:s3] =	stream.indirect.scatter.add.f32 [tilespmem:s25], [sflag:$0x5], $0x80, s21, s29, $0xb8;
	[tilespmem:$0x1E000] =	vst v63  }
0x128: {  	_ =	swait.ge [sflag:s26], $0x4000  }
0x129: {  	[sflag:s26] =	ssyncset.done $0x0  }
0x12a: {  	[sflag:s26] =	ssyncadd.s32 $0xFFFFC000  }
0x12b: {  	[tilespmem:s25], [sflag:$0x1] =	stream.indirect.gather [hbm4b:s5+s29], $0x80, s8, s29, $0xb8;
	[tilespmem:$0x1E000] =	vst v63  }
0x12c: {  	_ =	swait.ge [sflag:s7], $0x4000  }
0x12d: {  	[sflag:s7] =	ssyncset.done $0x0  }
0x12e: {  	[sflag:s7] =	ssyncadd.s32 $0xFFFFC000  }
0x12f: {  	[spmem:s3] =	stream.indirect.scatter.add.f32 [tilespmem:s31], [sflag:$0x5], $0x80, s22, s29, $0xb8;
	[tilespmem:$0x1E000] =	vst v63  }
0x130: {  	_ =	swait.ge [sflag:s26], $0x4000  }
0x131: {  	[sflag:s26] =	ssyncset.done $0x0  }
0x132: {  	[sflag:s26] =	ssyncadd.s32 $0xFFFFC000  }
0x133: {  	[tilespmem:s31], [sflag:$0x2] =	stream.indirect.gather [hbm4b:s5+s29], $0x80, s9, s29, $0xb8;
	[tilespmem:$0x1E000] =	vst v63  }
0x134: {  	_ =	swait.ge [sflag:s0], $0x4000  }
0x135: {  	[sflag:s0] =	ssyncset.done $0x0  }
0x136: {  	[sflag:s0] =	ssyncadd.s32 $0xFFFFC000  }
0x137: {  	[spmem:s3] =	stream.indirect.scatter.add.f32 [tilespmem:s25], [sflag:$0x5], $0x80, s10, s29, $0xb8;
	[tilespmem:$0x1E000] =	vst v63  }
0x138: {  	_ =	swait.ge [sflag:s26], $0x4000  }
0x139: {  	[sflag:s26] =	ssyncset.done $0x0  }
0x13a: {  	[sflag:s26] =	ssyncadd.s32 $0xFFFFC000  }
0x13b: {  	_ =	swait.ge [sflag:s7], $0x4000  }
0x13c: {  	[sflag:s7] =	ssyncset.done $0x0  }
.Ltmp3:
0x13d: {  	[sflag:s7] =	ssyncadd.s32 $0xFFFFC000;
	(pc) =	sbr.rel @p0 .LBB2_6-.Ltmp3, $4  }
0x13e: {  	[spmem:s3] =	stream.indirect.scatter.add.f32 [tilespmem:s31], [sflag:$0x5], $0x80, s12, s29, $0xb8;
	[tilespmem:$0x1E000] =	vst v63  }
0x13f: {  	_ =	swait.ge [sflag:s26], $0x4000  }
0x140: {  	[sflag:s26] =	ssyncset.done $0x0  }
0x141: {  	[sflag:s26] =	ssyncadd.s32 $0xFFFFC000  }
0x142: {  	s11 =	sadd.s32 s13, s19  }
0x143: {  	[tilespmem:s23], [sflag:$0x4] =	stream.linear.gather [hbm4b:s11+s4], $0x700, $0x38;
	[tilespmem:$0x1E000] =	vst v63  }
0x144: {  	s20 =	sadd.s32 s13, s18  }
0x145: {  	[tilespmem:s24], [sflag:$0x4] =	stream.linear.gather [hbm4b:s20+s4], $0x700, $0x38;
	[tilespmem:$0x1E000] =	vst v63  }
0x146: {  	_ =	swait.ge [sflag:s28], $0x700  }
.Ltmp4:
0x147: {  	[sflag:s28] =	ssyncset.done $0x0;
	(pc) =	sbr.rel .LBB2_4-.Ltmp4, $4  }
0x148: {  	[sflag:s28] =	ssyncadd.s32 $0xFFFFF900  }
0x149: {  	_ =	swait.ge [sflag:s28], $0x700  }
0x14a: {  	[sflag:s28] =	ssyncset.done $0x0  }
0x14b: {  	s13 =	sadd.s32 $0x200, s13;
	s14 =	sadd.s32 $0x1000, s14;
	[sflag:s28] =	ssyncadd.s32 $0xFFFFF900  }
.LBB2_7:
0x14c: {  	_ =	sfence.sel $0x180000  }
0x14d: {  	[bflag:$0x0] =	sbarrier.arrive $0xFFFF  }
0x14e: {  	_ =	strace $0x90000050  }
0x14f: {  	s0 =	stileid.u32;
	[bflag:$0x2] =	sbarrier.arrive $0xFFFF  }
0x150: {  	p0 =	sne.s32 s0, $0x0;
	s0 =	rddreg [dreg:$0x3]  }
0x151: {  	s0 =	sadd.s32 @!p0 $0x100000, s0  }
0x152: {  	[sflag:s0] =	ssyncadd.tile.s32 @!p0 $0x1;
	_ =	shalt  }
.Lfunc_end2:
_tile_overlayer_lowered:
.L_overlay_start_2:
0x153: {  	(tag) =	ssettag $0x2  }
0x154: {  	s0 =	rddreg [dreg:$0x0];
	s2 =	stileid.u32  }
0x155: {  	s1 =	rddreg [dreg:$0x1];
	p0 =	sne.s32 s2, $0x0  }
0x156: {  	s3 =	rddreg [dreg:$0x2];
	[bflag:$0x3] =	sbarrier.arrive $0xFFFF;
	s2 =	simm.s32 @!p0 $0x1C05  }
0x157: {  	[timem:s3], [sflag:s2] =	dma.local @!p0 [hbm:s0], s1  }
0x158: {  	s0 =	simm.s32 @!p0 $0x5  }
0x159: {  	_ =	swait.ge @!p0 [sflag:s0], s1  }
0x15a: {  	s1 =	ssub.s32 @!p0 $0x0, s1;
	[sflag:s0] =	ssyncset.done @!p0 $0x0  }
0x15b: {  	[sflag:s0] =	ssyncadd.s32 @!p0 s1  }
0x15c: {  	[bflag:$0x3] =	sbarrier.arrive $0xFFFF  }
0x15d: {  	_ =	shalt  }

</sc_bundles>
